<compile_context>
chip_gen: v7x
topology: tpu7x:2x2x1
jax: 0.10.2.dev20260603
libtpu: 0.0.44.dev20260713+nightly
codegen_flags: <defaults>
</compile_context>

<pallas_src>
import jax
import jax.numpy as jnp
from jax import lax
from jax.experimental import pallas as pl
from jax.experimental.pallas import tpu as pltpu
from jax.experimental.pallas import tpu_sc as plsc

N = 10000
E = 320000
D = 128
NPAD = 10240
NC = 2
NS = 16
NW = NC * NS
K = 80
SEG = 400
CPS = SEG // K
EPT_E = E // NW
EPT_H = E // NS
NSEG_E = EPT_E // SEG
NSEG_H = EPT_H // SEG
SLICE = NPAD // NS



def _tc1_body(x_ref, w_ref, b_ref, xlin_ref):
    acc = lax.dot_general(x_ref[...], w_ref[...],
                          (((1,), (1,)), ((), ())),
                          preferred_element_type=jnp.float32)
    xlin_ref[...] = acc + b_ref[...]


def _tc1(x, W, b2):
    blk = 1000
    return pl.pallas_call(
        _tc1_body,
        grid=(N // blk,),
        in_specs=[
            pl.BlockSpec((blk, D), lambda i: (i, 0)),
            pl.BlockSpec((D, D), lambda i: (0, 0)),
            pl.BlockSpec((1, D), lambda i: (0, 0)),
        ],
        out_specs=pl.BlockSpec((blk, D), lambda i: (i, 0)),
        out_shape=jax.ShapeDtypeStruct((N, D), jnp.float32),
    )(x, W, b2)



def _sc_body(src, dst, a0, a1, a2, xlin, be0, be1, be2,
             p0, p1, recip,
             acc, norms,
             segsrc, segdst, sega0, sega1, sega2, idxs2,
             be0v, be1v, be2v, combv, normv,
             xrows, mrows, hbuf, nbuf, rbuf, ones80):
    c = lax.axis_index("c")
    s = lax.axis_index("s")
    w = c * NS + s

    def fill_one(i, carry):
        hbuf[pl.ds(i * 16, 16)] = jnp.full((16,), 1.0, jnp.float32)
        return carry
    lax.fori_loop(0, SLICE // 16, fill_one, 0)

    def fill_one80(i, carry):
        ones80[pl.ds(i * 16, 16)] = jnp.full((16,), 1.0, jnp.float32)
        return carry
    lax.fori_loop(0, K // 16, fill_one80, 0)

    def fill_zero(e, carry):
        for g in range(D // 16):
            mrows[e, pl.ds(g * 16, 16)] = jnp.zeros((16,), jnp.float32)
        return carry
    lax.fori_loop(0, K, fill_zero, 0)

    pltpu.sync_copy(hbuf, norms.at[pl.ds(s * SLICE, SLICE)])
    for k2 in range(SLICE // K):
        pltpu.sync_copy(mrows, acc.at[pl.ds(s * SLICE + k2 * K, K)])
    plsc.subcore_barrier()

    def hist_seg(sg, carry):
        pltpu.sync_copy(src.at[pl.ds(s * EPT_H + sg * SEG, SEG)], segsrc)
        for ch in range(CPS):
            for g in range(K // 16):
                idxs2[0, pl.ds(g * 16, 16)] = (
                    segsrc[pl.ds(ch * K + g * 16, 16)])
            pltpu.sync_copy(ones80, norms.at[idxs2.at[0]], add=True)
        return carry
    lax.fori_loop(0, NSEG_H, hist_seg, 0)
    plsc.subcore_barrier()

    pltpu.sync_copy(norms.at[pl.ds(s * SLICE, SLICE)], hbuf)

    def norm_loop(i, carry):
        d = hbuf[pl.ds(i * 16, 16)]
        ibits = lax.bitcast_convert_type(d, jnp.int32)
        y = lax.bitcast_convert_type(jnp.int32(0x5F3759DF) - (ibits >> 1),
                                     jnp.float32)
        for _ in range(3):
            y = y * (1.5 - 0.5 * d * y * y)
        nbuf[pl.ds(i * 16, 16)] = y
        rbuf[pl.ds(i * 16, 16)] = 1.0 / d
        return carry
    lax.fori_loop(0, SLICE // 16, norm_loop, 0)

    pltpu.sync_copy(nbuf, norms.at[pl.ds(s * SLICE, SLICE)])

    @pl.when(c == 0)
    def _():
        pltpu.sync_copy(rbuf, recip.at[pl.ds(s * SLICE, SLICE)])

    plsc.subcore_barrier()
    pltpu.sync_copy(norms, normv)

    pltpu.sync_copy(be0, be0v)
    pltpu.sync_copy(be1, be1v)
    pltpu.sync_copy(be2, be2v)

    def combo_loop(n, carry):
        i = n // 12
        r = n - i * 12
        j = r // 2
        k3 = r - j * 2
        for g in range(D // 16):
            sl = pl.ds(g * 16, 16)
            combv[n, sl] = be0v[i, sl] + be1v[j, sl] + be2v[k3, sl]
        return carry
    lax.fori_loop(0, 60, combo_loop, 0)

    iota16 = lax.iota(jnp.int32, 16)

    def edge_seg(sg, carry):
        base = w * EPT_E + sg * SEG
        pltpu.sync_copy(src.at[pl.ds(base, SEG)], segsrc)
        pltpu.sync_copy(dst.at[pl.ds(base, SEG)], segdst)
        pltpu.sync_copy(a0.at[pl.ds(base, SEG)], sega0)
        pltpu.sync_copy(a1.at[pl.ds(base, SEG)], sega1)
        pltpu.sync_copy(a2.at[pl.ds(base, SEG)], sega2)
        for ch in range(CPS):
            evs = []
            scales = []
            for g in range(K // 16):
                sl = pl.ds(g * 16, 16)
                esl = pl.ds(ch * K + g * 16, 16)
                sv = segsrc[esl]
                dv = segdst[esl]
                evs.append(sega0[esl] * 12 + sega1[esl] * 2 + sega2[esl])
                idxs2[0, sl] = sv
                idxs2[1, sl] = dv
                scales.append(plsc.load_gather(normv, [sv])
                              * plsc.load_gather(normv, [dv]))
            pltpu.sync_copy(xlin.at[idxs2.at[0]], xrows)
            for g in range(K // 16):
                ev = evs[g]
                scale = scales[g]
                rows = iota16 + g * 16

                def col_loop(col, carry2):
                    colv = jnp.full((16,), col, jnp.int32)
                    xv = plsc.load_gather(xrows, [rows, colv])
                    evv = plsc.load_gather(combv, [ev, colv])
                    mv = jnp.maximum(xv + evv, 0.0) * scale
                    plsc.store_scatter(mrows, [rows, colv], mv)
                    return carry2
                lax.fori_loop(0, D, col_loop, 0)
            pltpu.sync_copy(mrows, acc.at[idxs2.at[1]], add=True)
        return carry
    lax.fori_loop(0, NSEG_E, edge_seg, 0)
    plsc.subcore_barrier()

    @pl.when(c == 0)
    def _():
        pltpu.sync_copy(acc.at[pl.ds(s * SLICE, SLICE)],
                        p0.at[pl.ds(s * SLICE, SLICE)])

    @pl.when(c == 1)
    def _():
        pltpu.sync_copy(acc.at[pl.ds(s * SLICE, SLICE)],
                        p1.at[pl.ds(s * SLICE, SLICE)])


_sc_call = pl.kernel(
    _sc_body,
    out_type=(
        jax.ShapeDtypeStruct((NPAD, D), jnp.float32),
        jax.ShapeDtypeStruct((NPAD, D), jnp.float32),
        jax.ShapeDtypeStruct((NPAD,), jnp.float32),
    ),
    mesh=plsc.VectorSubcoreMesh(core_axis_name="c", subcore_axis_name="s"),
    compiler_params=pltpu.CompilerParams(needs_layout_passes=False),
    scratch_types=[
        pltpu.VMEM_SHARED((NPAD, D), jnp.float32),
        pltpu.VMEM_SHARED((NPAD,), jnp.float32),
        pltpu.VMEM((SEG,), jnp.int32),
        pltpu.VMEM((SEG,), jnp.int32),
        pltpu.VMEM((SEG,), jnp.int32),
        pltpu.VMEM((SEG,), jnp.int32),
        pltpu.VMEM((SEG,), jnp.int32),
        pltpu.VMEM((2, K), jnp.int32),
        pltpu.VMEM((5, D), jnp.float32),
        pltpu.VMEM((6, D), jnp.float32),
        pltpu.VMEM((2, D), jnp.float32),
        pltpu.VMEM((60, D), jnp.float32),
        pltpu.VMEM((NPAD,), jnp.float32),
        pltpu.VMEM((K, D), jnp.float32),
        pltpu.VMEM((K, D), jnp.float32),
        pltpu.VMEM((SLICE,), jnp.float32),
        pltpu.VMEM((SLICE,), jnp.float32),
        pltpu.VMEM((SLICE,), jnp.float32),
        pltpu.VMEM((K,), jnp.float32),
    ],
)



def _tc2_body(p0_ref, p1_ref, xlin_ref, root_ref, rec_ref, out_ref):
    self_term = jnp.maximum(xlin_ref[...] + root_ref[...], 0.0) * rec_ref[...]
    out_ref[...] = p0_ref[...] + p1_ref[...] + self_term


def _tc2(p0, p1, xlin, root_emb, rec2):
    blk = 400
    return pl.pallas_call(
        _tc2_body,
        grid=(N // blk,),
        in_specs=[
            pl.BlockSpec((blk, D), lambda i: (i, 0)),
            pl.BlockSpec((blk, D), lambda i: (i, 0)),
            pl.BlockSpec((blk, D), lambda i: (i, 0)),
            pl.BlockSpec((1, D), lambda i: (0, 0)),
            pl.BlockSpec((blk, 1), lambda i: (i, 0)),
        ],
        out_specs=pl.BlockSpec((blk, D), lambda i: (i, 0)),
        out_shape=jax.ShapeDtypeStruct((N, D), jnp.float32),
    )(p0, p1, xlin, root_emb, rec2)



def kernel(x, edge_index, edge_attr, W, b, root_emb, be0, be1, be2):
    src = edge_index[0]
    dst = edge_index[1]
    a0 = edge_attr[:, 0]
    a1 = edge_attr[:, 1]
    a2 = edge_attr[:, 2]

    xlin = _tc1(x, W, b.reshape(1, D))
    p0, p1, recip = _sc_call(src, dst, a0, a1, a2, xlin, be0, be1, be2)
    return _tc2(p0, p1, xlin, root_emb, recip.reshape(NPAD, 1))

# --- scband reference (transcript-rebuilt; emitter-appended) ---
"""Pipeline reference for scband-gcnconv-20263655703338 (READ-ONLY COPY).

The authoritative reference and input builder live on the scoring server;
editing this copy changes nothing except your own understanding.
"""

import jax, jax.numpy as jnp
import numpy as np

N = 10000
E = 320000
D = 128


def setup_inputs(seed: int = 0) -> dict:
    key = jax.random.key(seed)
    ks = jax.random.split(key, 10)
    x = jax.random.normal(ks[0], (N, D), dtype=jnp.float32)
    edge_index = jax.random.randint(ks[1], (2, E), 0, N, dtype=jnp.int32)
    edge_attr = jax.random.randint(ks[2], (E, 3), 0, 2, dtype=jnp.int32)
    # learned parameters
    W = jax.random.normal(ks[3], (D, D), dtype=jnp.float32) * (1.0 / np.sqrt(D))
    b = jnp.zeros((D,), dtype=jnp.float32)
    root_emb = jax.random.normal(ks[4], (1, D), dtype=jnp.float32)
    # BondEncoder: 3 categorical bond-feature embedding tables (OGB-style)
    be0 = jax.random.normal(ks[5], (5, D), dtype=jnp.float32)
    be1 = jax.random.normal(ks[6], (6, D), dtype=jnp.float32)
    be2 = jax.random.normal(ks[7], (2, D), dtype=jnp.float32)
    return {"x": x, "edge_index": edge_index, "edge_attr": edge_attr,
            "W": W, "b": b, "root_emb": root_emb,
            "be0": be0, "be1": be1, "be2": be2}


def reference(x, edge_index, edge_attr, W, b, root_emb, be0, be1, be2):
    n = x.shape[0]
    src = edge_index[0]
    dst = edge_index[1]
    # x = self.linear(x)
    x = x @ W.T + b
    # edge_embedding = self.bond_encoder(edge_attr): sum of per-feature embeddings
    edge_embedding = (jnp.take(be0, edge_attr[:, 0], axis=0)
                      + jnp.take(be1, edge_attr[:, 1], axis=0)
                      + jnp.take(be2, edge_attr[:, 2], axis=0))
    # degs = out_degrees + 1
    degs = jnp.zeros((n,), dtype=jnp.float32).at[src].add(1.0) + 1.0
    norm = jnp.power(degs, -0.5)
    # apply_edges u_mul_v('norm','norm','norm')
    edge_norm = (norm[src] * norm[dst])[:, None]
    # apply_edges copy_u('x','m')
    m = jnp.take(x, src, axis=0)
    m = edge_norm * jax.nn.relu(m + edge_embedding)
    # update_all copy_e -> sum at dst
    new_x = jax.ops.segment_sum(m, dst, num_segments=n)
    out = new_x + jax.nn.relu(x + root_emb) * (1.0 / degs[:, None])
    return out

if __name__ == "__main__":
    import jax
    _d = setup_inputs()
    print(jax.jit(kernel)(*tuple(_d.values())))

</pallas_src>

<mosaic_0001>
#map = affine_map<(d0, d1) -> (0)>
#map1 = affine_map<(d0, d1) -> (0, 0)>
module attributes {stable_mosaic.version = 14 : i64} {
  func.func @_sc_body(%arg0: i32, %arg1: i32, %arg2: memref<320000xi32, #tpu.memory_space<hbm>>, %arg3: memref<320000xi32, #tpu.memory_space<hbm>>, %arg4: memref<320000xi32, #tpu.memory_space<hbm>>, %arg5: memref<320000xi32, #tpu.memory_space<hbm>>, %arg6: memref<320000xi32, #tpu.memory_space<hbm>>, %arg7: memref<10000x128xf32, #tpu.memory_space<hbm>>, %arg8: memref<5x128xf32, #tpu.memory_space<hbm>>, %arg9: memref<6x128xf32, #tpu.memory_space<hbm>>, %arg10: memref<2x128xf32, #tpu.memory_space<hbm>>, %arg11: memref<10240x128xf32, #tpu.memory_space<hbm>>, %arg12: memref<10240x128xf32, #tpu.memory_space<hbm>>, %arg13: memref<10240xf32, #tpu.memory_space<hbm>>, %arg14: memref<10240x128xf32, #tpu.memory_space<vmem_shared>>, %arg15: memref<10240xf32, #tpu.memory_space<vmem_shared>>, %arg16: memref<400xi32, #tpu.memory_space<vmem>>, %arg17: memref<400xi32, #tpu.memory_space<vmem>>, %arg18: memref<400xi32, #tpu.memory_space<vmem>>, %arg19: memref<400xi32, #tpu.memory_space<vmem>>, %arg20: memref<400xi32, #tpu.memory_space<vmem>>, %arg21: memref<2x80xi32, #tpu.memory_space<vmem>>, %arg22: memref<5x128xf32, #tpu.memory_space<vmem>>, %arg23: memref<6x128xf32, #tpu.memory_space<vmem>>, %arg24: memref<2x128xf32, #tpu.memory_space<vmem>>, %arg25: memref<60x128xf32, #tpu.memory_space<vmem>>, %arg26: memref<10240xf32, #tpu.memory_space<vmem>>, %arg27: memref<80x128xf32, #tpu.memory_space<vmem>>, %arg28: memref<80x128xf32, #tpu.memory_space<vmem>>, %arg29: memref<640xf32, #tpu.memory_space<vmem>>, %arg30: memref<640xf32, #tpu.memory_space<vmem>>, %arg31: memref<640xf32, #tpu.memory_space<vmem>>, %arg32: memref<80xf32, #tpu.memory_space<vmem>>) attributes {dimension_semantics = [#tpu.dimension_semantics<core_parallel>, #tpu.dimension_semantics<subcore_parallel>], iteration_bounds = array<i64: 2, 16>, scalar_prefetch = 0 : i64, scratch_operands = 19 : i64, tpu.core_type = #tpu.core_type<sc_vector_subcore>, window_params = [{transform_indices = #map}, {transform_indices = #map}, {transform_indices = #map}, {transform_indices = #map}, {transform_indices = #map}, {transform_indices = #map1}, {transform_indices = #map1}, {transform_indices = #map1}, {transform_indices = #map1}, {transform_indices = #map1}, {transform_indices = #map1}, {transform_indices = #map}]} {
    %mul3A = arith.constant 16 : i32
    %mul3A_0 = arith.muli %arg0, %mul3A : i32
    %add3A = arith.addi %mul3A_0, %arg1 : i32
    %scan3A = arith.constant 0 : i32
    %scan3A_1 = arith.constant 0 : i32
    %scan3A_2 = arith.constant 40 : i32
    %scan3A_3 = arith.addi %scan3A_1, %scan3A_2 : i32
    %scan3A_4 = arith.constant 1 : i32
    scf.for %scan3A_95 = %scan3A_1 to %scan3A_3 step %scan3A_4  : i32 {
      %broadcast_in_dim3A = arith.constant 1.000000e+00 : f32
      %broadcast_in_dim3A_96 = vector.broadcast %broadcast_in_dim3A : f32 to vector<16xf32>
      %mul3A_97 = arith.constant 16 : i32
      %mul3A_98 = arith.muli %scan3A_95, %mul3A_97 : i32
      %swap3A = arith.index_cast %mul3A_98 : i32 to index
      %swap3A_99 = tpu.vector_load %arg29[%swap3A] {strides = array<i32>} : memref<640xf32, #tpu.memory_space<vmem>>, vector<16xf32>,
      tpu.vector_store %arg29[%swap3A], %broadcast_in_dim3A_96 {strides = array<i32>} : memref<640xf32, #tpu.memory_space<vmem>>, vector<16xf32>,
    }
    %scan3A_5 = arith.constant 40 : i32
    %scan3A_6 = arith.constant 0 : i32
    %scan3A_7 = arith.constant 0 : i32
    %scan3A_8 = arith.constant 5 : i32
    %scan3A_9 = arith.addi %scan3A_7, %scan3A_8 : i32
    %scan3A_10 = arith.constant 1 : i32
    scf.for %scan3A_95 = %scan3A_7 to %scan3A_9 step %scan3A_10  : i32 {
      %broadcast_in_dim3A = arith.constant 1.000000e+00 : f32
      %broadcast_in_dim3A_96 = vector.broadcast %broadcast_in_dim3A : f32 to vector<16xf32>
      %mul3A_97 = arith.constant 16 : i32
      %mul3A_98 = arith.muli %scan3A_95, %mul3A_97 : i32
      %swap3A = arith.index_cast %mul3A_98 : i32 to index
      %swap3A_99 = tpu.vector_load %arg32[%swap3A] {strides = array<i32>} : memref<80xf32, #tpu.memory_space<vmem>>, vector<16xf32>,
      tpu.vector_store %arg32[%swap3A], %broadcast_in_dim3A_96 {strides = array<i32>} : memref<80xf32, #tpu.memory_space<vmem>>, vector<16xf32>,
    }
    %scan3A_11 = arith.constant 5 : i32
    %scan3A_12 = arith.constant 0 : i32
    %scan3A_13 = arith.constant 0 : i32
    %scan3A_14 = arith.constant 80 : i32
    %scan3A_15 = arith.addi %scan3A_13, %scan3A_14 : i32
    %scan3A_16 = arith.constant 1 : i32
    scf.for %scan3A_95 = %scan3A_13 to %scan3A_15 step %scan3A_16  : i32 {
      %broadcast_in_dim3A = arith.constant 0.000000e+00 : f32
      %broadcast_in_dim3A_96 = vector.broadcast %broadcast_in_dim3A : f32 to vector<16xf32>
      %swap3A = arith.index_cast %scan3A_95 : i32 to index
      %swap3A_97 = arith.constant 0 : index
      %swap3A_98 = tpu.vector_load %arg28[%swap3A, %swap3A_97] {strides = array<i32>} : memref<80x128xf32, #tpu.memory_space<vmem>>, vector<16xf32>,
      tpu.vector_store %arg28[%swap3A, %swap3A_97], %broadcast_in_dim3A_96 {strides = array<i32>} : memref<80x128xf32, #tpu.memory_space<vmem>>, vector<16xf32>,
      %broadcast_in_dim3A_99 = arith.constant 0.000000e+00 : f32
      %broadcast_in_dim3A_100 = vector.broadcast %broadcast_in_dim3A_99 : f32 to vector<16xf32>
      %swap3A_101 = arith.index_cast %scan3A_95 : i32 to index
      %swap3A_102 = arith.constant 16 : index
      %swap3A_103 = tpu.vector_load %arg28[%swap3A_101, %swap3A_102] {strides = array<i32>} : memref<80x128xf32, #tpu.memory_space<vmem>>, vector<16xf32>,
      tpu.vector_store %arg28[%swap3A_101, %swap3A_102], %broadcast_in_dim3A_100 {strides = array<i32>} : memref<80x128xf32, #tpu.memory_space<vmem>>, vector<16xf32>,
      %broadcast_in_dim3A_104 = arith.constant 0.000000e+00 : f32
      %broadcast_in_dim3A_105 = vector.broadcast %broadcast_in_dim3A_104 : f32 to vector<16xf32>
      %swap3A_106 = arith.index_cast %scan3A_95 : i32 to index
      %swap3A_107 = arith.constant 32 : index
      %swap3A_108 = tpu.vector_load %arg28[%swap3A_106, %swap3A_107] {strides = array<i32>} : memref<80x128xf32, #tpu.memory_space<vmem>>, vector<16xf32>,
      tpu.vector_store %arg28[%swap3A_106, %swap3A_107], %broadcast_in_dim3A_105 {strides = array<i32>} : memref<80x128xf32, #tpu.memory_space<vmem>>, vector<16xf32>,
      %broadcast_in_dim3A_109 = arith.constant 0.000000e+00 : f32
      %broadcast_in_dim3A_110 = vector.broadcast %broadcast_in_dim3A_109 : f32 to vector<16xf32>
      %swap3A_111 = arith.index_cast %scan3A_95 : i32 to index
      %swap3A_112 = arith.constant 48 : index
      %swap3A_113 = tpu.vector_load %arg28[%swap3A_111, %swap3A_112] {strides = array<i32>} : memref<80x128xf32, #tpu.memory_space<vmem>>, vector<16xf32>,
      tpu.vector_store %arg28[%swap3A_111, %swap3A_112], %broadcast_in_dim3A_110 {strides = array<i32>} : memref<80x128xf32, #tpu.memory_space<vmem>>, vector<16xf32>,
      %broadcast_in_dim3A_114 = arith.constant 0.000000e+00 : f32
      %broadcast_in_dim3A_115 = vector.broadcast %broadcast_in_dim3A_114 : f32 to vector<16xf32>
      %swap3A_116 = arith.index_cast %scan3A_95 : i32 to index
      %swap3A_117 = arith.constant 64 : index
      %swap3A_118 = tpu.vector_load %arg28[%swap3A_116, %swap3A_117] {strides = array<i32>} : memref<80x128xf32, #tpu.memory_space<vmem>>, vector<16xf32>,
      tpu.vector_store %arg28[%swap3A_116, %swap3A_117], %broadcast_in_dim3A_115 {strides = array<i32>} : memref<80x128xf32, #tpu.memory_space<vmem>>, vector<16xf32>,
      %broadcast_in_dim3A_119 = arith.constant 0.000000e+00 : f32
      %broadcast_in_dim3A_120 = vector.broadcast %broadcast_in_dim3A_119 : f32 to vector<16xf32>
      %swap3A_121 = arith.index_cast %scan3A_95 : i32 to index
      %swap3A_122 = arith.constant 80 : index
      %swap3A_123 = tpu.vector_load %arg28[%swap3A_121, %swap3A_122] {strides = array<i32>} : memref<80x128xf32, #tpu.memory_space<vmem>>, vector<16xf32>,
      tpu.vector_store %arg28[%swap3A_121, %swap3A_122], %broadcast_in_dim3A_120 {strides = array<i32>} : memref<80x128xf32, #tpu.memory_space<vmem>>, vector<16xf32>,
      %broadcast_in_dim3A_124 = arith.constant 0.000000e+00 : f32
      %broadcast_in_dim3A_125 = vector.broadcast %broadcast_in_dim3A_124 : f32 to vector<16xf32>
      %swap3A_126 = arith.index_cast %scan3A_95 : i32 to index
      %swap3A_127 = arith.constant 96 : index
      %swap3A_128 = tpu.vector_load %arg28[%swap3A_126, %swap3A_127] {strides = array<i32>} : memref<80x128xf32, #tpu.memory_space<vmem>>, vector<16xf32>,
      tpu.vector_store %arg28[%swap3A_126, %swap3A_127], %broadcast_in_dim3A_125 {strides = array<i32>} : memref<80x128xf32, #tpu.memory_space<vmem>>, vector<16xf32>,
      %broadcast_in_dim3A_129 = arith.constant 0.000000e+00 : f32
      %broadcast_in_dim3A_130 = vector.broadcast %broadcast_in_dim3A_129 : f32 to vector<16xf32>
      %swap3A_131 = arith.index_cast %scan3A_95 : i32 to index
      %swap3A_132 = arith.constant 112 : index
      %swap3A_133 = tpu.vector_load %arg28[%swap3A_131, %swap3A_132] {strides = array<i32>} : memref<80x128xf32, #tpu.memory_space<vmem>>, vector<16xf32>,
      tpu.vector_store %arg28[%swap3A_131, %swap3A_132], %broadcast_in_dim3A_130 {strides = array<i32>} : memref<80x128xf32, #tpu.memory_space<vmem>>, vector<16xf32>,
    }
    %scan3A_17 = arith.constant 80 : i32
    %mul3A_18 = arith.constant 640 : i32
    %mul3A_19 = arith.muli %arg1, %mul3A_18 : i32
    "tpu.region"() ({
      %run_scoped3A = tpu.sem_alloc : memref<!tpu.dma_semaphore, #tpu.memory_space<semaphore_mem>>
      %dma_start3A = tpu.memref_slice %arg15[%mul3A_19] : memref<10240xf32, #tpu.memory_space<vmem_shared>> -> memref<640xf32, #tpu.memory_space<vmem_shared>>
      %dma_start3A_95 = tpu.memref_slice %arg15[%mul3A_19] : memref<10240xf32, #tpu.memory_space<vmem_shared>> -> memref<640xf32, #tpu.memory_space<vmem_shared>>
      tpu.enqueue_dma source(%arg29 : memref<640xf32, #tpu.memory_space<vmem>>) target(%dma_start3A_95 : memref<640xf32, #tpu.memory_space<vmem_shared>>) target_semaphore(%run_scoped3A : memref<!tpu.dma_semaphore, #tpu.memory_space<semaphore_mem>>)
      %dma_wait3A = tpu.memref_slice %arg15[%mul3A_19] : memref<10240xf32, #tpu.memory_space<vmem_shared>> -> memref<640xf32, #tpu.memory_space<vmem_shared>>
      %dma_wait3A_96 = tpu.memref_slice %arg15[%mul3A_19] : memref<10240xf32, #tpu.memory_space<vmem_shared>> -> memref<640xf32, #tpu.memory_space<vmem_shared>>
      tpu.wait_dma2 semaphore(%run_scoped3A : memref<!tpu.dma_semaphore, #tpu.memory_space<semaphore_mem>>) src(%arg29 : memref<640xf32, #tpu.memory_space<vmem>>) dst(%dma_wait3A_96 : memref<640xf32, #tpu.memory_space<vmem_shared>>)
      tpu.yield
    }) : () -> ()
    %mul3A_20 = arith.constant 640 : i32
    %mul3A_21 = arith.muli %arg1, %mul3A_20 : i32
    %add3A_22 = arith.constant 0 : i32
    %add3A_23 = arith.addi %mul3A_21, %add3A_22 : i32
    "tpu.region"() ({
      %run_scoped3A = tpu.sem_alloc : memref<!tpu.dma_semaphore, #tpu.memory_space<semaphore_mem>>
      %dma_start3A = arith.constant 0 : i32
      %dma_start3A_95 = tpu.memref_slice %arg14[%add3A_23, %dma_start3A] : memref<10240x128xf32, #tpu.memory_space<vmem_shared>> -> memref<80x128xf32, #tpu.memory_space<vmem_shared>>
      %dma_start3A_96 = arith.constant 0 : i32
      %dma_start3A_97 = tpu.memref_slice %arg14[%add3A_23, %dma_start3A_96] : memref<10240x128xf32, #tpu.memory_space<vmem_shared>> -> memref<80x128xf32, #tpu.memory_space<vmem_shared>>
      tpu.enqueue_dma source(%arg28 : memref<80x128xf32, #tpu.memory_space<vmem>>) target(%dma_start3A_97 : memref<80x128xf32, #tpu.memory_space<vmem_shared>>) target_semaphore(%run_scoped3A : memref<!tpu.dma_semaphore, #tpu.memory_space<semaphore_mem>>)
      %dma_wait3A = arith.constant 0 : i32
      %dma_wait3A_98 = tpu.memref_slice %arg14[%add3A_23, %dma_wait3A] : memref<10240x128xf32, #tpu.memory_space<vmem_shared>> -> memref<80x128xf32, #tpu.memory_space<vmem_shared>>
      %dma_wait3A_99 = arith.constant 0 : i32
      %dma_wait3A_100 = tpu.memref_slice %arg14[%add3A_23, %dma_wait3A_99] : memref<10240x128xf32, #tpu.memory_space<vmem_shared>> -> memref<80x128xf32, #tpu.memory_space<vmem_shared>>
      tpu.wait_dma2 semaphore(%run_scoped3A : memref<!tpu.dma_semaphore, #tpu.memory_space<semaphore_mem>>) src(%arg28 : memref<80x128xf32, #tpu.memory_space<vmem>>) dst(%dma_wait3A_100 : memref<80x128xf32, #tpu.memory_space<vmem_shared>>)
      tpu.yield
    }) : () -> ()
    %mul3A_24 = arith.constant 640 : i32
    %mul3A_25 = arith.muli %arg1, %mul3A_24 : i32
    %add3A_26 = arith.constant 80 : i32
    %add3A_27 = arith.addi %mul3A_25, %add3A_26 : i32
    "tpu.region"() ({
      %run_scoped3A = tpu.sem_alloc : memref<!tpu.dma_semaphore, #tpu.memory_space<semaphore_mem>>
      %dma_start3A = arith.constant 0 : i32
      %dma_start3A_95 = tpu.memref_slice %arg14[%add3A_27, %dma_start3A] : memref<10240x128xf32, #tpu.memory_space<vmem_shared>> -> memref<80x128xf32, #tpu.memory_space<vmem_shared>>
      %dma_start3A_96 = arith.constant 0 : i32
      %dma_start3A_97 = tpu.memref_slice %arg14[%add3A_27, %dma_start3A_96] : memref<10240x128xf32, #tpu.memory_space<vmem_shared>> -> memref<80x128xf32, #tpu.memory_space<vmem_shared>>
      tpu.enqueue_dma source(%arg28 : memref<80x128xf32, #tpu.memory_space<vmem>>) target(%dma_start3A_97 : memref<80x128xf32, #tpu.memory_space<vmem_shared>>) target_semaphore(%run_scoped3A : memref<!tpu.dma_semaphore, #tpu.memory_space<semaphore_mem>>)
      %dma_wait3A = arith.constant 0 : i32
      %dma_wait3A_98 = tpu.memref_slice %arg14[%add3A_27, %dma_wait3A] : memref<10240x128xf32, #tpu.memory_space<vmem_shared>> -> memref<80x128xf32, #tpu.memory_space<vmem_shared>>
      %dma_wait3A_99 = arith.constant 0 : i32
      %dma_wait3A_100 = tpu.memref_slice %arg14[%add3A_27, %dma_wait3A_99] : memref<10240x128xf32, #tpu.memory_space<vmem_shared>> -> memref<80x128xf32, #tpu.memory_space<vmem_shared>>
      tpu.wait_dma2 semaphore(%run_scoped3A : memref<!tpu.dma_semaphore, #tpu.memory_space<semaphore_mem>>) src(%arg28 : memref<80x128xf32, #tpu.memory_space<vmem>>) dst(%dma_wait3A_100 : memref<80x128xf32, #tpu.memory_space<vmem_shared>>)
      tpu.yield
    }) : () -> ()
    %mul3A_28 = arith.constant 640 : i32
    %mul3A_29 = arith.muli %arg1, %mul3A_28 : i32
    %add3A_30 = arith.constant 160 : i32
    %add3A_31 = arith.addi %mul3A_29, %add3A_30 : i32
    "tpu.region"() ({
      %run_scoped3A = tpu.sem_alloc : memref<!tpu.dma_semaphore, #tpu.memory_space<semaphore_mem>>
      %dma_start3A = arith.constant 0 : i32
      %dma_start3A_95 = tpu.memref_slice %arg14[%add3A_31, %dma_start3A] : memref<10240x128xf32, #tpu.memory_space<vmem_shared>> -> memref<80x128xf32, #tpu.memory_space<vmem_shared>>
      %dma_start3A_96 = arith.constant 0 : i32
      %dma_start3A_97 = tpu.memref_slice %arg14[%add3A_31, %dma_start3A_96] : memref<10240x128xf32, #tpu.memory_space<vmem_shared>> -> memref<80x128xf32, #tpu.memory_space<vmem_shared>>
      tpu.enqueue_dma source(%arg28 : memref<80x128xf32, #tpu.memory_space<vmem>>) target(%dma_start3A_97 : memref<80x128xf32, #tpu.memory_space<vmem_shared>>) target_semaphore(%run_scoped3A : memref<!tpu.dma_semaphore, #tpu.memory_space<semaphore_mem>>)
      %dma_wait3A = arith.constant 0 : i32
      %dma_wait3A_98 = tpu.memref_slice %arg14[%add3A_31, %dma_wait3A] : memref<10240x128xf32, #tpu.memory_space<vmem_shared>> -> memref<80x128xf32, #tpu.memory_space<vmem_shared>>
      %dma_wait3A_99 = arith.constant 0 : i32
      %dma_wait3A_100 = tpu.memref_slice %arg14[%add3A_31, %dma_wait3A_99] : memref<10240x128xf32, #tpu.memory_space<vmem_shared>> -> memref<80x128xf32, #tpu.memory_space<vmem_shared>>
      tpu.wait_dma2 semaphore(%run_scoped3A : memref<!tpu.dma_semaphore, #tpu.memory_space<semaphore_mem>>) src(%arg28 : memref<80x128xf32, #tpu.memory_space<vmem>>) dst(%dma_wait3A_100 : memref<80x128xf32, #tpu.memory_space<vmem_shared>>)
      tpu.yield
    }) : () -> ()
    %mul3A_32 = arith.constant 640 : i32
    %mul3A_33 = arith.muli %arg1, %mul3A_32 : i32
    %add3A_34 = arith.constant 240 : i32
    %add3A_35 = arith.addi %mul3A_33, %add3A_34 : i32
    "tpu.region"() ({
      %run_scoped3A = tpu.sem_alloc : memref<!tpu.dma_semaphore, #tpu.memory_space<semaphore_mem>>
      %dma_start3A = arith.constant 0 : i32
      %dma_start3A_95 = tpu.memref_slice %arg14[%add3A_35, %dma_start3A] : memref<10240x128xf32, #tpu.memory_space<vmem_shared>> -> memref<80x128xf32, #tpu.memory_space<vmem_shared>>
      %dma_start3A_96 = arith.constant 0 : i32
      %dma_start3A_97 = tpu.memref_slice %arg14[%add3A_35, %dma_start3A_96] : memref<10240x128xf32, #tpu.memory_space<vmem_shared>> -> memref<80x128xf32, #tpu.memory_space<vmem_shared>>
      tpu.enqueue_dma source(%arg28 : memref<80x128xf32, #tpu.memory_space<vmem>>) target(%dma_start3A_97 : memref<80x128xf32, #tpu.memory_space<vmem_shared>>) target_semaphore(%run_scoped3A : memref<!tpu.dma_semaphore, #tpu.memory_space<semaphore_mem>>)
      %dma_wait3A = arith.constant 0 : i32
      %dma_wait3A_98 = tpu.memref_slice %arg14[%add3A_35, %dma_wait3A] : memref<10240x128xf32, #tpu.memory_space<vmem_shared>> -> memref<80x128xf32, #tpu.memory_space<vmem_shared>>
      %dma_wait3A_99 = arith.constant 0 : i32
      %dma_wait3A_100 = tpu.memref_slice %arg14[%add3A_35, %dma_wait3A_99] : memref<10240x128xf32, #tpu.memory_space<vmem_shared>> -> memref<80x128xf32, #tpu.memory_space<vmem_shared>>
      tpu.wait_dma2 semaphore(%run_scoped3A : memref<!tpu.dma_semaphore, #tpu.memory_space<semaphore_mem>>) src(%arg28 : memref<80x128xf32, #tpu.memory_space<vmem>>) dst(%dma_wait3A_100 : memref<80x128xf32, #tpu.memory_space<vmem_shared>>)
      tpu.yield
    }) : () -> ()
    %mul3A_36 = arith.constant 640 : i32
    %mul3A_37 = arith.muli %arg1, %mul3A_36 : i32
    %add3A_38 = arith.constant 320 : i32
    %add3A_39 = arith.addi %mul3A_37, %add3A_38 : i32
    "tpu.region"() ({
      %run_scoped3A = tpu.sem_alloc : memref<!tpu.dma_semaphore, #tpu.memory_space<semaphore_mem>>
      %dma_start3A = arith.constant 0 : i32
      %dma_start3A_95 = tpu.memref_slice %arg14[%add3A_39, %dma_start3A] : memref<10240x128xf32, #tpu.memory_space<vmem_shared>> -> memref<80x128xf32, #tpu.memory_space<vmem_shared>>
      %dma_start3A_96 = arith.constant 0 : i32
      %dma_start3A_97 = tpu.memref_slice %arg14[%add3A_39, %dma_start3A_96] : memref<10240x128xf32, #tpu.memory_space<vmem_shared>> -> memref<80x128xf32, #tpu.memory_space<vmem_shared>>
      tpu.enqueue_dma source(%arg28 : memref<80x128xf32, #tpu.memory_space<vmem>>) target(%dma_start3A_97 : memref<80x128xf32, #tpu.memory_space<vmem_shared>>) target_semaphore(%run_scoped3A : memref<!tpu.dma_semaphore, #tpu.memory_space<semaphore_mem>>)
      %dma_wait3A = arith.constant 0 : i32
      %dma_wait3A_98 = tpu.memref_slice %arg14[%add3A_39, %dma_wait3A] : memref<10240x128xf32, #tpu.memory_space<vmem_shared>> -> memref<80x128xf32, #tpu.memory_space<vmem_shared>>
      %dma_wait3A_99 = arith.constant 0 : i32
      %dma_wait3A_100 = tpu.memref_slice %arg14[%add3A_39, %dma_wait3A_99] : memref<10240x128xf32, #tpu.memory_space<vmem_shared>> -> memref<80x128xf32, #tpu.memory_space<vmem_shared>>
      tpu.wait_dma2 semaphore(%run_scoped3A : memref<!tpu.dma_semaphore, #tpu.memory_space<semaphore_mem>>) src(%arg28 : memref<80x128xf32, #tpu.memory_space<vmem>>) dst(%dma_wait3A_100 : memref<80x128xf32, #tpu.memory_space<vmem_shared>>)
      tpu.yield
    }) : () -> ()
    %mul3A_40 = arith.constant 640 : i32
    %mul3A_41 = arith.muli %arg1, %mul3A_40 : i32
    %add3A_42 = arith.constant 400 : i32
    %add3A_43 = arith.addi %mul3A_41, %add3A_42 : i32
    "tpu.region"() ({
      %run_scoped3A = tpu.sem_alloc : memref<!tpu.dma_semaphore, #tpu.memory_space<semaphore_mem>>
      %dma_start3A = arith.constant 0 : i32
      %dma_start3A_95 = tpu.memref_slice %arg14[%add3A_43, %dma_start3A] : memref<10240x128xf32, #tpu.memory_space<vmem_shared>> -> memref<80x128xf32, #tpu.memory_space<vmem_shared>>
      %dma_start3A_96 = arith.constant 0 : i32
      %dma_start3A_97 = tpu.memref_slice %arg14[%add3A_43, %dma_start3A_96] : memref<10240x128xf32, #tpu.memory_space<vmem_shared>> -> memref<80x128xf32, #tpu.memory_space<vmem_shared>>
      tpu.enqueue_dma source(%arg28 : memref<80x128xf32, #tpu.memory_space<vmem>>) target(%dma_start3A_97 : memref<80x128xf32, #tpu.memory_space<vmem_shared>>) target_semaphore(%run_scoped3A : memref<!tpu.dma_semaphore, #tpu.memory_space<semaphore_mem>>)
      %dma_wait3A = arith.constant 0 : i32
      %dma_wait3A_98 = tpu.memref_slice %arg14[%add3A_43, %dma_wait3A] : memref<10240x128xf32, #tpu.memory_space<vmem_shared>> -> memref<80x128xf32, #tpu.memory_space<vmem_shared>>
      %dma_wait3A_99 = arith.constant 0 : i32
      %dma_wait3A_100 = tpu.memref_slice %arg14[%add3A_43, %dma_wait3A_99] : memref<10240x128xf32, #tpu.memory_space<vmem_shared>> -> memref<80x128xf32, #tpu.memory_space<vmem_shared>>
      tpu.wait_dma2 semaphore(%run_scoped3A : memref<!tpu.dma_semaphore, #tpu.memory_space<semaphore_mem>>) src(%arg28 : memref<80x128xf32, #tpu.memory_space<vmem>>) dst(%dma_wait3A_100 : memref<80x128xf32, #tpu.memory_space<vmem_shared>>)
      tpu.yield
    }) : () -> ()
    %mul3A_44 = arith.constant 640 : i32
    %mul3A_45 = arith.muli %arg1, %mul3A_44 : i32
    %add3A_46 = arith.constant 480 : i32
    %add3A_47 = arith.addi %mul3A_45, %add3A_46 : i32
    "tpu.region"() ({
      %run_scoped3A = tpu.sem_alloc : memref<!tpu.dma_semaphore, #tpu.memory_space<semaphore_mem>>
      %dma_start3A = arith.constant 0 : i32
      %dma_start3A_95 = tpu.memref_slice %arg14[%add3A_47, %dma_start3A] : memref<10240x128xf32, #tpu.memory_space<vmem_shared>> -> memref<80x128xf32, #tpu.memory_space<vmem_shared>>
      %dma_start3A_96 = arith.constant 0 : i32
      %dma_start3A_97 = tpu.memref_slice %arg14[%add3A_47, %dma_start3A_96] : memref<10240x128xf32, #tpu.memory_space<vmem_shared>> -> memref<80x128xf32, #tpu.memory_space<vmem_shared>>
      tpu.enqueue_dma source(%arg28 : memref<80x128xf32, #tpu.memory_space<vmem>>) target(%dma_start3A_97 : memref<80x128xf32, #tpu.memory_space<vmem_shared>>) target_semaphore(%run_scoped3A : memref<!tpu.dma_semaphore, #tpu.memory_space<semaphore_mem>>)
      %dma_wait3A = arith.constant 0 : i32
      %dma_wait3A_98 = tpu.memref_slice %arg14[%add3A_47, %dma_wait3A] : memref<10240x128xf32, #tpu.memory_space<vmem_shared>> -> memref<80x128xf32, #tpu.memory_space<vmem_shared>>
      %dma_wait3A_99 = arith.constant 0 : i32
      %dma_wait3A_100 = tpu.memref_slice %arg14[%add3A_47, %dma_wait3A_99] : memref<10240x128xf32, #tpu.memory_space<vmem_shared>> -> memref<80x128xf32, #tpu.memory_space<vmem_shared>>
      tpu.wait_dma2 semaphore(%run_scoped3A : memref<!tpu.dma_semaphore, #tpu.memory_space<semaphore_mem>>) src(%arg28 : memref<80x128xf32, #tpu.memory_space<vmem>>) dst(%dma_wait3A_100 : memref<80x128xf32, #tpu.memory_space<vmem_shared>>)
      tpu.yield
    }) : () -> ()
    %mul3A_48 = arith.constant 640 : i32
    %mul3A_49 = arith.muli %arg1, %mul3A_48 : i32
    %add3A_50 = arith.constant 560 : i32
    %add3A_51 = arith.addi %mul3A_49, %add3A_50 : i32
    "tpu.region"() ({
      %run_scoped3A = tpu.sem_alloc : memref<!tpu.dma_semaphore, #tpu.memory_space<semaphore_mem>>
      %dma_start3A = arith.constant 0 : i32
      %dma_start3A_95 = tpu.memref_slice %arg14[%add3A_51, %dma_start3A] : memref<10240x128xf32, #tpu.memory_space<vmem_shared>> -> memref<80x128xf32, #tpu.memory_space<vmem_shared>>
      %dma_start3A_96 = arith.constant 0 : i32
      %dma_start3A_97 = tpu.memref_slice %arg14[%add3A_51, %dma_start3A_96] : memref<10240x128xf32, #tpu.memory_space<vmem_shared>> -> memref<80x128xf32, #tpu.memory_space<vmem_shared>>
      tpu.enqueue_dma source(%arg28 : memref<80x128xf32, #tpu.memory_space<vmem>>) target(%dma_start3A_97 : memref<80x128xf32, #tpu.memory_space<vmem_shared>>) target_semaphore(%run_scoped3A : memref<!tpu.dma_semaphore, #tpu.memory_space<semaphore_mem>>)
      %dma_wait3A = arith.constant 0 : i32
      %dma_wait3A_98 = tpu.memref_slice %arg14[%add3A_51, %dma_wait3A] : memref<10240x128xf32, #tpu.memory_space<vmem_shared>> -> memref<80x128xf32, #tpu.memory_space<vmem_shared>>
      %dma_wait3A_99 = arith.constant 0 : i32
      %dma_wait3A_100 = tpu.memref_slice %arg14[%add3A_51, %dma_wait3A_99] : memref<10240x128xf32, #tpu.memory_space<vmem_shared>> -> memref<80x128xf32, #tpu.memory_space<vmem_shared>>
      tpu.wait_dma2 semaphore(%run_scoped3A : memref<!tpu.dma_semaphore, #tpu.memory_space<semaphore_mem>>) src(%arg28 : memref<80x128xf32, #tpu.memory_space<vmem>>) dst(%dma_wait3A_100 : memref<80x128xf32, #tpu.memory_space<vmem_shared>>)
      tpu.yield
    }) : () -> ()
    %barrier3A = arith.constant 0 : index
    tpu.barrier barrier_id(%barrier3A)
    %scan3A_52 = arith.constant 0 : i32
    %scan3A_53 = arith.constant 0 : i32
    %scan3A_54 = arith.constant 50 : i32
    %scan3A_55 = arith.addi %scan3A_53, %scan3A_54 : i32
    %scan3A_56 = arith.constant 1 : i32
    scf.for %scan3A_95 = %scan3A_53 to %scan3A_55 step %scan3A_56  : i32 {
      %mul3A_96 = arith.constant 20000 : i32
      %mul3A_97 = arith.muli %arg1, %mul3A_96 : i32
      %mul3A_98 = arith.constant 400 : i32
      %mul3A_99 = arith.muli %scan3A_95, %mul3A_98 : i32
      %add3A_100 = arith.addi %mul3A_97, %mul3A_99 : i32
      "tpu.region"() ({
        %run_scoped3A_253 = tpu.sem_alloc : memref<!tpu.dma_semaphore, #tpu.memory_space<semaphore_mem>>
        %dma_start3A = tpu.memref_slice %arg2[%add3A_100] : memref<320000xi32, #tpu.memory_space<hbm>> -> memref<400xi32, #tpu.memory_space<hbm>>
        %dma_start3A_254 = tpu.memref_slice %arg2[%add3A_100] : memref<320000xi32, #tpu.memory_space<hbm>> -> memref<400xi32, #tpu.memory_space<hbm>>
        tpu.enqueue_dma source(%dma_start3A_254 : memref<400xi32, #tpu.memory_space<hbm>>) target(%arg16 : memref<400xi32, #tpu.memory_space<vmem>>) target_semaphore(%run_scoped3A_253 : memref<!tpu.dma_semaphore, #tpu.memory_space<semaphore_mem>>)
        %dma_wait3A = tpu.memref_slice %arg2[%add3A_100] : memref<320000xi32, #tpu.memory_space<hbm>> -> memref<400xi32, #tpu.memory_space<hbm>>
        %dma_wait3A_255 = tpu.memref_slice %arg2[%add3A_100] : memref<320000xi32, #tpu.memory_space<hbm>> -> memref<400xi32, #tpu.memory_space<hbm>>
        tpu.wait_dma2 semaphore(%run_scoped3A_253 : memref<!tpu.dma_semaphore, #tpu.memory_space<semaphore_mem>>) src(%dma_wait3A_255 : memref<400xi32, #tpu.memory_space<hbm>>) dst(%arg16 : memref<400xi32, #tpu.memory_space<vmem>>)
        tpu.yield
      }) : () -> ()
      %get3A = arith.constant 0 : index
      %get3A_101 = tpu.vector_load %arg16[%get3A] {strides = array<i32>} : memref<400xi32, #tpu.memory_space<vmem>>, vector<16xi32>,
      %swap3A = arith.constant 0 : i32
      %swap3A_102 = arith.index_cast %swap3A : i32 to index
      %swap3A_103 = arith.constant 0 : index
      %swap3A_104 = tpu.vector_load %arg21[%swap3A_102, %swap3A_103] {strides = array<i32>} : memref<2x80xi32, #tpu.memory_space<vmem>>, vector<16xi32>,
      tpu.vector_store %arg21[%swap3A_102, %swap3A_103], %get3A_101 {strides = array<i32>} : memref<2x80xi32, #tpu.memory_space<vmem>>, vector<16xi32>,
      %get3A_105 = arith.constant 16 : index
      %get3A_106 = tpu.vector_load %arg16[%get3A_105] {strides = array<i32>} : memref<400xi32, #tpu.memory_space<vmem>>, vector<16xi32>,
      %swap3A_107 = arith.constant 0 : i32
      %swap3A_108 = arith.index_cast %swap3A_107 : i32 to index
      %swap3A_109 = arith.constant 16 : index
      %swap3A_110 = tpu.vector_load %arg21[%swap3A_108, %swap3A_109] {strides = array<i32>} : memref<2x80xi32, #tpu.memory_space<vmem>>, vector<16xi32>,
      tpu.vector_store %arg21[%swap3A_108, %swap3A_109], %get3A_106 {strides = array<i32>} : memref<2x80xi32, #tpu.memory_space<vmem>>, vector<16xi32>,
      %get3A_111 = arith.constant 32 : index
      %get3A_112 = tpu.vector_load %arg16[%get3A_111] {strides = array<i32>} : memref<400xi32, #tpu.memory_space<vmem>>, vector<16xi32>,
      %swap3A_113 = arith.constant 0 : i32
      %swap3A_114 = arith.index_cast %swap3A_113 : i32 to index
      %swap3A_115 = arith.constant 32 : index
      %swap3A_116 = tpu.vector_load %arg21[%swap3A_114, %swap3A_115] {strides = array<i32>} : memref<2x80xi32, #tpu.memory_space<vmem>>, vector<16xi32>,
      tpu.vector_store %arg21[%swap3A_114, %swap3A_115], %get3A_112 {strides = array<i32>} : memref<2x80xi32, #tpu.memory_space<vmem>>, vector<16xi32>,
      %get3A_117 = arith.constant 48 : index
      %get3A_118 = tpu.vector_load %arg16[%get3A_117] {strides = array<i32>} : memref<400xi32, #tpu.memory_space<vmem>>, vector<16xi32>,
      %swap3A_119 = arith.constant 0 : i32
      %swap3A_120 = arith.index_cast %swap3A_119 : i32 to index
      %swap3A_121 = arith.constant 48 : index
      %swap3A_122 = tpu.vector_load %arg21[%swap3A_120, %swap3A_121] {strides = array<i32>} : memref<2x80xi32, #tpu.memory_space<vmem>>, vector<16xi32>,
      tpu.vector_store %arg21[%swap3A_120, %swap3A_121], %get3A_118 {strides = array<i32>} : memref<2x80xi32, #tpu.memory_space<vmem>>, vector<16xi32>,
      %get3A_123 = arith.constant 64 : index
      %get3A_124 = tpu.vector_load %arg16[%get3A_123] {strides = array<i32>} : memref<400xi32, #tpu.memory_space<vmem>>, vector<16xi32>,
      %swap3A_125 = arith.constant 0 : i32
      %swap3A_126 = arith.index_cast %swap3A_125 : i32 to index
      %swap3A_127 = arith.constant 64 : index
      %swap3A_128 = tpu.vector_load %arg21[%swap3A_126, %swap3A_127] {strides = array<i32>} : memref<2x80xi32, #tpu.memory_space<vmem>>, vector<16xi32>,
      tpu.vector_store %arg21[%swap3A_126, %swap3A_127], %get3A_124 {strides = array<i32>} : memref<2x80xi32, #tpu.memory_space<vmem>>, vector<16xi32>,
      %run_scoped3A = arith.constant 0 : i32
      "tpu.region"() ({
        %run_scoped3A_253 = tpu.sem_alloc : memref<!tpu.dma_semaphore, #tpu.memory_space<semaphore_mem>>
        %dma_start3A = arith.constant 0 : i32
        %dma_start3A_254 = tpu.memref_slice %arg21[%run_scoped3A, %dma_start3A] : memref<2x80xi32, #tpu.memory_space<vmem>> -> memref<1x80xi32, #tpu.memory_space<vmem>>
        %dma_start3A_255 = tpu.memref_squeeze %dma_start3A_254 : memref<1x80xi32, #tpu.memory_space<vmem>> -> memref<80xi32, #tpu.memory_space<vmem>>
        %dma_start3A_256 = arith.constant 0 : i32
        %dma_start3A_257 = tpu.memref_slice %arg15[%dma_start3A_256] : memref<10240xf32, #tpu.memory_space<vmem_shared>> -> memref<10240xf32, #tpu.memory_space<vmem_shared>>
        tpu.enqueue_indirect_dma source(%arg32 : memref<80xf32, #tpu.memory_space<vmem>>) target(%dma_start3A_257 : memref<10240xf32, #tpu.memory_space<vmem_shared>>) offsets(%dma_start3A_255 : memref<80xi32, #tpu.memory_space<vmem>>) semaphore(%run_scoped3A_253 : memref<!tpu.dma_semaphore, #tpu.memory_space<semaphore_mem>>) {add = true}
        %dma_wait3A = arith.constant 0 : i32
        %dma_wait3A_258 = tpu.memref_slice %arg21[%run_scoped3A, %dma_wait3A] : memref<2x80xi32, #tpu.memory_space<vmem>> -> memref<1x80xi32, #tpu.memory_space<vmem>>
        %dma_wait3A_259 = tpu.memref_squeeze %dma_wait3A_258 : memref<1x80xi32, #tpu.memory_space<vmem>> -> memref<80xi32, #tpu.memory_space<vmem>>
        %dma_wait3A_260 = arith.constant 0 : i32
        %dma_wait3A_261 = tpu.memref_slice %arg15[%dma_wait3A_260] : memref<10240xf32, #tpu.memory_space<vmem_shared>> -> memref<10240xf32, #tpu.memory_space<vmem_shared>>
        tpu.wait_indirect_dma semaphore(%run_scoped3A_253 : memref<!tpu.dma_semaphore, #tpu.memory_space<semaphore_mem>>) src(%arg32 : memref<80xf32, #tpu.memory_space<vmem>>) dst(%dma_wait3A_261 : memref<10240xf32, #tpu.memory_space<vmem_shared>>)
        tpu.yield
      }) : () -> ()
      %get3A_129 = arith.constant 80 : index
      %get3A_130 = tpu.vector_load %arg16[%get3A_129] {strides = array<i32>} : memref<400xi32, #tpu.memory_space<vmem>>, vector<16xi32>,
      %swap3A_131 = arith.constant 0 : i32
      %swap3A_132 = arith.index_cast %swap3A_131 : i32 to index
      %swap3A_133 = arith.constant 0 : index
      %swap3A_134 = tpu.vector_load %arg21[%swap3A_132, %swap3A_133] {strides = array<i32>} : memref<2x80xi32, #tpu.memory_space<vmem>>, vector<16xi32>,
      tpu.vector_store %arg21[%swap3A_132, %swap3A_133], %get3A_130 {strides = array<i32>} : memref<2x80xi32, #tpu.memory_space<vmem>>, vector<16xi32>,
      %get3A_135 = arith.constant 96 : index
      %get3A_136 = tpu.vector_load %arg16[%get3A_135] {strides = array<i32>} : memref<400xi32, #tpu.memory_space<vmem>>, vector<16xi32>,
      %swap3A_137 = arith.constant 0 : i32
      %swap3A_138 = arith.index_cast %swap3A_137 : i32 to index
      %swap3A_139 = arith.constant 16 : index
      %swap3A_140 = tpu.vector_load %arg21[%swap3A_138, %swap3A_139] {strides = array<i32>} : memref<2x80xi32, #tpu.memory_space<vmem>>, vector<16xi32>,
      tpu.vector_store %arg21[%swap3A_138, %swap3A_139], %get3A_136 {strides = array<i32>} : memref<2x80xi32, #tpu.memory_space<vmem>>, vector<16xi32>,
      %get3A_141 = arith.constant 112 : index
      %get3A_142 = tpu.vector_load %arg16[%get3A_141] {strides = array<i32>} : memref<400xi32, #tpu.memory_space<vmem>>, vector<16xi32>,
      %swap3A_143 = arith.constant 0 : i32
      %swap3A_144 = arith.index_cast %swap3A_143 : i32 to index
      %swap3A_145 = arith.constant 32 : index
      %swap3A_146 = tpu.vector_load %arg21[%swap3A_144, %swap3A_145] {strides = array<i32>} : memref<2x80xi32, #tpu.memory_space<vmem>>, vector<16xi32>,
      tpu.vector_store %arg21[%swap3A_144, %swap3A_145], %get3A_142 {strides = array<i32>} : memref<2x80xi32, #tpu.memory_space<vmem>>, vector<16xi32>,
      %get3A_147 = arith.constant 128 : index
      %get3A_148 = tpu.vector_load %arg16[%get3A_147] {strides = array<i32>} : memref<400xi32, #tpu.memory_space<vmem>>, vector<16xi32>,
      %swap3A_149 = arith.constant 0 : i32
      %swap3A_150 = arith.index_cast %swap3A_149 : i32 to index
      %swap3A_151 = arith.constant 48 : index
      %swap3A_152 = tpu.vector_load %arg21[%swap3A_150, %swap3A_151] {strides = array<i32>} : memref<2x80xi32, #tpu.memory_space<vmem>>, vector<16xi32>,
      tpu.vector_store %arg21[%swap3A_150, %swap3A_151], %get3A_148 {strides = array<i32>} : memref<2x80xi32, #tpu.memory_space<vmem>>, vector<16xi32>,
      %get3A_153 = arith.constant 144 : index
      %get3A_154 = tpu.vector_load %arg16[%get3A_153] {strides = array<i32>} : memref<400xi32, #tpu.memory_space<vmem>>, vector<16xi32>,
      %swap3A_155 = arith.constant 0 : i32
      %swap3A_156 = arith.index_cast %swap3A_155 : i32 to index
      %swap3A_157 = arith.constant 64 : index
      %swap3A_158 = tpu.vector_load %arg21[%swap3A_156, %swap3A_157] {strides = array<i32>} : memref<2x80xi32, #tpu.memory_space<vmem>>, vector<16xi32>,
      tpu.vector_store %arg21[%swap3A_156, %swap3A_157], %get3A_154 {strides = array<i32>} : memref<2x80xi32, #tpu.memory_space<vmem>>, vector<16xi32>,
      %run_scoped3A_159 = arith.constant 0 : i32
      "tpu.region"() ({
        %run_scoped3A_253 = tpu.sem_alloc : memref<!tpu.dma_semaphore, #tpu.memory_space<semaphore_mem>>
        %dma_start3A = arith.constant 0 : i32
        %dma_start3A_254 = tpu.memref_slice %arg21[%run_scoped3A_159, %dma_start3A] : memref<2x80xi32, #tpu.memory_space<vmem>> -> memref<1x80xi32, #tpu.memory_space<vmem>>
        %dma_start3A_255 = tpu.memref_squeeze %dma_start3A_254 : memref<1x80xi32, #tpu.memory_space<vmem>> -> memref<80xi32, #tpu.memory_space<vmem>>
        %dma_start3A_256 = arith.constant 0 : i32
        %dma_start3A_257 = tpu.memref_slice %arg15[%dma_start3A_256] : memref<10240xf32, #tpu.memory_space<vmem_shared>> -> memref<10240xf32, #tpu.memory_space<vmem_shared>>
        tpu.enqueue_indirect_dma source(%arg32 : memref<80xf32, #tpu.memory_space<vmem>>) target(%dma_start3A_257 : memref<10240xf32, #tpu.memory_space<vmem_shared>>) offsets(%dma_start3A_255 : memref<80xi32, #tpu.memory_space<vmem>>) semaphore(%run_scoped3A_253 : memref<!tpu.dma_semaphore, #tpu.memory_space<semaphore_mem>>) {add = true}
        %dma_wait3A = arith.constant 0 : i32
        %dma_wait3A_258 = tpu.memref_slice %arg21[%run_scoped3A_159, %dma_wait3A] : memref<2x80xi32, #tpu.memory_space<vmem>> -> memref<1x80xi32, #tpu.memory_space<vmem>>
        %dma_wait3A_259 = tpu.memref_squeeze %dma_wait3A_258 : memref<1x80xi32, #tpu.memory_space<vmem>> -> memref<80xi32, #tpu.memory_space<vmem>>
        %dma_wait3A_260 = arith.constant 0 : i32
        %dma_wait3A_261 = tpu.memref_slice %arg15[%dma_wait3A_260] : memref<10240xf32, #tpu.memory_space<vmem_shared>> -> memref<10240xf32, #tpu.memory_space<vmem_shared>>
        tpu.wait_indirect_dma semaphore(%run_scoped3A_253 : memref<!tpu.dma_semaphore, #tpu.memory_space<semaphore_mem>>) src(%arg32 : memref<80xf32, #tpu.memory_space<vmem>>) dst(%dma_wait3A_261 : memref<10240xf32, #tpu.memory_space<vmem_shared>>)
        tpu.yield
      }) : () -> ()
      %get3A_160 = arith.constant 160 : index
      %get3A_161 = tpu.vector_load %arg16[%get3A_160] {strides = array<i32>} : memref<400xi32, #tpu.memory_space<vmem>>, vector<16xi32>,
      %swap3A_162 = arith.constant 0 : i32
      %swap3A_163 = arith.index_cast %swap3A_162 : i32 to index
      %swap3A_164 = arith.constant 0 : index
      %swap3A_165 = tpu.vector_load %arg21[%swap3A_163, %swap3A_164] {strides = array<i32>} : memref<2x80xi32, #tpu.memory_space<vmem>>, vector<16xi32>,
      tpu.vector_store %arg21[%swap3A_163, %swap3A_164], %get3A_161 {strides = array<i32>} : memref<2x80xi32, #tpu.memory_space<vmem>>, vector<16xi32>,
      %get3A_166 = arith.constant 176 : index
      %get3A_167 = tpu.vector_load %arg16[%get3A_166] {strides = array<i32>} : memref<400xi32, #tpu.memory_space<vmem>>, vector<16xi32>,
      %swap3A_168 = arith.constant 0 : i32
      %swap3A_169 = arith.index_cast %swap3A_168 : i32 to index
      %swap3A_170 = arith.constant 16 : index
      %swap3A_171 = tpu.vector_load %arg21[%swap3A_169, %swap3A_170] {strides = array<i32>} : memref<2x80xi32, #tpu.memory_space<vmem>>, vector<16xi32>,
      tpu.vector_store %arg21[%swap3A_169, %swap3A_170], %get3A_167 {strides = array<i32>} : memref<2x80xi32, #tpu.memory_space<vmem>>, vector<16xi32>,
      %get3A_172 = arith.constant 192 : index
      %get3A_173 = tpu.vector_load %arg16[%get3A_172] {strides = array<i32>} : memref<400xi32, #tpu.memory_space<vmem>>, vector<16xi32>,
      %swap3A_174 = arith.constant 0 : i32
      %swap3A_175 = arith.index_cast %swap3A_174 : i32 to index
      %swap3A_176 = arith.constant 32 : index
      %swap3A_177 = tpu.vector_load %arg21[%swap3A_175, %swap3A_176] {strides = array<i32>} : memref<2x80xi32, #tpu.memory_space<vmem>>, vector<16xi32>,
      tpu.vector_store %arg21[%swap3A_175, %swap3A_176], %get3A_173 {strides = array<i32>} : memref<2x80xi32, #tpu.memory_space<vmem>>, vector<16xi32>,
      %get3A_178 = arith.constant 208 : index
      %get3A_179 = tpu.vector_load %arg16[%get3A_178] {strides = array<i32>} : memref<400xi32, #tpu.memory_space<vmem>>, vector<16xi32>,
      %swap3A_180 = arith.constant 0 : i32
      %swap3A_181 = arith.index_cast %swap3A_180 : i32 to index
      %swap3A_182 = arith.constant 48 : index
      %swap3A_183 = tpu.vector_load %arg21[%swap3A_181, %swap3A_182] {strides = array<i32>} : memref<2x80xi32, #tpu.memory_space<vmem>>, vector<16xi32>,
      tpu.vector_store %arg21[%swap3A_181, %swap3A_182], %get3A_179 {strides = array<i32>} : memref<2x80xi32, #tpu.memory_space<vmem>>, vector<16xi32>,
      %get3A_184 = arith.constant 224 : index
      %get3A_185 = tpu.vector_load %arg16[%get3A_184] {strides = array<i32>} : memref<400xi32, #tpu.memory_space<vmem>>, vector<16xi32>,
      %swap3A_186 = arith.constant 0 : i32
      %swap3A_187 = arith.index_cast %swap3A_186 : i32 to index
      %swap3A_188 = arith.constant 64 : index
      %swap3A_189 = tpu.vector_load %arg21[%swap3A_187, %swap3A_188] {strides = array<i32>} : memref<2x80xi32, #tpu.memory_space<vmem>>, vector<16xi32>,
      tpu.vector_store %arg21[%swap3A_187, %swap3A_188], %get3A_185 {strides = array<i32>} : memref<2x80xi32, #tpu.memory_space<vmem>>, vector<16xi32>,
      %run_scoped3A_190 = arith.constant 0 : i32
      "tpu.region"() ({
        %run_scoped3A_253 = tpu.sem_alloc : memref<!tpu.dma_semaphore, #tpu.memory_space<semaphore_mem>>
        %dma_start3A = arith.constant 0 : i32
        %dma_start3A_254 = tpu.memref_slice %arg21[%run_scoped3A_190, %dma_start3A] : memref<2x80xi32, #tpu.memory_space<vmem>> -> memref<1x80xi32, #tpu.memory_space<vmem>>
        %dma_start3A_255 = tpu.memref_squeeze %dma_start3A_254 : memref<1x80xi32, #tpu.memory_space<vmem>> -> memref<80xi32, #tpu.memory_space<vmem>>
        %dma_start3A_256 = arith.constant 0 : i32
        %dma_start3A_257 = tpu.memref_slice %arg15[%dma_start3A_256] : memref<10240xf32, #tpu.memory_space<vmem_shared>> -> memref<10240xf32, #tpu.memory_space<vmem_shared>>
        tpu.enqueue_indirect_dma source(%arg32 : memref<80xf32, #tpu.memory_space<vmem>>) target(%dma_start3A_257 : memref<10240xf32, #tpu.memory_space<vmem_shared>>) offsets(%dma_start3A_255 : memref<80xi32, #tpu.memory_space<vmem>>) semaphore(%run_scoped3A_253 : memref<!tpu.dma_semaphore, #tpu.memory_space<semaphore_mem>>) {add = true}
        %dma_wait3A = arith.constant 0 : i32
        %dma_wait3A_258 = tpu.memref_slice %arg21[%run_scoped3A_190, %dma_wait3A] : memref<2x80xi32, #tpu.memory_space<vmem>> -> memref<1x80xi32, #tpu.memory_space<vmem>>
        %dma_wait3A_259 = tpu.memref_squeeze %dma_wait3A_258 : memref<1x80xi32, #tpu.memory_space<vmem>> -> memref<80xi32, #tpu.memory_space<vmem>>
        %dma_wait3A_260 = arith.constant 0 : i32
        %dma_wait3A_261 = tpu.memref_slice %arg15[%dma_wait3A_260] : memref<10240xf32, #tpu.memory_space<vmem_shared>> -> memref<10240xf32, #tpu.memory_space<vmem_shared>>
        tpu.wait_indirect_dma semaphore(%run_scoped3A_253 : memref<!tpu.dma_semaphore, #tpu.memory_space<semaphore_mem>>) src(%arg32 : memref<80xf32, #tpu.memory_space<vmem>>) dst(%dma_wait3A_261 : memref<10240xf32, #tpu.memory_space<vmem_shared>>)
        tpu.yield
      }) : () -> ()
      %get3A_191 = arith.constant 240 : index
      %get3A_192 = tpu.vector_load %arg16[%get3A_191] {strides = array<i32>} : memref<400xi32, #tpu.memory_space<vmem>>, vector<16xi32>,
      %swap3A_193 = arith.constant 0 : i32
      %swap3A_194 = arith.index_cast %swap3A_193 : i32 to index
      %swap3A_195 = arith.constant 0 : index
      %swap3A_196 = tpu.vector_load %arg21[%swap3A_194, %swap3A_195] {strides = array<i32>} : memref<2x80xi32, #tpu.memory_space<vmem>>, vector<16xi32>,
      tpu.vector_store %arg21[%swap3A_194, %swap3A_195], %get3A_192 {strides = array<i32>} : memref<2x80xi32, #tpu.memory_space<vmem>>, vector<16xi32>,
      %get3A_197 = arith.constant 256 : index
      %get3A_198 = tpu.vector_load %arg16[%get3A_197] {strides = array<i32>} : memref<400xi32, #tpu.memory_space<vmem>>, vector<16xi32>,
      %swap3A_199 = arith.constant 0 : i32
      %swap3A_200 = arith.index_cast %swap3A_199 : i32 to index
      %swap3A_201 = arith.constant 16 : index
      %swap3A_202 = tpu.vector_load %arg21[%swap3A_200, %swap3A_201] {strides = array<i32>} : memref<2x80xi32, #tpu.memory_space<vmem>>, vector<16xi32>,
      tpu.vector_store %arg21[%swap3A_200, %swap3A_201], %get3A_198 {strides = array<i32>} : memref<2x80xi32, #tpu.memory_space<vmem>>, vector<16xi32>,
      %get3A_203 = arith.constant 272 : index
      %get3A_204 = tpu.vector_load %arg16[%get3A_203] {strides = array<i32>} : memref<400xi32, #tpu.memory_space<vmem>>, vector<16xi32>,
      %swap3A_205 = arith.constant 0 : i32
      %swap3A_206 = arith.index_cast %swap3A_205 : i32 to index
      %swap3A_207 = arith.constant 32 : index
      %swap3A_208 = tpu.vector_load %arg21[%swap3A_206, %swap3A_207] {strides = array<i32>} : memref<2x80xi32, #tpu.memory_space<vmem>>, vector<16xi32>,
      tpu.vector_store %arg21[%swap3A_206, %swap3A_207], %get3A_204 {strides = array<i32>} : memref<2x80xi32, #tpu.memory_space<vmem>>, vector<16xi32>,
      %get3A_209 = arith.constant 288 : index
      %get3A_210 = tpu.vector_load %arg16[%get3A_209] {strides = array<i32>} : memref<400xi32, #tpu.memory_space<vmem>>, vector<16xi32>,
      %swap3A_211 = arith.constant 0 : i32
      %swap3A_212 = arith.index_cast %swap3A_211 : i32 to index
      %swap3A_213 = arith.constant 48 : index
      %swap3A_214 = tpu.vector_load %arg21[%swap3A_212, %swap3A_213] {strides = array<i32>} : memref<2x80xi32, #tpu.memory_space<vmem>>, vector<16xi32>,
      tpu.vector_store %arg21[%swap3A_212, %swap3A_213], %get3A_210 {strides = array<i32>} : memref<2x80xi32, #tpu.memory_space<vmem>>, vector<16xi32>,
      %get3A_215 = arith.constant 304 : index
      %get3A_216 = tpu.vector_load %arg16[%get3A_215] {strides = array<i32>} : memref<400xi32, #tpu.memory_space<vmem>>, vector<16xi32>,
      %swap3A_217 = arith.constant 0 : i32
      %swap3A_218 = arith.index_cast %swap3A_217 : i32 to index
      %swap3A_219 = arith.constant 64 : index
      %swap3A_220 = tpu.vector_load %arg21[%swap3A_218, %swap3A_219] {strides = array<i32>} : memref<2x80xi32, #tpu.memory_space<vmem>>, vector<16xi32>,
      tpu.vector_store %arg21[%swap3A_218, %swap3A_219], %get3A_216 {strides = array<i32>} : memref<2x80xi32, #tpu.memory_space<vmem>>, vector<16xi32>,
      %run_scoped3A_221 = arith.constant 0 : i32
      "tpu.region"() ({
        %run_scoped3A_253 = tpu.sem_alloc : memref<!tpu.dma_semaphore, #tpu.memory_space<semaphore_mem>>
        %dma_start3A = arith.constant 0 : i32
        %dma_start3A_254 = tpu.memref_slice %arg21[%run_scoped3A_221, %dma_start3A] : memref<2x80xi32, #tpu.memory_space<vmem>> -> memref<1x80xi32, #tpu.memory_space<vmem>>
        %dma_start3A_255 = tpu.memref_squeeze %dma_start3A_254 : memref<1x80xi32, #tpu.memory_space<vmem>> -> memref<80xi32, #tpu.memory_space<vmem>>
        %dma_start3A_256 = arith.constant 0 : i32
        %dma_start3A_257 = tpu.memref_slice %arg15[%dma_start3A_256] : memref<10240xf32, #tpu.memory_space<vmem_shared>> -> memref<10240xf32, #tpu.memory_space<vmem_shared>>
        tpu.enqueue_indirect_dma source(%arg32 : memref<80xf32, #tpu.memory_space<vmem>>) target(%dma_start3A_257 : memref<10240xf32, #tpu.memory_space<vmem_shared>>) offsets(%dma_start3A_255 : memref<80xi32, #tpu.memory_space<vmem>>) semaphore(%run_scoped3A_253 : memref<!tpu.dma_semaphore, #tpu.memory_space<semaphore_mem>>) {add = true}
        %dma_wait3A = arith.constant 0 : i32
        %dma_wait3A_258 = tpu.memref_slice %arg21[%run_scoped3A_221, %dma_wait3A] : memref<2x80xi32, #tpu.memory_space<vmem>> -> memref<1x80xi32, #tpu.memory_space<vmem>>
        %dma_wait3A_259 = tpu.memref_squeeze %dma_wait3A_258 : memref<1x80xi32, #tpu.memory_space<vmem>> -> memref<80xi32, #tpu.memory_space<vmem>>
        %dma_wait3A_260 = arith.constant 0 : i32
        %dma_wait3A_261 = tpu.memref_slice %arg15[%dma_wait3A_260] : memref<10240xf32, #tpu.memory_space<vmem_shared>> -> memref<10240xf32, #tpu.memory_space<vmem_shared>>
        tpu.wait_indirect_dma semaphore(%run_scoped3A_253 : memref<!tpu.dma_semaphore, #tpu.memory_space<semaphore_mem>>) src(%arg32 : memref<80xf32, #tpu.memory_space<vmem>>) dst(%dma_wait3A_261 : memref<10240xf32, #tpu.memory_space<vmem_shared>>)
        tpu.yield
      }) : () -> ()
      %get3A_222 = arith.constant 320 : index
      %get3A_223 = tpu.vector_load %arg16[%get3A_222] {strides = array<i32>} : memref<400xi32, #tpu.memory_space<vmem>>, vector<16xi32>,
      %swap3A_224 = arith.constant 0 : i32
      %swap3A_225 = arith.index_cast %swap3A_224 : i32 to index
      %swap3A_226 = arith.constant 0 : index
      %swap3A_227 = tpu.vector_load %arg21[%swap3A_225, %swap3A_226] {strides = array<i32>} : memref<2x80xi32, #tpu.memory_space<vmem>>, vector<16xi32>,
      tpu.vector_store %arg21[%swap3A_225, %swap3A_226], %get3A_223 {strides = array<i32>} : memref<2x80xi32, #tpu.memory_space<vmem>>, vector<16xi32>,
      %get3A_228 = arith.constant 336 : index
      %get3A_229 = tpu.vector_load %arg16[%get3A_228] {strides = array<i32>} : memref<400xi32, #tpu.memory_space<vmem>>, vector<16xi32>,
      %swap3A_230 = arith.constant 0 : i32
      %swap3A_231 = arith.index_cast %swap3A_230 : i32 to index
      %swap3A_232 = arith.constant 16 : index
      %swap3A_233 = tpu.vector_load %arg21[%swap3A_231, %swap3A_232] {strides = array<i32>} : memref<2x80xi32, #tpu.memory_space<vmem>>, vector<16xi32>,
      tpu.vector_store %arg21[%swap3A_231, %swap3A_232], %get3A_229 {strides = array<i32>} : memref<2x80xi32, #tpu.memory_space<vmem>>, vector<16xi32>,
      %get3A_234 = arith.constant 352 : index
      %get3A_235 = tpu.vector_load %arg16[%get3A_234] {strides = array<i32>} : memref<400xi32, #tpu.memory_space<vmem>>, vector<16xi32>,
      %swap3A_236 = arith.constant 0 : i32
      %swap3A_237 = arith.index_cast %swap3A_236 : i32 to index
      %swap3A_238 = arith.constant 32 : index
      %swap3A_239 = tpu.vector_load %arg21[%swap3A_237, %swap3A_238] {strides = array<i32>} : memref<2x80xi32, #tpu.memory_space<vmem>>, vector<16xi32>,
      tpu.vector_store %arg21[%swap3A_237, %swap3A_238], %get3A_235 {strides = array<i32>} : memref<2x80xi32, #tpu.memory_space<vmem>>, vector<16xi32>,
      %get3A_240 = arith.constant 368 : index
      %get3A_241 = tpu.vector_load %arg16[%get3A_240] {strides = array<i32>} : memref<400xi32, #tpu.memory_space<vmem>>, vector<16xi32>,
      %swap3A_242 = arith.constant 0 : i32
      %swap3A_243 = arith.index_cast %swap3A_242 : i32 to index
      %swap3A_244 = arith.constant 48 : index
      %swap3A_245 = tpu.vector_load %arg21[%swap3A_243, %swap3A_244] {strides = array<i32>} : memref<2x80xi32, #tpu.memory_space<vmem>>, vector<16xi32>,
      tpu.vector_store %arg21[%swap3A_243, %swap3A_244], %get3A_241 {strides = array<i32>} : memref<2x80xi32, #tpu.memory_space<vmem>>, vector<16xi32>,
      %get3A_246 = arith.constant 384 : index
      %get3A_247 = tpu.vector_load %arg16[%get3A_246] {strides = array<i32>} : memref<400xi32, #tpu.memory_space<vmem>>, vector<16xi32>,
      %swap3A_248 = arith.constant 0 : i32
      %swap3A_249 = arith.index_cast %swap3A_248 : i32 to index
      %swap3A_250 = arith.constant 64 : index
      %swap3A_251 = tpu.vector_load %arg21[%swap3A_249, %swap3A_250] {strides = array<i32>} : memref<2x80xi32, #tpu.memory_space<vmem>>, vector<16xi32>,
      tpu.vector_store %arg21[%swap3A_249, %swap3A_250], %get3A_247 {strides = array<i32>} : memref<2x80xi32, #tpu.memory_space<vmem>>, vector<16xi32>,
      %run_scoped3A_252 = arith.constant 0 : i32
      "tpu.region"() ({
        %run_scoped3A_253 = tpu.sem_alloc : memref<!tpu.dma_semaphore, #tpu.memory_space<semaphore_mem>>
        %dma_start3A = arith.constant 0 : i32
        %dma_start3A_254 = tpu.memref_slice %arg21[%run_scoped3A_252, %dma_start3A] : memref<2x80xi32, #tpu.memory_space<vmem>> -> memref<1x80xi32, #tpu.memory_space<vmem>>
        %dma_start3A_255 = tpu.memref_squeeze %dma_start3A_254 : memref<1x80xi32, #tpu.memory_space<vmem>> -> memref<80xi32, #tpu.memory_space<vmem>>
        %dma_start3A_256 = arith.constant 0 : i32
        %dma_start3A_257 = tpu.memref_slice %arg15[%dma_start3A_256] : memref<10240xf32, #tpu.memory_space<vmem_shared>> -> memref<10240xf32, #tpu.memory_space<vmem_shared>>
        tpu.enqueue_indirect_dma source(%arg32 : memref<80xf32, #tpu.memory_space<vmem>>) target(%dma_start3A_257 : memref<10240xf32, #tpu.memory_space<vmem_shared>>) offsets(%dma_start3A_255 : memref<80xi32, #tpu.memory_space<vmem>>) semaphore(%run_scoped3A_253 : memref<!tpu.dma_semaphore, #tpu.memory_space<semaphore_mem>>) {add = true}
        %dma_wait3A = arith.constant 0 : i32
        %dma_wait3A_258 = tpu.memref_slice %arg21[%run_scoped3A_252, %dma_wait3A] : memref<2x80xi32, #tpu.memory_space<vmem>> -> memref<1x80xi32, #tpu.memory_space<vmem>>
        %dma_wait3A_259 = tpu.memref_squeeze %dma_wait3A_258 : memref<1x80xi32, #tpu.memory_space<vmem>> -> memref<80xi32, #tpu.memory_space<vmem>>
        %dma_wait3A_260 = arith.constant 0 : i32
        %dma_wait3A_261 = tpu.memref_slice %arg15[%dma_wait3A_260] : memref<10240xf32, #tpu.memory_space<vmem_shared>> -> memref<10240xf32, #tpu.memory_space<vmem_shared>>
        tpu.wait_indirect_dma semaphore(%run_scoped3A_253 : memref<!tpu.dma_semaphore, #tpu.memory_space<semaphore_mem>>) src(%arg32 : memref<80xf32, #tpu.memory_space<vmem>>) dst(%dma_wait3A_261 : memref<10240xf32, #tpu.memory_space<vmem_shared>>)
        tpu.yield
      }) : () -> ()
    }
    %scan3A_57 = arith.constant 50 : i32
    %barrier3A_58 = arith.constant 0 : index
    tpu.barrier barrier_id(%barrier3A_58)
    %mul3A_59 = arith.constant 640 : i32
    %mul3A_60 = arith.muli %arg1, %mul3A_59 : i32
    "tpu.region"() ({
      %run_scoped3A = tpu.sem_alloc : memref<!tpu.dma_semaphore, #tpu.memory_space<semaphore_mem>>
      %dma_start3A = tpu.memref_slice %arg15[%mul3A_60] : memref<10240xf32, #tpu.memory_space<vmem_shared>> -> memref<640xf32, #tpu.memory_space<vmem_shared>>
      %dma_start3A_95 = tpu.memref_slice %arg15[%mul3A_60] : memref<10240xf32, #tpu.memory_space<vmem_shared>> -> memref<640xf32, #tpu.memory_space<vmem_shared>>
      tpu.enqueue_dma source(%dma_start3A_95 : memref<640xf32, #tpu.memory_space<vmem_shared>>) target(%arg29 : memref<640xf32, #tpu.memory_space<vmem>>) target_semaphore(%run_scoped3A : memref<!tpu.dma_semaphore, #tpu.memory_space<semaphore_mem>>)
      %dma_wait3A = tpu.memref_slice %arg15[%mul3A_60] : memref<10240xf32, #tpu.memory_space<vmem_shared>> -> memref<640xf32, #tpu.memory_space<vmem_shared>>
      %dma_wait3A_96 = tpu.memref_slice %arg15[%mul3A_60] : memref<10240xf32, #tpu.memory_space<vmem_shared>> -> memref<640xf32, #tpu.memory_space<vmem_shared>>
      tpu.wait_dma2 semaphore(%run_scoped3A : memref<!tpu.dma_semaphore, #tpu.memory_space<semaphore_mem>>) src(%dma_wait3A_96 : memref<640xf32, #tpu.memory_space<vmem_shared>>) dst(%arg29 : memref<640xf32, #tpu.memory_space<vmem>>)
      tpu.yield
    }) : () -> ()
    %scan3A_61 = arith.constant 0 : i32
    %scan3A_62 = arith.constant 0 : i32
    %scan3A_63 = arith.constant 40 : i32
    %scan3A_64 = arith.addi %scan3A_62, %scan3A_63 : i32
    %scan3A_65 = arith.constant 1 : i32
    scf.for %scan3A_95 = %scan3A_62 to %scan3A_64 step %scan3A_65  : i32 {
      %mul3A_96 = arith.constant 16 : i32
      %mul3A_97 = arith.muli %scan3A_95, %mul3A_96 : i32
      %get3A = arith.index_cast %mul3A_97 : i32 to index
      %get3A_98 = tpu.vector_load %arg29[%get3A] {strides = array<i32>} : memref<640xf32, #tpu.memory_space<vmem>>, vector<16xf32>,
      %bitcast_convert_type3A = tpu.bitcast %get3A_98 : vector<16xf32> -> vector<16xi32>
      %shift_right_arithmetic3A = arith.constant 1 : i32
      %shift_right_arithmetic3A_99 = vector.broadcast %shift_right_arithmetic3A : i32 to vector<16xi32>
      %shift_right_arithmetic3A_100 = arith.shrsi %bitcast_convert_type3A, %shift_right_arithmetic3A_99 : vector<16xi32>
      %sub3A = arith.constant 1597463007 : i32
      %sub3A_101 = vector.broadcast %sub3A : i32 to vector<16xi32>
      %sub3A_102 = arith.subi %sub3A_101, %shift_right_arithmetic3A_100 : vector<16xi32>
      %bitcast_convert_type3A_103 = tpu.bitcast %sub3A_102 : vector<16xi32> -> vector<16xf32>
      %mul3A_104 = arith.constant 5.000000e-01 : f32
      %mul3A_105 = vector.broadcast %mul3A_104 : f32 to vector<16xf32>
      %mul3A_106 = arith.mulf %mul3A_105, %get3A_98 : vector<16xf32>
      %mul3A_107 = arith.mulf %mul3A_106, %bitcast_convert_type3A_103 : vector<16xf32>
      %mul3A_108 = arith.mulf %mul3A_107, %bitcast_convert_type3A_103 : vector<16xf32>
      %sub3A_109 = arith.constant 1.500000e+00 : f32
      %sub3A_110 = vector.broadcast %sub3A_109 : f32 to vector<16xf32>
      %sub3A_111 = arith.subf %sub3A_110, %mul3A_108 : vector<16xf32>
      %mul3A_112 = arith.mulf %bitcast_convert_type3A_103, %sub3A_111 : vector<16xf32>
      %mul3A_113 = arith.constant 5.000000e-01 : f32
      %mul3A_114 = vector.broadcast %mul3A_113 : f32 to vector<16xf32>
      %mul3A_115 = arith.mulf %mul3A_114, %get3A_98 : vector<16xf32>
      %mul3A_116 = arith.mulf %mul3A_115, %mul3A_112 : vector<16xf32>
      %mul3A_117 = arith.mulf %mul3A_116, %mul3A_112 : vector<16xf32>
      %sub3A_118 = arith.constant 1.500000e+00 : f32
      %sub3A_119 = vector.broadcast %sub3A_118 : f32 to vector<16xf32>
      %sub3A_120 = arith.subf %sub3A_119, %mul3A_117 : vector<16xf32>
      %mul3A_121 = arith.mulf %mul3A_112, %sub3A_120 : vector<16xf32>
      %mul3A_122 = arith.constant 5.000000e-01 : f32
      %mul3A_123 = vector.broadcast %mul3A_122 : f32 to vector<16xf32>
      %mul3A_124 = arith.mulf %mul3A_123, %get3A_98 : vector<16xf32>
      %mul3A_125 = arith.mulf %mul3A_124, %mul3A_121 : vector<16xf32>
      %mul3A_126 = arith.mulf %mul3A_125, %mul3A_121 : vector<16xf32>
      %sub3A_127 = arith.constant 1.500000e+00 : f32
      %sub3A_128 = vector.broadcast %sub3A_127 : f32 to vector<16xf32>
      %sub3A_129 = arith.subf %sub3A_128, %mul3A_126 : vector<16xf32>
      %mul3A_130 = arith.mulf %mul3A_121, %sub3A_129 : vector<16xf32>
      %mul3A_131 = arith.constant 16 : i32
      %mul3A_132 = arith.muli %scan3A_95, %mul3A_131 : i32
      %swap3A = arith.index_cast %mul3A_132 : i32 to index
      %swap3A_133 = tpu.vector_load %arg30[%swap3A] {strides = array<i32>} : memref<640xf32, #tpu.memory_space<vmem>>, vector<16xf32>,
      tpu.vector_store %arg30[%swap3A], %mul3A_130 {strides = array<i32>} : memref<640xf32, #tpu.memory_space<vmem>>, vector<16xf32>,
      %div3A = arith.constant 1.000000e+00 : f32
      %div3A_134 = vector.broadcast %div3A : f32 to vector<16xf32>
      %div3A_135 = arith.divf %div3A_134, %get3A_98 : vector<16xf32>
      %mul3A_136 = arith.constant 16 : i32
      %mul3A_137 = arith.muli %scan3A_95, %mul3A_136 : i32
      %swap3A_138 = arith.index_cast %mul3A_137 : i32 to index
      %swap3A_139 = tpu.vector_load %arg31[%swap3A_138] {strides = array<i32>} : memref<640xf32, #tpu.memory_space<vmem>>, vector<16xf32>,
      tpu.vector_store %arg31[%swap3A_138], %div3A_135 {strides = array<i32>} : memref<640xf32, #tpu.memory_space<vmem>>, vector<16xf32>,
    }
    %scan3A_66 = arith.constant 40 : i32
    %mul3A_67 = arith.constant 640 : i32
    %mul3A_68 = arith.muli %arg1, %mul3A_67 : i32
    "tpu.region"() ({
      %run_scoped3A = tpu.sem_alloc : memref<!tpu.dma_semaphore, #tpu.memory_space<semaphore_mem>>
      %dma_start3A = tpu.memref_slice %arg15[%mul3A_68] : memref<10240xf32, #tpu.memory_space<vmem_shared>> -> memref<640xf32, #tpu.memory_space<vmem_shared>>
      %dma_start3A_95 = tpu.memref_slice %arg15[%mul3A_68] : memref<10240xf32, #tpu.memory_space<vmem_shared>> -> memref<640xf32, #tpu.memory_space<vmem_shared>>
      tpu.enqueue_dma source(%arg30 : memref<640xf32, #tpu.memory_space<vmem>>) target(%dma_start3A_95 : memref<640xf32, #tpu.memory_space<vmem_shared>>) target_semaphore(%run_scoped3A : memref<!tpu.dma_semaphore, #tpu.memory_space<semaphore_mem>>)
      %dma_wait3A = tpu.memref_slice %arg15[%mul3A_68] : memref<10240xf32, #tpu.memory_space<vmem_shared>> -> memref<640xf32, #tpu.memory_space<vmem_shared>>
      %dma_wait3A_96 = tpu.memref_slice %arg15[%mul3A_68] : memref<10240xf32, #tpu.memory_space<vmem_shared>> -> memref<640xf32, #tpu.memory_space<vmem_shared>>
      tpu.wait_dma2 semaphore(%run_scoped3A : memref<!tpu.dma_semaphore, #tpu.memory_space<semaphore_mem>>) src(%arg30 : memref<640xf32, #tpu.memory_space<vmem>>) dst(%dma_wait3A_96 : memref<640xf32, #tpu.memory_space<vmem_shared>>)
      tpu.yield
    }) : () -> ()
    %eq3A = arith.constant 0 : i32
    %eq3A_69 = arith.cmpi eq, %arg0, %eq3A : i32
    %convert_element_type3A = arith.extui %eq3A_69 : i1 to i32
    %cond3A = arith.constant 0 : i32
    %cond3A_70 = arith.cmpi ne, %convert_element_type3A, %cond3A : i32
    scf.if %cond3A_70 {
      %mul3A_95 = arith.constant 640 : i32
      %mul3A_96 = arith.muli %arg1, %mul3A_95 : i32
      "tpu.region"() ({
        %run_scoped3A = tpu.sem_alloc : memref<!tpu.dma_semaphore, #tpu.memory_space<semaphore_mem>>
        %dma_start3A = tpu.memref_slice %arg13[%mul3A_96] : memref<10240xf32, #tpu.memory_space<hbm>> -> memref<640xf32, #tpu.memory_space<hbm>>
        %dma_start3A_97 = tpu.memref_slice %arg13[%mul3A_96] : memref<10240xf32, #tpu.memory_space<hbm>> -> memref<640xf32, #tpu.memory_space<hbm>>
        tpu.enqueue_dma source(%arg31 : memref<640xf32, #tpu.memory_space<vmem>>) target(%dma_start3A_97 : memref<640xf32, #tpu.memory_space<hbm>>) target_semaphore(%run_scoped3A : memref<!tpu.dma_semaphore, #tpu.memory_space<semaphore_mem>>)
        %dma_wait3A = tpu.memref_slice %arg13[%mul3A_96] : memref<10240xf32, #tpu.memory_space<hbm>> -> memref<640xf32, #tpu.memory_space<hbm>>
        %dma_wait3A_98 = tpu.memref_slice %arg13[%mul3A_96] : memref<10240xf32, #tpu.memory_space<hbm>> -> memref<640xf32, #tpu.memory_space<hbm>>
        tpu.wait_dma2 semaphore(%run_scoped3A : memref<!tpu.dma_semaphore, #tpu.memory_space<semaphore_mem>>) src(%arg31 : memref<640xf32, #tpu.memory_space<vmem>>) dst(%dma_wait3A_98 : memref<640xf32, #tpu.memory_space<hbm>>)
        tpu.yield
      }) : () -> ()
    } else {
    }
    %barrier3A_71 = arith.constant 0 : index
    tpu.barrier barrier_id(%barrier3A_71)
    "tpu.region"() ({
      %run_scoped3A = tpu.sem_alloc : memref<!tpu.dma_semaphore, #tpu.memory_space<semaphore_mem>>
      tpu.enqueue_dma source(%arg15 : memref<10240xf32, #tpu.memory_space<vmem_shared>>) target(%arg26 : memref<10240xf32, #tpu.memory_space<vmem>>) target_semaphore(%run_scoped3A : memref<!tpu.dma_semaphore, #tpu.memory_space<semaphore_mem>>)
      tpu.wait_dma2 semaphore(%run_scoped3A : memref<!tpu.dma_semaphore, #tpu.memory_space<semaphore_mem>>) src(%arg15 : memref<10240xf32, #tpu.memory_space<vmem_shared>>) dst(%arg26 : memref<10240xf32, #tpu.memory_space<vmem>>)
      tpu.yield
    }) : () -> ()
    "tpu.region"() ({
      %run_scoped3A = tpu.sem_alloc : memref<!tpu.dma_semaphore, #tpu.memory_space<semaphore_mem>>
      tpu.enqueue_dma source(%arg8 : memref<5x128xf32, #tpu.memory_space<hbm>>) target(%arg22 : memref<5x128xf32, #tpu.memory_space<vmem>>) target_semaphore(%run_scoped3A : memref<!tpu.dma_semaphore, #tpu.memory_space<semaphore_mem>>)
      tpu.wait_dma2 semaphore(%run_scoped3A : memref<!tpu.dma_semaphore, #tpu.memory_space<semaphore_mem>>) src(%arg8 : memref<5x128xf32, #tpu.memory_space<hbm>>) dst(%arg22 : memref<5x128xf32, #tpu.memory_space<vmem>>)
      tpu.yield
    }) : () -> ()
    "tpu.region"() ({
      %run_scoped3A = tpu.sem_alloc : memref<!tpu.dma_semaphore, #tpu.memory_space<semaphore_mem>>
      tpu.enqueue_dma source(%arg9 : memref<6x128xf32, #tpu.memory_space<hbm>>) target(%arg23 : memref<6x128xf32, #tpu.memory_space<vmem>>) target_semaphore(%run_scoped3A : memref<!tpu.dma_semaphore, #tpu.memory_space<semaphore_mem>>)
      tpu.wait_dma2 semaphore(%run_scoped3A : memref<!tpu.dma_semaphore, #tpu.memory_space<semaphore_mem>>) src(%arg9 : memref<6x128xf32, #tpu.memory_space<hbm>>) dst(%arg23 : memref<6x128xf32, #tpu.memory_space<vmem>>)
      tpu.yield
    }) : () -> ()
    "tpu.region"() ({
      %run_scoped3A = tpu.sem_alloc : memref<!tpu.dma_semaphore, #tpu.memory_space<semaphore_mem>>
      tpu.enqueue_dma source(%arg10 : memref<2x128xf32, #tpu.memory_space<hbm>>) target(%arg24 : memref<2x128xf32, #tpu.memory_space<vmem>>) target_semaphore(%run_scoped3A : memref<!tpu.dma_semaphore, #tpu.memory_space<semaphore_mem>>)
      tpu.wait_dma2 semaphore(%run_scoped3A : memref<!tpu.dma_semaphore, #tpu.memory_space<semaphore_mem>>) src(%arg10 : memref<2x128xf32, #tpu.memory_space<hbm>>) dst(%arg24 : memref<2x128xf32, #tpu.memory_space<vmem>>)
      tpu.yield
    }) : () -> ()
    %scan3A_72 = arith.constant 0 : i32
    %scan3A_73 = arith.constant 0 : i32
    %scan3A_74 = arith.constant 60 : i32
    %scan3A_75 = arith.addi %scan3A_73, %scan3A_74 : i32
    %scan3A_76 = arith.constant 1 : i32
    scf.for %scan3A_95 = %scan3A_73 to %scan3A_75 step %scan3A_76  : i32 {
      %jit3A = arith.constant 12 : i32
      %div3A = arith.divsi %scan3A_95, %jit3A : i32
      %sign3A = arith.constant 0 : i32
      %sign3A_96 = arith.cmpi sgt, %scan3A_95, %sign3A : i32
      %sign3A_97 = arith.extui %sign3A_96 : i1 to i32
      %sign3A_98 = arith.constant 0 : i32
      %sign3A_99 = arith.cmpi slt, %scan3A_95, %sign3A_98 : i32
      %sign3A_100 = arith.extui %sign3A_99 : i1 to i32
      %sign3A_101 = arith.subi %sign3A_97, %sign3A_100 : i32
      %sign3A_102 = arith.constant 0 : i32
      %sign3A_103 = arith.cmpi sgt, %jit3A, %sign3A_102 : i32
      %sign3A_104 = arith.extui %sign3A_103 : i1 to i32
      %sign3A_105 = arith.constant 0 : i32
      %sign3A_106 = arith.cmpi slt, %jit3A, %sign3A_105 : i32
      %sign3A_107 = arith.extui %sign3A_106 : i1 to i32
      %sign3A_108 = arith.subi %sign3A_104, %sign3A_107 : i32
      %ne3A = arith.cmpi ne, %sign3A_101, %sign3A_108 : i32
      %rem3A = arith.remsi %scan3A_95, %jit3A : i32
      %ne3A_109 = arith.constant 0 : i32
      %ne3A_110 = arith.cmpi ne, %rem3A, %ne3A_109 : i32
      %and3A = arith.andi %ne3A, %ne3A_110 : i1
      %sub3A = arith.constant 1 : i32
      %sub3A_111 = arith.subi %div3A, %sub3A : i32
      %select_n3A = arith.select %and3A, %sub3A_111, %div3A : i32
      %mul3A_112 = arith.constant 12 : i32
      %mul3A_113 = arith.muli %select_n3A, %mul3A_112 : i32
      %sub3A_114 = arith.subi %scan3A_95, %mul3A_113 : i32
      %jit3A_115 = arith.constant 2 : i32
      %div3A_116 = arith.divsi %sub3A_114, %jit3A_115 : i32
      %sign3A_117 = arith.constant 0 : i32
      %sign3A_118 = arith.cmpi sgt, %sub3A_114, %sign3A_117 : i32
      %sign3A_119 = arith.extui %sign3A_118 : i1 to i32
      %sign3A_120 = arith.constant 0 : i32
      %sign3A_121 = arith.cmpi slt, %sub3A_114, %sign3A_120 : i32
      %sign3A_122 = arith.extui %sign3A_121 : i1 to i32
      %sign3A_123 = arith.subi %sign3A_119, %sign3A_122 : i32
      %sign3A_124 = arith.constant 0 : i32
      %sign3A_125 = arith.cmpi sgt, %jit3A_115, %sign3A_124 : i32
      %sign3A_126 = arith.extui %sign3A_125 : i1 to i32
      %sign3A_127 = arith.constant 0 : i32
      %sign3A_128 = arith.cmpi slt, %jit3A_115, %sign3A_127 : i32
      %sign3A_129 = arith.extui %sign3A_128 : i1 to i32
      %sign3A_130 = arith.subi %sign3A_126, %sign3A_129 : i32
      %ne3A_131 = arith.cmpi ne, %sign3A_123, %sign3A_130 : i32
      %rem3A_132 = arith.remsi %sub3A_114, %jit3A_115 : i32
      %ne3A_133 = arith.constant 0 : i32
      %ne3A_134 = arith.cmpi ne, %rem3A_132, %ne3A_133 : i32
      %and3A_135 = arith.andi %ne3A_131, %ne3A_134 : i1
      %sub3A_136 = arith.constant 1 : i32
      %sub3A_137 = arith.subi %div3A_116, %sub3A_136 : i32
      %select_n3A_138 = arith.select %and3A_135, %sub3A_137, %div3A_116 : i32
      %mul3A_139 = arith.constant 2 : i32
      %mul3A_140 = arith.muli %select_n3A_138, %mul3A_139 : i32
      %sub3A_141 = arith.subi %sub3A_114, %mul3A_140 : i32
      %get3A = arith.index_cast %select_n3A : i32 to index
      %get3A_142 = arith.constant 0 : index
      %get3A_143 = tpu.vector_load %arg22[%get3A, %get3A_142] {strides = array<i32>} : memref<5x128xf32, #tpu.memory_space<vmem>>, vector<16xf32>,
      %get3A_144 = arith.index_cast %select_n3A_138 : i32 to index
      %get3A_145 = arith.constant 0 : index
      %get3A_146 = tpu.vector_load %arg23[%get3A_144, %get3A_145] {strides = array<i32>} : memref<6x128xf32, #tpu.memory_space<vmem>>, vector<16xf32>,
      %add3A_147 = arith.addf %get3A_143, %get3A_146 : vector<16xf32>
      %get3A_148 = arith.index_cast %sub3A_141 : i32 to index
      %get3A_149 = arith.constant 0 : index
      %get3A_150 = tpu.vector_load %arg24[%get3A_148, %get3A_149] {strides = array<i32>} : memref<2x128xf32, #tpu.memory_space<vmem>>, vector<16xf32>,
      %add3A_151 = arith.addf %add3A_147, %get3A_150 : vector<16xf32>
      %swap3A = arith.index_cast %scan3A_95 : i32 to index
      %swap3A_152 = arith.constant 0 : index
      %swap3A_153 = tpu.vector_load %arg25[%swap3A, %swap3A_152] {strides = array<i32>} : memref<60x128xf32, #tpu.memory_space<vmem>>, vector<16xf32>,
      tpu.vector_store %arg25[%swap3A, %swap3A_152], %add3A_151 {strides = array<i32>} : memref<60x128xf32, #tpu.memory_space<vmem>>, vector<16xf32>,
      %get3A_154 = arith.index_cast %select_n3A : i32 to index
      %get3A_155 = arith.constant 16 : index
      %get3A_156 = tpu.vector_load %arg22[%get3A_154, %get3A_155] {strides = array<i32>} : memref<5x128xf32, #tpu.memory_space<vmem>>, vector<16xf32>,
      %get3A_157 = arith.index_cast %select_n3A_138 : i32 to index
      %get3A_158 = arith.constant 16 : index
      %get3A_159 = tpu.vector_load %arg23[%get3A_157, %get3A_158] {strides = array<i32>} : memref<6x128xf32, #tpu.memory_space<vmem>>, vector<16xf32>,
      %add3A_160 = arith.addf %get3A_156, %get3A_159 : vector<16xf32>
      %get3A_161 = arith.index_cast %sub3A_141 : i32 to index
      %get3A_162 = arith.constant 16 : index
      %get3A_163 = tpu.vector_load %arg24[%get3A_161, %get3A_162] {strides = array<i32>} : memref<2x128xf32, #tpu.memory_space<vmem>>, vector<16xf32>,
      %add3A_164 = arith.addf %add3A_160, %get3A_163 : vector<16xf32>
      %swap3A_165 = arith.index_cast %scan3A_95 : i32 to index
      %swap3A_166 = arith.constant 16 : index
      %swap3A_167 = tpu.vector_load %arg25[%swap3A_165, %swap3A_166] {strides = array<i32>} : memref<60x128xf32, #tpu.memory_space<vmem>>, vector<16xf32>,
      tpu.vector_store %arg25[%swap3A_165, %swap3A_166], %add3A_164 {strides = array<i32>} : memref<60x128xf32, #tpu.memory_space<vmem>>, vector<16xf32>,
      %get3A_168 = arith.index_cast %select_n3A : i32 to index
      %get3A_169 = arith.constant 32 : index
      %get3A_170 = tpu.vector_load %arg22[%get3A_168, %get3A_169] {strides = array<i32>} : memref<5x128xf32, #tpu.memory_space<vmem>>, vector<16xf32>,
      %get3A_171 = arith.index_cast %select_n3A_138 : i32 to index
      %get3A_172 = arith.constant 32 : index
      %get3A_173 = tpu.vector_load %arg23[%get3A_171, %get3A_172] {strides = array<i32>} : memref<6x128xf32, #tpu.memory_space<vmem>>, vector<16xf32>,
      %add3A_174 = arith.addf %get3A_170, %get3A_173 : vector<16xf32>
      %get3A_175 = arith.index_cast %sub3A_141 : i32 to index
      %get3A_176 = arith.constant 32 : index
      %get3A_177 = tpu.vector_load %arg24[%get3A_175, %get3A_176] {strides = array<i32>} : memref<2x128xf32, #tpu.memory_space<vmem>>, vector<16xf32>,
      %add3A_178 = arith.addf %add3A_174, %get3A_177 : vector<16xf32>
      %swap3A_179 = arith.index_cast %scan3A_95 : i32 to index
      %swap3A_180 = arith.constant 32 : index
      %swap3A_181 = tpu.vector_load %arg25[%swap3A_179, %swap3A_180] {strides = array<i32>} : memref<60x128xf32, #tpu.memory_space<vmem>>, vector<16xf32>,
      tpu.vector_store %arg25[%swap3A_179, %swap3A_180], %add3A_178 {strides = array<i32>} : memref<60x128xf32, #tpu.memory_space<vmem>>, vector<16xf32>,
      %get3A_182 = arith.index_cast %select_n3A : i32 to index
      %get3A_183 = arith.constant 48 : index
      %get3A_184 = tpu.vector_load %arg22[%get3A_182, %get3A_183] {strides = array<i32>} : memref<5x128xf32, #tpu.memory_space<vmem>>, vector<16xf32>,
      %get3A_185 = arith.index_cast %select_n3A_138 : i32 to index
      %get3A_186 = arith.constant 48 : index
      %get3A_187 = tpu.vector_load %arg23[%get3A_185, %get3A_186] {strides = array<i32>} : memref<6x128xf32, #tpu.memory_space<vmem>>, vector<16xf32>,
      %add3A_188 = arith.addf %get3A_184, %get3A_187 : vector<16xf32>
      %get3A_189 = arith.index_cast %sub3A_141 : i32 to index
      %get3A_190 = arith.constant 48 : index
      %get3A_191 = tpu.vector_load %arg24[%get3A_189, %get3A_190] {strides = array<i32>} : memref<2x128xf32, #tpu.memory_space<vmem>>, vector<16xf32>,
      %add3A_192 = arith.addf %add3A_188, %get3A_191 : vector<16xf32>
      %swap3A_193 = arith.index_cast %scan3A_95 : i32 to index
      %swap3A_194 = arith.constant 48 : index
      %swap3A_195 = tpu.vector_load %arg25[%swap3A_193, %swap3A_194] {strides = array<i32>} : memref<60x128xf32, #tpu.memory_space<vmem>>, vector<16xf32>,
      tpu.vector_store %arg25[%swap3A_193, %swap3A_194], %add3A_192 {strides = array<i32>} : memref<60x128xf32, #tpu.memory_space<vmem>>, vector<16xf32>,
      %get3A_196 = arith.index_cast %select_n3A : i32 to index
      %get3A_197 = arith.constant 64 : index
      %get3A_198 = tpu.vector_load %arg22[%get3A_196, %get3A_197] {strides = array<i32>} : memref<5x128xf32, #tpu.memory_space<vmem>>, vector<16xf32>,
      %get3A_199 = arith.index_cast %select_n3A_138 : i32 to index
      %get3A_200 = arith.constant 64 : index
      %get3A_201 = tpu.vector_load %arg23[%get3A_199, %get3A_200] {strides = array<i32>} : memref<6x128xf32, #tpu.memory_space<vmem>>, vector<16xf32>,
      %add3A_202 = arith.addf %get3A_198, %get3A_201 : vector<16xf32>
      %get3A_203 = arith.index_cast %sub3A_141 : i32 to index
      %get3A_204 = arith.constant 64 : index
      %get3A_205 = tpu.vector_load %arg24[%get3A_203, %get3A_204] {strides = array<i32>} : memref<2x128xf32, #tpu.memory_space<vmem>>, vector<16xf32>,
      %add3A_206 = arith.addf %add3A_202, %get3A_205 : vector<16xf32>
      %swap3A_207 = arith.index_cast %scan3A_95 : i32 to index
      %swap3A_208 = arith.constant 64 : index
      %swap3A_209 = tpu.vector_load %arg25[%swap3A_207, %swap3A_208] {strides = array<i32>} : memref<60x128xf32, #tpu.memory_space<vmem>>, vector<16xf32>,
      tpu.vector_store %arg25[%swap3A_207, %swap3A_208], %add3A_206 {strides = array<i32>} : memref<60x128xf32, #tpu.memory_space<vmem>>, vector<16xf32>,
      %get3A_210 = arith.index_cast %select_n3A : i32 to index
      %get3A_211 = arith.constant 80 : index
      %get3A_212 = tpu.vector_load %arg22[%get3A_210, %get3A_211] {strides = array<i32>} : memref<5x128xf32, #tpu.memory_space<vmem>>, vector<16xf32>,
      %get3A_213 = arith.index_cast %select_n3A_138 : i32 to index
      %get3A_214 = arith.constant 80 : index
      %get3A_215 = tpu.vector_load %arg23[%get3A_213, %get3A_214] {strides = array<i32>} : memref<6x128xf32, #tpu.memory_space<vmem>>, vector<16xf32>,
      %add3A_216 = arith.addf %get3A_212, %get3A_215 : vector<16xf32>
      %get3A_217 = arith.index_cast %sub3A_141 : i32 to index
      %get3A_218 = arith.constant 80 : index
      %get3A_219 = tpu.vector_load %arg24[%get3A_217, %get3A_218] {strides = array<i32>} : memref<2x128xf32, #tpu.memory_space<vmem>>, vector<16xf32>,
      %add3A_220 = arith.addf %add3A_216, %get3A_219 : vector<16xf32>
      %swap3A_221 = arith.index_cast %scan3A_95 : i32 to index
      %swap3A_222 = arith.constant 80 : index
      %swap3A_223 = tpu.vector_load %arg25[%swap3A_221, %swap3A_222] {strides = array<i32>} : memref<60x128xf32, #tpu.memory_space<vmem>>, vector<16xf32>,
      tpu.vector_store %arg25[%swap3A_221, %swap3A_222], %add3A_220 {strides = array<i32>} : memref<60x128xf32, #tpu.memory_space<vmem>>, vector<16xf32>,
      %get3A_224 = arith.index_cast %select_n3A : i32 to index
      %get3A_225 = arith.constant 96 : index
      %get3A_226 = tpu.vector_load %arg22[%get3A_224, %get3A_225] {strides = array<i32>} : memref<5x128xf32, #tpu.memory_space<vmem>>, vector<16xf32>,
      %get3A_227 = arith.index_cast %select_n3A_138 : i32 to index
      %get3A_228 = arith.constant 96 : index
      %get3A_229 = tpu.vector_load %arg23[%get3A_227, %get3A_228] {strides = array<i32>} : memref<6x128xf32, #tpu.memory_space<vmem>>, vector<16xf32>,
      %add3A_230 = arith.addf %get3A_226, %get3A_229 : vector<16xf32>
      %get3A_231 = arith.index_cast %sub3A_141 : i32 to index
      %get3A_232 = arith.constant 96 : index
      %get3A_233 = tpu.vector_load %arg24[%get3A_231, %get3A_232] {strides = array<i32>} : memref<2x128xf32, #tpu.memory_space<vmem>>, vector<16xf32>,
      %add3A_234 = arith.addf %add3A_230, %get3A_233 : vector<16xf32>
      %swap3A_235 = arith.index_cast %scan3A_95 : i32 to index
      %swap3A_236 = arith.constant 96 : index
      %swap3A_237 = tpu.vector_load %arg25[%swap3A_235, %swap3A_236] {strides = array<i32>} : memref<60x128xf32, #tpu.memory_space<vmem>>, vector<16xf32>,
      tpu.vector_store %arg25[%swap3A_235, %swap3A_236], %add3A_234 {strides = array<i32>} : memref<60x128xf32, #tpu.memory_space<vmem>>, vector<16xf32>,
      %get3A_238 = arith.index_cast %select_n3A : i32 to index
      %get3A_239 = arith.constant 112 : index
      %get3A_240 = tpu.vector_load %arg22[%get3A_238, %get3A_239] {strides = array<i32>} : memref<5x128xf32, #tpu.memory_space<vmem>>, vector<16xf32>,
      %get3A_241 = arith.index_cast %select_n3A_138 : i32 to index
      %get3A_242 = arith.constant 112 : index
      %get3A_243 = tpu.vector_load %arg23[%get3A_241, %get3A_242] {strides = array<i32>} : memref<6x128xf32, #tpu.memory_space<vmem>>, vector<16xf32>,
      %add3A_244 = arith.addf %get3A_240, %get3A_243 : vector<16xf32>
      %get3A_245 = arith.index_cast %sub3A_141 : i32 to index
      %get3A_246 = arith.constant 112 : index
      %get3A_247 = tpu.vector_load %arg24[%get3A_245, %get3A_246] {strides = array<i32>} : memref<2x128xf32, #tpu.memory_space<vmem>>, vector<16xf32>,
      %add3A_248 = arith.addf %add3A_244, %get3A_247 : vector<16xf32>
      %swap3A_249 = arith.index_cast %scan3A_95 : i32 to index
      %swap3A_250 = arith.constant 112 : index
      %swap3A_251 = tpu.vector_load %arg25[%swap3A_249, %swap3A_250] {strides = array<i32>} : memref<60x128xf32, #tpu.memory_space<vmem>>, vector<16xf32>,
      tpu.vector_store %arg25[%swap3A_249, %swap3A_250], %add3A_248 {strides = array<i32>} : memref<60x128xf32, #tpu.memory_space<vmem>>, vector<16xf32>,
    }
    %scan3A_77 = arith.constant 60 : i32
    %iota3A = tpu.iota {dimensions = array<i32: 0>} : vector<16xi32>
    %scan3A_78 = arith.constant 0 : i32
    %scan3A_79 = arith.constant 0 : i32
    %scan3A_80 = arith.constant 25 : i32
    %scan3A_81 = arith.addi %scan3A_79, %scan3A_80 : i32
    %scan3A_82 = arith.constant 1 : i32
    scf.for %scan3A_95 = %scan3A_79 to %scan3A_81 step %scan3A_82  : i32 {
      %mul3A_96 = arith.constant 10000 : i32
      %mul3A_97 = arith.muli %add3A, %mul3A_96 : i32
      %mul3A_98 = arith.constant 400 : i32
      %mul3A_99 = arith.muli %scan3A_95, %mul3A_98 : i32
      %add3A_100 = arith.addi %mul3A_97, %mul3A_99 : i32
      "tpu.region"() ({
        %run_scoped3A_1057 = tpu.sem_alloc : memref<!tpu.dma_semaphore, #tpu.memory_space<semaphore_mem>>
        %dma_start3A = tpu.memref_slice %arg2[%add3A_100] : memref<320000xi32, #tpu.memory_space<hbm>> -> memref<400xi32, #tpu.memory_space<hbm>>
        %dma_start3A_1058 = tpu.memref_slice %arg2[%add3A_100] : memref<320000xi32, #tpu.memory_space<hbm>> -> memref<400xi32, #tpu.memory_space<hbm>>
        tpu.enqueue_dma source(%dma_start3A_1058 : memref<400xi32, #tpu.memory_space<hbm>>) target(%arg16 : memref<400xi32, #tpu.memory_space<vmem>>) target_semaphore(%run_scoped3A_1057 : memref<!tpu.dma_semaphore, #tpu.memory_space<semaphore_mem>>)
        %dma_wait3A = tpu.memref_slice %arg2[%add3A_100] : memref<320000xi32, #tpu.memory_space<hbm>> -> memref<400xi32, #tpu.memory_space<hbm>>
        %dma_wait3A_1059 = tpu.memref_slice %arg2[%add3A_100] : memref<320000xi32, #tpu.memory_space<hbm>> -> memref<400xi32, #tpu.memory_space<hbm>>
        tpu.wait_dma2 semaphore(%run_scoped3A_1057 : memref<!tpu.dma_semaphore, #tpu.memory_space<semaphore_mem>>) src(%dma_wait3A_1059 : memref<400xi32, #tpu.memory_space<hbm>>) dst(%arg16 : memref<400xi32, #tpu.memory_space<vmem>>)
        tpu.yield
      }) : () -> ()
      "tpu.region"() ({
        %run_scoped3A_1057 = tpu.sem_alloc : memref<!tpu.dma_semaphore, #tpu.memory_space<semaphore_mem>>
        %dma_start3A = tpu.memref_slice %arg3[%add3A_100] : memref<320000xi32, #tpu.memory_space<hbm>> -> memref<400xi32, #tpu.memory_space<hbm>>
        %dma_start3A_1058 = tpu.memref_slice %arg3[%add3A_100] : memref<320000xi32, #tpu.memory_space<hbm>> -> memref<400xi32, #tpu.memory_space<hbm>>
        tpu.enqueue_dma source(%dma_start3A_1058 : memref<400xi32, #tpu.memory_space<hbm>>) target(%arg17 : memref<400xi32, #tpu.memory_space<vmem>>) target_semaphore(%run_scoped3A_1057 : memref<!tpu.dma_semaphore, #tpu.memory_space<semaphore_mem>>)
        %dma_wait3A = tpu.memref_slice %arg3[%add3A_100] : memref<320000xi32, #tpu.memory_space<hbm>> -> memref<400xi32, #tpu.memory_space<hbm>>
        %dma_wait3A_1059 = tpu.memref_slice %arg3[%add3A_100] : memref<320000xi32, #tpu.memory_space<hbm>> -> memref<400xi32, #tpu.memory_space<hbm>>
        tpu.wait_dma2 semaphore(%run_scoped3A_1057 : memref<!tpu.dma_semaphore, #tpu.memory_space<semaphore_mem>>) src(%dma_wait3A_1059 : memref<400xi32, #tpu.memory_space<hbm>>) dst(%arg17 : memref<400xi32, #tpu.memory_space<vmem>>)
        tpu.yield
      }) : () -> ()
      "tpu.region"() ({
        %run_scoped3A_1057 = tpu.sem_alloc : memref<!tpu.dma_semaphore, #tpu.memory_space<semaphore_mem>>
        %dma_start3A = tpu.memref_slice %arg4[%add3A_100] : memref<320000xi32, #tpu.memory_space<hbm>> -> memref<400xi32, #tpu.memory_space<hbm>>
        %dma_start3A_1058 = tpu.memref_slice %arg4[%add3A_100] : memref<320000xi32, #tpu.memory_space<hbm>> -> memref<400xi32, #tpu.memory_space<hbm>>
        tpu.enqueue_dma source(%dma_start3A_1058 : memref<400xi32, #tpu.memory_space<hbm>>) target(%arg18 : memref<400xi32, #tpu.memory_space<vmem>>) target_semaphore(%run_scoped3A_1057 : memref<!tpu.dma_semaphore, #tpu.memory_space<semaphore_mem>>)
        %dma_wait3A = tpu.memref_slice %arg4[%add3A_100] : memref<320000xi32, #tpu.memory_space<hbm>> -> memref<400xi32, #tpu.memory_space<hbm>>
        %dma_wait3A_1059 = tpu.memref_slice %arg4[%add3A_100] : memref<320000xi32, #tpu.memory_space<hbm>> -> memref<400xi32, #tpu.memory_space<hbm>>
        tpu.wait_dma2 semaphore(%run_scoped3A_1057 : memref<!tpu.dma_semaphore, #tpu.memory_space<semaphore_mem>>) src(%dma_wait3A_1059 : memref<400xi32, #tpu.memory_space<hbm>>) dst(%arg18 : memref<400xi32, #tpu.memory_space<vmem>>)
        tpu.yield
      }) : () -> ()
      "tpu.region"() ({
        %run_scoped3A_1057 = tpu.sem_alloc : memref<!tpu.dma_semaphore, #tpu.memory_space<semaphore_mem>>
        %dma_start3A = tpu.memref_slice %arg5[%add3A_100] : memref<320000xi32, #tpu.memory_space<hbm>> -> memref<400xi32, #tpu.memory_space<hbm>>
        %dma_start3A_1058 = tpu.memref_slice %arg5[%add3A_100] : memref<320000xi32, #tpu.memory_space<hbm>> -> memref<400xi32, #tpu.memory_space<hbm>>
        tpu.enqueue_dma source(%dma_start3A_1058 : memref<400xi32, #tpu.memory_space<hbm>>) target(%arg19 : memref<400xi32, #tpu.memory_space<vmem>>) target_semaphore(%run_scoped3A_1057 : memref<!tpu.dma_semaphore, #tpu.memory_space<semaphore_mem>>)
        %dma_wait3A = tpu.memref_slice %arg5[%add3A_100] : memref<320000xi32, #tpu.memory_space<hbm>> -> memref<400xi32, #tpu.memory_space<hbm>>
        %dma_wait3A_1059 = tpu.memref_slice %arg5[%add3A_100] : memref<320000xi32, #tpu.memory_space<hbm>> -> memref<400xi32, #tpu.memory_space<hbm>>
        tpu.wait_dma2 semaphore(%run_scoped3A_1057 : memref<!tpu.dma_semaphore, #tpu.memory_space<semaphore_mem>>) src(%dma_wait3A_1059 : memref<400xi32, #tpu.memory_space<hbm>>) dst(%arg19 : memref<400xi32, #tpu.memory_space<vmem>>)
        tpu.yield
      }) : () -> ()
      "tpu.region"() ({
        %run_scoped3A_1057 = tpu.sem_alloc : memref<!tpu.dma_semaphore, #tpu.memory_space<semaphore_mem>>
        %dma_start3A = tpu.memref_slice %arg6[%add3A_100] : memref<320000xi32, #tpu.memory_space<hbm>> -> memref<400xi32, #tpu.memory_space<hbm>>
        %dma_start3A_1058 = tpu.memref_slice %arg6[%add3A_100] : memref<320000xi32, #tpu.memory_space<hbm>> -> memref<400xi32, #tpu.memory_space<hbm>>
        tpu.enqueue_dma source(%dma_start3A_1058 : memref<400xi32, #tpu.memory_space<hbm>>) target(%arg20 : memref<400xi32, #tpu.memory_space<vmem>>) target_semaphore(%run_scoped3A_1057 : memref<!tpu.dma_semaphore, #tpu.memory_space<semaphore_mem>>)
        %dma_wait3A = tpu.memref_slice %arg6[%add3A_100] : memref<320000xi32, #tpu.memory_space<hbm>> -> memref<400xi32, #tpu.memory_space<hbm>>
        %dma_wait3A_1059 = tpu.memref_slice %arg6[%add3A_100] : memref<320000xi32, #tpu.memory_space<hbm>> -> memref<400xi32, #tpu.memory_space<hbm>>
        tpu.wait_dma2 semaphore(%run_scoped3A_1057 : memref<!tpu.dma_semaphore, #tpu.memory_space<semaphore_mem>>) src(%dma_wait3A_1059 : memref<400xi32, #tpu.memory_space<hbm>>) dst(%arg20 : memref<400xi32, #tpu.memory_space<vmem>>)
        tpu.yield
      }) : () -> ()
      %get3A = arith.constant 0 : index
      %get3A_101 = tpu.vector_load %arg16[%get3A] {strides = array<i32>} : memref<400xi32, #tpu.memory_space<vmem>>, vector<16xi32>,
      %get3A_102 = arith.constant 0 : index
      %get3A_103 = tpu.vector_load %arg17[%get3A_102] {strides = array<i32>} : memref<400xi32, #tpu.memory_space<vmem>>, vector<16xi32>,
      %get3A_104 = arith.constant 0 : index
      %get3A_105 = tpu.vector_load %arg18[%get3A_104] {strides = array<i32>} : memref<400xi32, #tpu.memory_space<vmem>>, vector<16xi32>,
      %mul3A_106 = arith.constant 12 : i32
      %mul3A_107 = vector.broadcast %mul3A_106 : i32 to vector<16xi32>
      %mul3A_108 = arith.muli %get3A_105, %mul3A_107 : vector<16xi32>
      %get3A_109 = arith.constant 0 : index
      %get3A_110 = tpu.vector_load %arg19[%get3A_109] {strides = array<i32>} : memref<400xi32, #tpu.memory_space<vmem>>, vector<16xi32>,
      %mul3A_111 = arith.constant 2 : i32
      %mul3A_112 = vector.broadcast %mul3A_111 : i32 to vector<16xi32>
      %mul3A_113 = arith.muli %get3A_110, %mul3A_112 : vector<16xi32>
      %add3A_114 = arith.addi %mul3A_108, %mul3A_113 : vector<16xi32>
      %get3A_115 = arith.constant 0 : index
      %get3A_116 = tpu.vector_load %arg20[%get3A_115] {strides = array<i32>} : memref<400xi32, #tpu.memory_space<vmem>>, vector<16xi32>,
      %add3A_117 = arith.addi %add3A_114, %get3A_116 : vector<16xi32>
      %swap3A = arith.constant 0 : i32
      %swap3A_118 = arith.index_cast %swap3A : i32 to index
      %swap3A_119 = arith.constant 0 : index
      %swap3A_120 = tpu.vector_load %arg21[%swap3A_118, %swap3A_119] {strides = array<i32>} : memref<2x80xi32, #tpu.memory_space<vmem>>, vector<16xi32>,
      tpu.vector_store %arg21[%swap3A_118, %swap3A_119], %get3A_101 {strides = array<i32>} : memref<2x80xi32, #tpu.memory_space<vmem>>, vector<16xi32>,
      %swap3A_121 = arith.constant 1 : i32
      %swap3A_122 = arith.index_cast %swap3A_121 : i32 to index
      %swap3A_123 = arith.constant 0 : index
      %swap3A_124 = tpu.vector_load %arg21[%swap3A_122, %swap3A_123] {strides = array<i32>} : memref<2x80xi32, #tpu.memory_space<vmem>>, vector<16xi32>,
      tpu.vector_store %arg21[%swap3A_122, %swap3A_123], %get3A_103 {strides = array<i32>} : memref<2x80xi32, #tpu.memory_space<vmem>>, vector<16xi32>,
      %gather3A = tpu.vector_load_idx %arg26[%get3A_101] : memref<10240xf32, #tpu.memory_space<vmem>>[vector<16xi32>], vector<16xf32>,
      %gather3A_125 = tpu.vector_load_idx %arg26[%get3A_103] : memref<10240xf32, #tpu.memory_space<vmem>>[vector<16xi32>], vector<16xf32>,
      %mul3A_126 = arith.mulf %gather3A, %gather3A_125 : vector<16xf32>
      %get3A_127 = arith.constant 16 : index
      %get3A_128 = tpu.vector_load %arg16[%get3A_127] {strides = array<i32>} : memref<400xi32, #tpu.memory_space<vmem>>, vector<16xi32>,
      %get3A_129 = arith.constant 16 : index
      %get3A_130 = tpu.vector_load %arg17[%get3A_129] {strides = array<i32>} : memref<400xi32, #tpu.memory_space<vmem>>, vector<16xi32>,
      %get3A_131 = arith.constant 16 : index
      %get3A_132 = tpu.vector_load %arg18[%get3A_131] {strides = array<i32>} : memref<400xi32, #tpu.memory_space<vmem>>, vector<16xi32>,
      %mul3A_133 = arith.constant 12 : i32
      %mul3A_134 = vector.broadcast %mul3A_133 : i32 to vector<16xi32>
      %mul3A_135 = arith.muli %get3A_132, %mul3A_134 : vector<16xi32>
      %get3A_136 = arith.constant 16 : index
      %get3A_137 = tpu.vector_load %arg19[%get3A_136] {strides = array<i32>} : memref<400xi32, #tpu.memory_space<vmem>>, vector<16xi32>,
      %mul3A_138 = arith.constant 2 : i32
      %mul3A_139 = vector.broadcast %mul3A_138 : i32 to vector<16xi32>
      %mul3A_140 = arith.muli %get3A_137, %mul3A_139 : vector<16xi32>
      %add3A_141 = arith.addi %mul3A_135, %mul3A_140 : vector<16xi32>
      %get3A_142 = arith.constant 16 : index
      %get3A_143 = tpu.vector_load %arg20[%get3A_142] {strides = array<i32>} : memref<400xi32, #tpu.memory_space<vmem>>, vector<16xi32>,
      %add3A_144 = arith.addi %add3A_141, %get3A_143 : vector<16xi32>
      %swap3A_145 = arith.constant 0 : i32
      %swap3A_146 = arith.index_cast %swap3A_145 : i32 to index
      %swap3A_147 = arith.constant 16 : index
      %swap3A_148 = tpu.vector_load %arg21[%swap3A_146, %swap3A_147] {strides = array<i32>} : memref<2x80xi32, #tpu.memory_space<vmem>>, vector<16xi32>,
      tpu.vector_store %arg21[%swap3A_146, %swap3A_147], %get3A_128 {strides = array<i32>} : memref<2x80xi32, #tpu.memory_space<vmem>>, vector<16xi32>,
      %swap3A_149 = arith.constant 1 : i32
      %swap3A_150 = arith.index_cast %swap3A_149 : i32 to index
      %swap3A_151 = arith.constant 16 : index
      %swap3A_152 = tpu.vector_load %arg21[%swap3A_150, %swap3A_151] {strides = array<i32>} : memref<2x80xi32, #tpu.memory_space<vmem>>, vector<16xi32>,
      tpu.vector_store %arg21[%swap3A_150, %swap3A_151], %get3A_130 {strides = array<i32>} : memref<2x80xi32, #tpu.memory_space<vmem>>, vector<16xi32>,
      %gather3A_153 = tpu.vector_load_idx %arg26[%get3A_128] : memref<10240xf32, #tpu.memory_space<vmem>>[vector<16xi32>], vector<16xf32>,
      %gather3A_154 = tpu.vector_load_idx %arg26[%get3A_130] : memref<10240xf32, #tpu.memory_space<vmem>>[vector<16xi32>], vector<16xf32>,
      %mul3A_155 = arith.mulf %gather3A_153, %gather3A_154 : vector<16xf32>
      %get3A_156 = arith.constant 32 : index
      %get3A_157 = tpu.vector_load %arg16[%get3A_156] {strides = array<i32>} : memref<400xi32, #tpu.memory_space<vmem>>, vector<16xi32>,
      %get3A_158 = arith.constant 32 : index
      %get3A_159 = tpu.vector_load %arg17[%get3A_158] {strides = array<i32>} : memref<400xi32, #tpu.memory_space<vmem>>, vector<16xi32>,
      %get3A_160 = arith.constant 32 : index
      %get3A_161 = tpu.vector_load %arg18[%get3A_160] {strides = array<i32>} : memref<400xi32, #tpu.memory_space<vmem>>, vector<16xi32>,
      %mul3A_162 = arith.constant 12 : i32
      %mul3A_163 = vector.broadcast %mul3A_162 : i32 to vector<16xi32>
      %mul3A_164 = arith.muli %get3A_161, %mul3A_163 : vector<16xi32>
      %get3A_165 = arith.constant 32 : index
      %get3A_166 = tpu.vector_load %arg19[%get3A_165] {strides = array<i32>} : memref<400xi32, #tpu.memory_space<vmem>>, vector<16xi32>,
      %mul3A_167 = arith.constant 2 : i32
      %mul3A_168 = vector.broadcast %mul3A_167 : i32 to vector<16xi32>
      %mul3A_169 = arith.muli %get3A_166, %mul3A_168 : vector<16xi32>
      %add3A_170 = arith.addi %mul3A_164, %mul3A_169 : vector<16xi32>
      %get3A_171 = arith.constant 32 : index
      %get3A_172 = tpu.vector_load %arg20[%get3A_171] {strides = array<i32>} : memref<400xi32, #tpu.memory_space<vmem>>, vector<16xi32>,
      %add3A_173 = arith.addi %add3A_170, %get3A_172 : vector<16xi32>
      %swap3A_174 = arith.constant 0 : i32
      %swap3A_175 = arith.index_cast %swap3A_174 : i32 to index
      %swap3A_176 = arith.constant 32 : index
      %swap3A_177 = tpu.vector_load %arg21[%swap3A_175, %swap3A_176] {strides = array<i32>} : memref<2x80xi32, #tpu.memory_space<vmem>>, vector<16xi32>,
      tpu.vector_store %arg21[%swap3A_175, %swap3A_176], %get3A_157 {strides = array<i32>} : memref<2x80xi32, #tpu.memory_space<vmem>>, vector<16xi32>,
      %swap3A_178 = arith.constant 1 : i32
      %swap3A_179 = arith.index_cast %swap3A_178 : i32 to index
      %swap3A_180 = arith.constant 32 : index
      %swap3A_181 = tpu.vector_load %arg21[%swap3A_179, %swap3A_180] {strides = array<i32>} : memref<2x80xi32, #tpu.memory_space<vmem>>, vector<16xi32>,
      tpu.vector_store %arg21[%swap3A_179, %swap3A_180], %get3A_159 {strides = array<i32>} : memref<2x80xi32, #tpu.memory_space<vmem>>, vector<16xi32>,
      %gather3A_182 = tpu.vector_load_idx %arg26[%get3A_157] : memref<10240xf32, #tpu.memory_space<vmem>>[vector<16xi32>], vector<16xf32>,
      %gather3A_183 = tpu.vector_load_idx %arg26[%get3A_159] : memref<10240xf32, #tpu.memory_space<vmem>>[vector<16xi32>], vector<16xf32>,
      %mul3A_184 = arith.mulf %gather3A_182, %gather3A_183 : vector<16xf32>
      %get3A_185 = arith.constant 48 : index
      %get3A_186 = tpu.vector_load %arg16[%get3A_185] {strides = array<i32>} : memref<400xi32, #tpu.memory_space<vmem>>, vector<16xi32>,
      %get3A_187 = arith.constant 48 : index
      %get3A_188 = tpu.vector_load %arg17[%get3A_187] {strides = array<i32>} : memref<400xi32, #tpu.memory_space<vmem>>, vector<16xi32>,
      %get3A_189 = arith.constant 48 : index
      %get3A_190 = tpu.vector_load %arg18[%get3A_189] {strides = array<i32>} : memref<400xi32, #tpu.memory_space<vmem>>, vector<16xi32>,
      %mul3A_191 = arith.constant 12 : i32
      %mul3A_192 = vector.broadcast %mul3A_191 : i32 to vector<16xi32>
      %mul3A_193 = arith.muli %get3A_190, %mul3A_192 : vector<16xi32>
      %get3A_194 = arith.constant 48 : index
      %get3A_195 = tpu.vector_load %arg19[%get3A_194] {strides = array<i32>} : memref<400xi32, #tpu.memory_space<vmem>>, vector<16xi32>,
      %mul3A_196 = arith.constant 2 : i32
      %mul3A_197 = vector.broadcast %mul3A_196 : i32 to vector<16xi32>
      %mul3A_198 = arith.muli %get3A_195, %mul3A_197 : vector<16xi32>
      %add3A_199 = arith.addi %mul3A_193, %mul3A_198 : vector<16xi32>
      %get3A_200 = arith.constant 48 : index
      %get3A_201 = tpu.vector_load %arg20[%get3A_200] {strides = array<i32>} : memref<400xi32, #tpu.memory_space<vmem>>, vector<16xi32>,
      %add3A_202 = arith.addi %add3A_199, %get3A_201 : vector<16xi32>
      %swap3A_203 = arith.constant 0 : i32
      %swap3A_204 = arith.index_cast %swap3A_203 : i32 to index
      %swap3A_205 = arith.constant 48 : index
      %swap3A_206 = tpu.vector_load %arg21[%swap3A_204, %swap3A_205] {strides = array<i32>} : memref<2x80xi32, #tpu.memory_space<vmem>>, vector<16xi32>,
      tpu.vector_store %arg21[%swap3A_204, %swap3A_205], %get3A_186 {strides = array<i32>} : memref<2x80xi32, #tpu.memory_space<vmem>>, vector<16xi32>,
      %swap3A_207 = arith.constant 1 : i32
      %swap3A_208 = arith.index_cast %swap3A_207 : i32 to index
      %swap3A_209 = arith.constant 48 : index
      %swap3A_210 = tpu.vector_load %arg21[%swap3A_208, %swap3A_209] {strides = array<i32>} : memref<2x80xi32, #tpu.memory_space<vmem>>, vector<16xi32>,
      tpu.vector_store %arg21[%swap3A_208, %swap3A_209], %get3A_188 {strides = array<i32>} : memref<2x80xi32, #tpu.memory_space<vmem>>, vector<16xi32>,
      %gather3A_211 = tpu.vector_load_idx %arg26[%get3A_186] : memref<10240xf32, #tpu.memory_space<vmem>>[vector<16xi32>], vector<16xf32>,
      %gather3A_212 = tpu.vector_load_idx %arg26[%get3A_188] : memref<10240xf32, #tpu.memory_space<vmem>>[vector<16xi32>], vector<16xf32>,
      %mul3A_213 = arith.mulf %gather3A_211, %gather3A_212 : vector<16xf32>
      %get3A_214 = arith.constant 64 : index
      %get3A_215 = tpu.vector_load %arg16[%get3A_214] {strides = array<i32>} : memref<400xi32, #tpu.memory_space<vmem>>, vector<16xi32>,
      %get3A_216 = arith.constant 64 : index
      %get3A_217 = tpu.vector_load %arg17[%get3A_216] {strides = array<i32>} : memref<400xi32, #tpu.memory_space<vmem>>, vector<16xi32>,
      %get3A_218 = arith.constant 64 : index
      %get3A_219 = tpu.vector_load %arg18[%get3A_218] {strides = array<i32>} : memref<400xi32, #tpu.memory_space<vmem>>, vector<16xi32>,
      %mul3A_220 = arith.constant 12 : i32
      %mul3A_221 = vector.broadcast %mul3A_220 : i32 to vector<16xi32>
      %mul3A_222 = arith.muli %get3A_219, %mul3A_221 : vector<16xi32>
      %get3A_223 = arith.constant 64 : index
      %get3A_224 = tpu.vector_load %arg19[%get3A_223] {strides = array<i32>} : memref<400xi32, #tpu.memory_space<vmem>>, vector<16xi32>,
      %mul3A_225 = arith.constant 2 : i32
      %mul3A_226 = vector.broadcast %mul3A_225 : i32 to vector<16xi32>
      %mul3A_227 = arith.muli %get3A_224, %mul3A_226 : vector<16xi32>
      %add3A_228 = arith.addi %mul3A_222, %mul3A_227 : vector<16xi32>
      %get3A_229 = arith.constant 64 : index
      %get3A_230 = tpu.vector_load %arg20[%get3A_229] {strides = array<i32>} : memref<400xi32, #tpu.memory_space<vmem>>, vector<16xi32>,
      %add3A_231 = arith.addi %add3A_228, %get3A_230 : vector<16xi32>
      %swap3A_232 = arith.constant 0 : i32
      %swap3A_233 = arith.index_cast %swap3A_232 : i32 to index
      %swap3A_234 = arith.constant 64 : index
      %swap3A_235 = tpu.vector_load %arg21[%swap3A_233, %swap3A_234] {strides = array<i32>} : memref<2x80xi32, #tpu.memory_space<vmem>>, vector<16xi32>,
      tpu.vector_store %arg21[%swap3A_233, %swap3A_234], %get3A_215 {strides = array<i32>} : memref<2x80xi32, #tpu.memory_space<vmem>>, vector<16xi32>,
      %swap3A_236 = arith.constant 1 : i32
      %swap3A_237 = arith.index_cast %swap3A_236 : i32 to index
      %swap3A_238 = arith.constant 64 : index
      %swap3A_239 = tpu.vector_load %arg21[%swap3A_237, %swap3A_238] {strides = array<i32>} : memref<2x80xi32, #tpu.memory_space<vmem>>, vector<16xi32>,
      tpu.vector_store %arg21[%swap3A_237, %swap3A_238], %get3A_217 {strides = array<i32>} : memref<2x80xi32, #tpu.memory_space<vmem>>, vector<16xi32>,
      %gather3A_240 = tpu.vector_load_idx %arg26[%get3A_215] : memref<10240xf32, #tpu.memory_space<vmem>>[vector<16xi32>], vector<16xf32>,
      %gather3A_241 = tpu.vector_load_idx %arg26[%get3A_217] : memref<10240xf32, #tpu.memory_space<vmem>>[vector<16xi32>], vector<16xf32>,
      %mul3A_242 = arith.mulf %gather3A_240, %gather3A_241 : vector<16xf32>
      %run_scoped3A = arith.constant 0 : i32
      "tpu.region"() ({
        %run_scoped3A_1057 = tpu.sem_alloc : memref<!tpu.dma_semaphore, #tpu.memory_space<semaphore_mem>>
        %dma_start3A = arith.constant 0 : i32
        %dma_start3A_1058 = tpu.memref_slice %arg21[%run_scoped3A, %dma_start3A] : memref<2x80xi32, #tpu.memory_space<vmem>> -> memref<1x80xi32, #tpu.memory_space<vmem>>
        %dma_start3A_1059 = tpu.memref_squeeze %dma_start3A_1058 : memref<1x80xi32, #tpu.memory_space<vmem>> -> memref<80xi32, #tpu.memory_space<vmem>>
        %dma_start3A_1060 = arith.constant 0 : i32
        %dma_start3A_1061 = arith.constant 0 : i32
        %dma_start3A_1062 = tpu.memref_slice %arg7[%dma_start3A_1060, %dma_start3A_1061] : memref<10000x128xf32, #tpu.memory_space<hbm>> -> memref<10000x128xf32, #tpu.memory_space<hbm>>
        tpu.enqueue_indirect_dma source(%dma_start3A_1062 : memref<10000x128xf32, #tpu.memory_space<hbm>>) target(%arg27 : memref<80x128xf32, #tpu.memory_space<vmem>>) offsets(%dma_start3A_1059 : memref<80xi32, #tpu.memory_space<vmem>>) semaphore(%run_scoped3A_1057 : memref<!tpu.dma_semaphore, #tpu.memory_space<semaphore_mem>>)
        %dma_wait3A = arith.constant 0 : i32
        %dma_wait3A_1063 = tpu.memref_slice %arg21[%run_scoped3A, %dma_wait3A] : memref<2x80xi32, #tpu.memory_space<vmem>> -> memref<1x80xi32, #tpu.memory_space<vmem>>
        %dma_wait3A_1064 = tpu.memref_squeeze %dma_wait3A_1063 : memref<1x80xi32, #tpu.memory_space<vmem>> -> memref<80xi32, #tpu.memory_space<vmem>>
        %dma_wait3A_1065 = arith.constant 0 : i32
        %dma_wait3A_1066 = arith.constant 0 : i32
        %dma_wait3A_1067 = tpu.memref_slice %arg7[%dma_wait3A_1065, %dma_wait3A_1066] : memref<10000x128xf32, #tpu.memory_space<hbm>> -> memref<10000x128xf32, #tpu.memory_space<hbm>>
        tpu.wait_indirect_dma semaphore(%run_scoped3A_1057 : memref<!tpu.dma_semaphore, #tpu.memory_space<semaphore_mem>>) src(%dma_wait3A_1067 : memref<10000x128xf32, #tpu.memory_space<hbm>>) dst(%arg27 : memref<80x128xf32, #tpu.memory_space<vmem>>)
        tpu.yield
      }) : () -> ()
      %add3A_243 = arith.constant 0 : i32
      %add3A_244 = vector.broadcast %add3A_243 : i32 to vector<16xi32>
      %add3A_245 = arith.addi %iota3A, %add3A_244 : vector<16xi32>
      %scan3A_246 = arith.constant 0 : i32
      %scan3A_247 = arith.constant 0 : i32
      %scan3A_248 = arith.constant 128 : i32
      %scan3A_249 = arith.addi %scan3A_247, %scan3A_248 : i32
      %scan3A_250 = arith.constant 1 : i32
      scf.for %scan3A_1057 = %scan3A_247 to %scan3A_249 step %scan3A_250  : i32 {
        %broadcast_in_dim3A = vector.broadcast %scan3A_1057 : i32 to vector<16xi32>
        %gather3A_1058 = tpu.vector_load_idx %arg27[%add3A_245, %broadcast_in_dim3A] : memref<80x128xf32, #tpu.memory_space<vmem>>[vector<16xi32>, vector<16xi32>], vector<16xf32>,
        %gather3A_1059 = tpu.vector_load_idx %arg25[%add3A_117, %broadcast_in_dim3A] : memref<60x128xf32, #tpu.memory_space<vmem>>[vector<16xi32>, vector<16xi32>], vector<16xf32>,
        %add3A_1060 = arith.addf %gather3A_1058, %gather3A_1059 : vector<16xf32>
        %max3A = arith.constant 0.000000e+00 : f32
        %max3A_1061 = vector.broadcast %max3A : f32 to vector<16xf32>
        %max3A_1062 = arith.maximumf %add3A_1060, %max3A_1061 : vector<16xf32>
        %mul3A_1063 = arith.mulf %max3A_1062, %mul3A_126 : vector<16xf32>
        tpu.vector_store_idx %arg28[%add3A_245, %broadcast_in_dim3A], %mul3A_1063 : memref<80x128xf32, #tpu.memory_space<vmem>>[vector<16xi32>, vector<16xi32>], vector<16xf32>,
      }
      %scan3A_251 = arith.constant 128 : i32
      %add3A_252 = arith.constant 16 : i32
      %add3A_253 = vector.broadcast %add3A_252 : i32 to vector<16xi32>
      %add3A_254 = arith.addi %iota3A, %add3A_253 : vector<16xi32>
      %scan3A_255 = arith.constant 0 : i32
      %scan3A_256 = arith.constant 0 : i32
      %scan3A_257 = arith.constant 128 : i32
      %scan3A_258 = arith.addi %scan3A_256, %scan3A_257 : i32
      %scan3A_259 = arith.constant 1 : i32
      scf.for %scan3A_1057 = %scan3A_256 to %scan3A_258 step %scan3A_259  : i32 {
        %broadcast_in_dim3A = vector.broadcast %scan3A_1057 : i32 to vector<16xi32>
        %gather3A_1058 = tpu.vector_load_idx %arg27[%add3A_254, %broadcast_in_dim3A] : memref<80x128xf32, #tpu.memory_space<vmem>>[vector<16xi32>, vector<16xi32>], vector<16xf32>,
        %gather3A_1059 = tpu.vector_load_idx %arg25[%add3A_144, %broadcast_in_dim3A] : memref<60x128xf32, #tpu.memory_space<vmem>>[vector<16xi32>, vector<16xi32>], vector<16xf32>,
        %add3A_1060 = arith.addf %gather3A_1058, %gather3A_1059 : vector<16xf32>
        %max3A = arith.constant 0.000000e+00 : f32
        %max3A_1061 = vector.broadcast %max3A : f32 to vector<16xf32>
        %max3A_1062 = arith.maximumf %add3A_1060, %max3A_1061 : vector<16xf32>
        %mul3A_1063 = arith.mulf %max3A_1062, %mul3A_155 : vector<16xf32>
        tpu.vector_store_idx %arg28[%add3A_254, %broadcast_in_dim3A], %mul3A_1063 : memref<80x128xf32, #tpu.memory_space<vmem>>[vector<16xi32>, vector<16xi32>], vector<16xf32>,
      }
      %scan3A_260 = arith.constant 128 : i32
      %add3A_261 = arith.constant 32 : i32
      %add3A_262 = vector.broadcast %add3A_261 : i32 to vector<16xi32>
      %add3A_263 = arith.addi %iota3A, %add3A_262 : vector<16xi32>
      %scan3A_264 = arith.constant 0 : i32
      %scan3A_265 = arith.constant 0 : i32
      %scan3A_266 = arith.constant 128 : i32
      %scan3A_267 = arith.addi %scan3A_265, %scan3A_266 : i32
      %scan3A_268 = arith.constant 1 : i32
      scf.for %scan3A_1057 = %scan3A_265 to %scan3A_267 step %scan3A_268  : i32 {
        %broadcast_in_dim3A = vector.broadcast %scan3A_1057 : i32 to vector<16xi32>
        %gather3A_1058 = tpu.vector_load_idx %arg27[%add3A_263, %broadcast_in_dim3A] : memref<80x128xf32, #tpu.memory_space<vmem>>[vector<16xi32>, vector<16xi32>], vector<16xf32>,
        %gather3A_1059 = tpu.vector_load_idx %arg25[%add3A_173, %broadcast_in_dim3A] : memref<60x128xf32, #tpu.memory_space<vmem>>[vector<16xi32>, vector<16xi32>], vector<16xf32>,
        %add3A_1060 = arith.addf %gather3A_1058, %gather3A_1059 : vector<16xf32>
        %max3A = arith.constant 0.000000e+00 : f32
        %max3A_1061 = vector.broadcast %max3A : f32 to vector<16xf32>
        %max3A_1062 = arith.maximumf %add3A_1060, %max3A_1061 : vector<16xf32>
        %mul3A_1063 = arith.mulf %max3A_1062, %mul3A_184 : vector<16xf32>
        tpu.vector_store_idx %arg28[%add3A_263, %broadcast_in_dim3A], %mul3A_1063 : memref<80x128xf32, #tpu.memory_space<vmem>>[vector<16xi32>, vector<16xi32>], vector<16xf32>,
      }
      %scan3A_269 = arith.constant 128 : i32
      %add3A_270 = arith.constant 48 : i32
      %add3A_271 = vector.broadcast %add3A_270 : i32 to vector<16xi32>
      %add3A_272 = arith.addi %iota3A, %add3A_271 : vector<16xi32>
      %scan3A_273 = arith.constant 0 : i32
      %scan3A_274 = arith.constant 0 : i32
      %scan3A_275 = arith.constant 128 : i32
      %scan3A_276 = arith.addi %scan3A_274, %scan3A_275 : i32
      %scan3A_277 = arith.constant 1 : i32
      scf.for %scan3A_1057 = %scan3A_274 to %scan3A_276 step %scan3A_277  : i32 {
        %broadcast_in_dim3A = vector.broadcast %scan3A_1057 : i32 to vector<16xi32>
        %gather3A_1058 = tpu.vector_load_idx %arg27[%add3A_272, %broadcast_in_dim3A] : memref<80x128xf32, #tpu.memory_space<vmem>>[vector<16xi32>, vector<16xi32>], vector<16xf32>,
        %gather3A_1059 = tpu.vector_load_idx %arg25[%add3A_202, %broadcast_in_dim3A] : memref<60x128xf32, #tpu.memory_space<vmem>>[vector<16xi32>, vector<16xi32>], vector<16xf32>,
        %add3A_1060 = arith.addf %gather3A_1058, %gather3A_1059 : vector<16xf32>
        %max3A = arith.constant 0.000000e+00 : f32
        %max3A_1061 = vector.broadcast %max3A : f32 to vector<16xf32>
        %max3A_1062 = arith.maximumf %add3A_1060, %max3A_1061 : vector<16xf32>
        %mul3A_1063 = arith.mulf %max3A_1062, %mul3A_213 : vector<16xf32>
        tpu.vector_store_idx %arg28[%add3A_272, %broadcast_in_dim3A], %mul3A_1063 : memref<80x128xf32, #tpu.memory_space<vmem>>[vector<16xi32>, vector<16xi32>], vector<16xf32>,
      }
      %scan3A_278 = arith.constant 128 : i32
      %add3A_279 = arith.constant 64 : i32
      %add3A_280 = vector.broadcast %add3A_279 : i32 to vector<16xi32>
      %add3A_281 = arith.addi %iota3A, %add3A_280 : vector<16xi32>
      %scan3A_282 = arith.constant 0 : i32
      %scan3A_283 = arith.constant 0 : i32
      %scan3A_284 = arith.constant 128 : i32
      %scan3A_285 = arith.addi %scan3A_283, %scan3A_284 : i32
      %scan3A_286 = arith.constant 1 : i32
      scf.for %scan3A_1057 = %scan3A_283 to %scan3A_285 step %scan3A_286  : i32 {
        %broadcast_in_dim3A = vector.broadcast %scan3A_1057 : i32 to vector<16xi32>
        %gather3A_1058 = tpu.vector_load_idx %arg27[%add3A_281, %broadcast_in_dim3A] : memref<80x128xf32, #tpu.memory_space<vmem>>[vector<16xi32>, vector<16xi32>], vector<16xf32>,
        %gather3A_1059 = tpu.vector_load_idx %arg25[%add3A_231, %broadcast_in_dim3A] : memref<60x128xf32, #tpu.memory_space<vmem>>[vector<16xi32>, vector<16xi32>], vector<16xf32>,
        %add3A_1060 = arith.addf %gather3A_1058, %gather3A_1059 : vector<16xf32>
        %max3A = arith.constant 0.000000e+00 : f32
        %max3A_1061 = vector.broadcast %max3A : f32 to vector<16xf32>
        %max3A_1062 = arith.maximumf %add3A_1060, %max3A_1061 : vector<16xf32>
        %mul3A_1063 = arith.mulf %max3A_1062, %mul3A_242 : vector<16xf32>
        tpu.vector_store_idx %arg28[%add3A_281, %broadcast_in_dim3A], %mul3A_1063 : memref<80x128xf32, #tpu.memory_space<vmem>>[vector<16xi32>, vector<16xi32>], vector<16xf32>,
      }
      %scan3A_287 = arith.constant 128 : i32
      %run_scoped3A_288 = arith.constant 1 : i32
      "tpu.region"() ({
        %run_scoped3A_1057 = tpu.sem_alloc : memref<!tpu.dma_semaphore, #tpu.memory_space<semaphore_mem>>
        %dma_start3A = arith.constant 0 : i32
        %dma_start3A_1058 = tpu.memref_slice %arg21[%run_scoped3A_288, %dma_start3A] : memref<2x80xi32, #tpu.memory_space<vmem>> -> memref<1x80xi32, #tpu.memory_space<vmem>>
        %dma_start3A_1059 = tpu.memref_squeeze %dma_start3A_1058 : memref<1x80xi32, #tpu.memory_space<vmem>> -> memref<80xi32, #tpu.memory_space<vmem>>
        %dma_start3A_1060 = arith.constant 0 : i32
        %dma_start3A_1061 = arith.constant 0 : i32
        %dma_start3A_1062 = tpu.memref_slice %arg14[%dma_start3A_1060, %dma_start3A_1061] : memref<10240x128xf32, #tpu.memory_space<vmem_shared>> -> memref<10240x128xf32, #tpu.memory_space<vmem_shared>>
        tpu.enqueue_indirect_dma source(%arg28 : memref<80x128xf32, #tpu.memory_space<vmem>>) target(%dma_start3A_1062 : memref<10240x128xf32, #tpu.memory_space<vmem_shared>>) offsets(%dma_start3A_1059 : memref<80xi32, #tpu.memory_space<vmem>>) semaphore(%run_scoped3A_1057 : memref<!tpu.dma_semaphore, #tpu.memory_space<semaphore_mem>>) {add = true}
        %dma_wait3A = arith.constant 0 : i32
        %dma_wait3A_1063 = tpu.memref_slice %arg21[%run_scoped3A_288, %dma_wait3A] : memref<2x80xi32, #tpu.memory_space<vmem>> -> memref<1x80xi32, #tpu.memory_space<vmem>>
        %dma_wait3A_1064 = tpu.memref_squeeze %dma_wait3A_1063 : memref<1x80xi32, #tpu.memory_space<vmem>> -> memref<80xi32, #tpu.memory_space<vmem>>
        %dma_wait3A_1065 = arith.constant 0 : i32
        %dma_wait3A_1066 = arith.constant 0 : i32
        %dma_wait3A_1067 = tpu.memref_slice %arg14[%dma_wait3A_1065, %dma_wait3A_1066] : memref<10240x128xf32, #tpu.memory_space<vmem_shared>> -> memref<10240x128xf32, #tpu.memory_space<vmem_shared>>
        tpu.wait_indirect_dma semaphore(%run_scoped3A_1057 : memref<!tpu.dma_semaphore, #tpu.memory_space<semaphore_mem>>) src(%arg28 : memref<80x128xf32, #tpu.memory_space<vmem>>) dst(%dma_wait3A_1067 : memref<10240x128xf32, #tpu.memory_space<vmem_shared>>)
        tpu.yield
      }) : () -> ()
      %get3A_289 = arith.constant 80 : index
      %get3A_290 = tpu.vector_load %arg16[%get3A_289] {strides = array<i32>} : memref<400xi32, #tpu.memory_space<vmem>>, vector<16xi32>,
      %get3A_291 = arith.constant 80 : index
      %get3A_292 = tpu.vector_load %arg17[%get3A_291] {strides = array<i32>} : memref<400xi32, #tpu.memory_space<vmem>>, vector<16xi32>,
      %get3A_293 = arith.constant 80 : index
      %get3A_294 = tpu.vector_load %arg18[%get3A_293] {strides = array<i32>} : memref<400xi32, #tpu.memory_space<vmem>>, vector<16xi32>,
      %mul3A_295 = arith.constant 12 : i32
      %mul3A_296 = vector.broadcast %mul3A_295 : i32 to vector<16xi32>
      %mul3A_297 = arith.muli %get3A_294, %mul3A_296 : vector<16xi32>
      %get3A_298 = arith.constant 80 : index
      %get3A_299 = tpu.vector_load %arg19[%get3A_298] {strides = array<i32>} : memref<400xi32, #tpu.memory_space<vmem>>, vector<16xi32>,
      %mul3A_300 = arith.constant 2 : i32
      %mul3A_301 = vector.broadcast %mul3A_300 : i32 to vector<16xi32>
      %mul3A_302 = arith.muli %get3A_299, %mul3A_301 : vector<16xi32>
      %add3A_303 = arith.addi %mul3A_297, %mul3A_302 : vector<16xi32>
      %get3A_304 = arith.constant 80 : index
      %get3A_305 = tpu.vector_load %arg20[%get3A_304] {strides = array<i32>} : memref<400xi32, #tpu.memory_space<vmem>>, vector<16xi32>,
      %add3A_306 = arith.addi %add3A_303, %get3A_305 : vector<16xi32>
      %swap3A_307 = arith.constant 0 : i32
      %swap3A_308 = arith.index_cast %swap3A_307 : i32 to index
      %swap3A_309 = arith.constant 0 : index
      %swap3A_310 = tpu.vector_load %arg21[%swap3A_308, %swap3A_309] {strides = array<i32>} : memref<2x80xi32, #tpu.memory_space<vmem>>, vector<16xi32>,
      tpu.vector_store %arg21[%swap3A_308, %swap3A_309], %get3A_290 {strides = array<i32>} : memref<2x80xi32, #tpu.memory_space<vmem>>, vector<16xi32>,
      %swap3A_311 = arith.constant 1 : i32
      %swap3A_312 = arith.index_cast %swap3A_311 : i32 to index
      %swap3A_313 = arith.constant 0 : index
      %swap3A_314 = tpu.vector_load %arg21[%swap3A_312, %swap3A_313] {strides = array<i32>} : memref<2x80xi32, #tpu.memory_space<vmem>>, vector<16xi32>,
      tpu.vector_store %arg21[%swap3A_312, %swap3A_313], %get3A_292 {strides = array<i32>} : memref<2x80xi32, #tpu.memory_space<vmem>>, vector<16xi32>,
      %gather3A_315 = tpu.vector_load_idx %arg26[%get3A_290] : memref<10240xf32, #tpu.memory_space<vmem>>[vector<16xi32>], vector<16xf32>,
      %gather3A_316 = tpu.vector_load_idx %arg26[%get3A_292] : memref<10240xf32, #tpu.memory_space<vmem>>[vector<16xi32>], vector<16xf32>,
      %mul3A_317 = arith.mulf %gather3A_315, %gather3A_316 : vector<16xf32>
      %get3A_318 = arith.constant 96 : index
      %get3A_319 = tpu.vector_load %arg16[%get3A_318] {strides = array<i32>} : memref<400xi32, #tpu.memory_space<vmem>>, vector<16xi32>,
      %get3A_320 = arith.constant 96 : index
      %get3A_321 = tpu.vector_load %arg17[%get3A_320] {strides = array<i32>} : memref<400xi32, #tpu.memory_space<vmem>>, vector<16xi32>,
      %get3A_322 = arith.constant 96 : index
      %get3A_323 = tpu.vector_load %arg18[%get3A_322] {strides = array<i32>} : memref<400xi32, #tpu.memory_space<vmem>>, vector<16xi32>,
      %mul3A_324 = arith.constant 12 : i32
      %mul3A_325 = vector.broadcast %mul3A_324 : i32 to vector<16xi32>
      %mul3A_326 = arith.muli %get3A_323, %mul3A_325 : vector<16xi32>
      %get3A_327 = arith.constant 96 : index
      %get3A_328 = tpu.vector_load %arg19[%get3A_327] {strides = array<i32>} : memref<400xi32, #tpu.memory_space<vmem>>, vector<16xi32>,
      %mul3A_329 = arith.constant 2 : i32
      %mul3A_330 = vector.broadcast %mul3A_329 : i32 to vector<16xi32>
      %mul3A_331 = arith.muli %get3A_328, %mul3A_330 : vector<16xi32>
      %add3A_332 = arith.addi %mul3A_326, %mul3A_331 : vector<16xi32>
      %get3A_333 = arith.constant 96 : index
      %get3A_334 = tpu.vector_load %arg20[%get3A_333] {strides = array<i32>} : memref<400xi32, #tpu.memory_space<vmem>>, vector<16xi32>,
      %add3A_335 = arith.addi %add3A_332, %get3A_334 : vector<16xi32>
      %swap3A_336 = arith.constant 0 : i32
      %swap3A_337 = arith.index_cast %swap3A_336 : i32 to index
      %swap3A_338 = arith.constant 16 : index
      %swap3A_339 = tpu.vector_load %arg21[%swap3A_337, %swap3A_338] {strides = array<i32>} : memref<2x80xi32, #tpu.memory_space<vmem>>, vector<16xi32>,
      tpu.vector_store %arg21[%swap3A_337, %swap3A_338], %get3A_319 {strides = array<i32>} : memref<2x80xi32, #tpu.memory_space<vmem>>, vector<16xi32>,
      %swap3A_340 = arith.constant 1 : i32
      %swap3A_341 = arith.index_cast %swap3A_340 : i32 to index
      %swap3A_342 = arith.constant 16 : index
      %swap3A_343 = tpu.vector_load %arg21[%swap3A_341, %swap3A_342] {strides = array<i32>} : memref<2x80xi32, #tpu.memory_space<vmem>>, vector<16xi32>,
      tpu.vector_store %arg21[%swap3A_341, %swap3A_342], %get3A_321 {strides = array<i32>} : memref<2x80xi32, #tpu.memory_space<vmem>>, vector<16xi32>,
      %gather3A_344 = tpu.vector_load_idx %arg26[%get3A_319] : memref<10240xf32, #tpu.memory_space<vmem>>[vector<16xi32>], vector<16xf32>,
      %gather3A_345 = tpu.vector_load_idx %arg26[%get3A_321] : memref<10240xf32, #tpu.memory_space<vmem>>[vector<16xi32>], vector<16xf32>,
      %mul3A_346 = arith.mulf %gather3A_344, %gather3A_345 : vector<16xf32>
      %get3A_347 = arith.constant 112 : index
      %get3A_348 = tpu.vector_load %arg16[%get3A_347] {strides = array<i32>} : memref<400xi32, #tpu.memory_space<vmem>>, vector<16xi32>,
      %get3A_349 = arith.constant 112 : index
      %get3A_350 = tpu.vector_load %arg17[%get3A_349] {strides = array<i32>} : memref<400xi32, #tpu.memory_space<vmem>>, vector<16xi32>,
      %get3A_351 = arith.constant 112 : index
      %get3A_352 = tpu.vector_load %arg18[%get3A_351] {strides = array<i32>} : memref<400xi32, #tpu.memory_space<vmem>>, vector<16xi32>,
      %mul3A_353 = arith.constant 12 : i32
      %mul3A_354 = vector.broadcast %mul3A_353 : i32 to vector<16xi32>
      %mul3A_355 = arith.muli %get3A_352, %mul3A_354 : vector<16xi32>
      %get3A_356 = arith.constant 112 : index
      %get3A_357 = tpu.vector_load %arg19[%get3A_356] {strides = array<i32>} : memref<400xi32, #tpu.memory_space<vmem>>, vector<16xi32>,
      %mul3A_358 = arith.constant 2 : i32
      %mul3A_359 = vector.broadcast %mul3A_358 : i32 to vector<16xi32>
      %mul3A_360 = arith.muli %get3A_357, %mul3A_359 : vector<16xi32>
      %add3A_361 = arith.addi %mul3A_355, %mul3A_360 : vector<16xi32>
      %get3A_362 = arith.constant 112 : index
      %get3A_363 = tpu.vector_load %arg20[%get3A_362] {strides = array<i32>} : memref<400xi32, #tpu.memory_space<vmem>>, vector<16xi32>,
      %add3A_364 = arith.addi %add3A_361, %get3A_363 : vector<16xi32>
      %swap3A_365 = arith.constant 0 : i32
      %swap3A_366 = arith.index_cast %swap3A_365 : i32 to index
      %swap3A_367 = arith.constant 32 : index
      %swap3A_368 = tpu.vector_load %arg21[%swap3A_366, %swap3A_367] {strides = array<i32>} : memref<2x80xi32, #tpu.memory_space<vmem>>, vector<16xi32>,
      tpu.vector_store %arg21[%swap3A_366, %swap3A_367], %get3A_348 {strides = array<i32>} : memref<2x80xi32, #tpu.memory_space<vmem>>, vector<16xi32>,
      %swap3A_369 = arith.constant 1 : i32
      %swap3A_370 = arith.index_cast %swap3A_369 : i32 to index
      %swap3A_371 = arith.constant 32 : index
      %swap3A_372 = tpu.vector_load %arg21[%swap3A_370, %swap3A_371] {strides = array<i32>} : memref<2x80xi32, #tpu.memory_space<vmem>>, vector<16xi32>,
      tpu.vector_store %arg21[%swap3A_370, %swap3A_371], %get3A_350 {strides = array<i32>} : memref<2x80xi32, #tpu.memory_space<vmem>>, vector<16xi32>,
      %gather3A_373 = tpu.vector_load_idx %arg26[%get3A_348] : memref<10240xf32, #tpu.memory_space<vmem>>[vector<16xi32>], vector<16xf32>,
      %gather3A_374 = tpu.vector_load_idx %arg26[%get3A_350] : memref<10240xf32, #tpu.memory_space<vmem>>[vector<16xi32>], vector<16xf32>,
      %mul3A_375 = arith.mulf %gather3A_373, %gather3A_374 : vector<16xf32>
      %get3A_376 = arith.constant 128 : index
      %get3A_377 = tpu.vector_load %arg16[%get3A_376] {strides = array<i32>} : memref<400xi32, #tpu.memory_space<vmem>>, vector<16xi32>,
      %get3A_378 = arith.constant 128 : index
      %get3A_379 = tpu.vector_load %arg17[%get3A_378] {strides = array<i32>} : memref<400xi32, #tpu.memory_space<vmem>>, vector<16xi32>,
      %get3A_380 = arith.constant 128 : index
      %get3A_381 = tpu.vector_load %arg18[%get3A_380] {strides = array<i32>} : memref<400xi32, #tpu.memory_space<vmem>>, vector<16xi32>,
      %mul3A_382 = arith.constant 12 : i32
      %mul3A_383 = vector.broadcast %mul3A_382 : i32 to vector<16xi32>
      %mul3A_384 = arith.muli %get3A_381, %mul3A_383 : vector<16xi32>
      %get3A_385 = arith.constant 128 : index
      %get3A_386 = tpu.vector_load %arg19[%get3A_385] {strides = array<i32>} : memref<400xi32, #tpu.memory_space<vmem>>, vector<16xi32>,
      %mul3A_387 = arith.constant 2 : i32
      %mul3A_388 = vector.broadcast %mul3A_387 : i32 to vector<16xi32>
      %mul3A_389 = arith.muli %get3A_386, %mul3A_388 : vector<16xi32>
      %add3A_390 = arith.addi %mul3A_384, %mul3A_389 : vector<16xi32>
      %get3A_391 = arith.constant 128 : index
      %get3A_392 = tpu.vector_load %arg20[%get3A_391] {strides = array<i32>} : memref<400xi32, #tpu.memory_space<vmem>>, vector<16xi32>,
      %add3A_393 = arith.addi %add3A_390, %get3A_392 : vector<16xi32>
      %swap3A_394 = arith.constant 0 : i32
      %swap3A_395 = arith.index_cast %swap3A_394 : i32 to index
      %swap3A_396 = arith.constant 48 : index
      %swap3A_397 = tpu.vector_load %arg21[%swap3A_395, %swap3A_396] {strides = array<i32>} : memref<2x80xi32, #tpu.memory_space<vmem>>, vector<16xi32>,
      tpu.vector_store %arg21[%swap3A_395, %swap3A_396], %get3A_377 {strides = array<i32>} : memref<2x80xi32, #tpu.memory_space<vmem>>, vector<16xi32>,
      %swap3A_398 = arith.constant 1 : i32
      %swap3A_399 = arith.index_cast %swap3A_398 : i32 to index
      %swap3A_400 = arith.constant 48 : index
      %swap3A_401 = tpu.vector_load %arg21[%swap3A_399, %swap3A_400] {strides = array<i32>} : memref<2x80xi32, #tpu.memory_space<vmem>>, vector<16xi32>,
      tpu.vector_store %arg21[%swap3A_399, %swap3A_400], %get3A_379 {strides = array<i32>} : memref<2x80xi32, #tpu.memory_space<vmem>>, vector<16xi32>,
      %gather3A_402 = tpu.vector_load_idx %arg26[%get3A_377] : memref<10240xf32, #tpu.memory_space<vmem>>[vector<16xi32>], vector<16xf32>,
      %gather3A_403 = tpu.vector_load_idx %arg26[%get3A_379] : memref<10240xf32, #tpu.memory_space<vmem>>[vector<16xi32>], vector<16xf32>,
      %mul3A_404 = arith.mulf %gather3A_402, %gather3A_403 : vector<16xf32>
      %get3A_405 = arith.constant 144 : index
      %get3A_406 = tpu.vector_load %arg16[%get3A_405] {strides = array<i32>} : memref<400xi32, #tpu.memory_space<vmem>>, vector<16xi32>,
      %get3A_407 = arith.constant 144 : index
      %get3A_408 = tpu.vector_load %arg17[%get3A_407] {strides = array<i32>} : memref<400xi32, #tpu.memory_space<vmem>>, vector<16xi32>,
      %get3A_409 = arith.constant 144 : index
      %get3A_410 = tpu.vector_load %arg18[%get3A_409] {strides = array<i32>} : memref<400xi32, #tpu.memory_space<vmem>>, vector<16xi32>,
      %mul3A_411 = arith.constant 12 : i32
      %mul3A_412 = vector.broadcast %mul3A_411 : i32 to vector<16xi32>
      %mul3A_413 = arith.muli %get3A_410, %mul3A_412 : vector<16xi32>
      %get3A_414 = arith.constant 144 : index
      %get3A_415 = tpu.vector_load %arg19[%get3A_414] {strides = array<i32>} : memref<400xi32, #tpu.memory_space<vmem>>, vector<16xi32>,
      %mul3A_416 = arith.constant 2 : i32
      %mul3A_417 = vector.broadcast %mul3A_416 : i32 to vector<16xi32>
      %mul3A_418 = arith.muli %get3A_415, %mul3A_417 : vector<16xi32>
      %add3A_419 = arith.addi %mul3A_413, %mul3A_418 : vector<16xi32>
      %get3A_420 = arith.constant 144 : index
      %get3A_421 = tpu.vector_load %arg20[%get3A_420] {strides = array<i32>} : memref<400xi32, #tpu.memory_space<vmem>>, vector<16xi32>,
      %add3A_422 = arith.addi %add3A_419, %get3A_421 : vector<16xi32>
      %swap3A_423 = arith.constant 0 : i32
      %swap3A_424 = arith.index_cast %swap3A_423 : i32 to index
      %swap3A_425 = arith.constant 64 : index
      %swap3A_426 = tpu.vector_load %arg21[%swap3A_424, %swap3A_425] {strides = array<i32>} : memref<2x80xi32, #tpu.memory_space<vmem>>, vector<16xi32>,
      tpu.vector_store %arg21[%swap3A_424, %swap3A_425], %get3A_406 {strides = array<i32>} : memref<2x80xi32, #tpu.memory_space<vmem>>, vector<16xi32>,
      %swap3A_427 = arith.constant 1 : i32
      %swap3A_428 = arith.index_cast %swap3A_427 : i32 to index
      %swap3A_429 = arith.constant 64 : index
      %swap3A_430 = tpu.vector_load %arg21[%swap3A_428, %swap3A_429] {strides = array<i32>} : memref<2x80xi32, #tpu.memory_space<vmem>>, vector<16xi32>,
      tpu.vector_store %arg21[%swap3A_428, %swap3A_429], %get3A_408 {strides = array<i32>} : memref<2x80xi32, #tpu.memory_space<vmem>>, vector<16xi32>,
      %gather3A_431 = tpu.vector_load_idx %arg26[%get3A_406] : memref<10240xf32, #tpu.memory_space<vmem>>[vector<16xi32>], vector<16xf32>,
      %gather3A_432 = tpu.vector_load_idx %arg26[%get3A_408] : memref<10240xf32, #tpu.memory_space<vmem>>[vector<16xi32>], vector<16xf32>,
      %mul3A_433 = arith.mulf %gather3A_431, %gather3A_432 : vector<16xf32>
      %run_scoped3A_434 = arith.constant 0 : i32
      "tpu.region"() ({
        %run_scoped3A_1057 = tpu.sem_alloc : memref<!tpu.dma_semaphore, #tpu.memory_space<semaphore_mem>>
        %dma_start3A = arith.constant 0 : i32
        %dma_start3A_1058 = tpu.memref_slice %arg21[%run_scoped3A_434, %dma_start3A] : memref<2x80xi32, #tpu.memory_space<vmem>> -> memref<1x80xi32, #tpu.memory_space<vmem>>
        %dma_start3A_1059 = tpu.memref_squeeze %dma_start3A_1058 : memref<1x80xi32, #tpu.memory_space<vmem>> -> memref<80xi32, #tpu.memory_space<vmem>>
        %dma_start3A_1060 = arith.constant 0 : i32
        %dma_start3A_1061 = arith.constant 0 : i32
        %dma_start3A_1062 = tpu.memref_slice %arg7[%dma_start3A_1060, %dma_start3A_1061] : memref<10000x128xf32, #tpu.memory_space<hbm>> -> memref<10000x128xf32, #tpu.memory_space<hbm>>
        tpu.enqueue_indirect_dma source(%dma_start3A_1062 : memref<10000x128xf32, #tpu.memory_space<hbm>>) target(%arg27 : memref<80x128xf32, #tpu.memory_space<vmem>>) offsets(%dma_start3A_1059 : memref<80xi32, #tpu.memory_space<vmem>>) semaphore(%run_scoped3A_1057 : memref<!tpu.dma_semaphore, #tpu.memory_space<semaphore_mem>>)
        %dma_wait3A = arith.constant 0 : i32
        %dma_wait3A_1063 = tpu.memref_slice %arg21[%run_scoped3A_434, %dma_wait3A] : memref<2x80xi32, #tpu.memory_space<vmem>> -> memref<1x80xi32, #tpu.memory_space<vmem>>
        %dma_wait3A_1064 = tpu.memref_squeeze %dma_wait3A_1063 : memref<1x80xi32, #tpu.memory_space<vmem>> -> memref<80xi32, #tpu.memory_space<vmem>>
        %dma_wait3A_1065 = arith.constant 0 : i32
        %dma_wait3A_1066 = arith.constant 0 : i32
        %dma_wait3A_1067 = tpu.memref_slice %arg7[%dma_wait3A_1065, %dma_wait3A_1066] : memref<10000x128xf32, #tpu.memory_space<hbm>> -> memref<10000x128xf32, #tpu.memory_space<hbm>>
        tpu.wait_indirect_dma semaphore(%run_scoped3A_1057 : memref<!tpu.dma_semaphore, #tpu.memory_space<semaphore_mem>>) src(%dma_wait3A_1067 : memref<10000x128xf32, #tpu.memory_space<hbm>>) dst(%arg27 : memref<80x128xf32, #tpu.memory_space<vmem>>)
        tpu.yield
      }) : () -> ()
      %add3A_435 = arith.constant 0 : i32
      %add3A_436 = vector.broadcast %add3A_435 : i32 to vector<16xi32>
      %add3A_437 = arith.addi %iota3A, %add3A_436 : vector<16xi32>
      %scan3A_438 = arith.constant 0 : i32
      %scan3A_439 = arith.constant 0 : i32
      %scan3A_440 = arith.constant 128 : i32
      %scan3A_441 = arith.addi %scan3A_439, %scan3A_440 : i32
      %scan3A_442 = arith.constant 1 : i32
      scf.for %scan3A_1057 = %scan3A_439 to %scan3A_441 step %scan3A_442  : i32 {
        %broadcast_in_dim3A = vector.broadcast %scan3A_1057 : i32 to vector<16xi32>
        %gather3A_1058 = tpu.vector_load_idx %arg27[%add3A_437, %broadcast_in_dim3A] : memref<80x128xf32, #tpu.memory_space<vmem>>[vector<16xi32>, vector<16xi32>], vector<16xf32>,
        %gather3A_1059 = tpu.vector_load_idx %arg25[%add3A_306, %broadcast_in_dim3A] : memref<60x128xf32, #tpu.memory_space<vmem>>[vector<16xi32>, vector<16xi32>], vector<16xf32>,
        %add3A_1060 = arith.addf %gather3A_1058, %gather3A_1059 : vector<16xf32>
        %max3A = arith.constant 0.000000e+00 : f32
        %max3A_1061 = vector.broadcast %max3A : f32 to vector<16xf32>
        %max3A_1062 = arith.maximumf %add3A_1060, %max3A_1061 : vector<16xf32>
        %mul3A_1063 = arith.mulf %max3A_1062, %mul3A_317 : vector<16xf32>
        tpu.vector_store_idx %arg28[%add3A_437, %broadcast_in_dim3A], %mul3A_1063 : memref<80x128xf32, #tpu.memory_space<vmem>>[vector<16xi32>, vector<16xi32>], vector<16xf32>,
      }
      %scan3A_443 = arith.constant 128 : i32
      %add3A_444 = arith.constant 16 : i32
      %add3A_445 = vector.broadcast %add3A_444 : i32 to vector<16xi32>
      %add3A_446 = arith.addi %iota3A, %add3A_445 : vector<16xi32>
      %scan3A_447 = arith.constant 0 : i32
      %scan3A_448 = arith.constant 0 : i32
      %scan3A_449 = arith.constant 128 : i32
      %scan3A_450 = arith.addi %scan3A_448, %scan3A_449 : i32
      %scan3A_451 = arith.constant 1 : i32
      scf.for %scan3A_1057 = %scan3A_448 to %scan3A_450 step %scan3A_451  : i32 {
        %broadcast_in_dim3A = vector.broadcast %scan3A_1057 : i32 to vector<16xi32>
        %gather3A_1058 = tpu.vector_load_idx %arg27[%add3A_446, %broadcast_in_dim3A] : memref<80x128xf32, #tpu.memory_space<vmem>>[vector<16xi32>, vector<16xi32>], vector<16xf32>,
        %gather3A_1059 = tpu.vector_load_idx %arg25[%add3A_335, %broadcast_in_dim3A] : memref<60x128xf32, #tpu.memory_space<vmem>>[vector<16xi32>, vector<16xi32>], vector<16xf32>,
        %add3A_1060 = arith.addf %gather3A_1058, %gather3A_1059 : vector<16xf32>
        %max3A = arith.constant 0.000000e+00 : f32
        %max3A_1061 = vector.broadcast %max3A : f32 to vector<16xf32>
        %max3A_1062 = arith.maximumf %add3A_1060, %max3A_1061 : vector<16xf32>
        %mul3A_1063 = arith.mulf %max3A_1062, %mul3A_346 : vector<16xf32>
        tpu.vector_store_idx %arg28[%add3A_446, %broadcast_in_dim3A], %mul3A_1063 : memref<80x128xf32, #tpu.memory_space<vmem>>[vector<16xi32>, vector<16xi32>], vector<16xf32>,
      }
      %scan3A_452 = arith.constant 128 : i32
      %add3A_453 = arith.constant 32 : i32
      %add3A_454 = vector.broadcast %add3A_453 : i32 to vector<16xi32>
      %add3A_455 = arith.addi %iota3A, %add3A_454 : vector<16xi32>
      %scan3A_456 = arith.constant 0 : i32
      %scan3A_457 = arith.constant 0 : i32
      %scan3A_458 = arith.constant 128 : i32
      %scan3A_459 = arith.addi %scan3A_457, %scan3A_458 : i32
      %scan3A_460 = arith.constant 1 : i32
      scf.for %scan3A_1057 = %scan3A_457 to %scan3A_459 step %scan3A_460  : i32 {
        %broadcast_in_dim3A = vector.broadcast %scan3A_1057 : i32 to vector<16xi32>
        %gather3A_1058 = tpu.vector_load_idx %arg27[%add3A_455, %broadcast_in_dim3A] : memref<80x128xf32, #tpu.memory_space<vmem>>[vector<16xi32>, vector<16xi32>], vector<16xf32>,
        %gather3A_1059 = tpu.vector_load_idx %arg25[%add3A_364, %broadcast_in_dim3A] : memref<60x128xf32, #tpu.memory_space<vmem>>[vector<16xi32>, vector<16xi32>], vector<16xf32>,
        %add3A_1060 = arith.addf %gather3A_1058, %gather3A_1059 : vector<16xf32>
        %max3A = arith.constant 0.000000e+00 : f32
        %max3A_1061 = vector.broadcast %max3A : f32 to vector<16xf32>
        %max3A_1062 = arith.maximumf %add3A_1060, %max3A_1061 : vector<16xf32>
        %mul3A_1063 = arith.mulf %max3A_1062, %mul3A_375 : vector<16xf32>
        tpu.vector_store_idx %arg28[%add3A_455, %broadcast_in_dim3A], %mul3A_1063 : memref<80x128xf32, #tpu.memory_space<vmem>>[vector<16xi32>, vector<16xi32>], vector<16xf32>,
      }
      %scan3A_461 = arith.constant 128 : i32
      %add3A_462 = arith.constant 48 : i32
      %add3A_463 = vector.broadcast %add3A_462 : i32 to vector<16xi32>
      %add3A_464 = arith.addi %iota3A, %add3A_463 : vector<16xi32>
      %scan3A_465 = arith.constant 0 : i32
      %scan3A_466 = arith.constant 0 : i32
      %scan3A_467 = arith.constant 128 : i32
      %scan3A_468 = arith.addi %scan3A_466, %scan3A_467 : i32
      %scan3A_469 = arith.constant 1 : i32
      scf.for %scan3A_1057 = %scan3A_466 to %scan3A_468 step %scan3A_469  : i32 {
        %broadcast_in_dim3A = vector.broadcast %scan3A_1057 : i32 to vector<16xi32>
        %gather3A_1058 = tpu.vector_load_idx %arg27[%add3A_464, %broadcast_in_dim3A] : memref<80x128xf32, #tpu.memory_space<vmem>>[vector<16xi32>, vector<16xi32>], vector<16xf32>,
        %gather3A_1059 = tpu.vector_load_idx %arg25[%add3A_393, %broadcast_in_dim3A] : memref<60x128xf32, #tpu.memory_space<vmem>>[vector<16xi32>, vector<16xi32>], vector<16xf32>,
        %add3A_1060 = arith.addf %gather3A_1058, %gather3A_1059 : vector<16xf32>
        %max3A = arith.constant 0.000000e+00 : f32
        %max3A_1061 = vector.broadcast %max3A : f32 to vector<16xf32>
        %max3A_1062 = arith.maximumf %add3A_1060, %max3A_1061 : vector<16xf32>
        %mul3A_1063 = arith.mulf %max3A_1062, %mul3A_404 : vector<16xf32>
        tpu.vector_store_idx %arg28[%add3A_464, %broadcast_in_dim3A], %mul3A_1063 : memref<80x128xf32, #tpu.memory_space<vmem>>[vector<16xi32>, vector<16xi32>], vector<16xf32>,
      }
      %scan3A_470 = arith.constant 128 : i32
      %add3A_471 = arith.constant 64 : i32
      %add3A_472 = vector.broadcast %add3A_471 : i32 to vector<16xi32>
      %add3A_473 = arith.addi %iota3A, %add3A_472 : vector<16xi32>
      %scan3A_474 = arith.constant 0 : i32
      %scan3A_475 = arith.constant 0 : i32
      %scan3A_476 = arith.constant 128 : i32
      %scan3A_477 = arith.addi %scan3A_475, %scan3A_476 : i32
      %scan3A_478 = arith.constant 1 : i32
      scf.for %scan3A_1057 = %scan3A_475 to %scan3A_477 step %scan3A_478  : i32 {
        %broadcast_in_dim3A = vector.broadcast %scan3A_1057 : i32 to vector<16xi32>
        %gather3A_1058 = tpu.vector_load_idx %arg27[%add3A_473, %broadcast_in_dim3A] : memref<80x128xf32, #tpu.memory_space<vmem>>[vector<16xi32>, vector<16xi32>], vector<16xf32>,
        %gather3A_1059 = tpu.vector_load_idx %arg25[%add3A_422, %broadcast_in_dim3A] : memref<60x128xf32, #tpu.memory_space<vmem>>[vector<16xi32>, vector<16xi32>], vector<16xf32>,
        %add3A_1060 = arith.addf %gather3A_1058, %gather3A_1059 : vector<16xf32>
        %max3A = arith.constant 0.000000e+00 : f32
        %max3A_1061 = vector.broadcast %max3A : f32 to vector<16xf32>
        %max3A_1062 = arith.maximumf %add3A_1060, %max3A_1061 : vector<16xf32>
        %mul3A_1063 = arith.mulf %max3A_1062, %mul3A_433 : vector<16xf32>
        tpu.vector_store_idx %arg28[%add3A_473, %broadcast_in_dim3A], %mul3A_1063 : memref<80x128xf32, #tpu.memory_space<vmem>>[vector<16xi32>, vector<16xi32>], vector<16xf32>,
      }
      %scan3A_479 = arith.constant 128 : i32
      %run_scoped3A_480 = arith.constant 1 : i32
      "tpu.region"() ({
        %run_scoped3A_1057 = tpu.sem_alloc : memref<!tpu.dma_semaphore, #tpu.memory_space<semaphore_mem>>
        %dma_start3A = arith.constant 0 : i32
        %dma_start3A_1058 = tpu.memref_slice %arg21[%run_scoped3A_480, %dma_start3A] : memref<2x80xi32, #tpu.memory_space<vmem>> -> memref<1x80xi32, #tpu.memory_space<vmem>>
        %dma_start3A_1059 = tpu.memref_squeeze %dma_start3A_1058 : memref<1x80xi32, #tpu.memory_space<vmem>> -> memref<80xi32, #tpu.memory_space<vmem>>
        %dma_start3A_1060 = arith.constant 0 : i32
        %dma_start3A_1061 = arith.constant 0 : i32
        %dma_start3A_1062 = tpu.memref_slice %arg14[%dma_start3A_1060, %dma_start3A_1061] : memref<10240x128xf32, #tpu.memory_space<vmem_shared>> -> memref<10240x128xf32, #tpu.memory_space<vmem_shared>>
        tpu.enqueue_indirect_dma source(%arg28 : memref<80x128xf32, #tpu.memory_space<vmem>>) target(%dma_start3A_1062 : memref<10240x128xf32, #tpu.memory_space<vmem_shared>>) offsets(%dma_start3A_1059 : memref<80xi32, #tpu.memory_space<vmem>>) semaphore(%run_scoped3A_1057 : memref<!tpu.dma_semaphore, #tpu.memory_space<semaphore_mem>>) {add = true}
        %dma_wait3A = arith.constant 0 : i32
        %dma_wait3A_1063 = tpu.memref_slice %arg21[%run_scoped3A_480, %dma_wait3A] : memref<2x80xi32, #tpu.memory_space<vmem>> -> memref<1x80xi32, #tpu.memory_space<vmem>>
        %dma_wait3A_1064 = tpu.memref_squeeze %dma_wait3A_1063 : memref<1x80xi32, #tpu.memory_space<vmem>> -> memref<80xi32, #tpu.memory_space<vmem>>
        %dma_wait3A_1065 = arith.constant 0 : i32
        %dma_wait3A_1066 = arith.constant 0 : i32
        %dma_wait3A_1067 = tpu.memref_slice %arg14[%dma_wait3A_1065, %dma_wait3A_1066] : memref<10240x128xf32, #tpu.memory_space<vmem_shared>> -> memref<10240x128xf32, #tpu.memory_space<vmem_shared>>
        tpu.wait_indirect_dma semaphore(%run_scoped3A_1057 : memref<!tpu.dma_semaphore, #tpu.memory_space<semaphore_mem>>) src(%arg28 : memref<80x128xf32, #tpu.memory_space<vmem>>) dst(%dma_wait3A_1067 : memref<10240x128xf32, #tpu.memory_space<vmem_shared>>)
        tpu.yield
      }) : () -> ()
      %get3A_481 = arith.constant 160 : index
      %get3A_482 = tpu.vector_load %arg16[%get3A_481] {strides = array<i32>} : memref<400xi32, #tpu.memory_space<vmem>>, vector<16xi32>,
      %get3A_483 = arith.constant 160 : index
      %get3A_484 = tpu.vector_load %arg17[%get3A_483] {strides = array<i32>} : memref<400xi32, #tpu.memory_space<vmem>>, vector<16xi32>,
      %get3A_485 = arith.constant 160 : index
      %get3A_486 = tpu.vector_load %arg18[%get3A_485] {strides = array<i32>} : memref<400xi32, #tpu.memory_space<vmem>>, vector<16xi32>,
      %mul3A_487 = arith.constant 12 : i32
      %mul3A_488 = vector.broadcast %mul3A_487 : i32 to vector<16xi32>
      %mul3A_489 = arith.muli %get3A_486, %mul3A_488 : vector<16xi32>
      %get3A_490 = arith.constant 160 : index
      %get3A_491 = tpu.vector_load %arg19[%get3A_490] {strides = array<i32>} : memref<400xi32, #tpu.memory_space<vmem>>, vector<16xi32>,
      %mul3A_492 = arith.constant 2 : i32
      %mul3A_493 = vector.broadcast %mul3A_492 : i32 to vector<16xi32>
      %mul3A_494 = arith.muli %get3A_491, %mul3A_493 : vector<16xi32>
      %add3A_495 = arith.addi %mul3A_489, %mul3A_494 : vector<16xi32>
      %get3A_496 = arith.constant 160 : index
      %get3A_497 = tpu.vector_load %arg20[%get3A_496] {strides = array<i32>} : memref<400xi32, #tpu.memory_space<vmem>>, vector<16xi32>,
      %add3A_498 = arith.addi %add3A_495, %get3A_497 : vector<16xi32>
      %swap3A_499 = arith.constant 0 : i32
      %swap3A_500 = arith.index_cast %swap3A_499 : i32 to index
      %swap3A_501 = arith.constant 0 : index
      %swap3A_502 = tpu.vector_load %arg21[%swap3A_500, %swap3A_501] {strides = array<i32>} : memref<2x80xi32, #tpu.memory_space<vmem>>, vector<16xi32>,
      tpu.vector_store %arg21[%swap3A_500, %swap3A_501], %get3A_482 {strides = array<i32>} : memref<2x80xi32, #tpu.memory_space<vmem>>, vector<16xi32>,
      %swap3A_503 = arith.constant 1 : i32
      %swap3A_504 = arith.index_cast %swap3A_503 : i32 to index
      %swap3A_505 = arith.constant 0 : index
      %swap3A_506 = tpu.vector_load %arg21[%swap3A_504, %swap3A_505] {strides = array<i32>} : memref<2x80xi32, #tpu.memory_space<vmem>>, vector<16xi32>,
      tpu.vector_store %arg21[%swap3A_504, %swap3A_505], %get3A_484 {strides = array<i32>} : memref<2x80xi32, #tpu.memory_space<vmem>>, vector<16xi32>,
      %gather3A_507 = tpu.vector_load_idx %arg26[%get3A_482] : memref<10240xf32, #tpu.memory_space<vmem>>[vector<16xi32>], vector<16xf32>,
      %gather3A_508 = tpu.vector_load_idx %arg26[%get3A_484] : memref<10240xf32, #tpu.memory_space<vmem>>[vector<16xi32>], vector<16xf32>,
      %mul3A_509 = arith.mulf %gather3A_507, %gather3A_508 : vector<16xf32>
      %get3A_510 = arith.constant 176 : index
      %get3A_511 = tpu.vector_load %arg16[%get3A_510] {strides = array<i32>} : memref<400xi32, #tpu.memory_space<vmem>>, vector<16xi32>,
      %get3A_512 = arith.constant 176 : index
      %get3A_513 = tpu.vector_load %arg17[%get3A_512] {strides = array<i32>} : memref<400xi32, #tpu.memory_space<vmem>>, vector<16xi32>,
      %get3A_514 = arith.constant 176 : index
      %get3A_515 = tpu.vector_load %arg18[%get3A_514] {strides = array<i32>} : memref<400xi32, #tpu.memory_space<vmem>>, vector<16xi32>,
      %mul3A_516 = arith.constant 12 : i32
      %mul3A_517 = vector.broadcast %mul3A_516 : i32 to vector<16xi32>
      %mul3A_518 = arith.muli %get3A_515, %mul3A_517 : vector<16xi32>
      %get3A_519 = arith.constant 176 : index
      %get3A_520 = tpu.vector_load %arg19[%get3A_519] {strides = array<i32>} : memref<400xi32, #tpu.memory_space<vmem>>, vector<16xi32>,
      %mul3A_521 = arith.constant 2 : i32
      %mul3A_522 = vector.broadcast %mul3A_521 : i32 to vector<16xi32>
      %mul3A_523 = arith.muli %get3A_520, %mul3A_522 : vector<16xi32>
      %add3A_524 = arith.addi %mul3A_518, %mul3A_523 : vector<16xi32>
      %get3A_525 = arith.constant 176 : index
      %get3A_526 = tpu.vector_load %arg20[%get3A_525] {strides = array<i32>} : memref<400xi32, #tpu.memory_space<vmem>>, vector<16xi32>,
      %add3A_527 = arith.addi %add3A_524, %get3A_526 : vector<16xi32>
      %swap3A_528 = arith.constant 0 : i32
      %swap3A_529 = arith.index_cast %swap3A_528 : i32 to index
      %swap3A_530 = arith.constant 16 : index
      %swap3A_531 = tpu.vector_load %arg21[%swap3A_529, %swap3A_530] {strides = array<i32>} : memref<2x80xi32, #tpu.memory_space<vmem>>, vector<16xi32>,
      tpu.vector_store %arg21[%swap3A_529, %swap3A_530], %get3A_511 {strides = array<i32>} : memref<2x80xi32, #tpu.memory_space<vmem>>, vector<16xi32>,
      %swap3A_532 = arith.constant 1 : i32
      %swap3A_533 = arith.index_cast %swap3A_532 : i32 to index
      %swap3A_534 = arith.constant 16 : index
      %swap3A_535 = tpu.vector_load %arg21[%swap3A_533, %swap3A_534] {strides = array<i32>} : memref<2x80xi32, #tpu.memory_space<vmem>>, vector<16xi32>,
      tpu.vector_store %arg21[%swap3A_533, %swap3A_534], %get3A_513 {strides = array<i32>} : memref<2x80xi32, #tpu.memory_space<vmem>>, vector<16xi32>,
      %gather3A_536 = tpu.vector_load_idx %arg26[%get3A_511] : memref<10240xf32, #tpu.memory_space<vmem>>[vector<16xi32>], vector<16xf32>,
      %gather3A_537 = tpu.vector_load_idx %arg26[%get3A_513] : memref<10240xf32, #tpu.memory_space<vmem>>[vector<16xi32>], vector<16xf32>,
      %mul3A_538 = arith.mulf %gather3A_536, %gather3A_537 : vector<16xf32>
      %get3A_539 = arith.constant 192 : index
      %get3A_540 = tpu.vector_load %arg16[%get3A_539] {strides = array<i32>} : memref<400xi32, #tpu.memory_space<vmem>>, vector<16xi32>,
      %get3A_541 = arith.constant 192 : index
      %get3A_542 = tpu.vector_load %arg17[%get3A_541] {strides = array<i32>} : memref<400xi32, #tpu.memory_space<vmem>>, vector<16xi32>,
      %get3A_543 = arith.constant 192 : index
      %get3A_544 = tpu.vector_load %arg18[%get3A_543] {strides = array<i32>} : memref<400xi32, #tpu.memory_space<vmem>>, vector<16xi32>,
      %mul3A_545 = arith.constant 12 : i32
      %mul3A_546 = vector.broadcast %mul3A_545 : i32 to vector<16xi32>
      %mul3A_547 = arith.muli %get3A_544, %mul3A_546 : vector<16xi32>
      %get3A_548 = arith.constant 192 : index
      %get3A_549 = tpu.vector_load %arg19[%get3A_548] {strides = array<i32>} : memref<400xi32, #tpu.memory_space<vmem>>, vector<16xi32>,
      %mul3A_550 = arith.constant 2 : i32
      %mul3A_551 = vector.broadcast %mul3A_550 : i32 to vector<16xi32>
      %mul3A_552 = arith.muli %get3A_549, %mul3A_551 : vector<16xi32>
      %add3A_553 = arith.addi %mul3A_547, %mul3A_552 : vector<16xi32>
      %get3A_554 = arith.constant 192 : index
      %get3A_555 = tpu.vector_load %arg20[%get3A_554] {strides = array<i32>} : memref<400xi32, #tpu.memory_space<vmem>>, vector<16xi32>,
      %add3A_556 = arith.addi %add3A_553, %get3A_555 : vector<16xi32>
      %swap3A_557 = arith.constant 0 : i32
      %swap3A_558 = arith.index_cast %swap3A_557 : i32 to index
      %swap3A_559 = arith.constant 32 : index
      %swap3A_560 = tpu.vector_load %arg21[%swap3A_558, %swap3A_559] {strides = array<i32>} : memref<2x80xi32, #tpu.memory_space<vmem>>, vector<16xi32>,
      tpu.vector_store %arg21[%swap3A_558, %swap3A_559], %get3A_540 {strides = array<i32>} : memref<2x80xi32, #tpu.memory_space<vmem>>, vector<16xi32>,
      %swap3A_561 = arith.constant 1 : i32
      %swap3A_562 = arith.index_cast %swap3A_561 : i32 to index
      %swap3A_563 = arith.constant 32 : index
      %swap3A_564 = tpu.vector_load %arg21[%swap3A_562, %swap3A_563] {strides = array<i32>} : memref<2x80xi32, #tpu.memory_space<vmem>>, vector<16xi32>,
      tpu.vector_store %arg21[%swap3A_562, %swap3A_563], %get3A_542 {strides = array<i32>} : memref<2x80xi32, #tpu.memory_space<vmem>>, vector<16xi32>,
      %gather3A_565 = tpu.vector_load_idx %arg26[%get3A_540] : memref<10240xf32, #tpu.memory_space<vmem>>[vector<16xi32>], vector<16xf32>,
      %gather3A_566 = tpu.vector_load_idx %arg26[%get3A_542] : memref<10240xf32, #tpu.memory_space<vmem>>[vector<16xi32>], vector<16xf32>,
      %mul3A_567 = arith.mulf %gather3A_565, %gather3A_566 : vector<16xf32>
      %get3A_568 = arith.constant 208 : index
      %get3A_569 = tpu.vector_load %arg16[%get3A_568] {strides = array<i32>} : memref<400xi32, #tpu.memory_space<vmem>>, vector<16xi32>,
      %get3A_570 = arith.constant 208 : index
      %get3A_571 = tpu.vector_load %arg17[%get3A_570] {strides = array<i32>} : memref<400xi32, #tpu.memory_space<vmem>>, vector<16xi32>,
      %get3A_572 = arith.constant 208 : index
      %get3A_573 = tpu.vector_load %arg18[%get3A_572] {strides = array<i32>} : memref<400xi32, #tpu.memory_space<vmem>>, vector<16xi32>,
      %mul3A_574 = arith.constant 12 : i32
      %mul3A_575 = vector.broadcast %mul3A_574 : i32 to vector<16xi32>
      %mul3A_576 = arith.muli %get3A_573, %mul3A_575 : vector<16xi32>
      %get3A_577 = arith.constant 208 : index
      %get3A_578 = tpu.vector_load %arg19[%get3A_577] {strides = array<i32>} : memref<400xi32, #tpu.memory_space<vmem>>, vector<16xi32>,
      %mul3A_579 = arith.constant 2 : i32
      %mul3A_580 = vector.broadcast %mul3A_579 : i32 to vector<16xi32>
      %mul3A_581 = arith.muli %get3A_578, %mul3A_580 : vector<16xi32>
      %add3A_582 = arith.addi %mul3A_576, %mul3A_581 : vector<16xi32>
      %get3A_583 = arith.constant 208 : index
      %get3A_584 = tpu.vector_load %arg20[%get3A_583] {strides = array<i32>} : memref<400xi32, #tpu.memory_space<vmem>>, vector<16xi32>,
      %add3A_585 = arith.addi %add3A_582, %get3A_584 : vector<16xi32>
      %swap3A_586 = arith.constant 0 : i32
      %swap3A_587 = arith.index_cast %swap3A_586 : i32 to index
      %swap3A_588 = arith.constant 48 : index
      %swap3A_589 = tpu.vector_load %arg21[%swap3A_587, %swap3A_588] {strides = array<i32>} : memref<2x80xi32, #tpu.memory_space<vmem>>, vector<16xi32>,
      tpu.vector_store %arg21[%swap3A_587, %swap3A_588], %get3A_569 {strides = array<i32>} : memref<2x80xi32, #tpu.memory_space<vmem>>, vector<16xi32>,
      %swap3A_590 = arith.constant 1 : i32
      %swap3A_591 = arith.index_cast %swap3A_590 : i32 to index
      %swap3A_592 = arith.constant 48 : index
      %swap3A_593 = tpu.vector_load %arg21[%swap3A_591, %swap3A_592] {strides = array<i32>} : memref<2x80xi32, #tpu.memory_space<vmem>>, vector<16xi32>,
      tpu.vector_store %arg21[%swap3A_591, %swap3A_592], %get3A_571 {strides = array<i32>} : memref<2x80xi32, #tpu.memory_space<vmem>>, vector<16xi32>,
      %gather3A_594 = tpu.vector_load_idx %arg26[%get3A_569] : memref<10240xf32, #tpu.memory_space<vmem>>[vector<16xi32>], vector<16xf32>,
      %gather3A_595 = tpu.vector_load_idx %arg26[%get3A_571] : memref<10240xf32, #tpu.memory_space<vmem>>[vector<16xi32>], vector<16xf32>,
      %mul3A_596 = arith.mulf %gather3A_594, %gather3A_595 : vector<16xf32>
      %get3A_597 = arith.constant 224 : index
      %get3A_598 = tpu.vector_load %arg16[%get3A_597] {strides = array<i32>} : memref<400xi32, #tpu.memory_space<vmem>>, vector<16xi32>,
      %get3A_599 = arith.constant 224 : index
      %get3A_600 = tpu.vector_load %arg17[%get3A_599] {strides = array<i32>} : memref<400xi32, #tpu.memory_space<vmem>>, vector<16xi32>,
      %get3A_601 = arith.constant 224 : index
      %get3A_602 = tpu.vector_load %arg18[%get3A_601] {strides = array<i32>} : memref<400xi32, #tpu.memory_space<vmem>>, vector<16xi32>,
      %mul3A_603 = arith.constant 12 : i32
      %mul3A_604 = vector.broadcast %mul3A_603 : i32 to vector<16xi32>
      %mul3A_605 = arith.muli %get3A_602, %mul3A_604 : vector<16xi32>
      %get3A_606 = arith.constant 224 : index
      %get3A_607 = tpu.vector_load %arg19[%get3A_606] {strides = array<i32>} : memref<400xi32, #tpu.memory_space<vmem>>, vector<16xi32>,
      %mul3A_608 = arith.constant 2 : i32
      %mul3A_609 = vector.broadcast %mul3A_608 : i32 to vector<16xi32>
      %mul3A_610 = arith.muli %get3A_607, %mul3A_609 : vector<16xi32>
      %add3A_611 = arith.addi %mul3A_605, %mul3A_610 : vector<16xi32>
      %get3A_612 = arith.constant 224 : index
      %get3A_613 = tpu.vector_load %arg20[%get3A_612] {strides = array<i32>} : memref<400xi32, #tpu.memory_space<vmem>>, vector<16xi32>,
      %add3A_614 = arith.addi %add3A_611, %get3A_613 : vector<16xi32>
      %swap3A_615 = arith.constant 0 : i32
      %swap3A_616 = arith.index_cast %swap3A_615 : i32 to index
      %swap3A_617 = arith.constant 64 : index
      %swap3A_618 = tpu.vector_load %arg21[%swap3A_616, %swap3A_617] {strides = array<i32>} : memref<2x80xi32, #tpu.memory_space<vmem>>, vector<16xi32>,
      tpu.vector_store %arg21[%swap3A_616, %swap3A_617], %get3A_598 {strides = array<i32>} : memref<2x80xi32, #tpu.memory_space<vmem>>, vector<16xi32>,
      %swap3A_619 = arith.constant 1 : i32
      %swap3A_620 = arith.index_cast %swap3A_619 : i32 to index
      %swap3A_621 = arith.constant 64 : index
      %swap3A_622 = tpu.vector_load %arg21[%swap3A_620, %swap3A_621] {strides = array<i32>} : memref<2x80xi32, #tpu.memory_space<vmem>>, vector<16xi32>,
      tpu.vector_store %arg21[%swap3A_620, %swap3A_621], %get3A_600 {strides = array<i32>} : memref<2x80xi32, #tpu.memory_space<vmem>>, vector<16xi32>,
      %gather3A_623 = tpu.vector_load_idx %arg26[%get3A_598] : memref<10240xf32, #tpu.memory_space<vmem>>[vector<16xi32>], vector<16xf32>,
      %gather3A_624 = tpu.vector_load_idx %arg26[%get3A_600] : memref<10240xf32, #tpu.memory_space<vmem>>[vector<16xi32>], vector<16xf32>,
      %mul3A_625 = arith.mulf %gather3A_623, %gather3A_624 : vector<16xf32>
      %run_scoped3A_626 = arith.constant 0 : i32
      "tpu.region"() ({
        %run_scoped3A_1057 = tpu.sem_alloc : memref<!tpu.dma_semaphore, #tpu.memory_space<semaphore_mem>>
        %dma_start3A = arith.constant 0 : i32
        %dma_start3A_1058 = tpu.memref_slice %arg21[%run_scoped3A_626, %dma_start3A] : memref<2x80xi32, #tpu.memory_space<vmem>> -> memref<1x80xi32, #tpu.memory_space<vmem>>
        %dma_start3A_1059 = tpu.memref_squeeze %dma_start3A_1058 : memref<1x80xi32, #tpu.memory_space<vmem>> -> memref<80xi32, #tpu.memory_space<vmem>>
        %dma_start3A_1060 = arith.constant 0 : i32
        %dma_start3A_1061 = arith.constant 0 : i32
        %dma_start3A_1062 = tpu.memref_slice %arg7[%dma_start3A_1060, %dma_start3A_1061] : memref<10000x128xf32, #tpu.memory_space<hbm>> -> memref<10000x128xf32, #tpu.memory_space<hbm>>
        tpu.enqueue_indirect_dma source(%dma_start3A_1062 : memref<10000x128xf32, #tpu.memory_space<hbm>>) target(%arg27 : memref<80x128xf32, #tpu.memory_space<vmem>>) offsets(%dma_start3A_1059 : memref<80xi32, #tpu.memory_space<vmem>>) semaphore(%run_scoped3A_1057 : memref<!tpu.dma_semaphore, #tpu.memory_space<semaphore_mem>>)
        %dma_wait3A = arith.constant 0 : i32
        %dma_wait3A_1063 = tpu.memref_slice %arg21[%run_scoped3A_626, %dma_wait3A] : memref<2x80xi32, #tpu.memory_space<vmem>> -> memref<1x80xi32, #tpu.memory_space<vmem>>
        %dma_wait3A_1064 = tpu.memref_squeeze %dma_wait3A_1063 : memref<1x80xi32, #tpu.memory_space<vmem>> -> memref<80xi32, #tpu.memory_space<vmem>>
        %dma_wait3A_1065 = arith.constant 0 : i32
        %dma_wait3A_1066 = arith.constant 0 : i32
        %dma_wait3A_1067 = tpu.memref_slice %arg7[%dma_wait3A_1065, %dma_wait3A_1066] : memref<10000x128xf32, #tpu.memory_space<hbm>> -> memref<10000x128xf32, #tpu.memory_space<hbm>>
        tpu.wait_indirect_dma semaphore(%run_scoped3A_1057 : memref<!tpu.dma_semaphore, #tpu.memory_space<semaphore_mem>>) src(%dma_wait3A_1067 : memref<10000x128xf32, #tpu.memory_space<hbm>>) dst(%arg27 : memref<80x128xf32, #tpu.memory_space<vmem>>)
        tpu.yield
      }) : () -> ()
      %add3A_627 = arith.constant 0 : i32
      %add3A_628 = vector.broadcast %add3A_627 : i32 to vector<16xi32>
      %add3A_629 = arith.addi %iota3A, %add3A_628 : vector<16xi32>
      %scan3A_630 = arith.constant 0 : i32
      %scan3A_631 = arith.constant 0 : i32
      %scan3A_632 = arith.constant 128 : i32
      %scan3A_633 = arith.addi %scan3A_631, %scan3A_632 : i32
      %scan3A_634 = arith.constant 1 : i32
      scf.for %scan3A_1057 = %scan3A_631 to %scan3A_633 step %scan3A_634  : i32 {
        %broadcast_in_dim3A = vector.broadcast %scan3A_1057 : i32 to vector<16xi32>
        %gather3A_1058 = tpu.vector_load_idx %arg27[%add3A_629, %broadcast_in_dim3A] : memref<80x128xf32, #tpu.memory_space<vmem>>[vector<16xi32>, vector<16xi32>], vector<16xf32>,
        %gather3A_1059 = tpu.vector_load_idx %arg25[%add3A_498, %broadcast_in_dim3A] : memref<60x128xf32, #tpu.memory_space<vmem>>[vector<16xi32>, vector<16xi32>], vector<16xf32>,
        %add3A_1060 = arith.addf %gather3A_1058, %gather3A_1059 : vector<16xf32>
        %max3A = arith.constant 0.000000e+00 : f32
        %max3A_1061 = vector.broadcast %max3A : f32 to vector<16xf32>
        %max3A_1062 = arith.maximumf %add3A_1060, %max3A_1061 : vector<16xf32>
        %mul3A_1063 = arith.mulf %max3A_1062, %mul3A_509 : vector<16xf32>
        tpu.vector_store_idx %arg28[%add3A_629, %broadcast_in_dim3A], %mul3A_1063 : memref<80x128xf32, #tpu.memory_space<vmem>>[vector<16xi32>, vector<16xi32>], vector<16xf32>,
      }
      %scan3A_635 = arith.constant 128 : i32
      %add3A_636 = arith.constant 16 : i32
      %add3A_637 = vector.broadcast %add3A_636 : i32 to vector<16xi32>
      %add3A_638 = arith.addi %iota3A, %add3A_637 : vector<16xi32>
      %scan3A_639 = arith.constant 0 : i32
      %scan3A_640 = arith.constant 0 : i32
      %scan3A_641 = arith.constant 128 : i32
      %scan3A_642 = arith.addi %scan3A_640, %scan3A_641 : i32
      %scan3A_643 = arith.constant 1 : i32
      scf.for %scan3A_1057 = %scan3A_640 to %scan3A_642 step %scan3A_643  : i32 {
        %broadcast_in_dim3A = vector.broadcast %scan3A_1057 : i32 to vector<16xi32>
        %gather3A_1058 = tpu.vector_load_idx %arg27[%add3A_638, %broadcast_in_dim3A] : memref<80x128xf32, #tpu.memory_space<vmem>>[vector<16xi32>, vector<16xi32>], vector<16xf32>,
        %gather3A_1059 = tpu.vector_load_idx %arg25[%add3A_527, %broadcast_in_dim3A] : memref<60x128xf32, #tpu.memory_space<vmem>>[vector<16xi32>, vector<16xi32>], vector<16xf32>,
        %add3A_1060 = arith.addf %gather3A_1058, %gather3A_1059 : vector<16xf32>
        %max3A = arith.constant 0.000000e+00 : f32
        %max3A_1061 = vector.broadcast %max3A : f32 to vector<16xf32>
        %max3A_1062 = arith.maximumf %add3A_1060, %max3A_1061 : vector<16xf32>
        %mul3A_1063 = arith.mulf %max3A_1062, %mul3A_538 : vector<16xf32>
        tpu.vector_store_idx %arg28[%add3A_638, %broadcast_in_dim3A], %mul3A_1063 : memref<80x128xf32, #tpu.memory_space<vmem>>[vector<16xi32>, vector<16xi32>], vector<16xf32>,
      }
      %scan3A_644 = arith.constant 128 : i32
      %add3A_645 = arith.constant 32 : i32
      %add3A_646 = vector.broadcast %add3A_645 : i32 to vector<16xi32>
      %add3A_647 = arith.addi %iota3A, %add3A_646 : vector<16xi32>
      %scan3A_648 = arith.constant 0 : i32
      %scan3A_649 = arith.constant 0 : i32
      %scan3A_650 = arith.constant 128 : i32
      %scan3A_651 = arith.addi %scan3A_649, %scan3A_650 : i32
      %scan3A_652 = arith.constant 1 : i32
      scf.for %scan3A_1057 = %scan3A_649 to %scan3A_651 step %scan3A_652  : i32 {
        %broadcast_in_dim3A = vector.broadcast %scan3A_1057 : i32 to vector<16xi32>
        %gather3A_1058 = tpu.vector_load_idx %arg27[%add3A_647, %broadcast_in_dim3A] : memref<80x128xf32, #tpu.memory_space<vmem>>[vector<16xi32>, vector<16xi32>], vector<16xf32>,
        %gather3A_1059 = tpu.vector_load_idx %arg25[%add3A_556, %broadcast_in_dim3A] : memref<60x128xf32, #tpu.memory_space<vmem>>[vector<16xi32>, vector<16xi32>], vector<16xf32>,
        %add3A_1060 = arith.addf %gather3A_1058, %gather3A_1059 : vector<16xf32>
        %max3A = arith.constant 0.000000e+00 : f32
        %max3A_1061 = vector.broadcast %max3A : f32 to vector<16xf32>
        %max3A_1062 = arith.maximumf %add3A_1060, %max3A_1061 : vector<16xf32>
        %mul3A_1063 = arith.mulf %max3A_1062, %mul3A_567 : vector<16xf32>
        tpu.vector_store_idx %arg28[%add3A_647, %broadcast_in_dim3A], %mul3A_1063 : memref<80x128xf32, #tpu.memory_space<vmem>>[vector<16xi32>, vector<16xi32>], vector<16xf32>,
      }
      %scan3A_653 = arith.constant 128 : i32
      %add3A_654 = arith.constant 48 : i32
      %add3A_655 = vector.broadcast %add3A_654 : i32 to vector<16xi32>
      %add3A_656 = arith.addi %iota3A, %add3A_655 : vector<16xi32>
      %scan3A_657 = arith.constant 0 : i32
      %scan3A_658 = arith.constant 0 : i32
      %scan3A_659 = arith.constant 128 : i32
      %scan3A_660 = arith.addi %scan3A_658, %scan3A_659 : i32
      %scan3A_661 = arith.constant 1 : i32
      scf.for %scan3A_1057 = %scan3A_658 to %scan3A_660 step %scan3A_661  : i32 {
        %broadcast_in_dim3A = vector.broadcast %scan3A_1057 : i32 to vector<16xi32>
        %gather3A_1058 = tpu.vector_load_idx %arg27[%add3A_656, %broadcast_in_dim3A] : memref<80x128xf32, #tpu.memory_space<vmem>>[vector<16xi32>, vector<16xi32>], vector<16xf32>,
        %gather3A_1059 = tpu.vector_load_idx %arg25[%add3A_585, %broadcast_in_dim3A] : memref<60x128xf32, #tpu.memory_space<vmem>>[vector<16xi32>, vector<16xi32>], vector<16xf32>,
        %add3A_1060 = arith.addf %gather3A_1058, %gather3A_1059 : vector<16xf32>
        %max3A = arith.constant 0.000000e+00 : f32
        %max3A_1061 = vector.broadcast %max3A : f32 to vector<16xf32>
        %max3A_1062 = arith.maximumf %add3A_1060, %max3A_1061 : vector<16xf32>
        %mul3A_1063 = arith.mulf %max3A_1062, %mul3A_596 : vector<16xf32>
        tpu.vector_store_idx %arg28[%add3A_656, %broadcast_in_dim3A], %mul3A_1063 : memref<80x128xf32, #tpu.memory_space<vmem>>[vector<16xi32>, vector<16xi32>], vector<16xf32>,
      }
      %scan3A_662 = arith.constant 128 : i32
      %add3A_663 = arith.constant 64 : i32
      %add3A_664 = vector.broadcast %add3A_663 : i32 to vector<16xi32>
      %add3A_665 = arith.addi %iota3A, %add3A_664 : vector<16xi32>
      %scan3A_666 = arith.constant 0 : i32
      %scan3A_667 = arith.constant 0 : i32
      %scan3A_668 = arith.constant 128 : i32
      %scan3A_669 = arith.addi %scan3A_667, %scan3A_668 : i32
      %scan3A_670 = arith.constant 1 : i32
      scf.for %scan3A_1057 = %scan3A_667 to %scan3A_669 step %scan3A_670  : i32 {
        %broadcast_in_dim3A = vector.broadcast %scan3A_1057 : i32 to vector<16xi32>
        %gather3A_1058 = tpu.vector_load_idx %arg27[%add3A_665, %broadcast_in_dim3A] : memref<80x128xf32, #tpu.memory_space<vmem>>[vector<16xi32>, vector<16xi32>], vector<16xf32>,
        %gather3A_1059 = tpu.vector_load_idx %arg25[%add3A_614, %broadcast_in_dim3A] : memref<60x128xf32, #tpu.memory_space<vmem>>[vector<16xi32>, vector<16xi32>], vector<16xf32>,
        %add3A_1060 = arith.addf %gather3A_1058, %gather3A_1059 : vector<16xf32>
        %max3A = arith.constant 0.000000e+00 : f32
        %max3A_1061 = vector.broadcast %max3A : f32 to vector<16xf32>
        %max3A_1062 = arith.maximumf %add3A_1060, %max3A_1061 : vector<16xf32>
        %mul3A_1063 = arith.mulf %max3A_1062, %mul3A_625 : vector<16xf32>
        tpu.vector_store_idx %arg28[%add3A_665, %broadcast_in_dim3A], %mul3A_1063 : memref<80x128xf32, #tpu.memory_space<vmem>>[vector<16xi32>, vector<16xi32>], vector<16xf32>,
      }
      %scan3A_671 = arith.constant 128 : i32
      %run_scoped3A_672 = arith.constant 1 : i32
      "tpu.region"() ({
        %run_scoped3A_1057 = tpu.sem_alloc : memref<!tpu.dma_semaphore, #tpu.memory_space<semaphore_mem>>
        %dma_start3A = arith.constant 0 : i32
        %dma_start3A_1058 = tpu.memref_slice %arg21[%run_scoped3A_672, %dma_start3A] : memref<2x80xi32, #tpu.memory_space<vmem>> -> memref<1x80xi32, #tpu.memory_space<vmem>>
        %dma_start3A_1059 = tpu.memref_squeeze %dma_start3A_1058 : memref<1x80xi32, #tpu.memory_space<vmem>> -> memref<80xi32, #tpu.memory_space<vmem>>
        %dma_start3A_1060 = arith.constant 0 : i32
        %dma_start3A_1061 = arith.constant 0 : i32
        %dma_start3A_1062 = tpu.memref_slice %arg14[%dma_start3A_1060, %dma_start3A_1061] : memref<10240x128xf32, #tpu.memory_space<vmem_shared>> -> memref<10240x128xf32, #tpu.memory_space<vmem_shared>>
        tpu.enqueue_indirect_dma source(%arg28 : memref<80x128xf32, #tpu.memory_space<vmem>>) target(%dma_start3A_1062 : memref<10240x128xf32, #tpu.memory_space<vmem_shared>>) offsets(%dma_start3A_1059 : memref<80xi32, #tpu.memory_space<vmem>>) semaphore(%run_scoped3A_1057 : memref<!tpu.dma_semaphore, #tpu.memory_space<semaphore_mem>>) {add = true}
        %dma_wait3A = arith.constant 0 : i32
        %dma_wait3A_1063 = tpu.memref_slice %arg21[%run_scoped3A_672, %dma_wait3A] : memref<2x80xi32, #tpu.memory_space<vmem>> -> memref<1x80xi32, #tpu.memory_space<vmem>>
        %dma_wait3A_1064 = tpu.memref_squeeze %dma_wait3A_1063 : memref<1x80xi32, #tpu.memory_space<vmem>> -> memref<80xi32, #tpu.memory_space<vmem>>
        %dma_wait3A_1065 = arith.constant 0 : i32
        %dma_wait3A_1066 = arith.constant 0 : i32
        %dma_wait3A_1067 = tpu.memref_slice %arg14[%dma_wait3A_1065, %dma_wait3A_1066] : memref<10240x128xf32, #tpu.memory_space<vmem_shared>> -> memref<10240x128xf32, #tpu.memory_space<vmem_shared>>
        tpu.wait_indirect_dma semaphore(%run_scoped3A_1057 : memref<!tpu.dma_semaphore, #tpu.memory_space<semaphore_mem>>) src(%arg28 : memref<80x128xf32, #tpu.memory_space<vmem>>) dst(%dma_wait3A_1067 : memref<10240x128xf32, #tpu.memory_space<vmem_shared>>)
        tpu.yield
      }) : () -> ()
      %get3A_673 = arith.constant 240 : index
      %get3A_674 = tpu.vector_load %arg16[%get3A_673] {strides = array<i32>} : memref<400xi32, #tpu.memory_space<vmem>>, vector<16xi32>,
      %get3A_675 = arith.constant 240 : index
      %get3A_676 = tpu.vector_load %arg17[%get3A_675] {strides = array<i32>} : memref<400xi32, #tpu.memory_space<vmem>>, vector<16xi32>,
      %get3A_677 = arith.constant 240 : index
      %get3A_678 = tpu.vector_load %arg18[%get3A_677] {strides = array<i32>} : memref<400xi32, #tpu.memory_space<vmem>>, vector<16xi32>,
      %mul3A_679 = arith.constant 12 : i32
      %mul3A_680 = vector.broadcast %mul3A_679 : i32 to vector<16xi32>
      %mul3A_681 = arith.muli %get3A_678, %mul3A_680 : vector<16xi32>
      %get3A_682 = arith.constant 240 : index
      %get3A_683 = tpu.vector_load %arg19[%get3A_682] {strides = array<i32>} : memref<400xi32, #tpu.memory_space<vmem>>, vector<16xi32>,
      %mul3A_684 = arith.constant 2 : i32
      %mul3A_685 = vector.broadcast %mul3A_684 : i32 to vector<16xi32>
      %mul3A_686 = arith.muli %get3A_683, %mul3A_685 : vector<16xi32>
      %add3A_687 = arith.addi %mul3A_681, %mul3A_686 : vector<16xi32>
      %get3A_688 = arith.constant 240 : index
      %get3A_689 = tpu.vector_load %arg20[%get3A_688] {strides = array<i32>} : memref<400xi32, #tpu.memory_space<vmem>>, vector<16xi32>,
      %add3A_690 = arith.addi %add3A_687, %get3A_689 : vector<16xi32>
      %swap3A_691 = arith.constant 0 : i32
      %swap3A_692 = arith.index_cast %swap3A_691 : i32 to index
      %swap3A_693 = arith.constant 0 : index
      %swap3A_694 = tpu.vector_load %arg21[%swap3A_692, %swap3A_693] {strides = array<i32>} : memref<2x80xi32, #tpu.memory_space<vmem>>, vector<16xi32>,
      tpu.vector_store %arg21[%swap3A_692, %swap3A_693], %get3A_674 {strides = array<i32>} : memref<2x80xi32, #tpu.memory_space<vmem>>, vector<16xi32>,
      %swap3A_695 = arith.constant 1 : i32
      %swap3A_696 = arith.index_cast %swap3A_695 : i32 to index
      %swap3A_697 = arith.constant 0 : index
      %swap3A_698 = tpu.vector_load %arg21[%swap3A_696, %swap3A_697] {strides = array<i32>} : memref<2x80xi32, #tpu.memory_space<vmem>>, vector<16xi32>,
      tpu.vector_store %arg21[%swap3A_696, %swap3A_697], %get3A_676 {strides = array<i32>} : memref<2x80xi32, #tpu.memory_space<vmem>>, vector<16xi32>,
      %gather3A_699 = tpu.vector_load_idx %arg26[%get3A_674] : memref<10240xf32, #tpu.memory_space<vmem>>[vector<16xi32>], vector<16xf32>,
      %gather3A_700 = tpu.vector_load_idx %arg26[%get3A_676] : memref<10240xf32, #tpu.memory_space<vmem>>[vector<16xi32>], vector<16xf32>,
      %mul3A_701 = arith.mulf %gather3A_699, %gather3A_700 : vector<16xf32>
      %get3A_702 = arith.constant 256 : index
      %get3A_703 = tpu.vector_load %arg16[%get3A_702] {strides = array<i32>} : memref<400xi32, #tpu.memory_space<vmem>>, vector<16xi32>,
      %get3A_704 = arith.constant 256 : index
      %get3A_705 = tpu.vector_load %arg17[%get3A_704] {strides = array<i32>} : memref<400xi32, #tpu.memory_space<vmem>>, vector<16xi32>,
      %get3A_706 = arith.constant 256 : index
      %get3A_707 = tpu.vector_load %arg18[%get3A_706] {strides = array<i32>} : memref<400xi32, #tpu.memory_space<vmem>>, vector<16xi32>,
      %mul3A_708 = arith.constant 12 : i32
      %mul3A_709 = vector.broadcast %mul3A_708 : i32 to vector<16xi32>
      %mul3A_710 = arith.muli %get3A_707, %mul3A_709 : vector<16xi32>
      %get3A_711 = arith.constant 256 : index
      %get3A_712 = tpu.vector_load %arg19[%get3A_711] {strides = array<i32>} : memref<400xi32, #tpu.memory_space<vmem>>, vector<16xi32>,
      %mul3A_713 = arith.constant 2 : i32
      %mul3A_714 = vector.broadcast %mul3A_713 : i32 to vector<16xi32>
      %mul3A_715 = arith.muli %get3A_712, %mul3A_714 : vector<16xi32>
      %add3A_716 = arith.addi %mul3A_710, %mul3A_715 : vector<16xi32>
      %get3A_717 = arith.constant 256 : index
      %get3A_718 = tpu.vector_load %arg20[%get3A_717] {strides = array<i32>} : memref<400xi32, #tpu.memory_space<vmem>>, vector<16xi32>,
      %add3A_719 = arith.addi %add3A_716, %get3A_718 : vector<16xi32>
      %swap3A_720 = arith.constant 0 : i32
      %swap3A_721 = arith.index_cast %swap3A_720 : i32 to index
      %swap3A_722 = arith.constant 16 : index
      %swap3A_723 = tpu.vector_load %arg21[%swap3A_721, %swap3A_722] {strides = array<i32>} : memref<2x80xi32, #tpu.memory_space<vmem>>, vector<16xi32>,
      tpu.vector_store %arg21[%swap3A_721, %swap3A_722], %get3A_703 {strides = array<i32>} : memref<2x80xi32, #tpu.memory_space<vmem>>, vector<16xi32>,
      %swap3A_724 = arith.constant 1 : i32
      %swap3A_725 = arith.index_cast %swap3A_724 : i32 to index
      %swap3A_726 = arith.constant 16 : index
      %swap3A_727 = tpu.vector_load %arg21[%swap3A_725, %swap3A_726] {strides = array<i32>} : memref<2x80xi32, #tpu.memory_space<vmem>>, vector<16xi32>,
      tpu.vector_store %arg21[%swap3A_725, %swap3A_726], %get3A_705 {strides = array<i32>} : memref<2x80xi32, #tpu.memory_space<vmem>>, vector<16xi32>,
      %gather3A_728 = tpu.vector_load_idx %arg26[%get3A_703] : memref<10240xf32, #tpu.memory_space<vmem>>[vector<16xi32>], vector<16xf32>,
      %gather3A_729 = tpu.vector_load_idx %arg26[%get3A_705] : memref<10240xf32, #tpu.memory_space<vmem>>[vector<16xi32>], vector<16xf32>,
      %mul3A_730 = arith.mulf %gather3A_728, %gather3A_729 : vector<16xf32>
      %get3A_731 = arith.constant 272 : index
      %get3A_732 = tpu.vector_load %arg16[%get3A_731] {strides = array<i32>} : memref<400xi32, #tpu.memory_space<vmem>>, vector<16xi32>,
      %get3A_733 = arith.constant 272 : index
      %get3A_734 = tpu.vector_load %arg17[%get3A_733] {strides = array<i32>} : memref<400xi32, #tpu.memory_space<vmem>>, vector<16xi32>,
      %get3A_735 = arith.constant 272 : index
      %get3A_736 = tpu.vector_load %arg18[%get3A_735] {strides = array<i32>} : memref<400xi32, #tpu.memory_space<vmem>>, vector<16xi32>,
      %mul3A_737 = arith.constant 12 : i32
      %mul3A_738 = vector.broadcast %mul3A_737 : i32 to vector<16xi32>
      %mul3A_739 = arith.muli %get3A_736, %mul3A_738 : vector<16xi32>
      %get3A_740 = arith.constant 272 : index
      %get3A_741 = tpu.vector_load %arg19[%get3A_740] {strides = array<i32>} : memref<400xi32, #tpu.memory_space<vmem>>, vector<16xi32>,
      %mul3A_742 = arith.constant 2 : i32
      %mul3A_743 = vector.broadcast %mul3A_742 : i32 to vector<16xi32>
      %mul3A_744 = arith.muli %get3A_741, %mul3A_743 : vector<16xi32>
      %add3A_745 = arith.addi %mul3A_739, %mul3A_744 : vector<16xi32>
      %get3A_746 = arith.constant 272 : index
      %get3A_747 = tpu.vector_load %arg20[%get3A_746] {strides = array<i32>} : memref<400xi32, #tpu.memory_space<vmem>>, vector<16xi32>,
      %add3A_748 = arith.addi %add3A_745, %get3A_747 : vector<16xi32>
      %swap3A_749 = arith.constant 0 : i32
      %swap3A_750 = arith.index_cast %swap3A_749 : i32 to index
      %swap3A_751 = arith.constant 32 : index
      %swap3A_752 = tpu.vector_load %arg21[%swap3A_750, %swap3A_751] {strides = array<i32>} : memref<2x80xi32, #tpu.memory_space<vmem>>, vector<16xi32>,
      tpu.vector_store %arg21[%swap3A_750, %swap3A_751], %get3A_732 {strides = array<i32>} : memref<2x80xi32, #tpu.memory_space<vmem>>, vector<16xi32>,
      %swap3A_753 = arith.constant 1 : i32
      %swap3A_754 = arith.index_cast %swap3A_753 : i32 to index
      %swap3A_755 = arith.constant 32 : index
      %swap3A_756 = tpu.vector_load %arg21[%swap3A_754, %swap3A_755] {strides = array<i32>} : memref<2x80xi32, #tpu.memory_space<vmem>>, vector<16xi32>,
      tpu.vector_store %arg21[%swap3A_754, %swap3A_755], %get3A_734 {strides = array<i32>} : memref<2x80xi32, #tpu.memory_space<vmem>>, vector<16xi32>,
      %gather3A_757 = tpu.vector_load_idx %arg26[%get3A_732] : memref<10240xf32, #tpu.memory_space<vmem>>[vector<16xi32>], vector<16xf32>,
      %gather3A_758 = tpu.vector_load_idx %arg26[%get3A_734] : memref<10240xf32, #tpu.memory_space<vmem>>[vector<16xi32>], vector<16xf32>,
      %mul3A_759 = arith.mulf %gather3A_757, %gather3A_758 : vector<16xf32>
      %get3A_760 = arith.constant 288 : index
      %get3A_761 = tpu.vector_load %arg16[%get3A_760] {strides = array<i32>} : memref<400xi32, #tpu.memory_space<vmem>>, vector<16xi32>,
      %get3A_762 = arith.constant 288 : index
      %get3A_763 = tpu.vector_load %arg17[%get3A_762] {strides = array<i32>} : memref<400xi32, #tpu.memory_space<vmem>>, vector<16xi32>,
      %get3A_764 = arith.constant 288 : index
      %get3A_765 = tpu.vector_load %arg18[%get3A_764] {strides = array<i32>} : memref<400xi32, #tpu.memory_space<vmem>>, vector<16xi32>,
      %mul3A_766 = arith.constant 12 : i32
      %mul3A_767 = vector.broadcast %mul3A_766 : i32 to vector<16xi32>
      %mul3A_768 = arith.muli %get3A_765, %mul3A_767 : vector<16xi32>
      %get3A_769 = arith.constant 288 : index
      %get3A_770 = tpu.vector_load %arg19[%get3A_769] {strides = array<i32>} : memref<400xi32, #tpu.memory_space<vmem>>, vector<16xi32>,
      %mul3A_771 = arith.constant 2 : i32
      %mul3A_772 = vector.broadcast %mul3A_771 : i32 to vector<16xi32>
      %mul3A_773 = arith.muli %get3A_770, %mul3A_772 : vector<16xi32>
      %add3A_774 = arith.addi %mul3A_768, %mul3A_773 : vector<16xi32>
      %get3A_775 = arith.constant 288 : index
      %get3A_776 = tpu.vector_load %arg20[%get3A_775] {strides = array<i32>} : memref<400xi32, #tpu.memory_space<vmem>>, vector<16xi32>,
      %add3A_777 = arith.addi %add3A_774, %get3A_776 : vector<16xi32>
      %swap3A_778 = arith.constant 0 : i32
      %swap3A_779 = arith.index_cast %swap3A_778 : i32 to index
      %swap3A_780 = arith.constant 48 : index
      %swap3A_781 = tpu.vector_load %arg21[%swap3A_779, %swap3A_780] {strides = array<i32>} : memref<2x80xi32, #tpu.memory_space<vmem>>, vector<16xi32>,
      tpu.vector_store %arg21[%swap3A_779, %swap3A_780], %get3A_761 {strides = array<i32>} : memref<2x80xi32, #tpu.memory_space<vmem>>, vector<16xi32>,
      %swap3A_782 = arith.constant 1 : i32
      %swap3A_783 = arith.index_cast %swap3A_782 : i32 to index
      %swap3A_784 = arith.constant 48 : index
      %swap3A_785 = tpu.vector_load %arg21[%swap3A_783, %swap3A_784] {strides = array<i32>} : memref<2x80xi32, #tpu.memory_space<vmem>>, vector<16xi32>,
      tpu.vector_store %arg21[%swap3A_783, %swap3A_784], %get3A_763 {strides = array<i32>} : memref<2x80xi32, #tpu.memory_space<vmem>>, vector<16xi32>,
      %gather3A_786 = tpu.vector_load_idx %arg26[%get3A_761] : memref<10240xf32, #tpu.memory_space<vmem>>[vector<16xi32>], vector<16xf32>,
      %gather3A_787 = tpu.vector_load_idx %arg26[%get3A_763] : memref<10240xf32, #tpu.memory_space<vmem>>[vector<16xi32>], vector<16xf32>,
      %mul3A_788 = arith.mulf %gather3A_786, %gather3A_787 : vector<16xf32>
      %get3A_789 = arith.constant 304 : index
      %get3A_790 = tpu.vector_load %arg16[%get3A_789] {strides = array<i32>} : memref<400xi32, #tpu.memory_space<vmem>>, vector<16xi32>,
      %get3A_791 = arith.constant 304 : index
      %get3A_792 = tpu.vector_load %arg17[%get3A_791] {strides = array<i32>} : memref<400xi32, #tpu.memory_space<vmem>>, vector<16xi32>,
      %get3A_793 = arith.constant 304 : index
      %get3A_794 = tpu.vector_load %arg18[%get3A_793] {strides = array<i32>} : memref<400xi32, #tpu.memory_space<vmem>>, vector<16xi32>,
      %mul3A_795 = arith.constant 12 : i32
      %mul3A_796 = vector.broadcast %mul3A_795 : i32 to vector<16xi32>
      %mul3A_797 = arith.muli %get3A_794, %mul3A_796 : vector<16xi32>
      %get3A_798 = arith.constant 304 : index
      %get3A_799 = tpu.vector_load %arg19[%get3A_798] {strides = array<i32>} : memref<400xi32, #tpu.memory_space<vmem>>, vector<16xi32>,
      %mul3A_800 = arith.constant 2 : i32
      %mul3A_801 = vector.broadcast %mul3A_800 : i32 to vector<16xi32>
      %mul3A_802 = arith.muli %get3A_799, %mul3A_801 : vector<16xi32>
      %add3A_803 = arith.addi %mul3A_797, %mul3A_802 : vector<16xi32>
      %get3A_804 = arith.constant 304 : index
      %get3A_805 = tpu.vector_load %arg20[%get3A_804] {strides = array<i32>} : memref<400xi32, #tpu.memory_space<vmem>>, vector<16xi32>,
      %add3A_806 = arith.addi %add3A_803, %get3A_805 : vector<16xi32>
      %swap3A_807 = arith.constant 0 : i32
      %swap3A_808 = arith.index_cast %swap3A_807 : i32 to index
      %swap3A_809 = arith.constant 64 : index
      %swap3A_810 = tpu.vector_load %arg21[%swap3A_808, %swap3A_809] {strides = array<i32>} : memref<2x80xi32, #tpu.memory_space<vmem>>, vector<16xi32>,
      tpu.vector_store %arg21[%swap3A_808, %swap3A_809], %get3A_790 {strides = array<i32>} : memref<2x80xi32, #tpu.memory_space<vmem>>, vector<16xi32>,
      %swap3A_811 = arith.constant 1 : i32
      %swap3A_812 = arith.index_cast %swap3A_811 : i32 to index
      %swap3A_813 = arith.constant 64 : index
      %swap3A_814 = tpu.vector_load %arg21[%swap3A_812, %swap3A_813] {strides = array<i32>} : memref<2x80xi32, #tpu.memory_space<vmem>>, vector<16xi32>,
      tpu.vector_store %arg21[%swap3A_812, %swap3A_813], %get3A_792 {strides = array<i32>} : memref<2x80xi32, #tpu.memory_space<vmem>>, vector<16xi32>,
      %gather3A_815 = tpu.vector_load_idx %arg26[%get3A_790] : memref<10240xf32, #tpu.memory_space<vmem>>[vector<16xi32>], vector<16xf32>,
      %gather3A_816 = tpu.vector_load_idx %arg26[%get3A_792] : memref<10240xf32, #tpu.memory_space<vmem>>[vector<16xi32>], vector<16xf32>,
      %mul3A_817 = arith.mulf %gather3A_815, %gather3A_816 : vector<16xf32>
      %run_scoped3A_818 = arith.constant 0 : i32
      "tpu.region"() ({
        %run_scoped3A_1057 = tpu.sem_alloc : memref<!tpu.dma_semaphore, #tpu.memory_space<semaphore_mem>>
        %dma_start3A = arith.constant 0 : i32
        %dma_start3A_1058 = tpu.memref_slice %arg21[%run_scoped3A_818, %dma_start3A] : memref<2x80xi32, #tpu.memory_space<vmem>> -> memref<1x80xi32, #tpu.memory_space<vmem>>
        %dma_start3A_1059 = tpu.memref_squeeze %dma_start3A_1058 : memref<1x80xi32, #tpu.memory_space<vmem>> -> memref<80xi32, #tpu.memory_space<vmem>>
        %dma_start3A_1060 = arith.constant 0 : i32
        %dma_start3A_1061 = arith.constant 0 : i32
        %dma_start3A_1062 = tpu.memref_slice %arg7[%dma_start3A_1060, %dma_start3A_1061] : memref<10000x128xf32, #tpu.memory_space<hbm>> -> memref<10000x128xf32, #tpu.memory_space<hbm>>
        tpu.enqueue_indirect_dma source(%dma_start3A_1062 : memref<10000x128xf32, #tpu.memory_space<hbm>>) target(%arg27 : memref<80x128xf32, #tpu.memory_space<vmem>>) offsets(%dma_start3A_1059 : memref<80xi32, #tpu.memory_space<vmem>>) semaphore(%run_scoped3A_1057 : memref<!tpu.dma_semaphore, #tpu.memory_space<semaphore_mem>>)
        %dma_wait3A = arith.constant 0 : i32
        %dma_wait3A_1063 = tpu.memref_slice %arg21[%run_scoped3A_818, %dma_wait3A] : memref<2x80xi32, #tpu.memory_space<vmem>> -> memref<1x80xi32, #tpu.memory_space<vmem>>
        %dma_wait3A_1064 = tpu.memref_squeeze %dma_wait3A_1063 : memref<1x80xi32, #tpu.memory_space<vmem>> -> memref<80xi32, #tpu.memory_space<vmem>>
        %dma_wait3A_1065 = arith.constant 0 : i32
        %dma_wait3A_1066 = arith.constant 0 : i32
        %dma_wait3A_1067 = tpu.memref_slice %arg7[%dma_wait3A_1065, %dma_wait3A_1066] : memref<10000x128xf32, #tpu.memory_space<hbm>> -> memref<10000x128xf32, #tpu.memory_space<hbm>>
        tpu.wait_indirect_dma semaphore(%run_scoped3A_1057 : memref<!tpu.dma_semaphore, #tpu.memory_space<semaphore_mem>>) src(%dma_wait3A_1067 : memref<10000x128xf32, #tpu.memory_space<hbm>>) dst(%arg27 : memref<80x128xf32, #tpu.memory_space<vmem>>)
        tpu.yield
      }) : () -> ()
      %add3A_819 = arith.constant 0 : i32
      %add3A_820 = vector.broadcast %add3A_819 : i32 to vector<16xi32>
      %add3A_821 = arith.addi %iota3A, %add3A_820 : vector<16xi32>
      %scan3A_822 = arith.constant 0 : i32
      %scan3A_823 = arith.constant 0 : i32
      %scan3A_824 = arith.constant 128 : i32
      %scan3A_825 = arith.addi %scan3A_823, %scan3A_824 : i32
      %scan3A_826 = arith.constant 1 : i32
      scf.for %scan3A_1057 = %scan3A_823 to %scan3A_825 step %scan3A_826  : i32 {
        %broadcast_in_dim3A = vector.broadcast %scan3A_1057 : i32 to vector<16xi32>
        %gather3A_1058 = tpu.vector_load_idx %arg27[%add3A_821, %broadcast_in_dim3A] : memref<80x128xf32, #tpu.memory_space<vmem>>[vector<16xi32>, vector<16xi32>], vector<16xf32>,
        %gather3A_1059 = tpu.vector_load_idx %arg25[%add3A_690, %broadcast_in_dim3A] : memref<60x128xf32, #tpu.memory_space<vmem>>[vector<16xi32>, vector<16xi32>], vector<16xf32>,
        %add3A_1060 = arith.addf %gather3A_1058, %gather3A_1059 : vector<16xf32>
        %max3A = arith.constant 0.000000e+00 : f32
        %max3A_1061 = vector.broadcast %max3A : f32 to vector<16xf32>
        %max3A_1062 = arith.maximumf %add3A_1060, %max3A_1061 : vector<16xf32>
        %mul3A_1063 = arith.mulf %max3A_1062, %mul3A_701 : vector<16xf32>
        tpu.vector_store_idx %arg28[%add3A_821, %broadcast_in_dim3A], %mul3A_1063 : memref<80x128xf32, #tpu.memory_space<vmem>>[vector<16xi32>, vector<16xi32>], vector<16xf32>,
      }
      %scan3A_827 = arith.constant 128 : i32
      %add3A_828 = arith.constant 16 : i32
      %add3A_829 = vector.broadcast %add3A_828 : i32 to vector<16xi32>
      %add3A_830 = arith.addi %iota3A, %add3A_829 : vector<16xi32>
      %scan3A_831 = arith.constant 0 : i32
      %scan3A_832 = arith.constant 0 : i32
      %scan3A_833 = arith.constant 128 : i32
      %scan3A_834 = arith.addi %scan3A_832, %scan3A_833 : i32
      %scan3A_835 = arith.constant 1 : i32
      scf.for %scan3A_1057 = %scan3A_832 to %scan3A_834 step %scan3A_835  : i32 {
        %broadcast_in_dim3A = vector.broadcast %scan3A_1057 : i32 to vector<16xi32>
        %gather3A_1058 = tpu.vector_load_idx %arg27[%add3A_830, %broadcast_in_dim3A] : memref<80x128xf32, #tpu.memory_space<vmem>>[vector<16xi32>, vector<16xi32>], vector<16xf32>,
        %gather3A_1059 = tpu.vector_load_idx %arg25[%add3A_719, %broadcast_in_dim3A] : memref<60x128xf32, #tpu.memory_space<vmem>>[vector<16xi32>, vector<16xi32>], vector<16xf32>,
        %add3A_1060 = arith.addf %gather3A_1058, %gather3A_1059 : vector<16xf32>
        %max3A = arith.constant 0.000000e+00 : f32
        %max3A_1061 = vector.broadcast %max3A : f32 to vector<16xf32>
        %max3A_1062 = arith.maximumf %add3A_1060, %max3A_1061 : vector<16xf32>
        %mul3A_1063 = arith.mulf %max3A_1062, %mul3A_730 : vector<16xf32>
        tpu.vector_store_idx %arg28[%add3A_830, %broadcast_in_dim3A], %mul3A_1063 : memref<80x128xf32, #tpu.memory_space<vmem>>[vector<16xi32>, vector<16xi32>], vector<16xf32>,
      }
      %scan3A_836 = arith.constant 128 : i32
      %add3A_837 = arith.constant 32 : i32
      %add3A_838 = vector.broadcast %add3A_837 : i32 to vector<16xi32>
      %add3A_839 = arith.addi %iota3A, %add3A_838 : vector<16xi32>
      %scan3A_840 = arith.constant 0 : i32
      %scan3A_841 = arith.constant 0 : i32
      %scan3A_842 = arith.constant 128 : i32
      %scan3A_843 = arith.addi %scan3A_841, %scan3A_842 : i32
      %scan3A_844 = arith.constant 1 : i32
      scf.for %scan3A_1057 = %scan3A_841 to %scan3A_843 step %scan3A_844  : i32 {
        %broadcast_in_dim3A = vector.broadcast %scan3A_1057 : i32 to vector<16xi32>
        %gather3A_1058 = tpu.vector_load_idx %arg27[%add3A_839, %broadcast_in_dim3A] : memref<80x128xf32, #tpu.memory_space<vmem>>[vector<16xi32>, vector<16xi32>], vector<16xf32>,
        %gather3A_1059 = tpu.vector_load_idx %arg25[%add3A_748, %broadcast_in_dim3A] : memref<60x128xf32, #tpu.memory_space<vmem>>[vector<16xi32>, vector<16xi32>], vector<16xf32>,
        %add3A_1060 = arith.addf %gather3A_1058, %gather3A_1059 : vector<16xf32>
        %max3A = arith.constant 0.000000e+00 : f32
        %max3A_1061 = vector.broadcast %max3A : f32 to vector<16xf32>
        %max3A_1062 = arith.maximumf %add3A_1060, %max3A_1061 : vector<16xf32>
        %mul3A_1063 = arith.mulf %max3A_1062, %mul3A_759 : vector<16xf32>
        tpu.vector_store_idx %arg28[%add3A_839, %broadcast_in_dim3A], %mul3A_1063 : memref<80x128xf32, #tpu.memory_space<vmem>>[vector<16xi32>, vector<16xi32>], vector<16xf32>,
      }
      %scan3A_845 = arith.constant 128 : i32
      %add3A_846 = arith.constant 48 : i32
      %add3A_847 = vector.broadcast %add3A_846 : i32 to vector<16xi32>
      %add3A_848 = arith.addi %iota3A, %add3A_847 : vector<16xi32>
      %scan3A_849 = arith.constant 0 : i32
      %scan3A_850 = arith.constant 0 : i32
      %scan3A_851 = arith.constant 128 : i32
      %scan3A_852 = arith.addi %scan3A_850, %scan3A_851 : i32
      %scan3A_853 = arith.constant 1 : i32
      scf.for %scan3A_1057 = %scan3A_850 to %scan3A_852 step %scan3A_853  : i32 {
        %broadcast_in_dim3A = vector.broadcast %scan3A_1057 : i32 to vector<16xi32>
        %gather3A_1058 = tpu.vector_load_idx %arg27[%add3A_848, %broadcast_in_dim3A] : memref<80x128xf32, #tpu.memory_space<vmem>>[vector<16xi32>, vector<16xi32>], vector<16xf32>,
        %gather3A_1059 = tpu.vector_load_idx %arg25[%add3A_777, %broadcast_in_dim3A] : memref<60x128xf32, #tpu.memory_space<vmem>>[vector<16xi32>, vector<16xi32>], vector<16xf32>,
        %add3A_1060 = arith.addf %gather3A_1058, %gather3A_1059 : vector<16xf32>
        %max3A = arith.constant 0.000000e+00 : f32
        %max3A_1061 = vector.broadcast %max3A : f32 to vector<16xf32>
        %max3A_1062 = arith.maximumf %add3A_1060, %max3A_1061 : vector<16xf32>
        %mul3A_1063 = arith.mulf %max3A_1062, %mul3A_788 : vector<16xf32>
        tpu.vector_store_idx %arg28[%add3A_848, %broadcast_in_dim3A], %mul3A_1063 : memref<80x128xf32, #tpu.memory_space<vmem>>[vector<16xi32>, vector<16xi32>], vector<16xf32>,
      }
      %scan3A_854 = arith.constant 128 : i32
      %add3A_855 = arith.constant 64 : i32
      %add3A_856 = vector.broadcast %add3A_855 : i32 to vector<16xi32>
      %add3A_857 = arith.addi %iota3A, %add3A_856 : vector<16xi32>
      %scan3A_858 = arith.constant 0 : i32
      %scan3A_859 = arith.constant 0 : i32
      %scan3A_860 = arith.constant 128 : i32
      %scan3A_861 = arith.addi %scan3A_859, %scan3A_860 : i32
      %scan3A_862 = arith.constant 1 : i32
      scf.for %scan3A_1057 = %scan3A_859 to %scan3A_861 step %scan3A_862  : i32 {
        %broadcast_in_dim3A = vector.broadcast %scan3A_1057 : i32 to vector<16xi32>
        %gather3A_1058 = tpu.vector_load_idx %arg27[%add3A_857, %broadcast_in_dim3A] : memref<80x128xf32, #tpu.memory_space<vmem>>[vector<16xi32>, vector<16xi32>], vector<16xf32>,
        %gather3A_1059 = tpu.vector_load_idx %arg25[%add3A_806, %broadcast_in_dim3A] : memref<60x128xf32, #tpu.memory_space<vmem>>[vector<16xi32>, vector<16xi32>], vector<16xf32>,
        %add3A_1060 = arith.addf %gather3A_1058, %gather3A_1059 : vector<16xf32>
        %max3A = arith.constant 0.000000e+00 : f32
        %max3A_1061 = vector.broadcast %max3A : f32 to vector<16xf32>
        %max3A_1062 = arith.maximumf %add3A_1060, %max3A_1061 : vector<16xf32>
        %mul3A_1063 = arith.mulf %max3A_1062, %mul3A_817 : vector<16xf32>
        tpu.vector_store_idx %arg28[%add3A_857, %broadcast_in_dim3A], %mul3A_1063 : memref<80x128xf32, #tpu.memory_space<vmem>>[vector<16xi32>, vector<16xi32>], vector<16xf32>,
      }
      %scan3A_863 = arith.constant 128 : i32
      %run_scoped3A_864 = arith.constant 1 : i32
      "tpu.region"() ({
        %run_scoped3A_1057 = tpu.sem_alloc : memref<!tpu.dma_semaphore, #tpu.memory_space<semaphore_mem>>
        %dma_start3A = arith.constant 0 : i32
        %dma_start3A_1058 = tpu.memref_slice %arg21[%run_scoped3A_864, %dma_start3A] : memref<2x80xi32, #tpu.memory_space<vmem>> -> memref<1x80xi32, #tpu.memory_space<vmem>>
        %dma_start3A_1059 = tpu.memref_squeeze %dma_start3A_1058 : memref<1x80xi32, #tpu.memory_space<vmem>> -> memref<80xi32, #tpu.memory_space<vmem>>
        %dma_start3A_1060 = arith.constant 0 : i32
        %dma_start3A_1061 = arith.constant 0 : i32
        %dma_start3A_1062 = tpu.memref_slice %arg14[%dma_start3A_1060, %dma_start3A_1061] : memref<10240x128xf32, #tpu.memory_space<vmem_shared>> -> memref<10240x128xf32, #tpu.memory_space<vmem_shared>>
        tpu.enqueue_indirect_dma source(%arg28 : memref<80x128xf32, #tpu.memory_space<vmem>>) target(%dma_start3A_1062 : memref<10240x128xf32, #tpu.memory_space<vmem_shared>>) offsets(%dma_start3A_1059 : memref<80xi32, #tpu.memory_space<vmem>>) semaphore(%run_scoped3A_1057 : memref<!tpu.dma_semaphore, #tpu.memory_space<semaphore_mem>>) {add = true}
        %dma_wait3A = arith.constant 0 : i32
        %dma_wait3A_1063 = tpu.memref_slice %arg21[%run_scoped3A_864, %dma_wait3A] : memref<2x80xi32, #tpu.memory_space<vmem>> -> memref<1x80xi32, #tpu.memory_space<vmem>>
        %dma_wait3A_1064 = tpu.memref_squeeze %dma_wait3A_1063 : memref<1x80xi32, #tpu.memory_space<vmem>> -> memref<80xi32, #tpu.memory_space<vmem>>
        %dma_wait3A_1065 = arith.constant 0 : i32
        %dma_wait3A_1066 = arith.constant 0 : i32
        %dma_wait3A_1067 = tpu.memref_slice %arg14[%dma_wait3A_1065, %dma_wait3A_1066] : memref<10240x128xf32, #tpu.memory_space<vmem_shared>> -> memref<10240x128xf32, #tpu.memory_space<vmem_shared>>
        tpu.wait_indirect_dma semaphore(%run_scoped3A_1057 : memref<!tpu.dma_semaphore, #tpu.memory_space<semaphore_mem>>) src(%arg28 : memref<80x128xf32, #tpu.memory_space<vmem>>) dst(%dma_wait3A_1067 : memref<10240x128xf32, #tpu.memory_space<vmem_shared>>)
        tpu.yield
      }) : () -> ()
      %get3A_865 = arith.constant 320 : index
      %get3A_866 = tpu.vector_load %arg16[%get3A_865] {strides = array<i32>} : memref<400xi32, #tpu.memory_space<vmem>>, vector<16xi32>,
      %get3A_867 = arith.constant 320 : index
      %get3A_868 = tpu.vector_load %arg17[%get3A_867] {strides = array<i32>} : memref<400xi32, #tpu.memory_space<vmem>>, vector<16xi32>,
      %get3A_869 = arith.constant 320 : index
      %get3A_870 = tpu.vector_load %arg18[%get3A_869] {strides = array<i32>} : memref<400xi32, #tpu.memory_space<vmem>>, vector<16xi32>,
      %mul3A_871 = arith.constant 12 : i32
      %mul3A_872 = vector.broadcast %mul3A_871 : i32 to vector<16xi32>
      %mul3A_873 = arith.muli %get3A_870, %mul3A_872 : vector<16xi32>
      %get3A_874 = arith.constant 320 : index
      %get3A_875 = tpu.vector_load %arg19[%get3A_874] {strides = array<i32>} : memref<400xi32, #tpu.memory_space<vmem>>, vector<16xi32>,
      %mul3A_876 = arith.constant 2 : i32
      %mul3A_877 = vector.broadcast %mul3A_876 : i32 to vector<16xi32>
      %mul3A_878 = arith.muli %get3A_875, %mul3A_877 : vector<16xi32>
      %add3A_879 = arith.addi %mul3A_873, %mul3A_878 : vector<16xi32>
      %get3A_880 = arith.constant 320 : index
      %get3A_881 = tpu.vector_load %arg20[%get3A_880] {strides = array<i32>} : memref<400xi32, #tpu.memory_space<vmem>>, vector<16xi32>,
      %add3A_882 = arith.addi %add3A_879, %get3A_881 : vector<16xi32>
      %swap3A_883 = arith.constant 0 : i32
      %swap3A_884 = arith.index_cast %swap3A_883 : i32 to index
      %swap3A_885 = arith.constant 0 : index
      %swap3A_886 = tpu.vector_load %arg21[%swap3A_884, %swap3A_885] {strides = array<i32>} : memref<2x80xi32, #tpu.memory_space<vmem>>, vector<16xi32>,
      tpu.vector_store %arg21[%swap3A_884, %swap3A_885], %get3A_866 {strides = array<i32>} : memref<2x80xi32, #tpu.memory_space<vmem>>, vector<16xi32>,
      %swap3A_887 = arith.constant 1 : i32
      %swap3A_888 = arith.index_cast %swap3A_887 : i32 to index
      %swap3A_889 = arith.constant 0 : index
      %swap3A_890 = tpu.vector_load %arg21[%swap3A_888, %swap3A_889] {strides = array<i32>} : memref<2x80xi32, #tpu.memory_space<vmem>>, vector<16xi32>,
      tpu.vector_store %arg21[%swap3A_888, %swap3A_889], %get3A_868 {strides = array<i32>} : memref<2x80xi32, #tpu.memory_space<vmem>>, vector<16xi32>,
      %gather3A_891 = tpu.vector_load_idx %arg26[%get3A_866] : memref<10240xf32, #tpu.memory_space<vmem>>[vector<16xi32>], vector<16xf32>,
      %gather3A_892 = tpu.vector_load_idx %arg26[%get3A_868] : memref<10240xf32, #tpu.memory_space<vmem>>[vector<16xi32>], vector<16xf32>,
      %mul3A_893 = arith.mulf %gather3A_891, %gather3A_892 : vector<16xf32>
      %get3A_894 = arith.constant 336 : index
      %get3A_895 = tpu.vector_load %arg16[%get3A_894] {strides = array<i32>} : memref<400xi32, #tpu.memory_space<vmem>>, vector<16xi32>,
      %get3A_896 = arith.constant 336 : index
      %get3A_897 = tpu.vector_load %arg17[%get3A_896] {strides = array<i32>} : memref<400xi32, #tpu.memory_space<vmem>>, vector<16xi32>,
      %get3A_898 = arith.constant 336 : index
      %get3A_899 = tpu.vector_load %arg18[%get3A_898] {strides = array<i32>} : memref<400xi32, #tpu.memory_space<vmem>>, vector<16xi32>,
      %mul3A_900 = arith.constant 12 : i32
      %mul3A_901 = vector.broadcast %mul3A_900 : i32 to vector<16xi32>
      %mul3A_902 = arith.muli %get3A_899, %mul3A_901 : vector<16xi32>
      %get3A_903 = arith.constant 336 : index
      %get3A_904 = tpu.vector_load %arg19[%get3A_903] {strides = array<i32>} : memref<400xi32, #tpu.memory_space<vmem>>, vector<16xi32>,
      %mul3A_905 = arith.constant 2 : i32
      %mul3A_906 = vector.broadcast %mul3A_905 : i32 to vector<16xi32>
      %mul3A_907 = arith.muli %get3A_904, %mul3A_906 : vector<16xi32>
      %add3A_908 = arith.addi %mul3A_902, %mul3A_907 : vector<16xi32>
      %get3A_909 = arith.constant 336 : index
      %get3A_910 = tpu.vector_load %arg20[%get3A_909] {strides = array<i32>} : memref<400xi32, #tpu.memory_space<vmem>>, vector<16xi32>,
      %add3A_911 = arith.addi %add3A_908, %get3A_910 : vector<16xi32>
      %swap3A_912 = arith.constant 0 : i32
      %swap3A_913 = arith.index_cast %swap3A_912 : i32 to index
      %swap3A_914 = arith.constant 16 : index
      %swap3A_915 = tpu.vector_load %arg21[%swap3A_913, %swap3A_914] {strides = array<i32>} : memref<2x80xi32, #tpu.memory_space<vmem>>, vector<16xi32>,
      tpu.vector_store %arg21[%swap3A_913, %swap3A_914], %get3A_895 {strides = array<i32>} : memref<2x80xi32, #tpu.memory_space<vmem>>, vector<16xi32>,
      %swap3A_916 = arith.constant 1 : i32
      %swap3A_917 = arith.index_cast %swap3A_916 : i32 to index
      %swap3A_918 = arith.constant 16 : index
      %swap3A_919 = tpu.vector_load %arg21[%swap3A_917, %swap3A_918] {strides = array<i32>} : memref<2x80xi32, #tpu.memory_space<vmem>>, vector<16xi32>,
      tpu.vector_store %arg21[%swap3A_917, %swap3A_918], %get3A_897 {strides = array<i32>} : memref<2x80xi32, #tpu.memory_space<vmem>>, vector<16xi32>,
      %gather3A_920 = tpu.vector_load_idx %arg26[%get3A_895] : memref<10240xf32, #tpu.memory_space<vmem>>[vector<16xi32>], vector<16xf32>,
      %gather3A_921 = tpu.vector_load_idx %arg26[%get3A_897] : memref<10240xf32, #tpu.memory_space<vmem>>[vector<16xi32>], vector<16xf32>,
      %mul3A_922 = arith.mulf %gather3A_920, %gather3A_921 : vector<16xf32>
      %get3A_923 = arith.constant 352 : index
      %get3A_924 = tpu.vector_load %arg16[%get3A_923] {strides = array<i32>} : memref<400xi32, #tpu.memory_space<vmem>>, vector<16xi32>,
      %get3A_925 = arith.constant 352 : index
      %get3A_926 = tpu.vector_load %arg17[%get3A_925] {strides = array<i32>} : memref<400xi32, #tpu.memory_space<vmem>>, vector<16xi32>,
      %get3A_927 = arith.constant 352 : index
      %get3A_928 = tpu.vector_load %arg18[%get3A_927] {strides = array<i32>} : memref<400xi32, #tpu.memory_space<vmem>>, vector<16xi32>,
      %mul3A_929 = arith.constant 12 : i32
      %mul3A_930 = vector.broadcast %mul3A_929 : i32 to vector<16xi32>
      %mul3A_931 = arith.muli %get3A_928, %mul3A_930 : vector<16xi32>
      %get3A_932 = arith.constant 352 : index
      %get3A_933 = tpu.vector_load %arg19[%get3A_932] {strides = array<i32>} : memref<400xi32, #tpu.memory_space<vmem>>, vector<16xi32>,
      %mul3A_934 = arith.constant 2 : i32
      %mul3A_935 = vector.broadcast %mul3A_934 : i32 to vector<16xi32>
      %mul3A_936 = arith.muli %get3A_933, %mul3A_935 : vector<16xi32>
      %add3A_937 = arith.addi %mul3A_931, %mul3A_936 : vector<16xi32>
      %get3A_938 = arith.constant 352 : index
      %get3A_939 = tpu.vector_load %arg20[%get3A_938] {strides = array<i32>} : memref<400xi32, #tpu.memory_space<vmem>>, vector<16xi32>,
      %add3A_940 = arith.addi %add3A_937, %get3A_939 : vector<16xi32>
      %swap3A_941 = arith.constant 0 : i32
      %swap3A_942 = arith.index_cast %swap3A_941 : i32 to index
      %swap3A_943 = arith.constant 32 : index
      %swap3A_944 = tpu.vector_load %arg21[%swap3A_942, %swap3A_943] {strides = array<i32>} : memref<2x80xi32, #tpu.memory_space<vmem>>, vector<16xi32>,
      tpu.vector_store %arg21[%swap3A_942, %swap3A_943], %get3A_924 {strides = array<i32>} : memref<2x80xi32, #tpu.memory_space<vmem>>, vector<16xi32>,
      %swap3A_945 = arith.constant 1 : i32
      %swap3A_946 = arith.index_cast %swap3A_945 : i32 to index
      %swap3A_947 = arith.constant 32 : index
      %swap3A_948 = tpu.vector_load %arg21[%swap3A_946, %swap3A_947] {strides = array<i32>} : memref<2x80xi32, #tpu.memory_space<vmem>>, vector<16xi32>,
      tpu.vector_store %arg21[%swap3A_946, %swap3A_947], %get3A_926 {strides = array<i32>} : memref<2x80xi32, #tpu.memory_space<vmem>>, vector<16xi32>,
      %gather3A_949 = tpu.vector_load_idx %arg26[%get3A_924] : memref<10240xf32, #tpu.memory_space<vmem>>[vector<16xi32>], vector<16xf32>,
      %gather3A_950 = tpu.vector_load_idx %arg26[%get3A_926] : memref<10240xf32, #tpu.memory_space<vmem>>[vector<16xi32>], vector<16xf32>,
      %mul3A_951 = arith.mulf %gather3A_949, %gather3A_950 : vector<16xf32>
      %get3A_952 = arith.constant 368 : index
      %get3A_953 = tpu.vector_load %arg16[%get3A_952] {strides = array<i32>} : memref<400xi32, #tpu.memory_space<vmem>>, vector<16xi32>,
      %get3A_954 = arith.constant 368 : index
      %get3A_955 = tpu.vector_load %arg17[%get3A_954] {strides = array<i32>} : memref<400xi32, #tpu.memory_space<vmem>>, vector<16xi32>,
      %get3A_956 = arith.constant 368 : index
      %get3A_957 = tpu.vector_load %arg18[%get3A_956] {strides = array<i32>} : memref<400xi32, #tpu.memory_space<vmem>>, vector<16xi32>,
      %mul3A_958 = arith.constant 12 : i32
      %mul3A_959 = vector.broadcast %mul3A_958 : i32 to vector<16xi32>
      %mul3A_960 = arith.muli %get3A_957, %mul3A_959 : vector<16xi32>
      %get3A_961 = arith.constant 368 : index
      %get3A_962 = tpu.vector_load %arg19[%get3A_961] {strides = array<i32>} : memref<400xi32, #tpu.memory_space<vmem>>, vector<16xi32>,
      %mul3A_963 = arith.constant 2 : i32
      %mul3A_964 = vector.broadcast %mul3A_963 : i32 to vector<16xi32>
      %mul3A_965 = arith.muli %get3A_962, %mul3A_964 : vector<16xi32>
      %add3A_966 = arith.addi %mul3A_960, %mul3A_965 : vector<16xi32>
      %get3A_967 = arith.constant 368 : index
      %get3A_968 = tpu.vector_load %arg20[%get3A_967] {strides = array<i32>} : memref<400xi32, #tpu.memory_space<vmem>>, vector<16xi32>,
      %add3A_969 = arith.addi %add3A_966, %get3A_968 : vector<16xi32>
      %swap3A_970 = arith.constant 0 : i32
      %swap3A_971 = arith.index_cast %swap3A_970 : i32 to index
      %swap3A_972 = arith.constant 48 : index
      %swap3A_973 = tpu.vector_load %arg21[%swap3A_971, %swap3A_972] {strides = array<i32>} : memref<2x80xi32, #tpu.memory_space<vmem>>, vector<16xi32>,
      tpu.vector_store %arg21[%swap3A_971, %swap3A_972], %get3A_953 {strides = array<i32>} : memref<2x80xi32, #tpu.memory_space<vmem>>, vector<16xi32>,
      %swap3A_974 = arith.constant 1 : i32
      %swap3A_975 = arith.index_cast %swap3A_974 : i32 to index
      %swap3A_976 = arith.constant 48 : index
      %swap3A_977 = tpu.vector_load %arg21[%swap3A_975, %swap3A_976] {strides = array<i32>} : memref<2x80xi32, #tpu.memory_space<vmem>>, vector<16xi32>,
      tpu.vector_store %arg21[%swap3A_975, %swap3A_976], %get3A_955 {strides = array<i32>} : memref<2x80xi32, #tpu.memory_space<vmem>>, vector<16xi32>,
      %gather3A_978 = tpu.vector_load_idx %arg26[%get3A_953] : memref<10240xf32, #tpu.memory_space<vmem>>[vector<16xi32>], vector<16xf32>,
      %gather3A_979 = tpu.vector_load_idx %arg26[%get3A_955] : memref<10240xf32, #tpu.memory_space<vmem>>[vector<16xi32>], vector<16xf32>,
      %mul3A_980 = arith.mulf %gather3A_978, %gather3A_979 : vector<16xf32>
      %get3A_981 = arith.constant 384 : index
      %get3A_982 = tpu.vector_load %arg16[%get3A_981] {strides = array<i32>} : memref<400xi32, #tpu.memory_space<vmem>>, vector<16xi32>,
      %get3A_983 = arith.constant 384 : index
      %get3A_984 = tpu.vector_load %arg17[%get3A_983] {strides = array<i32>} : memref<400xi32, #tpu.memory_space<vmem>>, vector<16xi32>,
      %get3A_985 = arith.constant 384 : index
      %get3A_986 = tpu.vector_load %arg18[%get3A_985] {strides = array<i32>} : memref<400xi32, #tpu.memory_space<vmem>>, vector<16xi32>,
      %mul3A_987 = arith.constant 12 : i32
      %mul3A_988 = vector.broadcast %mul3A_987 : i32 to vector<16xi32>
      %mul3A_989 = arith.muli %get3A_986, %mul3A_988 : vector<16xi32>
      %get3A_990 = arith.constant 384 : index
      %get3A_991 = tpu.vector_load %arg19[%get3A_990] {strides = array<i32>} : memref<400xi32, #tpu.memory_space<vmem>>, vector<16xi32>,
      %mul3A_992 = arith.constant 2 : i32
      %mul3A_993 = vector.broadcast %mul3A_992 : i32 to vector<16xi32>
      %mul3A_994 = arith.muli %get3A_991, %mul3A_993 : vector<16xi32>
      %add3A_995 = arith.addi %mul3A_989, %mul3A_994 : vector<16xi32>
      %get3A_996 = arith.constant 384 : index
      %get3A_997 = tpu.vector_load %arg20[%get3A_996] {strides = array<i32>} : memref<400xi32, #tpu.memory_space<vmem>>, vector<16xi32>,
      %add3A_998 = arith.addi %add3A_995, %get3A_997 : vector<16xi32>
      %swap3A_999 = arith.constant 0 : i32
      %swap3A_1000 = arith.index_cast %swap3A_999 : i32 to index
      %swap3A_1001 = arith.constant 64 : index
      %swap3A_1002 = tpu.vector_load %arg21[%swap3A_1000, %swap3A_1001] {strides = array<i32>} : memref<2x80xi32, #tpu.memory_space<vmem>>, vector<16xi32>,
      tpu.vector_store %arg21[%swap3A_1000, %swap3A_1001], %get3A_982 {strides = array<i32>} : memref<2x80xi32, #tpu.memory_space<vmem>>, vector<16xi32>,
      %swap3A_1003 = arith.constant 1 : i32
      %swap3A_1004 = arith.index_cast %swap3A_1003 : i32 to index
      %swap3A_1005 = arith.constant 64 : index
      %swap3A_1006 = tpu.vector_load %arg21[%swap3A_1004, %swap3A_1005] {strides = array<i32>} : memref<2x80xi32, #tpu.memory_space<vmem>>, vector<16xi32>,
      tpu.vector_store %arg21[%swap3A_1004, %swap3A_1005], %get3A_984 {strides = array<i32>} : memref<2x80xi32, #tpu.memory_space<vmem>>, vector<16xi32>,
      %gather3A_1007 = tpu.vector_load_idx %arg26[%get3A_982] : memref<10240xf32, #tpu.memory_space<vmem>>[vector<16xi32>], vector<16xf32>,
      %gather3A_1008 = tpu.vector_load_idx %arg26[%get3A_984] : memref<10240xf32, #tpu.memory_space<vmem>>[vector<16xi32>], vector<16xf32>,
      %mul3A_1009 = arith.mulf %gather3A_1007, %gather3A_1008 : vector<16xf32>
      %run_scoped3A_1010 = arith.constant 0 : i32
      "tpu.region"() ({
        %run_scoped3A_1057 = tpu.sem_alloc : memref<!tpu.dma_semaphore, #tpu.memory_space<semaphore_mem>>
        %dma_start3A = arith.constant 0 : i32
        %dma_start3A_1058 = tpu.memref_slice %arg21[%run_scoped3A_1010, %dma_start3A] : memref<2x80xi32, #tpu.memory_space<vmem>> -> memref<1x80xi32, #tpu.memory_space<vmem>>
        %dma_start3A_1059 = tpu.memref_squeeze %dma_start3A_1058 : memref<1x80xi32, #tpu.memory_space<vmem>> -> memref<80xi32, #tpu.memory_space<vmem>>
        %dma_start3A_1060 = arith.constant 0 : i32
        %dma_start3A_1061 = arith.constant 0 : i32
        %dma_start3A_1062 = tpu.memref_slice %arg7[%dma_start3A_1060, %dma_start3A_1061] : memref<10000x128xf32, #tpu.memory_space<hbm>> -> memref<10000x128xf32, #tpu.memory_space<hbm>>
        tpu.enqueue_indirect_dma source(%dma_start3A_1062 : memref<10000x128xf32, #tpu.memory_space<hbm>>) target(%arg27 : memref<80x128xf32, #tpu.memory_space<vmem>>) offsets(%dma_start3A_1059 : memref<80xi32, #tpu.memory_space<vmem>>) semaphore(%run_scoped3A_1057 : memref<!tpu.dma_semaphore, #tpu.memory_space<semaphore_mem>>)
        %dma_wait3A = arith.constant 0 : i32
        %dma_wait3A_1063 = tpu.memref_slice %arg21[%run_scoped3A_1010, %dma_wait3A] : memref<2x80xi32, #tpu.memory_space<vmem>> -> memref<1x80xi32, #tpu.memory_space<vmem>>
        %dma_wait3A_1064 = tpu.memref_squeeze %dma_wait3A_1063 : memref<1x80xi32, #tpu.memory_space<vmem>> -> memref<80xi32, #tpu.memory_space<vmem>>
        %dma_wait3A_1065 = arith.constant 0 : i32
        %dma_wait3A_1066 = arith.constant 0 : i32
        %dma_wait3A_1067 = tpu.memref_slice %arg7[%dma_wait3A_1065, %dma_wait3A_1066] : memref<10000x128xf32, #tpu.memory_space<hbm>> -> memref<10000x128xf32, #tpu.memory_space<hbm>>
        tpu.wait_indirect_dma semaphore(%run_scoped3A_1057 : memref<!tpu.dma_semaphore, #tpu.memory_space<semaphore_mem>>) src(%dma_wait3A_1067 : memref<10000x128xf32, #tpu.memory_space<hbm>>) dst(%arg27 : memref<80x128xf32, #tpu.memory_space<vmem>>)
        tpu.yield
      }) : () -> ()
      %add3A_1011 = arith.constant 0 : i32
      %add3A_1012 = vector.broadcast %add3A_1011 : i32 to vector<16xi32>
      %add3A_1013 = arith.addi %iota3A, %add3A_1012 : vector<16xi32>
      %scan3A_1014 = arith.constant 0 : i32
      %scan3A_1015 = arith.constant 0 : i32
      %scan3A_1016 = arith.constant 128 : i32
      %scan3A_1017 = arith.addi %scan3A_1015, %scan3A_1016 : i32
      %scan3A_1018 = arith.constant 1 : i32
      scf.for %scan3A_1057 = %scan3A_1015 to %scan3A_1017 step %scan3A_1018  : i32 {
        %broadcast_in_dim3A = vector.broadcast %scan3A_1057 : i32 to vector<16xi32>
        %gather3A_1058 = tpu.vector_load_idx %arg27[%add3A_1013, %broadcast_in_dim3A] : memref<80x128xf32, #tpu.memory_space<vmem>>[vector<16xi32>, vector<16xi32>], vector<16xf32>,
        %gather3A_1059 = tpu.vector_load_idx %arg25[%add3A_882, %broadcast_in_dim3A] : memref<60x128xf32, #tpu.memory_space<vmem>>[vector<16xi32>, vector<16xi32>], vector<16xf32>,
        %add3A_1060 = arith.addf %gather3A_1058, %gather3A_1059 : vector<16xf32>
        %max3A = arith.constant 0.000000e+00 : f32
        %max3A_1061 = vector.broadcast %max3A : f32 to vector<16xf32>
        %max3A_1062 = arith.maximumf %add3A_1060, %max3A_1061 : vector<16xf32>
        %mul3A_1063 = arith.mulf %max3A_1062, %mul3A_893 : vector<16xf32>
        tpu.vector_store_idx %arg28[%add3A_1013, %broadcast_in_dim3A], %mul3A_1063 : memref<80x128xf32, #tpu.memory_space<vmem>>[vector<16xi32>, vector<16xi32>], vector<16xf32>,
      }
      %scan3A_1019 = arith.constant 128 : i32
      %add3A_1020 = arith.constant 16 : i32
      %add3A_1021 = vector.broadcast %add3A_1020 : i32 to vector<16xi32>
      %add3A_1022 = arith.addi %iota3A, %add3A_1021 : vector<16xi32>
      %scan3A_1023 = arith.constant 0 : i32
      %scan3A_1024 = arith.constant 0 : i32
      %scan3A_1025 = arith.constant 128 : i32
      %scan3A_1026 = arith.addi %scan3A_1024, %scan3A_1025 : i32
      %scan3A_1027 = arith.constant 1 : i32
      scf.for %scan3A_1057 = %scan3A_1024 to %scan3A_1026 step %scan3A_1027  : i32 {
        %broadcast_in_dim3A = vector.broadcast %scan3A_1057 : i32 to vector<16xi32>
        %gather3A_1058 = tpu.vector_load_idx %arg27[%add3A_1022, %broadcast_in_dim3A] : memref<80x128xf32, #tpu.memory_space<vmem>>[vector<16xi32>, vector<16xi32>], vector<16xf32>,
        %gather3A_1059 = tpu.vector_load_idx %arg25[%add3A_911, %broadcast_in_dim3A] : memref<60x128xf32, #tpu.memory_space<vmem>>[vector<16xi32>, vector<16xi32>], vector<16xf32>,
        %add3A_1060 = arith.addf %gather3A_1058, %gather3A_1059 : vector<16xf32>
        %max3A = arith.constant 0.000000e+00 : f32
        %max3A_1061 = vector.broadcast %max3A : f32 to vector<16xf32>
        %max3A_1062 = arith.maximumf %add3A_1060, %max3A_1061 : vector<16xf32>
        %mul3A_1063 = arith.mulf %max3A_1062, %mul3A_922 : vector<16xf32>
        tpu.vector_store_idx %arg28[%add3A_1022, %broadcast_in_dim3A], %mul3A_1063 : memref<80x128xf32, #tpu.memory_space<vmem>>[vector<16xi32>, vector<16xi32>], vector<16xf32>,
      }
      %scan3A_1028 = arith.constant 128 : i32
      %add3A_1029 = arith.constant 32 : i32
      %add3A_1030 = vector.broadcast %add3A_1029 : i32 to vector<16xi32>
      %add3A_1031 = arith.addi %iota3A, %add3A_1030 : vector<16xi32>
      %scan3A_1032 = arith.constant 0 : i32
      %scan3A_1033 = arith.constant 0 : i32
      %scan3A_1034 = arith.constant 128 : i32
      %scan3A_1035 = arith.addi %scan3A_1033, %scan3A_1034 : i32
      %scan3A_1036 = arith.constant 1 : i32
      scf.for %scan3A_1057 = %scan3A_1033 to %scan3A_1035 step %scan3A_1036  : i32 {
        %broadcast_in_dim3A = vector.broadcast %scan3A_1057 : i32 to vector<16xi32>
        %gather3A_1058 = tpu.vector_load_idx %arg27[%add3A_1031, %broadcast_in_dim3A] : memref<80x128xf32, #tpu.memory_space<vmem>>[vector<16xi32>, vector<16xi32>], vector<16xf32>,
        %gather3A_1059 = tpu.vector_load_idx %arg25[%add3A_940, %broadcast_in_dim3A] : memref<60x128xf32, #tpu.memory_space<vmem>>[vector<16xi32>, vector<16xi32>], vector<16xf32>,
        %add3A_1060 = arith.addf %gather3A_1058, %gather3A_1059 : vector<16xf32>
        %max3A = arith.constant 0.000000e+00 : f32
        %max3A_1061 = vector.broadcast %max3A : f32 to vector<16xf32>
        %max3A_1062 = arith.maximumf %add3A_1060, %max3A_1061 : vector<16xf32>
        %mul3A_1063 = arith.mulf %max3A_1062, %mul3A_951 : vector<16xf32>
        tpu.vector_store_idx %arg28[%add3A_1031, %broadcast_in_dim3A], %mul3A_1063 : memref<80x128xf32, #tpu.memory_space<vmem>>[vector<16xi32>, vector<16xi32>], vector<16xf32>,
      }
      %scan3A_1037 = arith.constant 128 : i32
      %add3A_1038 = arith.constant 48 : i32
      %add3A_1039 = vector.broadcast %add3A_1038 : i32 to vector<16xi32>
      %add3A_1040 = arith.addi %iota3A, %add3A_1039 : vector<16xi32>
      %scan3A_1041 = arith.constant 0 : i32
      %scan3A_1042 = arith.constant 0 : i32
      %scan3A_1043 = arith.constant 128 : i32
      %scan3A_1044 = arith.addi %scan3A_1042, %scan3A_1043 : i32
      %scan3A_1045 = arith.constant 1 : i32
      scf.for %scan3A_1057 = %scan3A_1042 to %scan3A_1044 step %scan3A_1045  : i32 {
        %broadcast_in_dim3A = vector.broadcast %scan3A_1057 : i32 to vector<16xi32>
        %gather3A_1058 = tpu.vector_load_idx %arg27[%add3A_1040, %broadcast_in_dim3A] : memref<80x128xf32, #tpu.memory_space<vmem>>[vector<16xi32>, vector<16xi32>], vector<16xf32>,
        %gather3A_1059 = tpu.vector_load_idx %arg25[%add3A_969, %broadcast_in_dim3A] : memref<60x128xf32, #tpu.memory_space<vmem>>[vector<16xi32>, vector<16xi32>], vector<16xf32>,
        %add3A_1060 = arith.addf %gather3A_1058, %gather3A_1059 : vector<16xf32>
        %max3A = arith.constant 0.000000e+00 : f32
        %max3A_1061 = vector.broadcast %max3A : f32 to vector<16xf32>
        %max3A_1062 = arith.maximumf %add3A_1060, %max3A_1061 : vector<16xf32>
        %mul3A_1063 = arith.mulf %max3A_1062, %mul3A_980 : vector<16xf32>
        tpu.vector_store_idx %arg28[%add3A_1040, %broadcast_in_dim3A], %mul3A_1063 : memref<80x128xf32, #tpu.memory_space<vmem>>[vector<16xi32>, vector<16xi32>], vector<16xf32>,
      }
      %scan3A_1046 = arith.constant 128 : i32
      %add3A_1047 = arith.constant 64 : i32
      %add3A_1048 = vector.broadcast %add3A_1047 : i32 to vector<16xi32>
      %add3A_1049 = arith.addi %iota3A, %add3A_1048 : vector<16xi32>
      %scan3A_1050 = arith.constant 0 : i32
      %scan3A_1051 = arith.constant 0 : i32
      %scan3A_1052 = arith.constant 128 : i32
      %scan3A_1053 = arith.addi %scan3A_1051, %scan3A_1052 : i32
      %scan3A_1054 = arith.constant 1 : i32
      scf.for %scan3A_1057 = %scan3A_1051 to %scan3A_1053 step %scan3A_1054  : i32 {
        %broadcast_in_dim3A = vector.broadcast %scan3A_1057 : i32 to vector<16xi32>
        %gather3A_1058 = tpu.vector_load_idx %arg27[%add3A_1049, %broadcast_in_dim3A] : memref<80x128xf32, #tpu.memory_space<vmem>>[vector<16xi32>, vector<16xi32>], vector<16xf32>,
        %gather3A_1059 = tpu.vector_load_idx %arg25[%add3A_998, %broadcast_in_dim3A] : memref<60x128xf32, #tpu.memory_space<vmem>>[vector<16xi32>, vector<16xi32>], vector<16xf32>,
        %add3A_1060 = arith.addf %gather3A_1058, %gather3A_1059 : vector<16xf32>
        %max3A = arith.constant 0.000000e+00 : f32
        %max3A_1061 = vector.broadcast %max3A : f32 to vector<16xf32>
        %max3A_1062 = arith.maximumf %add3A_1060, %max3A_1061 : vector<16xf32>
        %mul3A_1063 = arith.mulf %max3A_1062, %mul3A_1009 : vector<16xf32>
        tpu.vector_store_idx %arg28[%add3A_1049, %broadcast_in_dim3A], %mul3A_1063 : memref<80x128xf32, #tpu.memory_space<vmem>>[vector<16xi32>, vector<16xi32>], vector<16xf32>,
      }
      %scan3A_1055 = arith.constant 128 : i32
      %run_scoped3A_1056 = arith.constant 1 : i32
      "tpu.region"() ({
        %run_scoped3A_1057 = tpu.sem_alloc : memref<!tpu.dma_semaphore, #tpu.memory_space<semaphore_mem>>
        %dma_start3A = arith.constant 0 : i32
        %dma_start3A_1058 = tpu.memref_slice %arg21[%run_scoped3A_1056, %dma_start3A] : memref<2x80xi32, #tpu.memory_space<vmem>> -> memref<1x80xi32, #tpu.memory_space<vmem>>
        %dma_start3A_1059 = tpu.memref_squeeze %dma_start3A_1058 : memref<1x80xi32, #tpu.memory_space<vmem>> -> memref<80xi32, #tpu.memory_space<vmem>>
        %dma_start3A_1060 = arith.constant 0 : i32
        %dma_start3A_1061 = arith.constant 0 : i32
        %dma_start3A_1062 = tpu.memref_slice %arg14[%dma_start3A_1060, %dma_start3A_1061] : memref<10240x128xf32, #tpu.memory_space<vmem_shared>> -> memref<10240x128xf32, #tpu.memory_space<vmem_shared>>
        tpu.enqueue_indirect_dma source(%arg28 : memref<80x128xf32, #tpu.memory_space<vmem>>) target(%dma_start3A_1062 : memref<10240x128xf32, #tpu.memory_space<vmem_shared>>) offsets(%dma_start3A_1059 : memref<80xi32, #tpu.memory_space<vmem>>) semaphore(%run_scoped3A_1057 : memref<!tpu.dma_semaphore, #tpu.memory_space<semaphore_mem>>) {add = true}
        %dma_wait3A = arith.constant 0 : i32
        %dma_wait3A_1063 = tpu.memref_slice %arg21[%run_scoped3A_1056, %dma_wait3A] : memref<2x80xi32, #tpu.memory_space<vmem>> -> memref<1x80xi32, #tpu.memory_space<vmem>>
        %dma_wait3A_1064 = tpu.memref_squeeze %dma_wait3A_1063 : memref<1x80xi32, #tpu.memory_space<vmem>> -> memref<80xi32, #tpu.memory_space<vmem>>
        %dma_wait3A_1065 = arith.constant 0 : i32
        %dma_wait3A_1066 = arith.constant 0 : i32
        %dma_wait3A_1067 = tpu.memref_slice %arg14[%dma_wait3A_1065, %dma_wait3A_1066] : memref<10240x128xf32, #tpu.memory_space<vmem_shared>> -> memref<10240x128xf32, #tpu.memory_space<vmem_shared>>
        tpu.wait_indirect_dma semaphore(%run_scoped3A_1057 : memref<!tpu.dma_semaphore, #tpu.memory_space<semaphore_mem>>) src(%arg28 : memref<80x128xf32, #tpu.memory_space<vmem>>) dst(%dma_wait3A_1067 : memref<10240x128xf32, #tpu.memory_space<vmem_shared>>)
        tpu.yield
      }) : () -> ()
    }
    %scan3A_83 = arith.constant 25 : i32
    %barrier3A_84 = arith.constant 0 : index
    tpu.barrier barrier_id(%barrier3A_84)
    %eq3A_85 = arith.constant 0 : i32
    %eq3A_86 = arith.cmpi eq, %arg0, %eq3A_85 : i32
    %convert_element_type3A_87 = arith.extui %eq3A_86 : i1 to i32
    %cond3A_88 = arith.constant 0 : i32
    %cond3A_89 = arith.cmpi ne, %convert_element_type3A_87, %cond3A_88 : i32
    scf.if %cond3A_89 {
      %mul3A_95 = arith.constant 640 : i32
      %mul3A_96 = arith.muli %arg1, %mul3A_95 : i32
      %mul3A_97 = arith.constant 640 : i32
      %mul3A_98 = arith.muli %arg1, %mul3A_97 : i32
      "tpu.region"() ({
        %run_scoped3A = tpu.sem_alloc : memref<!tpu.dma_semaphore, #tpu.memory_space<semaphore_mem>>
        %dma_start3A = arith.constant 0 : i32
        %dma_start3A_99 = tpu.memref_slice %arg11[%mul3A_98, %dma_start3A] : memref<10240x128xf32, #tpu.memory_space<hbm>> -> memref<640x128xf32, #tpu.memory_space<hbm>>
        %dma_start3A_100 = arith.constant 0 : i32
        %dma_start3A_101 = tpu.memref_slice %arg14[%mul3A_96, %dma_start3A_100] : memref<10240x128xf32, #tpu.memory_space<vmem_shared>> -> memref<640x128xf32, #tpu.memory_space<vmem_shared>>
        tpu.enqueue_dma source(%dma_start3A_101 : memref<640x128xf32, #tpu.memory_space<vmem_shared>>) target(%dma_start3A_99 : memref<640x128xf32, #tpu.memory_space<hbm>>) target_semaphore(%run_scoped3A : memref<!tpu.dma_semaphore, #tpu.memory_space<semaphore_mem>>)
        %dma_wait3A = arith.constant 0 : i32
        %dma_wait3A_102 = tpu.memref_slice %arg11[%mul3A_98, %dma_wait3A] : memref<10240x128xf32, #tpu.memory_space<hbm>> -> memref<640x128xf32, #tpu.memory_space<hbm>>
        %dma_wait3A_103 = arith.constant 0 : i32
        %dma_wait3A_104 = tpu.memref_slice %arg14[%mul3A_96, %dma_wait3A_103] : memref<10240x128xf32, #tpu.memory_space<vmem_shared>> -> memref<640x128xf32, #tpu.memory_space<vmem_shared>>
        tpu.wait_dma2 semaphore(%run_scoped3A : memref<!tpu.dma_semaphore, #tpu.memory_space<semaphore_mem>>) src(%dma_wait3A_104 : memref<640x128xf32, #tpu.memory_space<vmem_shared>>) dst(%dma_wait3A_102 : memref<640x128xf32, #tpu.memory_space<hbm>>)
        tpu.yield
      }) : () -> ()
    } else {
    }
    %eq3A_90 = arith.constant 1 : i32
    %eq3A_91 = arith.cmpi eq, %arg0, %eq3A_90 : i32
    %convert_element_type3A_92 = arith.extui %eq3A_91 : i1 to i32
    %cond3A_93 = arith.constant 0 : i32
    %cond3A_94 = arith.cmpi ne, %convert_element_type3A_92, %cond3A_93 : i32
    scf.if %cond3A_94 {
      %mul3A_95 = arith.constant 640 : i32
      %mul3A_96 = arith.muli %arg1, %mul3A_95 : i32
      %mul3A_97 = arith.constant 640 : i32
      %mul3A_98 = arith.muli %arg1, %mul3A_97 : i32
      "tpu.region"() ({
        %run_scoped3A = tpu.sem_alloc : memref<!tpu.dma_semaphore, #tpu.memory_space<semaphore_mem>>
        %dma_start3A = arith.constant 0 : i32
        %dma_start3A_99 = tpu.memref_slice %arg12[%mul3A_98, %dma_start3A] : memref<10240x128xf32, #tpu.memory_space<hbm>> -> memref<640x128xf32, #tpu.memory_space<hbm>>
        %dma_start3A_100 = arith.constant 0 : i32
        %dma_start3A_101 = tpu.memref_slice %arg14[%mul3A_96, %dma_start3A_100] : memref<10240x128xf32, #tpu.memory_space<vmem_shared>> -> memref<640x128xf32, #tpu.memory_space<vmem_shared>>
        tpu.enqueue_dma source(%dma_start3A_101 : memref<640x128xf32, #tpu.memory_space<vmem_shared>>) target(%dma_start3A_99 : memref<640x128xf32, #tpu.memory_space<hbm>>) target_semaphore(%run_scoped3A : memref<!tpu.dma_semaphore, #tpu.memory_space<semaphore_mem>>)
        %dma_wait3A = arith.constant 0 : i32
        %dma_wait3A_102 = tpu.memref_slice %arg12[%mul3A_98, %dma_wait3A] : memref<10240x128xf32, #tpu.memory_space<hbm>> -> memref<640x128xf32, #tpu.memory_space<hbm>>
        %dma_wait3A_103 = arith.constant 0 : i32
        %dma_wait3A_104 = tpu.memref_slice %arg14[%mul3A_96, %dma_wait3A_103] : memref<10240x128xf32, #tpu.memory_space<vmem_shared>> -> memref<640x128xf32, #tpu.memory_space<vmem_shared>>
        tpu.wait_dma2 semaphore(%run_scoped3A : memref<!tpu.dma_semaphore, #tpu.memory_space<semaphore_mem>>) src(%dma_wait3A_104 : memref<640x128xf32, #tpu.memory_space<vmem_shared>>) dst(%dma_wait3A_102 : memref<640x128xf32, #tpu.memory_space<hbm>>)
        tpu.yield
      }) : () -> ()
    } else {
    }
    return
  }
}

module attributes {stable_mosaic.version = 14 : i64} {
  func.func @_tc1_body(%arg0: i32, %arg1: memref<1000x128xf32, #tpu.memory_space<vmem>>, %arg2: memref<128x128xf32, #tpu.memory_space<vmem>>, %arg3: memref<1x128xf32, #tpu.memory_space<vmem>>, %arg4: memref<1000x128xf32, #tpu.memory_space<vmem>>) attributes {dimension_semantics = [#tpu.dimension_semantics<arbitrary>], iteration_bounds = array<i64: 10>, scalar_prefetch = 0 : i64, scratch_operands = 0 : i64, tpu.core_type = #tpu.core_type<tc>, window_params = [{transform_indices = @transform_0, window_bounds = array<i64: 1000, 128>}, {pipeline_mode = #tpu.pipeline_mode<synchronous>, transform_indices = @transform_1, window_bounds = array<i64: 128, 128>}, {pipeline_mode = #tpu.pipeline_mode<synchronous>, transform_indices = @transform_2, window_bounds = array<i64: 1, 128>}, {transform_indices = @transform_3, window_bounds = array<i64: 1000, 128>}]} {
    %get3A = arith.constant 0 : index
    %get3A_0 = arith.constant 0 : index
    %get3A_1 = vector.load %arg1[%get3A, %get3A_0] : memref<1000x128xf32, #tpu.memory_space<vmem>>, vector<1000x128xf32>
    %get3A_2 = arith.constant 0 : index
    %get3A_3 = arith.constant 0 : index
    %get3A_4 = vector.load %arg2[%get3A_2, %get3A_3] : memref<128x128xf32, #tpu.memory_space<vmem>>, vector<128x128xf32>
    %dot_general3A = arith.constant dense<0.000000e+00> : vector<1000x128xf32>
    %dot_general3A_5 = tpu.matmul %get3A_1, %get3A_4, %dot_general3A {dimension_numbers = #tpu.dot_dimension_numbers<[1], [1], [0], [0], [0, 0, 1, 0], [], []>, transpose_lhs_hint = false} : vector<1000x128xf32>, vector<128x128xf32>, vector<1000x128xf32> -> vector<1000x128xf32>
    %get3A_6 = arith.constant 0 : index
    %get3A_7 = arith.constant 0 : index
    %get3A_8 = vector.load %arg3[%get3A_6, %get3A_7] : memref<1x128xf32, #tpu.memory_space<vmem>>, vector<1x128xf32>
    %add3A = vector.broadcast %get3A_8 : vector<1x128xf32> to vector<1000x128xf32>
    %add3A_9 = arith.addf %dot_general3A_5, %add3A : vector<1000x128xf32>
    %swap3A = arith.constant 0 : index
    %swap3A_10 = arith.constant 0 : index
    %swap3A_11 = vector.load %arg4[%swap3A, %swap3A_10] : memref<1000x128xf32, #tpu.memory_space<vmem>>, vector<1000x128xf32>
    tpu.vector_store %arg4[%swap3A, %swap3A_10], %add3A_9 {strides = array<i32>} : memref<1000x128xf32, #tpu.memory_space<vmem>>, vector<1000x128xf32>,
    return
  }
  func.func @transform_0(%arg0: i32) -> (i32, i32) {
    %c0_i32 = arith.constant 0 : i32
    %c0_i32_0 = arith.constant 0 : i32
    return %arg0, %c0_i32 : i32, i32
  }
  func.func @transform_1(%arg0: i32) -> (i32, i32) {
    %c0_i32 = arith.constant 0 : i32
    %c0_i32_0 = arith.constant 0 : i32
    %c0_i32_1 = arith.constant 0 : i32
    return %c0_i32, %c0_i32_0 : i32, i32
  }
  func.func @transform_2(%arg0: i32) -> (i32, i32) {
    %c0_i32 = arith.constant 0 : i32
    %c0_i32_0 = arith.constant 0 : i32
    %c0_i32_1 = arith.constant 0 : i32
    return %c0_i32, %c0_i32_0 : i32, i32
  }
  func.func @transform_3(%arg0: i32) -> (i32, i32) {
    %c0_i32 = arith.constant 0 : i32
    %c0_i32_0 = arith.constant 0 : i32
    return %arg0, %c0_i32 : i32, i32
  }
}

module attributes {stable_mosaic.version = 14 : i64} {
  func.func @_tc2_body(%arg0: i32, %arg1: memref<400x128xf32, #tpu.memory_space<vmem>>, %arg2: memref<400x128xf32, #tpu.memory_space<vmem>>, %arg3: memref<400x128xf32, #tpu.memory_space<vmem>>, %arg4: memref<1x128xf32, #tpu.memory_space<vmem>>, %arg5: memref<400x1xf32, #tpu.memory_space<vmem>>, %arg6: memref<400x128xf32, #tpu.memory_space<vmem>>) attributes {dimension_semantics = [#tpu.dimension_semantics<arbitrary>], iteration_bounds = array<i64: 25>, scalar_prefetch = 0 : i64, scratch_operands = 0 : i64, tpu.core_type = #tpu.core_type<tc>, window_params = [{transform_indices = @transform_0, window_bounds = array<i64: 400, 128>}, {transform_indices = @transform_1, window_bounds = array<i64: 400, 128>}, {transform_indices = @transform_2, window_bounds = array<i64: 400, 128>}, {pipeline_mode = #tpu.pipeline_mode<synchronous>, transform_indices = @transform_3, window_bounds = array<i64: 1, 128>}, {transform_indices = @transform_4, window_bounds = array<i64: 400, 1>}, {transform_indices = @transform_5, window_bounds = array<i64: 400, 128>}]} {
    %get3A = arith.constant 0 : index
    %get3A_0 = arith.constant 0 : index
    %get3A_1 = vector.load %arg3[%get3A, %get3A_0] : memref<400x128xf32, #tpu.memory_space<vmem>>, vector<400x128xf32>
    %get3A_2 = arith.constant 0 : index
    %get3A_3 = arith.constant 0 : index
    %get3A_4 = vector.load %arg4[%get3A_2, %get3A_3] : memref<1x128xf32, #tpu.memory_space<vmem>>, vector<1x128xf32>
    %add3A = vector.broadcast %get3A_4 : vector<1x128xf32> to vector<400x128xf32>
    %add3A_5 = arith.addf %get3A_1, %add3A : vector<400x128xf32>
    %max3A = arith.constant 0.000000e+00 : f32
    %max3A_6 = vector.broadcast %max3A : f32 to vector<400x128xf32>
    %max3A_7 = arith.maximumf %add3A_5, %max3A_6 : vector<400x128xf32>
    %get3A_8 = arith.constant 0 : index
    %get3A_9 = arith.constant 0 : index
    %get3A_10 = vector.load %arg5[%get3A_8, %get3A_9] : memref<400x1xf32, #tpu.memory_space<vmem>>, vector<400x1xf32>
    %mul3A = vector.broadcast %get3A_10 : vector<400x1xf32> to vector<400x128xf32>
    %mul3A_11 = arith.mulf %max3A_7, %mul3A : vector<400x128xf32>
    %get3A_12 = arith.constant 0 : index
    %get3A_13 = arith.constant 0 : index
    %get3A_14 = vector.load %arg1[%get3A_12, %get3A_13] : memref<400x128xf32, #tpu.memory_space<vmem>>, vector<400x128xf32>
    %get3A_15 = arith.constant 0 : index
    %get3A_16 = arith.constant 0 : index
    %get3A_17 = vector.load %arg2[%get3A_15, %get3A_16] : memref<400x128xf32, #tpu.memory_space<vmem>>, vector<400x128xf32>
    %add3A_18 = arith.addf %get3A_14, %get3A_17 : vector<400x128xf32>
    %add3A_19 = arith.addf %add3A_18, %mul3A_11 : vector<400x128xf32>
    %swap3A = arith.constant 0 : index
    %swap3A_20 = arith.constant 0 : index
    %swap3A_21 = vector.load %arg6[%swap3A, %swap3A_20] : memref<400x128xf32, #tpu.memory_space<vmem>>, vector<400x128xf32>
    tpu.vector_store %arg6[%swap3A, %swap3A_20], %add3A_19 {strides = array<i32>} : memref<400x128xf32, #tpu.memory_space<vmem>>, vector<400x128xf32>,
    return
  }
  func.func @transform_0(%arg0: i32) -> (i32, i32) {
    %c0_i32 = arith.constant 0 : i32
    %c0_i32_0 = arith.constant 0 : i32
    return %arg0, %c0_i32 : i32, i32
  }
  func.func @transform_1(%arg0: i32) -> (i32, i32) {
    %c0_i32 = arith.constant 0 : i32
    %c0_i32_0 = arith.constant 0 : i32
    return %arg0, %c0_i32 : i32, i32
  }
  func.func @transform_2(%arg0: i32) -> (i32, i32) {
    %c0_i32 = arith.constant 0 : i32
    %c0_i32_0 = arith.constant 0 : i32
    return %arg0, %c0_i32 : i32, i32
  }
  func.func @transform_3(%arg0: i32) -> (i32, i32) {
    %c0_i32 = arith.constant 0 : i32
    %c0_i32_0 = arith.constant 0 : i32
    %c0_i32_1 = arith.constant 0 : i32
    return %c0_i32, %c0_i32_0 : i32, i32
  }
  func.func @transform_4(%arg0: i32) -> (i32, i32) {
    %c0_i32 = arith.constant 0 : i32
    %c0_i32_0 = arith.constant 0 : i32
    return %arg0, %c0_i32 : i32, i32
  }
  func.func @transform_5(%arg0: i32) -> (i32, i32) {
    %c0_i32 = arith.constant 0 : i32
    %c0_i32_0 = arith.constant 0 : i32
    return %arg0, %c0_i32 : i32, i32
  }
}

</mosaic_0001>

<sc_bundles>
// kernel: kernel.5.cloned.1.call-start
scs
__scs_entry_jumppad:
0x0: {  	(pc) =	sbr.rel $0x88, $3  }
0x1: {  	(tag) =	ssettag $0x0;
	lr =	simm.s32 $0x1  }
0x2: {  	[smem:$0x3F98] =	sst lr;
	_ =	strace $0xD0000000  }
0x3: {  	_ = 	snop  }
0x4: {  	_ = 	snop  }
0x5: {  	_ = 	snop  }
0x6: {  	_ = 	snop  }
0x7: {  	_ = 	snop  }
__scs_overlays_trampoline_lowered:
0x8: {  	[smem:$0x3FA7] =	sst s0  }
0x9: {  	[smem:$0x3FA8] =	sst s1  }
0xa: {  	[smem:$0x3FA9] =	sst s2  }
0xb: {  	[smem:$0x3FAA] =	sst s3  }
0xc: {  	[smem:$0x3FAB] =	sst s4  }
0xd: {  	[smem:$0x3FAC] =	sst s5  }
0xe: {  	[smem:$0x3FAD] =	sst s6  }
0xf: {  	[smem:$0x3FAE] =	sst s7  }
0x10: {  	[smem:$0x3FAF] =	sst s8  }
0x11: {  	[smem:$0x3FB0] =	sst s9;
	s0 =	simm.s32 @!p0 $0x0  }
0x12: {  	s1 =	sld [smem:$0x3F96];
	s0 =	simm.s32 @p0 $0x1  }
0x13: {  	[smem:$0x3FB1] =	sst s0;
	s0 =	simm.s32 @!p1 $0x0  }
0x14: {  	s2 =	sld [smem:$0x3F95];
	s0 =	simm.s32 @p1 $0x1  }
0x15: {  	[smem:$0x3FB2] =	sst s0;
	s0 =	simm.s32 @!p2 $0x0  }
0x16: {  	s3 =	sld [smem:$0x3FDB];
	s0 =	simm.s32 @p2 $0x1  }
0x17: {  	s4 =	simm.s32 $0x1BF5;
	[smem:$0x3FB4] =	sst s0  }
0x18: {  	s0 =	sld [smem:$0x3F97];
	_ =	swait.ge [sflag:s4], $0x0  }
0x19: {  	s7 =	sld [smem:$0x3F98]  }
0x1a: {  	s8 =	sadd.s32 $0xFFFFE003, lr  }
0x1b: {  	s9 =	sadd.s32 $0xFFFFFEF7, lr;
	s5 =	simm.s32 $0xFFFFFFFF;
	p2 =	slt.u32 s8, $0xFFFFF086  }
0x1c: {  	p1 =	slt.u32 s9, $0xF7A;
	s5 =	simm.s32 @!p2 $0x0  }
0x1d: {  	s5 =	simm.s32 @p1 $0x1;
	p0 =	seq.s32 s7, s2  }
0x1e: {  	s7 =	smul.u32 @!p0 $0xF7A, s2;
	p2 =	seq.s32 @!p0 s5, $0x0  }
0x1f: {  	s9 =	smul.u32 $0xF7A, s1;
	s8 =	simm.s32 @!p0 $0x1BF5;
	p2 =	por !p2, p0  }
0x20: {  	[sflag:s8] =	ssyncset.s32 @!p0 $0xFFFFF086;
	s6 =	sadd.s32 @!p0 s3, s7;
	s7 =	simm.s32 @!p0 $0x108  }
0x21: {  	s3 =	sadd.s32 s3, s9;
	s6 =	sadd.s32 @!p0 $0x88, s6;
	s7 =	simm.s32 @p2 $0x1082  }
0x22: {  	[simem:s7], [sflag:s8] =	dma.local @!p0 [hbm:s6], $0xF7A  }
0x23: {  	s9 =	sor.u32 $0xD0000000, s2;
	s6 =	simm.s32 $0x108;
	_ =	swait.ge @!p0 [sflag:s8], $0x0  }
0x24: {  	s3 =	sadd.s32 $0x88, s3;
	s6 =	simm.s32 @!p1 $0x1082;
	[sflag:s4] =	ssyncset.s32 $0xFFFFF086  }
0x25: {  	[simem:s6], [sflag:s4] =	dma.local [hbm:s3], $0xF7A  }
0x26: {  	[smem:$0x3F98] =	sst s1;
	(tag) =	ssettag s2;
	_ =	strace s9  }
0x27: {  	s1 =	sld [smem:$0x3FA8]  }
0x28: {  	s2 =	sld [smem:$0x3FA9]  }
0x29: {  	s4 =	sld [smem:$0x3FAB]  }
0x2a: {  	p0 =	seq.s32 s5, $0x0;
	s5 =	sld [smem:$0x3FAC]  }
0x2b: {  	s6 =	sld [smem:$0x3FAD]  }
0x2c: {  	s7 =	sld [smem:$0x3FAE]  }
0x2d: {  	s3 =	simm.s32 $0x108;
	s8 =	sld [smem:$0x3FAF]  }
0x2e: {  	s3 =	simm.s32 @!p0 $0x1082;
	s9 =	sld [smem:$0x3FB0]  }
0x2f: {  	lr =	sadd.s32 s0, s3;
	s0 =	sld [smem:$0x3FA7]  }
0x30: {  	s3 =	sld [smem:$0x3FAA]  }
0x31: {  	[smem:$0x3FB3] =	sst s10  }
0x32: {  	s10 =	sld [smem:$0x3FB1];
	_ =	sdelay $0x3  }
0x33: {  	p0 =	seq.s32 s10, $0x1;
	s10 =	sld [smem:$0x3FB3];
	_ =	sdelay $0x3  }
0x34: {  	[smem:$0x3FB3] =	sst s10  }
0x35: {  	s10 =	sld [smem:$0x3FB2];
	_ =	sdelay $0x3  }
0x36: {  	p1 =	seq.s32 s10, $0x1;
	s10 =	sld [smem:$0x3FB3];
	_ =	sdelay $0x3  }
0x37: {  	[smem:$0x3FB3] =	sst s10  }
0x38: {  	s10 =	sld [smem:$0x3FB4]  }
0x39: {  	_ = 	snop;
	(pc) =	sbr.ind lr, $3  }
0x3a: {  	_ = 	snop  }
0x3b: {  	_ = 	snop  }
0x3c: {  	p2 =	seq.s32 s10, $0x1;
	s10 =	sld [smem:$0x3FB3]  }
0x3d: {  	_ =	shalt  }
0x3e: {  	_ =	shalt  }
0x3f: {  	_ =	shalt  }
0x40: {  	_ =	shalt  }
0x41: {  	_ =	shalt  }
0x42: {  	_ =	shalt  }
0x43: {  	_ =	shalt  }
0x44: {  	_ =	shalt  }
0x45: {  	_ =	shalt  }
0x46: {  	_ =	shalt  }
0x47: {  	_ =	shalt  }
0x48: {  	_ =	shalt  }
0x49: {  	_ =	shalt  }
0x4a: {  	_ =	shalt  }
0x4b: {  	_ =	shalt  }
0x4c: {  	_ =	shalt  }
0x4d: {  	_ =	shalt  }
0x4e: {  	_ =	shalt  }
0x4f: {  	_ =	shalt  }
0x50: {  	_ =	shalt  }
0x51: {  	_ =	shalt  }
0x52: {  	_ =	shalt  }
0x53: {  	_ =	shalt  }
0x54: {  	_ =	shalt  }
0x55: {  	_ =	shalt  }
0x56: {  	_ =	shalt  }
0x57: {  	_ =	shalt  }
0x58: {  	_ =	shalt  }
0x59: {  	_ =	shalt  }
0x5a: {  	_ =	shalt  }
0x5b: {  	_ =	shalt  }
0x5c: {  	_ =	shalt  }
0x5d: {  	_ =	shalt  }
0x5e: {  	_ =	shalt  }
0x5f: {  	_ =	shalt  }
0x60: {  	_ =	shalt  }
0x61: {  	_ =	shalt  }
0x62: {  	_ =	shalt  }
0x63: {  	_ =	shalt  }
0x64: {  	_ =	shalt  }
0x65: {  	_ =	shalt  }
0x66: {  	_ =	shalt  }
0x67: {  	_ =	shalt  }
0x68: {  	_ =	shalt  }
0x69: {  	_ =	shalt  }
0x6a: {  	_ =	shalt  }
0x6b: {  	_ =	shalt  }
0x6c: {  	_ =	shalt  }
0x6d: {  	_ =	shalt  }
0x6e: {  	_ =	shalt  }
0x6f: {  	_ =	shalt  }
0x70: {  	_ =	shalt  }
0x71: {  	_ =	shalt  }
0x72: {  	_ =	shalt  }
0x73: {  	_ =	shalt  }
0x74: {  	_ =	shalt  }
0x75: {  	_ =	shalt  }
0x76: {  	_ =	shalt  }
0x77: {  	_ =	shalt  }
0x78: {  	_ =	shalt  }
0x79: {  	_ =	shalt  }
0x7a: {  	_ =	shalt  }
0x7b: {  	_ =	shalt  }
0x7c: {  	_ =	shalt  }
0x7d: {  	_ =	shalt  }
0x7e: {  	_ =	shalt  }
0x7f: {  	_ =	shalt  }
0x80: {  	_ =	shalt  }
0x81: {  	_ =	shalt  }
0x82: {  	_ =	shalt  }
0x83: {  	_ =	shalt  }
0x84: {  	_ =	shalt  }
0x85: {  	_ =	shalt  }
0x86: {  	_ =	shalt  }
0x87: {  	_ =	shalt  }
.Lfunc_end0:
.L_simem_size_0:
called_computation_lowered:
.L_overlay_start_0:
0x88: {  	s2 =	sld [smem:$0x3FD9]  }
0x89: {  	s3 =	sld [smem:$0x3FFE];
	_ =	sdelay $0x1  }
0x8a: {  	s1 =	srdreg.scid  }
0x8b: {  	s0 =	sand.u32 $0x1, s1  }
0x8c: {  	s17 =	sshll.u32 s0, $0xA;
	s2 =	sadd.s32 s3, s2  }
0x8d: {  	s2 =	sadd.s32 s2, s17  }
0x8e: {  	[smem:$0x3FBF] =	sst s2  }
0x8f: {  	_ = 	snop  }
0x90: {  	s2 =	sld [smem:$0x3FC3]  }
0x91: {  	s18 =	sld [smem:$0x3FC2]  }
0x92: {  	s4 =	sld [smem:$0x3FC1]  }
0x93: {  	s5 =	sld [smem:$0x3FD0];
	(tm) =	ssettm $0x1  }
0x94: {  	s6 =	sld [smem:$0x3FFB];
	_ =	sdelay $0x3  }
0x95: {  	_ =	strace s6  }
0x96: {  	s6 =	sld [smem:$0x3FFC];
	_ =	sdelay $0x3  }
0x97: {  	_ =	strace s6  }
0x98: {  	s6 =	sld [smem:$0x3FFD];
	_ =	sdelay $0x3  }
0x99: {  	_ =	strace s6  }
0x9a: {  	_ =	strace $0x8FFFFFFF  }
0x9b: {  	s19 =	sld [smem:$0x3FDB];
	_ =	sdelay $0x1  }
0x9c: {  	s7 =	simm.s32 $_scs_section_size  }
0x9d: {  	s8 =	simm.s32 $_size__tile_overlayer_lowered;
	s9 =	simm.s32 $_tile_overlayer_lowered  }
0x9e: {  	s22 =	simm.s32 $0x1BFF;
	s21 =	sshll.u32 s9, $0x1;
	s6 =	sadd.s32 s7, s19  }
0x9f: {  	s10 =	simm.s32 $0x0;
	s20 =	sshll.u32 s8, $0x1;
	s8 =	sadd.s32 s21, s6  }
0xa0: {  	[timem:s10], [sflag:s22] =	dma.local [hbm:s8], s20  }
0xa1: {  	_ =	swait.ge [sflag:s22], s20  }
0xa2: {  	s7 =	ssub.s32 $0x0, s20;
	[sflag:s22] =	ssyncset.done $0x0  }
0xa3: {  	[sflag:s22] =	ssyncadd.s32 s7;
	_ =	sdelay $0x1  }
0xa4: {  	s23 =	simm.s32 $0x1B8B  }
0xa5: {  	_ =	swait.ge [sflag:s23], $0x1  }
0xa6: {  	[sflag:s23] =	ssyncset.done $0x0  }
0xa7: {  	s25 =	simm.s32 $0x1B8E;
	s24 =	sld [smem:$0x3FFE];
	[sflag:s23] =	ssyncadd.s32 $0xFFFFFFFF  }
0xa8: {  	s26 =	simm.s32 $execute0_lowered;
	[smem:$0x3FD2] =	sst s25  }
0xa9: {  	s8 =	sshll.u32 s26, $0x1;
	_ =	strace $0x80000046;
	[dreg:$0x1] =	wrdreg $0xFFFFFFFF  }
0xaa: {  	s28 =	simm.s32 $_size_execute0_lowered;
	s6 =	sadd.s32 s6, s8;
	[dreg:$0x0] =	wrdreg $0x0  }
0xab: {  	s8 =	sshll.u32 s28, $0x1;
	[dreg:$0x2] =	wrdreg s6  }
0xac: {  	[dreg:$0x3] =	wrdreg s8  }
0xad: {  	[dreg:$0x4] =	wrdreg $0xC0  }
0xae: {  	_ =	task [dreg:s10], $0x5FFFF  }
0xaf: {  	[dreg:$0x1] =	wrdreg $0xFFFFFFFF  }
0xb0: {  	[dreg:$0x0] =	wrdreg $0x60  }
0xb1: {  	[dreg:$0x2] =	wrdreg s24  }
0xb2: {  	[dreg:$0x3] =	wrdreg s5  }
0xb3: {  	[dreg:$0x4] =	wrdreg s2  }
0xb4: {  	[dreg:$0x5] =	wrdreg s18  }
0xb5: {  	[dreg:$0x6] =	wrdreg s4  }
0xb6: {  	[dreg:$0x7] =	wrdreg $0x0  }
0xb7: {  	[dreg:$0x8] =	wrdreg $0x140000  }
0xb8: {  	[dreg:$0x9] =	wrdreg $0x9  }
0xb9: {  	_ =	task.clear_ibuf [dreg:s10], $0xAFFFF;
	_ =	strace $0x90000046  }
0xba: {  	s29 =	simm.s32 $0x9;
	_ =	strace $0x80000048  }
0xbb: {  	_ =	swait.ge [sflag:s29], $0x1  }
0xbc: {  	[sflag:s29] =	ssyncadd.s32 $0xFFFFFFFF  }
0xbd: {  	_ =	strace $0x90000048  }
0xbe: {  	_ =	sfence  }
0xbf: {  	s30 =	sld [smem:$0x0];
	_ =	sdelay $0x2  }
0xc0: {  	s31 =	sshll.u32 s1, $0xD;
	s1 =	sshrl.u32 s1, $0x2  }
0xc1: {  	s3 =	sand.u32 $0x4000, s31;
	s1 =	sadd.s32 s1, s30  }
0xc2: {  	s0 =	sor.u32 s3, s0;
	s1 =	sshll.u32 s1, $0x11  }
0xc3: {  	s0 =	sor.u32 s1, s0  }
0xc4: {  	s0 =	sadd.s32 $0x8F2B, s0  }
0xc5: {  	[sflag:s0] =	ssyncadd.remote.s32 $0x1  }
0xc6: {  	_ =	sfence.sel $0xFFFF  }
0xc7: {  	[dreg:$0x0] =	wrdreg $0xFFFFFFFF;
	(pc) =	sbr.abs _section_cstart, $3  }
0xc8: {  	[dreg:$0x1] =	wrdreg $0xFFFFFFFF  }
0xc9: {  	_ =	task.clear_ibuf [dreg:s10], $0x2FFFF;
	_ =	strace $0x9FFFFFFF  }
0xca: {  	(tm) =	ssettm $0x7FFFFFFF  }
0xcb: {  	_ =	shalt  }
tec
execute0_lowered:
.L_overlay_start_1:
0x0: {  	(tag) =	ssettag $0x1  }
0x1: {  	s0 =	rddreg [dreg:$0x0]  }
0x2: {  	s1 =	rddreg [dreg:$0x1]  }
0x3: {  	s5 =	rddreg [dreg:$0x5]  }
0x4: {  	s6 =	rddreg [dreg:$0x6];
	s8 =	simm.s32 $0x0;
	s9 =	stileid.u32  }
0x5: {  	s3 =	srdreg.scid;
	s30 =	simm.s32 $0x1;
	s31 =	simm.s32 $0x1C680  }
0x6: {  	[smem:$0x7FF] =	sst s8;
	s16 =	sadd.s32 $0xA600, s0;
	s2 =	smul.u32 $0x280, s9  }
0x7: {  	s17 =	sadd.s32 $0x800, s0;
	s11 =	sadd.s32 $0x28000, s0;
	s14 =	smul.u32 $0x50000, s9  }
0x8: {  	s12 =	sadd.s32 $0x1E200, s0;
	s3 =	sand.u32 $0x1, s3;
	s20 =	smul.u32 $0x2800, s9  }
0x9: {  	s13 =	sadd.s32 $0x14400, s0;
	s22 =	smul.u32 $0x9C4, s9;
	_ =	strace $0x80000047  }
0xa: {  	s7 =	ssub.s32 $0x2, s3;
	s18 =	sshll.u32 s3, $0x4;
	[dreg:$0x8] =	wrdreg s16  }
0xb: {  	p0 =	seq.s32 s3, $0x0;
	[dreg:$0x9] =	wrdreg s17;
	s4 =	sshrl.u32 s2, $0x3  }
0xc: {  	s15 =	sshrl.u32 s7, $0x1;
	s14 =	sshrl.u32 s14, $0x2;
	s10 =	sadd.s32 s2, s6  }
0xd: {  	s2 =	simm.s32 $0x32400;
	s4 =	sadd.s32 s4, s0;
	s7 =	ssub.s32 s7, s15  }
0xe: {  	s15 =	sor.u32 s9, s18;
	s18 =	sadd.s32 s14, s5;
	s2 =	simm.s32 @!p0 $0x5A400  }
0xf: {  	p0 =	sne.s32 s3, $0x0;
	s3 =	simm.s32 $0x14C80;
	[dreg:$0xa] =	wrdreg s10  }
0x10: {  	s19 =	sadd.s32 $0x2800, s18;
	s14 =	sadd.s32 $0x5000, s18;
	[dreg:$0xb] =	wrdreg s18  }
0x11: {  	s0 =	sadd.s32 s2, s0;
	s21 =	sadd.s32 $0xA000, s18;
	[dreg:$0xc] =	wrdreg s19  }
0x12: {  	s24 =	sadd.s32 $0xC800, s18;
	s25 =	sadd.s32 $0x31E00, s4;
	[dreg:$0xd] =	wrdreg s14  }
0x13: {  	s23 =	smul.u32 $0x2710, s15;
	s26 =	smax.u32 s7, $0x1;
	[dreg:$0xf] =	wrdreg s21  }
0x14: {  	s28 =	sadd.s32 $0xF000, s18;
	s29 =	sadd.s32 $0x11800, s18;
	[dreg:$0x11] =	wrdreg s24  }
0x15: {  	s2 =	simm.s32 $0x50;
	s4 =	simm.s32 $0x1F600;
	[dreg:$0x12] =	wrdreg s25  }
0x16: {  	v0 =	vlaneseq.u32;
	s7 =	simm.s32 $0x17680;
	s19 =	sadd.s32 $0x7800, s18;
	[dreg:$0x13] =	wrdreg s26  }
0x17: {  	v0 =	vmul.u32 $0x80, v0;
	s0 =	sadd.s32 s0, s20;
	s25 =	sadd.s32 s22, s16;
	[dreg:$0x14] =	wrdreg s28  }
0x18: {  	[dreg:$0x15] =	wrdreg s29;
	s22 =	simm.s32 $0x1EE80;
	s20 =	simm.s32 $0x15680  }
0x19: {  	v1 =	vimm.f32 $1.000000000e+00;
	v2 =	vimm.f32 $0.0e+00;
	v3 =	vor.u32 $0x800, v0;
	s21 =	simm.s32 $0x14D00;
	s14 =	simm.s32 $0x0;
	[dreg:$0xe] =	wrdreg s19  }
0x1a: {  	v4 =	vor.u32 $0x1000, v0;
	v5 =	vor.u32 $0x1800, v0;
	v6 =	vor.u32 $0x2000, v0;
	[dreg:$0x10] =	wrdreg s0;
	s0 =	simm.s32 $0x14280;
	s19 =	simm.s32 $0x19E80  }
.LBB2_1:
0x1b: {  	[tilespmem:$0x1EE80] =	vst v1  }
0x1c: {  	[tilespmem:$0x1EE90] =	vst v1  }
0x1d: {  	[tilespmem:$0x1EEA0] =	vst v1  }
0x1e: {  	[tilespmem:$0x1EEB0] =	vst v1  }
0x1f: {  	[tilespmem:$0x1EEC0] =	vst v1  }
0x20: {  	[tilespmem:$0x1EED0] =	vst v1  }
0x21: {  	[tilespmem:$0x1EEE0] =	vst v1  }
0x22: {  	[tilespmem:$0x1EEF0] =	vst v1  }
0x23: {  	[tilespmem:$0x1EF00] =	vst v1  }
0x24: {  	[tilespmem:$0x1EF10] =	vst v1  }
0x25: {  	[tilespmem:$0x1EF20] =	vst v1  }
0x26: {  	[tilespmem:$0x1EF30] =	vst v1  }
0x27: {  	[tilespmem:$0x1EF40] =	vst v1  }
0x28: {  	[tilespmem:$0x1EF50] =	vst v1  }
0x29: {  	[tilespmem:$0x1EF60] =	vst v1  }
0x2a: {  	[tilespmem:$0x1EF70] =	vst v1  }
0x2b: {  	[tilespmem:$0x1EF80] =	vst v1  }
0x2c: {  	[tilespmem:$0x1EF90] =	vst v1  }
0x2d: {  	[tilespmem:$0x1EFA0] =	vst v1  }
0x2e: {  	[tilespmem:$0x1EFB0] =	vst v1  }
0x2f: {  	[tilespmem:$0x1EFC0] =	vst v1  }
0x30: {  	[tilespmem:$0x1EFD0] =	vst v1  }
0x31: {  	[tilespmem:$0x1EFE0] =	vst v1  }
0x32: {  	[tilespmem:$0x1EFF0] =	vst v1  }
0x33: {  	[tilespmem:$0x1F000] =	vst v1  }
0x34: {  	[tilespmem:$0x1F010] =	vst v1  }
0x35: {  	[tilespmem:$0x1F020] =	vst v1  }
0x36: {  	[tilespmem:$0x1F030] =	vst v1  }
0x37: {  	[tilespmem:$0x1F040] =	vst v1  }
0x38: {  	[tilespmem:$0x1F050] =	vst v1  }
0x39: {  	[tilespmem:$0x1F060] =	vst v1  }
0x3a: {  	[tilespmem:$0x1F070] =	vst v1  }
0x3b: {  	[tilespmem:$0x1F080] =	vst v1  }
0x3c: {  	[tilespmem:$0x1F090] =	vst v1  }
0x3d: {  	[tilespmem:$0x1F0A0] =	vst v1  }
0x3e: {  	[tilespmem:$0x1F0B0] =	vst v1  }
0x3f: {  	[tilespmem:$0x1F0C0] =	vst v1  }
0x40: {  	[tilespmem:$0x1F0D0] =	vst v1  }
0x41: {  	[tilespmem:$0x1F0E0] =	vst v1  }
0x42: {  	[tilespmem:$0x1F0F0] =	vst v1  }
0x43: {  	[tilespmem:$0x1F600] =	vst v1  }
0x44: {  	[tilespmem:$0x1F610] =	vst v1  }
0x45: {  	[tilespmem:$0x1F620] =	vst v1  }
0x46: {  	[tilespmem:$0x1F630] =	vst v1  }
0x47: {  	[dreg:$0x16] =	wrdreg s14;
	[tilespmem:$0x1F640] =	vst v1;
	s14 =	simm.s32 $0x0;
	s15 =	simm.s32 $0x200  }
.LBB2_2:
0x48: {  	p1 =	sne.s32 s15, $0x9E00;
	[tilespmem:s14+$0x1C6F0] =	vst v2  }
0x49: {  	[tilespmem:s14+$0x1C680] =	vst v2  }
0x4a: {  	[tilespmem:s14+$0x1C690] =	vst v2  }
.Ltmp0:
0x4b: {  	[tilespmem:s14+$0x1C6A0] =	vst v2;
	(pc) =	sbr.rel @p1 .LBB2_2-.Ltmp0, $4  }
0x4c: {  	[tilespmem:s14+$0x1C6B0] =	vst v2  }
0x4d: {  	[tilespmem:s14+$0x1C6C0] =	vst v2  }
0x4e: {  	[tilespmem:s14+$0x1C6D0] =	vst v2  }
0x4f: {  	[tilespmem:s14+$0x1C6E0] =	vst v2;
	s14 =	sshra.s32 s15, $0x2;
	s15 =	sadd.s32 $0x200, s15  }
0x50: {  	[tilespmem:s14+$0x1C6F0] =	vst v2  }
0x51: {  	[tilespmem:s14+$0x1C680] =	vst v2  }
0x52: {  	[tilespmem:s14+$0x1C690] =	vst v2  }
0x53: {  	[tilespmem:s14+$0x1C6A0] =	vst v2  }
0x54: {  	[tilespmem:s14+$0x1C6B0] =	vst v2  }
0x55: {  	[tilespmem:s14+$0x1C6C0] =	vst v2  }
0x56: {  	[tilespmem:s14+$0x1C6D0] =	vst v2  }
0x57: {  	[tilespmem:s14+$0x1C6E0] =	vst v2  }
0x58: {  	[spmem:s10] =	stream.linear.scatter [tilespmem:s22], [sflag:$0x1], $0x280, $0x38;
	[tilespmem:$0x1F680] =	vst v63  }
0x59: {  	_ =	swait.ge [sflag:s30], $0x280  }
0x5a: {  	[sflag:s30] =	ssyncset.done $0x0  }
0x5b: {  	[sflag:s30] =	ssyncadd.s32 $0xFFFFFD80  }
0x5c: {  	[spmem:s18] =	stream.linear.scatter [tilespmem:s31], [sflag:$0x1], $0x2800, $0x38;
	[tilespmem:$0x1F680] =	vst v63  }
0x5d: {  	_ =	swait.ge [sflag:s30], $0x2800  }
0x5e: {  	[sflag:s30] =	ssyncset.done $0x0  }
0x5f: {  	s9 =	rddreg [dreg:$0xc];
	[sflag:s30] =	ssyncadd.s32 $0xFFFFD800  }
0x60: {  	[spmem:s9] =	stream.linear.scatter [tilespmem:s31], [sflag:$0x1], $0x2800, $0x38;
	[tilespmem:$0x1F680] =	vst v63  }
0x61: {  	_ =	swait.ge [sflag:s30], $0x2800  }
0x62: {  	[sflag:s30] =	ssyncset.done $0x0  }
0x63: {  	s16 =	rddreg [dreg:$0xd];
	[sflag:s30] =	ssyncadd.s32 $0xFFFFD800  }
0x64: {  	[spmem:s16] =	stream.linear.scatter [tilespmem:s31], [sflag:$0x1], $0x2800, $0x38;
	[tilespmem:$0x1F680] =	vst v63  }
0x65: {  	_ =	swait.ge [sflag:s30], $0x2800  }
0x66: {  	[sflag:s30] =	ssyncset.done $0x0  }
0x67: {  	s17 =	rddreg [dreg:$0xe];
	[sflag:s30] =	ssyncadd.s32 $0xFFFFD800  }
0x68: {  	[spmem:s17] =	stream.linear.scatter [tilespmem:s31], [sflag:$0x1], $0x2800, $0x38;
	[tilespmem:$0x1F680] =	vst v63  }
0x69: {  	_ =	swait.ge [sflag:s30], $0x2800  }
0x6a: {  	[sflag:s30] =	ssyncset.done $0x0  }
0x6b: {  	s18 =	rddreg [dreg:$0xf];
	[sflag:s30] =	ssyncadd.s32 $0xFFFFD800  }
0x6c: {  	[spmem:s18] =	stream.linear.scatter [tilespmem:s31], [sflag:$0x1], $0x2800, $0x38;
	[tilespmem:$0x1F680] =	vst v63  }
0x6d: {  	_ =	swait.ge [sflag:s30], $0x2800  }
0x6e: {  	[sflag:s30] =	ssyncset.done $0x0  }
0x6f: {  	s24 =	rddreg [dreg:$0x11];
	[sflag:s30] =	ssyncadd.s32 $0xFFFFD800  }
0x70: {  	[spmem:s24] =	stream.linear.scatter [tilespmem:s31], [sflag:$0x1], $0x2800, $0x38;
	[tilespmem:$0x1F680] =	vst v63  }
0x71: {  	_ =	swait.ge [sflag:s30], $0x2800  }
0x72: {  	[sflag:s30] =	ssyncset.done $0x0  }
0x73: {  	s26 =	rddreg [dreg:$0x14];
	[sflag:s30] =	ssyncadd.s32 $0xFFFFD800  }
0x74: {  	[spmem:s26] =	stream.linear.scatter [tilespmem:s31], [sflag:$0x1], $0x2800, $0x38;
	[tilespmem:$0x1F680] =	vst v63  }
0x75: {  	_ =	swait.ge [sflag:s30], $0x2800  }
0x76: {  	[sflag:s30] =	ssyncset.done $0x0  }
0x77: {  	s28 =	rddreg [dreg:$0x15];
	[sflag:s30] =	ssyncadd.s32 $0xFFFFD800  }
0x78: {  	[spmem:s28] =	stream.linear.scatter [tilespmem:s31], [sflag:$0x1], $0x2800, $0x38;
	[tilespmem:$0x1F680] =	vst v63  }
0x79: {  	_ =	swait.ge [sflag:s30], $0x2800  }
0x7a: {  	[sflag:s30] =	ssyncset.done $0x0  }
0x7b: {  	[sflag:s30] =	ssyncadd.s32 $0xFFFFD800  }
0x7c: {  	s29 =	sadd.s32 $0x0, s25;
	[bflag:$0x0] =	sbarrier.arrive $0xFFFF  }
0x7d: {  	[tilespmem:s0], [sflag:$0x1] =	stream.linear.gather [hbm4b:s29+s8], $0x190, $0x38;
	[tilespmem:$0x1F680] =	vst v63  }
0x7e: {  	_ =	swait.ge [sflag:s30], $0x190  }
0x7f: {  	[sflag:s30] =	ssyncset.done $0x0  }
0x80: {  	[sflag:s30] =	ssyncadd.s32 $0xFFFFFE70  }
0x81: {  	v7 =	vld [tilespmem:$0x142C0]  }
0x82: {  	v8 =	vld [tilespmem:$0x142B0]  }
0x83: {  	v9 =	vld [tilespmem:$0x142A0]  }
0x84: {  	v10 =	vld [tilespmem:$0x14280]  }
0x85: {  	v11 =	vld [tilespmem:$0x14290]  }
0x86: {  	[tilespmem:$0x14CC0] =	vst v7  }
0x87: {  	[tilespmem:$0x14CB0] =	vst v8  }
0x88: {  	[tilespmem:$0x14CA0] =	vst v9  }
0x89: {  	[tilespmem:$0x14C80] =	vst v10  }
0x8a: {  	[tilespmem:$0x14C90] =	vst v11  }
0x8b: {  	[spmem:s6] =	stream.indirect.scatter.add.f32 [tilespmem:s4], [sflag:$0x1], $0x1, s3, s2, $0xb8;
	[tilespmem:$0x1F680] =	vst v63  }
0x8c: {  	_ =	swait.ge [sflag:s30], $0x50  }
0x8d: {  	[sflag:s30] =	ssyncset.done $0x0  }
0x8e: {  	[sflag:s30] =	ssyncadd.s32 $0xFFFFFFB0  }
0x8f: {  	v7 =	vld [tilespmem:$0x14310]  }
0x90: {  	v8 =	vld [tilespmem:$0x142E0]  }
0x91: {  	v9 =	vld [tilespmem:$0x142F0]  }
0x92: {  	v10 =	vld [tilespmem:$0x142D0]  }
0x93: {  	v11 =	vld [tilespmem:$0x14300]  }
0x94: {  	[tilespmem:$0x14CC0] =	vst v7  }
0x95: {  	[tilespmem:$0x14C90] =	vst v8  }
0x96: {  	[tilespmem:$0x14CA0] =	vst v9  }
0x97: {  	[tilespmem:$0x14C80] =	vst v10  }
0x98: {  	[tilespmem:$0x14CB0] =	vst v11  }
0x99: {  	[spmem:s6] =	stream.indirect.scatter.add.f32 [tilespmem:s4], [sflag:$0x1], $0x1, s3, s2, $0xb8;
	[tilespmem:$0x1F680] =	vst v63  }
0x9a: {  	_ =	swait.ge [sflag:s30], $0x50  }
0x9b: {  	[sflag:s30] =	ssyncset.done $0x0  }
0x9c: {  	[sflag:s30] =	ssyncadd.s32 $0xFFFFFFB0  }
0x9d: {  	v7 =	vld [tilespmem:$0x14340]  }
0x9e: {  	v8 =	vld [tilespmem:$0x14360]  }
0x9f: {  	v9 =	vld [tilespmem:$0x14320]  }
0xa0: {  	v10 =	vld [tilespmem:$0x14330]  }
0xa1: {  	v11 =	vld [tilespmem:$0x14350]  }
0xa2: {  	[tilespmem:$0x14CA0] =	vst v7  }
0xa3: {  	[tilespmem:$0x14CC0] =	vst v8  }
0xa4: {  	[tilespmem:$0x14C80] =	vst v9  }
0xa5: {  	[tilespmem:$0x14C90] =	vst v10  }
0xa6: {  	[tilespmem:$0x14CB0] =	vst v11  }
0xa7: {  	[spmem:s6] =	stream.indirect.scatter.add.f32 [tilespmem:s4], [sflag:$0x1], $0x1, s3, s2, $0xb8;
	[tilespmem:$0x1F680] =	vst v63  }
0xa8: {  	_ =	swait.ge [sflag:s30], $0x50  }
0xa9: {  	[sflag:s30] =	ssyncset.done $0x0  }
0xaa: {  	[sflag:s30] =	ssyncadd.s32 $0xFFFFFFB0  }
0xab: {  	v9 =	vld [tilespmem:$0x143B0];
	_ =	sdelay $0x1  }
0xac: {  	v10 =	vld [tilespmem:$0x14380]  }
0xad: {  	v8 =	vld [tilespmem:$0x143A0]  }
0xae: {  	v7 =	vld [tilespmem:$0x14390]  }
0xaf: {  	[tilespmem:$0x14CC0] =	vst v9;
	v9 =	vld [tilespmem:$0x14370];
	_ =	sdelay $0x1  }
0xb0: {  	s14 =	simm.s32 $0x32;
	[tilespmem:$0x14C90] =	vst v10  }
.LBB2_4:
0xb1: {  	p1 =	sne.s32 s14, $0x992;
	[tilespmem:$0x14CB0] =	vst v8;
	s15 =	smov.u32 s14;
	s14 =	sadd.s32 $0x32, s14  }
0xb2: {  	[tilespmem:$0x14CA0] =	vst v7  }
0xb3: {  	[tilespmem:$0x14C80] =	vst v9  }
0xb4: {  	[spmem:s6] =	stream.indirect.scatter.add.f32 [tilespmem:s4], [sflag:$0x1], $0x1, s3, s2, $0xb8;
	[tilespmem:$0x1F680] =	vst v63  }
0xb5: {  	_ =	swait.ge [sflag:s30], $0x50  }
0xb6: {  	[sflag:s30] =	ssyncset.done $0x0  }
0xb7: {  	[sflag:s30] =	ssyncadd.s32 $0xFFFFFFB0  }
0xb8: {  	v7 =	vld [tilespmem:$0x143C0]  }
0xb9: {  	v8 =	vld [tilespmem:$0x14400]  }
0xba: {  	v9 =	vld [tilespmem:$0x143F0]  }
0xbb: {  	v10 =	vld [tilespmem:$0x143D0]  }
0xbc: {  	v11 =	vld [tilespmem:$0x143E0]  }
0xbd: {  	[tilespmem:$0x14C80] =	vst v7  }
0xbe: {  	[tilespmem:$0x14CC0] =	vst v8  }
0xbf: {  	[tilespmem:$0x14CB0] =	vst v9  }
0xc0: {  	[tilespmem:$0x14C90] =	vst v10  }
0xc1: {  	[tilespmem:$0x14CA0] =	vst v11  }
0xc2: {  	[spmem:s6] =	stream.indirect.scatter.add.f32 [tilespmem:s4], [sflag:$0x1], $0x1, s3, s2, $0xb8;
	[tilespmem:$0x1F680] =	vst v63  }
0xc3: {  	_ =	swait.ge [sflag:s30], $0x50  }
0xc4: {  	[sflag:s30] =	ssyncset.done $0x0  }
0xc5: {  	s15 =	sadd.s32 s15, s25;
	[sflag:s30] =	ssyncadd.s32 $0xFFFFFFB0  }
0xc6: {  	[tilespmem:s0], [sflag:$0x1] =	stream.linear.gather [hbm4b:s15+s8], $0x190, $0x38;
	[tilespmem:$0x1F680] =	vst v63  }
0xc7: {  	_ =	swait.ge [sflag:s30], $0x190  }
0xc8: {  	[sflag:s30] =	ssyncset.done $0x0  }
0xc9: {  	[sflag:s30] =	ssyncadd.s32 $0xFFFFFE70  }
0xca: {  	v7 =	vld [tilespmem:$0x142C0]  }
0xcb: {  	v8 =	vld [tilespmem:$0x142B0]  }
0xcc: {  	v9 =	vld [tilespmem:$0x142A0]  }
0xcd: {  	v10 =	vld [tilespmem:$0x14280]  }
0xce: {  	v11 =	vld [tilespmem:$0x14290]  }
0xcf: {  	[tilespmem:$0x14CC0] =	vst v7  }
0xd0: {  	[tilespmem:$0x14CB0] =	vst v8  }
0xd1: {  	[tilespmem:$0x14CA0] =	vst v9  }
0xd2: {  	[tilespmem:$0x14C80] =	vst v10  }
0xd3: {  	[tilespmem:$0x14C90] =	vst v11  }
0xd4: {  	[spmem:s6] =	stream.indirect.scatter.add.f32 [tilespmem:s4], [sflag:$0x1], $0x1, s3, s2, $0xb8;
	[tilespmem:$0x1F680] =	vst v63  }
0xd5: {  	_ =	swait.ge [sflag:s30], $0x50  }
0xd6: {  	[sflag:s30] =	ssyncset.done $0x0  }
0xd7: {  	[sflag:s30] =	ssyncadd.s32 $0xFFFFFFB0  }
0xd8: {  	v7 =	vld [tilespmem:$0x14310]  }
0xd9: {  	v8 =	vld [tilespmem:$0x142E0]  }
0xda: {  	v9 =	vld [tilespmem:$0x142F0]  }
0xdb: {  	v10 =	vld [tilespmem:$0x142D0]  }
0xdc: {  	v11 =	vld [tilespmem:$0x14300]  }
0xdd: {  	[tilespmem:$0x14CC0] =	vst v7  }
0xde: {  	[tilespmem:$0x14C90] =	vst v8  }
0xdf: {  	[tilespmem:$0x14CA0] =	vst v9  }
0xe0: {  	[tilespmem:$0x14C80] =	vst v10  }
0xe1: {  	[tilespmem:$0x14CB0] =	vst v11  }
0xe2: {  	[spmem:s6] =	stream.indirect.scatter.add.f32 [tilespmem:s4], [sflag:$0x1], $0x1, s3, s2, $0xb8;
	[tilespmem:$0x1F680] =	vst v63  }
0xe3: {  	_ =	swait.ge [sflag:s30], $0x50  }
0xe4: {  	[sflag:s30] =	ssyncset.done $0x0  }
0xe5: {  	[sflag:s30] =	ssyncadd.s32 $0xFFFFFFB0  }
0xe6: {  	v7 =	vld [tilespmem:$0x14340]  }
0xe7: {  	v8 =	vld [tilespmem:$0x14360]  }
0xe8: {  	v9 =	vld [tilespmem:$0x14320]  }
0xe9: {  	v10 =	vld [tilespmem:$0x14330]  }
0xea: {  	v11 =	vld [tilespmem:$0x14350]  }
0xeb: {  	[tilespmem:$0x14CA0] =	vst v7  }
0xec: {  	[tilespmem:$0x14CC0] =	vst v8  }
0xed: {  	[tilespmem:$0x14C80] =	vst v9  }
0xee: {  	[tilespmem:$0x14C90] =	vst v10  }
0xef: {  	[tilespmem:$0x14CB0] =	vst v11  }
0xf0: {  	[spmem:s6] =	stream.indirect.scatter.add.f32 [tilespmem:s4], [sflag:$0x1], $0x1, s3, s2, $0xb8;
	[tilespmem:$0x1F680] =	vst v63  }
0xf1: {  	_ =	swait.ge [sflag:s30], $0x50  }
0xf2: {  	[sflag:s30] =	ssyncset.done $0x0  }
0xf3: {  	[sflag:s30] =	ssyncadd.s32 $0xFFFFFFB0  }
0xf4: {  	v10 =	vld [tilespmem:$0x143B0]  }
0xf5: {  	v11 =	vld [tilespmem:$0x14380]  }
.Ltmp1:
0xf6: {  	v8 =	vld [tilespmem:$0x143A0];
	(pc) =	sbr.rel @p1 .LBB2_4-.Ltmp1, $4  }
0xf7: {  	v7 =	vld [tilespmem:$0x14390]  }
0xf8: {  	v9 =	vld [tilespmem:$0x14370]  }
0xf9: {  	[tilespmem:$0x14CC0] =	vst v10  }
0xfa: {  	[tilespmem:$0x14C90] =	vst v11  }
0xfb: {  	[tilespmem:$0x14CB0] =	vst v8  }
0xfc: {  	[tilespmem:$0x14CA0] =	vst v7  }
0xfd: {  	[tilespmem:$0x14C80] =	vst v9  }
0xfe: {  	[spmem:s6] =	stream.indirect.scatter.add.f32 [tilespmem:s4], [sflag:$0x1], $0x1, s3, s2, $0xb8;
	[tilespmem:$0x1F680] =	vst v63  }
0xff: {  	_ =	swait.ge [sflag:s30], $0x50  }
0x100: {  	[sflag:s30] =	ssyncset.done $0x0  }
0x101: {  	[sflag:s30] =	ssyncadd.s32 $0xFFFFFFB0  }
0x102: {  	v7 =	vld [tilespmem:$0x143C0]  }
0x103: {  	v8 =	vld [tilespmem:$0x14400]  }
0x104: {  	v9 =	vld [tilespmem:$0x143F0]  }
0x105: {  	v10 =	vld [tilespmem:$0x143D0]  }
0x106: {  	v11 =	vld [tilespmem:$0x143E0]  }
0x107: {  	[tilespmem:$0x14C80] =	vst v7  }
0x108: {  	[tilespmem:$0x14CC0] =	vst v8  }
0x109: {  	[tilespmem:$0x14CB0] =	vst v9  }
0x10a: {  	[tilespmem:$0x14C90] =	vst v10  }
0x10b: {  	[tilespmem:$0x14CA0] =	vst v11  }
0x10c: {  	[spmem:s6] =	stream.indirect.scatter.add.f32 [tilespmem:s4], [sflag:$0x1], $0x1, s3, s2, $0xb8;
	[tilespmem:$0x1F680] =	vst v63  }
0x10d: {  	_ =	swait.ge [sflag:s30], $0x50  }
0x10e: {  	[sflag:s30] =	ssyncset.done $0x0  }
0x10f: {  	[sflag:s30] =	ssyncadd.s32 $0xFFFFFFB0  }
0x110: {  	[bflag:$0x0] =	sbarrier.arrive $0xFFFF  }
0x111: {  	[tilespmem:s22], [sflag:$0x1] =	stream.linear.gather [spmem:s10], $0x280, $0x38;
	[tilespmem:$0x1F680] =	vst v63  }
0x112: {  	_ =	swait.ge [sflag:s30], $0x280  }
0x113: {  	[sflag:s30] =	ssyncset.done $0x0  }
0x114: {  	s22 =	simm.s32 $0x0;
	[sflag:s30] =	ssyncadd.s32 $0xFFFFFD80  }
0x115: {  	v7 =	vld [tilespmem:s22+$0x1EE80];
	_ =	sdelay $0x4  }
0x116: {  	s14 =	simm.s32 $0x10;
	v8 =	vshra.s32 v7, $0x1;
	v12 =	vmul.f32 $5.000000000e-01, v7  }
0x117: {  	v9 =	vld [tilespmem:s14+$0x1EE80];
	v10 =	vsub.s32 $0x5F3759DF, v8  }
0x118: {  	v8 =	vmul.f32 v10, v12;
	_ =	sdelay $0x1  }
0x119: {  	v11 =	vmul.f32 v10, v8  }
0x11a: {  	s15 =	simm.s32 $0x20  }
0x11b: {  	v14 =	vld [tilespmem:s15+$0x1EE80];
	v13 =	vshra.s32 v9, $0x1;
	v8 =	vmul.f32 $5.000000000e-01, v9;
	v11 =	vsub.f32 $1.500000000e+00, v11  }
0x11c: {  	(erf) = vrcp.f32 v7;
	v13 =	vsub.s32 $0x5F3759DF, v13  }
0x11d: {  	v15 =	vmul.f32 v13, v8;
	v10 =	vmul.f32 v10, v11;
	_ =	sdelay $0x1  }
0x11e: {  	v11 =	vmul.f32 v13, v15;
	v15 =	vmul.f32 v10, v12  }
0x11f: {  	s16 =	simm.s32 $0x30;
	v7 =	vmul.f32 $5.000000000e-01, v14;
	(erf) = vrcp.f32 v9;
	v9 =	vshra.s32 v14, $0x1  }
0x120: {  	v16 =	vld [tilespmem:s16+$0x1EE80];
	v17 =	vsub.s32 $0x5F3759DF, v9;
	v11 =	vsub.f32 $1.500000000e+00, v11;
	v15 =	vmul.f32 v15, v10  }
0x121: {  	v9 =	vmul.f32 v17, v7  }
0x122: {  	v11 =	vmul.f32 v13, v11;
	v13 =	vsub.f32 $1.500000000e+00, v15  }
0x123: {  	(erf) = vrcp.f32 v14;
	v14 =	vmul.f32 v17, v9  }
0x124: {  	v18 =	vpop (erf);
	v15 =	vmul.f32 v11, v8;
	v9 =	vmul.f32 v13, v10  }
0x125: {  	s17 =	simm.s32 $0x40;
	v14 =	vsub.f32 $1.500000000e+00, v14;
	[tilespmem:s22+$0x1F380] =	vst v18;
	v10 =	vmul.f32 $5.000000000e-01, v16  }
0x126: {  	v13 =	vshra.s32 v16, $0x1;
	v19 =	vmul.f32 v15, v11;
	v15 =	vmul.f32 v9, v12;
	v12 =	vld [tilespmem:s17+$0x1EE80]  }
0x127: {  	(erf) = vrcp.f32 v16;
	v13 =	vsub.s32 $0x5F3759DF, v13  }
0x128: {  	v14 =	vmul.f32 v17, v14;
	v18 =	vmul.f32 v13, v10  }
0x129: {  	v17 =	vpop (erf);
	v16 =	vsub.f32 $1.500000000e+00, v19;
	v15 =	vmul.f32 v15, v9  }
0x12a: {  	s24 =	simm.s32 $0x140;
	[tilespmem:s14+$0x1F380] =	vst v17;
	v17 =	vmul.f32 v14, v7;
	v18 =	vmul.f32 v13, v18  }
.LBB2_6:
0x12b: {  	s18 =	sshra.s32 s24, $0x2;
	v19 =	vshra.s32 v12, $0x1;
	v16 =	vmul.f32 v16, v11;
	v15 =	vsub.f32 $1.500000000e+00, v15;
	v20 =	vmovc v12;
	v11 =	vmovc v14;
	p1 =	sne.s32 s24, $0x9C0  }
.Ltmp2:
0x12c: {  	v12 =	vld [tilespmem:s18+$0x1EE80];
	v21 =	vmul.f32 $5.000000000e-01, v20;
	v14 =	vsub.f32 $1.500000000e+00, v18;
	v17 =	vmul.f32 v17, v11;
	v18 =	vpop (erf);
	(pc) =	sbr.rel @p1 .LBB2_6-.Ltmp2, $4  }
0x12d: {  	s24 =	sadd.s32 $0x40, s24;
	v19 =	vsub.s32 $0x5F3759DF, v19;
	[tilespmem:s15+$0x1F380] =	vst v18;
	v18 =	vmul.f32 v16, v8;
	v22 =	vmul.f32 v15, v9;
	v9 =	vmovc v16  }
0x12e: {  	v8 =	vmovc v7;
	v7 =	vmovc v10;
	v23 =	vmul.f32 v19, v21;
	v14 =	vmul.f32 v13, v14;
	v10 =	vmov v21  }
0x12f: {  	v16 =	vsub.f32 $1.500000000e+00, v17;
	v13 =	vmovc v19;
	(erf) = vrcp.f32 v20;
	v15 =	vmul.f32 v18, v9;
	[tilespmem:s22+$0x1F100] =	vst v22;
	s22 =	smov.u32 s14;
	s14 =	smov.u32 s15;
	s15 =	smov.u32 s16  }
0x130: {  	s16 =	smov.u32 s17;
	s17 =	smov.u32 s18;
	v18 =	vmul.f32 v13, v23;
	v17 =	vmul.f32 v14, v7  }
0x131: {  	v19 =	vshra.s32 v12, $0x1;
	v20 =	vmul.f32 $5.000000000e-01, v12  }
0x132: {  	v19 =	vsub.s32 $0x5F3759DF, v19  }
0x133: {  	v21 =	vmul.f32 v19, v20;
	_ =	sdelay $0x1  }
0x134: {  	v21 =	vmul.f32 v19, v21  }
0x135: {  	v18 =	vsub.f32 $1.500000000e+00, v18  }
0x136: {  	v21 =	vsub.f32 $1.500000000e+00, v21  }
0x137: {  	v13 =	vmul.f32 v13, v18  }
0x138: {  	v55 =	vmul.f32 v19, v21  }
0x139: {  	v11 =	vmul.f32 v16, v11;
	v56 =	vmul.f32 v13, v10  }
0x13a: {  	v17 =	vmul.f32 v17, v14;
	v21 =	vmul.f32 v55, v20  }
0x13b: {  	v8 =	vmul.f32 v11, v8;
	v57 =	vmul.f32 v56, v13  }
0x13c: {  	(erf) = vrcp.f32 v12;
	v17 =	vsub.f32 $1.500000000e+00, v17;
	v58 =	vmul.f32 v21, v55  }
0x13d: {  	v15 =	vsub.f32 $1.500000000e+00, v15;
	v8 =	vmul.f32 v8, v11;
	v59 =	vsub.f32 $1.500000000e+00, v57  }
0x13e: {  	v60 =	vmul.f32 v17, v14;
	v61 =	vsub.f32 $1.500000000e+00, v58  }
0x13f: {  	v9 =	vmul.f32 v15, v9;
	v8 =	vsub.f32 $1.500000000e+00, v8;
	v12 =	vmul.f32 v59, v13  }
0x140: {  	v7 =	vmul.f32 v60, v7;
	v62 =	vmul.f32 v61, v55  }
0x141: {  	v8 =	vmul.f32 v8, v11;
	v10 =	vmul.f32 v12, v10  }
0x142: {  	v63 =	vpop (erf);
	v7 =	vmul.f32 v7, v60;
	v16 =	vmul.f32 v62, v20  }
0x143: {  	[tilespmem:s15+$0x1F380] =	vst v63;
	v10 =	vmul.f32 v10, v12  }
0x144: {  	[tilespmem:s22+$0x1F100] =	vst v9;
	v9 =	vpop (erf);
	v7 =	vsub.f32 $1.500000000e+00, v7;
	v11 =	vmul.f32 v16, v62  }
0x145: {  	[tilespmem:s16+$0x1F380] =	vst v9;
	v9 =	vsub.f32 $1.500000000e+00, v10  }
0x146: {  	[tilespmem:s14+$0x1F100] =	vst v8;
	v8 =	vpop (erf);
	v7 =	vmul.f32 v7, v60;
	v10 =	vsub.f32 $1.500000000e+00, v11  }
0x147: {  	[tilespmem:s17+$0x1F380] =	vst v8;
	v8 =	vmul.f32 v9, v12  }
0x148: {  	[tilespmem:s15+$0x1F100] =	vst v7;
	v7 =	vmul.f32 v10, v62  }
0x149: {  	[tilespmem:s16+$0x1F100] =	vst v8  }
0x14a: {  	s9 =	simm.s32 $0x1F100;
	[tilespmem:s17+$0x1F100] =	vst v7  }
0x14b: {  	[spmem:s10] =	stream.linear.scatter [tilespmem:s9], [sflag:$0x1], $0x280, $0x38;
	[tilespmem:$0x1F680] =	vst v63  }
0x14c: {  	_ =	swait.ge [sflag:s30], $0x280  }
0x14d: {  	s14 =	simm.s32 @!p0 $0x0;
	[sflag:s30] =	ssyncset.done $0x0  }
0x14e: {  	s15 =	simm.s32 @!p0 $0x1F380;
	s9 =	rddreg [dreg:$0x12];
	[sflag:s30] =	ssyncadd.s32 $0xFFFFFD80  }
0x14f: {  	[hbm4b:s9+s14] =	stream.linear.scatter @!p0 [tilespmem:s15], [sflag:$0x1], $0x280, $0x38;
	[tilespmem:$0x1F680] =	vst v63  }
0x150: {  	s14 =	simm.s32 @!p0 $0x1  }
0x151: {  	_ =	swait.ge @!p0 [sflag:s14], $0x280  }
0x152: {  	[sflag:s14] =	ssyncset.done @!p0 $0x0  }
0x153: {  	[sflag:s14] =	ssyncadd.s32 @!p0 $0xFFFFFD80  }
0x154: {  	[bflag:$0x0] =	sbarrier.arrive $0xFFFF  }
0x155: {  	[tilespmem:s7], [sflag:$0x1] =	stream.linear.gather [spmem:s6], $0x2800, $0x38;
	[tilespmem:$0x1F680] =	vst v63  }
0x156: {  	_ =	swait.ge [sflag:s30], $0x2800  }
0x157: {  	[sflag:s30] =	ssyncset.done $0x0  }
0x158: {  	s24 =	simm.s32 $0x0;
	[sflag:s30] =	ssyncadd.s32 $0xFFFFD800  }
0x159: {  	s18 =	smulhi.u32 $0xAAAAAAAB, s24;
	s15 =	simm.s32 $0x14D80;
	s14 =	rddreg [dreg:$0x2]  }
0x15a: {  	[tilespmem:s15], [sflag:$0x1] =	stream.linear.gather [hbm4b:s14+s24], $0x280, $0x38;
	[tilespmem:$0x1F680] =	vst v63  }
0x15b: {  	s26 =	simm.s32 $0x15580;
	p1 =	por $0x0, $0x0;
	s14 =	sshrl.u32 s18, $0x3  }
0x15c: {  	s9 =	sand.u32 $0x1, s24;
	_ =	swait.ge [sflag:s30], $0x280;
	s29 =	smul.u32 $0xFFFFFFF4, s14  }
0x15d: {  	s17 =	simm.s32 $0x15180;
	p3 =	seq.s32 s9, $0x1;
	[sflag:s30] =	ssyncset.done $0x0  }
0x15e: {  	s14 =	smul.u32 $0x600, s14;
	[sflag:s30] =	ssyncadd.s32 $0xFFFFFD80;
	s15 =	sadd.s32 $0x0, s29  }
0x15f: {  	s16 =	rddreg [dreg:$0x3];
	s10 =	sand.u32 $0x80, s15;
	p2 =	slt.s32 s15, $0x1  }
0x160: {  	[tilespmem:s17], [sflag:$0x1] =	stream.linear.gather [hbm4b:s16+s24], $0x300, $0x38;
	[tilespmem:$0x1F680] =	vst v63  }
0x161: {  	s18 =	sshrl.u32 s10, $0x7;
	p3 =	por !p2, !p3;
	s16 =	simm.s32 $0x1  }
0x162: {  	p2 =	por !p2, !p1;
	_ =	swait.ge [sflag:s30], $0x300;
	s15 =	sadd.s32 s18, s15  }
0x163: {  	p3 =	por !p3, !p3;
	p2 =	por !p2, !p2;
	[sflag:s30] =	ssyncset.done $0x0  }
0x164: {  	s18 =	simm.s32 $0x1;
	s15 =	sshll.u32 s15, $0x18;
	[sflag:s30] =	ssyncadd.s32 $0xFFFFFD00  }
0x165: {  	s16 =	simm.s32 @!p3 $0x0;
	s15 =	sshra.s32 s15, $0x19;
	s22 =	rddreg [dreg:$0x4]  }
0x166: {  	[tilespmem:s26], [sflag:$0x1] =	stream.linear.gather [hbm4b:s22+s24], $0x100, $0x38;
	[tilespmem:$0x1F680] =	vst v63  }
0x167: {  	s16 =	ssub.s32 s15, s16;
	s22 =	smul.u32 $0xAB, s24;
	_ =	swait.ge [sflag:s30], $0x100  }
0x168: {  	s18 =	simm.s32 @!p2 $0x0;
	s16 =	sshll.u32 s16, $0x9;
	[sflag:s30] =	ssyncset.done $0x0  }
0x169: {  	s29 =	sshra.s32 s16, $0x2;
	s17 =	sshrl.u32 s22, $0x4;
	[sflag:s30] =	ssyncadd.s32 $0xFFFFFF00  }
0x16a: {  	s15 =	ssub.s32 s15, s18;
	s17 =	sand.u32 $0xF80, s17;
	v7 =	vld [tilespmem:s29+$0x15180]  }
0x16b: {  	s14 =	ssub.s32 $0x0, s14;
	s15 =	sshll.u32 s15, $0x8;
	v8 =	vld [tilespmem:s17+$0x14D80]  }
0x16c: {  	s22 =	ssub.s32 s14, s15  }
0x16d: {  	v9 =	vld [tilespmem:s22+$0x15580];
	_ =	sdelay $0x2  }
0x16e: {  	v7 =	vadd.f32 v7, v8;
	_ =	sdelay $0x1  }
0x16f: {  	v7 =	vadd.f32 v9, v7  }
0x170: {  	s28 =	simm.s32 $0x156C0  }
0x171: {  	[tilespmem:s28+$0xFFFFFFC0] =	vst v7  }
0x172: {  	v7 =	vld [tilespmem:s17+$0x14D90]  }
0x173: {  	v8 =	vld [tilespmem:s29+$0x15190];
	_ =	sdelay $0x1  }
0x174: {  	v9 =	vld [tilespmem:s22+$0x15590];
	_ =	sdelay $0x2  }
0x175: {  	v7 =	vadd.f32 v8, v7;
	_ =	sdelay $0x1  }
0x176: {  	v7 =	vadd.f32 v9, v7;
	_ =	sdelay $0x1  }
0x177: {  	[tilespmem:s28+$0xFFFFFFD0] =	vst v7  }
0x178: {  	v7 =	vld [tilespmem:s17+$0x14DA0]  }
0x179: {  	v8 =	vld [tilespmem:s29+$0x151A0];
	_ =	sdelay $0x1  }
0x17a: {  	v9 =	vld [tilespmem:s22+$0x155A0];
	_ =	sdelay $0x2  }
0x17b: {  	v7 =	vadd.f32 v8, v7;
	_ =	sdelay $0x1  }
0x17c: {  	v7 =	vadd.f32 v9, v7;
	_ =	sdelay $0x1  }
0x17d: {  	[tilespmem:s28+$0xFFFFFFE0] =	vst v7  }
0x17e: {  	v7 =	vld [tilespmem:s17+$0x14DB0]  }
0x17f: {  	v8 =	vld [tilespmem:s29+$0x151B0];
	_ =	sdelay $0x1  }
0x180: {  	v9 =	vld [tilespmem:s22+$0x155B0];
	_ =	sdelay $0x2  }
0x181: {  	v7 =	vadd.f32 v8, v7;
	_ =	sdelay $0x1  }
0x182: {  	v7 =	vadd.f32 v9, v7;
	_ =	sdelay $0x1  }
0x183: {  	[tilespmem:s28+$0xFFFFFFF0] =	vst v7  }
0x184: {  	v7 =	vld [tilespmem:s17+$0x14DC0]  }
0x185: {  	v8 =	vld [tilespmem:s29+$0x151C0];
	_ =	sdelay $0x1  }
0x186: {  	v9 =	vld [tilespmem:s22+$0x155C0];
	_ =	sdelay $0x2  }
0x187: {  	v7 =	vadd.f32 v8, v7;
	_ =	sdelay $0x1  }
0x188: {  	v7 =	vadd.f32 v9, v7;
	_ =	sdelay $0x1  }
0x189: {  	[tilespmem:s28+$0x0] =	vst v7  }
0x18a: {  	v7 =	vld [tilespmem:s17+$0x14DD0]  }
0x18b: {  	v8 =	vld [tilespmem:s29+$0x151D0];
	_ =	sdelay $0x1  }
0x18c: {  	v9 =	vld [tilespmem:s22+$0x155D0];
	_ =	sdelay $0x2  }
0x18d: {  	v7 =	vadd.f32 v8, v7;
	_ =	sdelay $0x1  }
0x18e: {  	v7 =	vadd.f32 v9, v7;
	_ =	sdelay $0x1  }
0x18f: {  	[tilespmem:s28+$0x10] =	vst v7  }
0x190: {  	v7 =	vld [tilespmem:s17+$0x14DE0]  }
0x191: {  	v8 =	vld [tilespmem:s29+$0x151E0];
	_ =	sdelay $0x1  }
0x192: {  	v9 =	vld [tilespmem:s22+$0x155E0];
	_ =	sdelay $0x2  }
0x193: {  	v7 =	vadd.f32 v8, v7  }
0x194: {  	s14 =	simm.s32 $0x1  }
0x195: {  	s26 =	smulhi.u32 $0xAAAAAAAB, s14;
	v7 =	vadd.f32 v9, v7;
	_ =	sdelay $0x1  }
0x196: {  	s15 =	sshrl.u32 s26, $0x3;
	[tilespmem:s28+$0x20] =	vst v7  }
0x197: {  	p1 =	por !p1, !p1;
	s16 =	simm.s32 $0x2;
	s18 =	smul.u32 $0xFFFFFFF4, s15;
	v7 =	vld [tilespmem:s17+$0x14DF0]  }
0x198: {  	s26 =	simm.s32 $0x15740;
	s17 =	smul.u32 $0x600, s15;
	v8 =	vld [tilespmem:s29+$0x151F0];
	s15 =	simm.s32 $0x80  }
.LBB2_8:
0x199: {  	s18 =	sadd.s32 s18, s14;
	s10 =	sand.u32 $0x1, s14  }
0x19a: {  	v9 =	vld [tilespmem:s22+$0x155F0];
	s22 =	smov.u32 s16;
	s29 =	sadd.s32 $0x1, s16;
	s9 =	sand.u32 $0x80, s18  }
0x19b: {  	p2 =	slt.s32 s18, $0x1;
	p3 =	seq.s32 s10, $0x1;
	s10 =	simm.s32 $0x1  }
0x19c: {  	s9 =	sshrl.u32 s9, $0x7;
	p3 =	por !p2, !p3;
	p2 =	por !p2, !p1  }
0x19d: {  	s9 =	sadd.s32 s9, s18;
	p3 =	por !p3, !p3;
	p4 =	por !p2, !p2  }
0x19e: {  	p2 =	sne.s32 s16, $0x3B;
	s16 =	simm.s32 $0x1;
	s9 =	sshll.u32 s9, $0x18;
	v7 =	vadd.f32 v8, v7  }
0x19f: {  	s10 =	simm.s32 @!p3 $0x0;
	s16 =	simm.s32 @!p4 $0x0;
	s9 =	sshra.s32 s9, $0x19  }
0x1a0: {  	s18 =	smul.u32 $0xAB, s14;
	s10 =	ssub.s32 s9, s10;
	s9 =	ssub.s32 s9, s16;
	v7 =	vadd.f32 v9, v7  }
0x1a1: {  	s14 =	smov.u32 s22;
	s10 =	sshll.u32 s10, $0x9;
	s9 =	sshll.u32 s9, $0x8  }
0x1a2: {  	s18 =	sshrl.u32 s18, $0x4;
	s16 =	sshra.s32 s10, $0x2;
	[tilespmem:s28+$0x30] =	vst v7;
	s28 =	smov.u32 s26  }
0x1a3: {  	s10 =	ssub.s32 s15, s17;
	s17 =	sand.u32 $0xF80, s18;
	v7 =	vld [tilespmem:s16+$0x15180]  }
0x1a4: {  	s22 =	ssub.s32 s10, s9;
	v8 =	vld [tilespmem:s17+$0x14D80]  }
0x1a5: {  	v9 =	vld [tilespmem:s22+$0x15580];
	_ =	sdelay $0x3  }
0x1a6: {  	v7 =	vadd.f32 v7, v8;
	_ =	sdelay $0x1  }
0x1a7: {  	v7 =	vadd.f32 v9, v7;
	_ =	sdelay $0x1  }
0x1a8: {  	[tilespmem:s26+$0xFFFFFFC0] =	vst v7  }
0x1a9: {  	v7 =	vld [tilespmem:s17+$0x14D90]  }
0x1aa: {  	v8 =	vld [tilespmem:s16+$0x15190];
	_ =	sdelay $0x1  }
0x1ab: {  	v9 =	vld [tilespmem:s22+$0x15590];
	_ =	sdelay $0x2  }
0x1ac: {  	v7 =	vadd.f32 v8, v7;
	_ =	sdelay $0x1  }
0x1ad: {  	v7 =	vadd.f32 v9, v7;
	_ =	sdelay $0x1  }
0x1ae: {  	[tilespmem:s26+$0xFFFFFFD0] =	vst v7  }
0x1af: {  	v7 =	vld [tilespmem:s17+$0x14DA0]  }
0x1b0: {  	v8 =	vld [tilespmem:s16+$0x151A0]  }
0x1b1: {  	v9 =	vld [tilespmem:s22+$0x155A0];
	_ =	sdelay $0x3  }
0x1b2: {  	v7 =	vadd.f32 v8, v7;
	_ =	sdelay $0x1  }
0x1b3: {  	v7 =	vadd.f32 v9, v7;
	_ =	sdelay $0x1  }
0x1b4: {  	[tilespmem:s26+$0xFFFFFFE0] =	vst v7  }
0x1b5: {  	v7 =	vld [tilespmem:s17+$0x14DB0]  }
0x1b6: {  	v8 =	vld [tilespmem:s16+$0x151B0];
	_ =	sdelay $0x1  }
0x1b7: {  	v9 =	vld [tilespmem:s22+$0x155B0];
	_ =	sdelay $0x2  }
0x1b8: {  	v7 =	vadd.f32 v8, v7;
	_ =	sdelay $0x1  }
0x1b9: {  	v7 =	vadd.f32 v9, v7;
	_ =	sdelay $0x1  }
0x1ba: {  	[tilespmem:s26+$0xFFFFFFF0] =	vst v7  }
0x1bb: {  	v7 =	vld [tilespmem:s17+$0x14DC0]  }
0x1bc: {  	v8 =	vld [tilespmem:s16+$0x151C0]  }
0x1bd: {  	v9 =	vld [tilespmem:s22+$0x155C0];
	_ =	sdelay $0x3  }
0x1be: {  	v7 =	vadd.f32 v8, v7;
	_ =	sdelay $0x1  }
0x1bf: {  	v7 =	vadd.f32 v9, v7;
	_ =	sdelay $0x1  }
0x1c0: {  	[tilespmem:s26+$0x0] =	vst v7  }
0x1c1: {  	v7 =	vld [tilespmem:s17+$0x14DD0]  }
0x1c2: {  	v8 =	vld [tilespmem:s16+$0x151D0]  }
0x1c3: {  	v9 =	vld [tilespmem:s22+$0x155D0];
	_ =	sdelay $0x3  }
0x1c4: {  	v7 =	vadd.f32 v8, v7;
	_ =	sdelay $0x1  }
0x1c5: {  	v7 =	vadd.f32 v9, v7;
	_ =	sdelay $0x1  }
0x1c6: {  	[tilespmem:s26+$0x10] =	vst v7  }
0x1c7: {  	v7 =	vld [tilespmem:s17+$0x14DE0]  }
0x1c8: {  	v8 =	vld [tilespmem:s16+$0x151E0]  }
0x1c9: {  	v9 =	vld [tilespmem:s22+$0x155E0];
	_ =	sdelay $0x3  }
0x1ca: {  	v7 =	vadd.f32 v8, v7  }
0x1cb: {  	s9 =	smulhi.u32 $0xAAAAAAAB, s14  }
.Ltmp3:
0x1cc: {  	v7 =	vadd.f32 v9, v7;
	(pc) =	sbr.rel @p2 .LBB2_8-.Ltmp3, $4  }
0x1cd: {  	_ = 	snop  }
0x1ce: {  	s9 =	sshrl.u32 s9, $0x3;
	[tilespmem:s26+$0x20] =	vst v7  }
0x1cf: {  	p1 =	por !p1, !p1;
	s18 =	smul.u32 $0xFFFFFFF4, s9;
	s26 =	sadd.s32 $0x80, s26;
	v7 =	vld [tilespmem:s17+$0x14DF0]  }
0x1d0: {  	s15 =	sadd.s32 $0x80, s15;
	s17 =	smul.u32 $0x600, s9;
	v8 =	vld [tilespmem:s16+$0x151F0];
	s16 =	smov.u32 s29  }
0x1d1: {  	s9 =	sadd.s32 s18, s14  }
0x1d2: {  	s10 =	sand.u32 $0x1, s14;
	v9 =	vld [tilespmem:s22+$0x155F0];
	s16 =	sand.u32 $0x80, s9  }
0x1d3: {  	p2 =	slt.s32 s9, $0x1;
	p3 =	seq.s32 s10, $0x1;
	s18 =	sshrl.u32 s16, $0x7  }
0x1d4: {  	p3 =	por !p2, !p3;
	s9 =	sadd.s32 s18, s9  }
0x1d5: {  	s10 =	simm.s32 $0x1;
	p3 =	por !p3, !p3;
	s9 =	sshll.u32 s9, $0x18;
	v7 =	vadd.f32 v8, v7  }
0x1d6: {  	s10 =	simm.s32 @!p3 $0x0;
	s9 =	sshra.s32 s9, $0x19  }
0x1d7: {  	s22 =	smul.u32 $0xAB, s14;
	p1 =	por !p2, !p1;
	s10 =	ssub.s32 s9, s10;
	v7 =	vadd.f32 v9, v7  }
0x1d8: {  	s16 =	simm.s32 $0x1;
	p1 =	por !p1, !p1;
	s10 =	sshll.u32 s10, $0x9  }
0x1d9: {  	s14 =	sshrl.u32 s22, $0x4;
	s16 =	simm.s32 @!p1 $0x0;
	s10 =	sshra.s32 s10, $0x2;
	[tilespmem:s28+$0x30] =	vst v7  }
0x1da: {  	s14 =	sand.u32 $0xF80, s14;
	s9 =	ssub.s32 s9, s16;
	v7 =	vld [tilespmem:s10+$0x15180]  }
0x1db: {  	s15 =	ssub.s32 s15, s17;
	s9 =	sshll.u32 s9, $0x8;
	v8 =	vld [tilespmem:s14+$0x14D80]  }
0x1dc: {  	s9 =	ssub.s32 s15, s9  }
0x1dd: {  	v56 =	vld [tilespmem:s9+$0x15580];
	_ =	sdelay $0x2  }
0x1de: {  	v7 =	vadd.f32 v7, v8;
	_ =	sdelay $0x1  }
0x1df: {  	v7 =	vadd.f32 v56, v7;
	_ =	sdelay $0x1  }
0x1e0: {  	[tilespmem:s26+$0xFFFFFFC0] =	vst v7  }
0x1e1: {  	v7 =	vld [tilespmem:s14+$0x14D90]  }
0x1e2: {  	v8 =	vld [tilespmem:s10+$0x15190];
	_ =	sdelay $0x1  }
0x1e3: {  	v57 =	vld [tilespmem:s9+$0x15590];
	_ =	sdelay $0x2  }
0x1e4: {  	v7 =	vadd.f32 v8, v7;
	_ =	sdelay $0x1  }
0x1e5: {  	v7 =	vadd.f32 v57, v7;
	_ =	sdelay $0x1  }
0x1e6: {  	[tilespmem:s26+$0xFFFFFFD0] =	vst v7  }
0x1e7: {  	v7 =	vld [tilespmem:s14+$0x14DA0]  }
0x1e8: {  	v8 =	vld [tilespmem:s10+$0x151A0];
	_ =	sdelay $0x1  }
0x1e9: {  	v58 =	vld [tilespmem:s9+$0x155A0];
	_ =	sdelay $0x2  }
0x1ea: {  	v7 =	vadd.f32 v8, v7;
	_ =	sdelay $0x1  }
0x1eb: {  	v7 =	vadd.f32 v58, v7;
	_ =	sdelay $0x1  }
0x1ec: {  	[tilespmem:s26+$0xFFFFFFE0] =	vst v7  }
0x1ed: {  	v7 =	vld [tilespmem:s14+$0x14DB0]  }
0x1ee: {  	v8 =	vld [tilespmem:s10+$0x151B0];
	_ =	sdelay $0x1  }
0x1ef: {  	v59 =	vld [tilespmem:s9+$0x155B0];
	_ =	sdelay $0x2  }
0x1f0: {  	v7 =	vadd.f32 v8, v7;
	_ =	sdelay $0x1  }
0x1f1: {  	v7 =	vadd.f32 v59, v7;
	_ =	sdelay $0x1  }
0x1f2: {  	[tilespmem:s26+$0xFFFFFFF0] =	vst v7  }
0x1f3: {  	v7 =	vld [tilespmem:s14+$0x14DC0]  }
0x1f4: {  	v8 =	vld [tilespmem:s10+$0x151C0];
	_ =	sdelay $0x1  }
0x1f5: {  	v60 =	vld [tilespmem:s9+$0x155C0];
	_ =	sdelay $0x2  }
0x1f6: {  	v7 =	vadd.f32 v8, v7;
	_ =	sdelay $0x1  }
0x1f7: {  	v7 =	vadd.f32 v60, v7;
	_ =	sdelay $0x1  }
0x1f8: {  	[tilespmem:s26+$0x0] =	vst v7  }
0x1f9: {  	v7 =	vld [tilespmem:s14+$0x14DD0]  }
0x1fa: {  	v8 =	vld [tilespmem:s10+$0x151D0];
	_ =	sdelay $0x1  }
0x1fb: {  	v61 =	vld [tilespmem:s9+$0x155D0];
	_ =	sdelay $0x2  }
0x1fc: {  	v7 =	vadd.f32 v8, v7;
	_ =	sdelay $0x1  }
0x1fd: {  	v7 =	vadd.f32 v61, v7;
	_ =	sdelay $0x1  }
0x1fe: {  	[tilespmem:s26+$0x10] =	vst v7  }
0x1ff: {  	v7 =	vld [tilespmem:s14+$0x14DE0]  }
0x200: {  	v8 =	vld [tilespmem:s10+$0x151E0];
	_ =	sdelay $0x1  }
0x201: {  	v62 =	vld [tilespmem:s9+$0x155E0];
	_ =	sdelay $0x2  }
0x202: {  	v7 =	vadd.f32 v8, v7;
	_ =	sdelay $0x1  }
0x203: {  	v7 =	vadd.f32 v62, v7;
	_ =	sdelay $0x1  }
0x204: {  	[tilespmem:s26+$0x20] =	vst v7  }
0x205: {  	v7 =	vld [tilespmem:s14+$0x14DF0]  }
0x206: {  	v8 =	vld [tilespmem:s10+$0x151F0];
	_ =	sdelay $0x1  }
0x207: {  	v63 =	vld [tilespmem:s9+$0x155F0];
	_ =	sdelay $0x2  }
0x208: {  	v7 =	vadd.f32 v8, v7  }
0x209: {  	s17 =	rddreg [dreg:$0x9]  }
0x20a: {  	s18 =	rddreg [dreg:$0xb];
	v7 =	vadd.f32 v63, v7  }
0x20b: {  	s29 =	simm.s32 $0x14A80;
	s22 =	simm.s32 $0x1EE80;
	s16 =	rddreg [dreg:$0x8]  }
0x20c: {  	s15 =	simm.s32 $0x14480;
	s28 =	simm.s32 $0x14880;
	[tilespmem:s26+$0x30] =	vst v7;
	s26 =	simm.s32 $0x14680  }
.LBB2_10:
0x20d: {  	s9 =	smul.u32 $0x190, s24;
	_ =	sdelay $0x1  }
0x20e: {  	s9 =	sadd.s32 s23, s9  }
0x20f: {  	s9 =	sshrl.u32 s9, $0x3  }
0x210: {  	s14 =	simm.s32 $0x0;
	s10 =	sadd.s32 s16, s9  }
0x211: {  	[tilespmem:s0], [sflag:$0x1] =	stream.linear.gather [hbm4b:s10+s14], $0x190, $0x38;
	[tilespmem:$0x1F680] =	vst v63  }
0x212: {  	_ =	swait.ge [sflag:s30], $0x190  }
0x213: {  	[sflag:s30] =	ssyncset.done $0x0  }
0x214: {  	s10 =	sadd.s32 s17, s9;
	[sflag:s30] =	ssyncadd.s32 $0xFFFFFE70  }
0x215: {  	[tilespmem:s15], [sflag:$0x1] =	stream.linear.gather [hbm4b:s10+s14], $0x190, $0x38;
	[tilespmem:$0x1F680] =	vst v63  }
0x216: {  	_ =	swait.ge [sflag:s30], $0x190  }
0x217: {  	[sflag:s30] =	ssyncset.done $0x0  }
0x218: {  	s10 =	sadd.s32 s11, s9;
	[sflag:s30] =	ssyncadd.s32 $0xFFFFFE70  }
0x219: {  	[tilespmem:s26], [sflag:$0x1] =	stream.linear.gather [hbm4b:s10+s14], $0x190, $0x38;
	[tilespmem:$0x1F680] =	vst v63  }
0x21a: {  	_ =	swait.ge [sflag:s30], $0x190  }
0x21b: {  	[sflag:s30] =	ssyncset.done $0x0  }
0x21c: {  	s10 =	sadd.s32 s12, s9;
	[sflag:s30] =	ssyncadd.s32 $0xFFFFFE70  }
0x21d: {  	[tilespmem:s28], [sflag:$0x1] =	stream.linear.gather [hbm4b:s10+s14], $0x190, $0x38;
	[tilespmem:$0x1F680] =	vst v63  }
0x21e: {  	_ =	swait.ge [sflag:s30], $0x190  }
0x21f: {  	[sflag:s30] =	ssyncset.done $0x0  }
0x220: {  	s9 =	sadd.s32 s13, s9;
	[sflag:s30] =	ssyncadd.s32 $0xFFFFFE70  }
0x221: {  	[tilespmem:s29], [sflag:$0x1] =	stream.linear.gather [hbm4b:s9+s14], $0x190, $0x38;
	[tilespmem:$0x1F680] =	vst v63  }
0x222: {  	_ =	swait.ge [sflag:s30], $0x190  }
0x223: {  	[sflag:s30] =	ssyncset.done $0x0  }
0x224: {  	[sflag:s30] =	ssyncadd.s32 $0xFFFFFE70  }
0x225: {  	v7 =	vld [tilespmem:$0x14280]  }
0x226: {  	v8 =	vld [tilespmem:$0x14480]  }
0x227: {  	v11 =	vld [tilespmem:$0x14680]  }
0x228: {  	v27 =	vld [tilespmem:$0x14880]  }
0x229: {  	v28 =	vld [tilespmem:$0x14A80]  }
0x22a: {  	v9 =	vld [tilespmem:$0x14490]  }
0x22b: {  	v22 =	vld [tilespmem:$0x14690]  }
0x22c: {  	v23 =	vld [tilespmem:$0x14890]  }
0x22d: {  	v24 =	vld [tilespmem:$0x14A90]  }
0x22e: {  	v10 =	vld [tilespmem:$0x144A0];
	[tilespmem:$0x14C80] =	vst v7  }
0x22f: {  	v17 =	vld [tilespmem:$0x146A0];
	[tilespmem:$0x14D00] =	vst v8  }
0x230: {  	v29 =	vld.idx.msk [tilespmem:v7+s7+$0x0], $0xffff  }
0x231: {  	v7 =	vld [tilespmem:$0x14290]  }
0x232: {  	v30 =	vld.idx.msk [tilespmem:v8+s7+$0x0], $0xffff  }
0x233: {  	v8 =	vld [tilespmem:$0x142A0]  }
0x234: {  	v18 =	vld [tilespmem:$0x148A0]  }
0x235: {  	v19 =	vld [tilespmem:$0x14AA0]  }
0x236: {  	v12 =	vld [tilespmem:$0x146B0];
	[tilespmem:$0x14D10] =	vst v9  }
0x237: {  	v13 =	vld [tilespmem:$0x148B0];
	[tilespmem:$0x14C90] =	vst v7  }
0x238: {  	v26 =	vld.idx.msk [tilespmem:v9+s7+$0x0], $0xffff  }
0x239: {  	v25 =	vld.idx.msk [tilespmem:v7+s7+$0x0], $0xffff;
	[tilespmem:$0x14CA0] =	vst v8  }
0x23a: {  	[tilespmem:$0x14D20] =	vst v10;
	v7 =	vld [tilespmem:$0x142B0]  }
0x23b: {  	v20 =	vld.idx.msk [tilespmem:v8+s7+$0x0], $0xffff  }
0x23c: {  	v8 =	vld [tilespmem:$0x144B0]  }
0x23d: {  	v21 =	vld.idx.msk [tilespmem:v10+s7+$0x0], $0xffff  }
0x23e: {  	v10 =	vld [tilespmem:$0x142C0]  }
0x23f: {  	v31 =	vld [tilespmem:$0x144C0];
	v32 =	vmul.u32 $0xC, v11  }
0x240: {  	v14 =	vld [tilespmem:$0x14AB0];
	v27 =	vshll.u32 v27, $0x1;
	[tilespmem:$0x14CB0] =	vst v7  }
0x241: {  	v27 =	vadd.s32 v32, v27;
	v9 =	vld [tilespmem:$0x14AC0];
	[tilespmem:$0x14D30] =	vst v8  }
0x242: {  	v28 =	vadd.s32 v28, v27;
	v27 =	vmul.f32 v30, v29;
	v29 =	vmov s14;
	v15 =	vld.idx.msk [tilespmem:v7+s7+$0x0], $0xffff  }
0x243: {  	v29 =	vand.u32 $0x7F, v29;
	v7 =	vld [tilespmem:$0x146C0]  }
0x244: {  	v29 =	vbroadcast v29, $0x0;
	v16 =	vld.idx.msk [tilespmem:v8+s7+$0x0], $0xffff;
	[tilespmem:$0x14CC0] =	vst v10  }
0x245: {  	v28 =	vshll.u32 v28, $0x7;
	v8 =	vld [tilespmem:$0x148C0];
	[tilespmem:$0x14D40] =	vst v31  }
0x246: {  	v30 =	vor.u32 v28, v29;
	v10 =	vld.idx.msk [tilespmem:v10+s7+$0x0], $0xffff  }
0x247: {  	v29 =	vor.u32 v0, v29;
	v11 =	vld.idx.msk [tilespmem:v31+s7+$0x0], $0xffff;
	[tilespmem:s19], [sflag:$0x1] =	stream.indirect.gather [hbm4b:s1+s2], $0x80, s3, s2, $0xb8  }
0x248: {  	_ =	swait.ge [sflag:s30], $0x2800  }
0x249: {  	[sflag:s30] =	ssyncset.done $0x0  }
0x24a: {  	[sflag:s30] =	ssyncadd.s32 $0xFFFFD800  }
0x24b: {  	v30 =	vld.idx.msk [tilespmem:v30+s20+$0x0], $0xffff  }
0x24c: {  	v31 =	vld.idx.msk [tilespmem:v29+s19+$0x0], $0xffff  }
0x24d: {  	s14 =	simm.s32 $0x1  }
0x24e: {  	v63 =	vmov s14  }
0x24f: {  	s14 =	simm.s32 $0x2;
	v32 =	vand.u32 $0x7F, v63  }
.LBB2_11:
0x250: {  	p1 =	seq.s32 s14, $0x7F;
	v32 =	vbroadcast v32, $0x0  }
0x251: {  	v30 =	vadd.f32 v30, v31  }
0x252: {  	v31 =	vor.u32 v28, v32  }
0x253: {  	v32 =	vor.u32 v0, v32;
	v30 =	vmax.f32 v30, $0.0e+00  }
0x254: {  	v30 =	vmul.f32 v30, v27;
	_ =	sdelay $0x1  }
0x255: {  	[tilespmem:v29+s31+$0x0] =	vst.idx.msk $0xffff, v30;
	v29 =	vmov v32  }
0x256: {  	v30 =	vld.idx.msk [tilespmem:v31+s20+$0x0], $0xffff  }
.Ltmp4:
0x257: {  	v31 =	vld.idx.msk [tilespmem:v32+s19+$0x0], $0xffff;
	(pc) =	sbr.rel @!p1 .LBB2_11-.Ltmp4, $3  }
0x258: {  	_ =	sdelay $0x1  }
0x259: {  	v32 =	vmov s14  }
0x25a: {  	s14 =	sadd.s32 $0x1, s14;
	v32 =	vand.u32 $0x7F, v32  }
0x25b: {  	v32 =	vbroadcast v32, $0x0  }
0x25c: {  	v30 =	vadd.f32 v30, v31  }
0x25d: {  	v28 =	vor.u32 v28, v32  }
0x25e: {  	v63 =	vor.u32 v0, v32;
	v30 =	vmax.f32 v30, $0.0e+00  }
0x25f: {  	v30 =	vmul.f32 v30, v27;
	_ =	sdelay $0x1  }
0x260: {  	[tilespmem:v29+s31+$0x0] =	vst.idx.msk $0xffff, v30  }
0x261: {  	v22 =	vmul.u32 $0xC, v22;
	v28 =	vld.idx.msk [tilespmem:v28+s20+$0x0], $0xffff  }
0x262: {  	v23 =	vshll.u32 v23, $0x1;
	v29 =	vld.idx.msk [tilespmem:v63+s19+$0x0], $0xffff  }
0x263: {  	s14 =	simm.s32 $0x0;
	v22 =	vadd.s32 v22, v23  }
0x264: {  	v23 =	vadd.s32 v24, v22;
	v24 =	vmov s14  }
0x265: {  	v24 =	vand.u32 $0x7F, v24  }
0x266: {  	v24 =	vbroadcast v24, $0x0  }
0x267: {  	v23 =	vshll.u32 v23, $0x7;
	v28 =	vadd.f32 v28, v29  }
0x268: {  	v22 =	vmul.f32 v26, v25;
	v25 =	vor.u32 v23, v24  }
0x269: {  	v24 =	vor.u32 v3, v24;
	v28 =	vmax.f32 v28, $0.0e+00  }
0x26a: {  	v27 =	vmul.f32 v28, v27;
	_ =	sdelay $0x1  }
0x26b: {  	[tilespmem:v63+s31+$0x0] =	vst.idx.msk $0xffff, v27  }
0x26c: {  	v25 =	vld.idx.msk [tilespmem:v25+s20+$0x0], $0xffff  }
0x26d: {  	v26 =	vld.idx.msk [tilespmem:v24+s19+$0x0], $0xffff  }
0x26e: {  	s9 =	simm.s32 $0x1  }
0x26f: {  	v27 =	vmov s9  }
0x270: {  	s14 =	simm.s32 $0x2;
	v27 =	vand.u32 $0x7F, v27  }
.LBB2_13:
0x271: {  	p1 =	seq.s32 s14, $0x7F;
	v27 =	vbroadcast v27, $0x0  }
0x272: {  	v25 =	vadd.f32 v25, v26  }
0x273: {  	v26 =	vor.u32 v23, v27  }
0x274: {  	v27 =	vor.u32 v3, v27;
	v25 =	vmax.f32 v25, $0.0e+00  }
0x275: {  	v25 =	vmul.f32 v25, v22;
	_ =	sdelay $0x1  }
0x276: {  	[tilespmem:v24+s31+$0x0] =	vst.idx.msk $0xffff, v25;
	v24 =	vmov v27  }
0x277: {  	v25 =	vld.idx.msk [tilespmem:v26+s20+$0x0], $0xffff  }
.Ltmp5:
0x278: {  	v26 =	vld.idx.msk [tilespmem:v27+s19+$0x0], $0xffff;
	(pc) =	sbr.rel @!p1 .LBB2_13-.Ltmp5, $3  }
0x279: {  	_ =	sdelay $0x1  }
0x27a: {  	v27 =	vmov s14  }
0x27b: {  	s14 =	sadd.s32 $0x1, s14;
	v27 =	vand.u32 $0x7F, v27  }
0x27c: {  	v27 =	vbroadcast v27, $0x0  }
0x27d: {  	v25 =	vadd.f32 v25, v26  }
0x27e: {  	v23 =	vor.u32 v23, v27  }
0x27f: {  	v63 =	vor.u32 v3, v27;
	v25 =	vmax.f32 v25, $0.0e+00  }
0x280: {  	v25 =	vmul.f32 v25, v22;
	_ =	sdelay $0x1  }
0x281: {  	[tilespmem:v24+s31+$0x0] =	vst.idx.msk $0xffff, v25  }
0x282: {  	v17 =	vmul.u32 $0xC, v17;
	v23 =	vld.idx.msk [tilespmem:v23+s20+$0x0], $0xffff  }
0x283: {  	v18 =	vshll.u32 v18, $0x1;
	v24 =	vld.idx.msk [tilespmem:v63+s19+$0x0], $0xffff  }
0x284: {  	s14 =	simm.s32 $0x0;
	v17 =	vadd.s32 v17, v18  }
0x285: {  	v18 =	vadd.s32 v19, v17;
	v19 =	vmov s14  }
0x286: {  	v19 =	vand.u32 $0x7F, v19  }
0x287: {  	v19 =	vbroadcast v19, $0x0  }
0x288: {  	v18 =	vshll.u32 v18, $0x7;
	v23 =	vadd.f32 v23, v24  }
0x289: {  	v17 =	vmul.f32 v21, v20;
	v20 =	vor.u32 v18, v19  }
0x28a: {  	v19 =	vor.u32 v4, v19;
	v23 =	vmax.f32 v23, $0.0e+00  }
0x28b: {  	v22 =	vmul.f32 v23, v22;
	_ =	sdelay $0x1  }
0x28c: {  	[tilespmem:v63+s31+$0x0] =	vst.idx.msk $0xffff, v22  }
0x28d: {  	v20 =	vld.idx.msk [tilespmem:v20+s20+$0x0], $0xffff  }
0x28e: {  	v21 =	vld.idx.msk [tilespmem:v19+s19+$0x0], $0xffff  }
0x28f: {  	s9 =	simm.s32 $0x1  }
0x290: {  	v22 =	vmov s9  }
0x291: {  	s14 =	simm.s32 $0x2;
	v22 =	vand.u32 $0x7F, v22  }
.LBB2_15:
0x292: {  	p1 =	seq.s32 s14, $0x7F;
	v22 =	vbroadcast v22, $0x0  }
0x293: {  	v20 =	vadd.f32 v20, v21  }
0x294: {  	v21 =	vor.u32 v18, v22  }
0x295: {  	v22 =	vor.u32 v4, v22;
	v20 =	vmax.f32 v20, $0.0e+00  }
0x296: {  	v20 =	vmul.f32 v20, v17;
	_ =	sdelay $0x1  }
0x297: {  	[tilespmem:v19+s31+$0x0] =	vst.idx.msk $0xffff, v20;
	v19 =	vmov v22  }
0x298: {  	v20 =	vld.idx.msk [tilespmem:v21+s20+$0x0], $0xffff  }
.Ltmp6:
0x299: {  	v21 =	vld.idx.msk [tilespmem:v22+s19+$0x0], $0xffff;
	(pc) =	sbr.rel @!p1 .LBB2_15-.Ltmp6, $3  }
0x29a: {  	_ =	sdelay $0x1  }
0x29b: {  	v22 =	vmov s14  }
0x29c: {  	s14 =	sadd.s32 $0x1, s14;
	v22 =	vand.u32 $0x7F, v22  }
0x29d: {  	v22 =	vbroadcast v22, $0x0  }
0x29e: {  	v20 =	vadd.f32 v20, v21  }
0x29f: {  	v18 =	vor.u32 v18, v22  }
0x2a0: {  	v63 =	vor.u32 v4, v22;
	v20 =	vmax.f32 v20, $0.0e+00  }
0x2a1: {  	v20 =	vmul.f32 v20, v17;
	_ =	sdelay $0x1  }
0x2a2: {  	[tilespmem:v19+s31+$0x0] =	vst.idx.msk $0xffff, v20  }
0x2a3: {  	v12 =	vmul.u32 $0xC, v12;
	v18 =	vld.idx.msk [tilespmem:v18+s20+$0x0], $0xffff  }
0x2a4: {  	v13 =	vshll.u32 v13, $0x1;
	v19 =	vld.idx.msk [tilespmem:v63+s19+$0x0], $0xffff  }
0x2a5: {  	s14 =	simm.s32 $0x0;
	v12 =	vadd.s32 v12, v13  }
0x2a6: {  	v13 =	vadd.s32 v14, v12;
	v14 =	vmov s14  }
0x2a7: {  	v14 =	vand.u32 $0x7F, v14  }
0x2a8: {  	v14 =	vbroadcast v14, $0x0  }
0x2a9: {  	v13 =	vshll.u32 v13, $0x7;
	v18 =	vadd.f32 v18, v19  }
0x2aa: {  	v12 =	vmul.f32 v16, v15;
	v15 =	vor.u32 v13, v14  }
0x2ab: {  	v14 =	vor.u32 v5, v14;
	v18 =	vmax.f32 v18, $0.0e+00  }
0x2ac: {  	v17 =	vmul.f32 v18, v17;
	_ =	sdelay $0x1  }
0x2ad: {  	[tilespmem:v63+s31+$0x0] =	vst.idx.msk $0xffff, v17  }
0x2ae: {  	v15 =	vld.idx.msk [tilespmem:v15+s20+$0x0], $0xffff  }
0x2af: {  	v16 =	vld.idx.msk [tilespmem:v14+s19+$0x0], $0xffff  }
0x2b0: {  	s9 =	simm.s32 $0x1  }
0x2b1: {  	v17 =	vmov s9  }
0x2b2: {  	s14 =	simm.s32 $0x2;
	v17 =	vand.u32 $0x7F, v17  }
.LBB2_17:
0x2b3: {  	p1 =	seq.s32 s14, $0x7F;
	v17 =	vbroadcast v17, $0x0  }
0x2b4: {  	v15 =	vadd.f32 v15, v16  }
0x2b5: {  	v16 =	vor.u32 v13, v17  }
0x2b6: {  	v17 =	vor.u32 v5, v17;
	v15 =	vmax.f32 v15, $0.0e+00  }
0x2b7: {  	v15 =	vmul.f32 v15, v12;
	_ =	sdelay $0x1  }
0x2b8: {  	[tilespmem:v14+s31+$0x0] =	vst.idx.msk $0xffff, v15;
	v14 =	vmov v17  }
0x2b9: {  	v15 =	vld.idx.msk [tilespmem:v16+s20+$0x0], $0xffff  }
.Ltmp7:
0x2ba: {  	v16 =	vld.idx.msk [tilespmem:v17+s19+$0x0], $0xffff;
	(pc) =	sbr.rel @!p1 .LBB2_17-.Ltmp7, $3  }
0x2bb: {  	_ =	sdelay $0x1  }
0x2bc: {  	v17 =	vmov s14  }
0x2bd: {  	s14 =	sadd.s32 $0x1, s14;
	v17 =	vand.u32 $0x7F, v17  }
0x2be: {  	v17 =	vbroadcast v17, $0x0  }
0x2bf: {  	v15 =	vadd.f32 v15, v16  }
0x2c0: {  	v13 =	vor.u32 v13, v17  }
0x2c1: {  	v63 =	vor.u32 v5, v17;
	v15 =	vmax.f32 v15, $0.0e+00  }
0x2c2: {  	v15 =	vmul.f32 v15, v12;
	_ =	sdelay $0x1  }
0x2c3: {  	[tilespmem:v14+s31+$0x0] =	vst.idx.msk $0xffff, v15  }
0x2c4: {  	v7 =	vmul.u32 $0xC, v7;
	v13 =	vld.idx.msk [tilespmem:v13+s20+$0x0], $0xffff  }
0x2c5: {  	v8 =	vshll.u32 v8, $0x1;
	v14 =	vld.idx.msk [tilespmem:v63+s19+$0x0], $0xffff  }
0x2c6: {  	s14 =	simm.s32 $0x0;
	v7 =	vadd.s32 v7, v8  }
0x2c7: {  	v8 =	vadd.s32 v9, v7;
	v9 =	vmov s14  }
0x2c8: {  	v9 =	vand.u32 $0x7F, v9  }
0x2c9: {  	v9 =	vbroadcast v9, $0x0  }
0x2ca: {  	v8 =	vshll.u32 v8, $0x7;
	v13 =	vadd.f32 v13, v14  }
0x2cb: {  	v7 =	vmul.f32 v11, v10;
	v10 =	vor.u32 v8, v9  }
0x2cc: {  	v9 =	vor.u32 v6, v9;
	v13 =	vmax.f32 v13, $0.0e+00  }
0x2cd: {  	v12 =	vmul.f32 v13, v12;
	_ =	sdelay $0x1  }
0x2ce: {  	[tilespmem:v63+s31+$0x0] =	vst.idx.msk $0xffff, v12  }
0x2cf: {  	v10 =	vld.idx.msk [tilespmem:v10+s20+$0x0], $0xffff  }
0x2d0: {  	v11 =	vld.idx.msk [tilespmem:v9+s19+$0x0], $0xffff  }
0x2d1: {  	s9 =	simm.s32 $0x1  }
0x2d2: {  	v12 =	vmov s9  }
0x2d3: {  	s14 =	simm.s32 $0x2;
	v12 =	vand.u32 $0x7F, v12  }
.LBB2_19:
0x2d4: {  	p1 =	sne.s32 s14, $0x7F;
	v12 =	vbroadcast v12, $0x0  }
0x2d5: {  	v10 =	vadd.f32 v10, v11  }
0x2d6: {  	v11 =	vor.u32 v8, v12  }
0x2d7: {  	v12 =	vor.u32 v6, v12;
	v10 =	vmax.f32 v10, $0.0e+00  }
0x2d8: {  	v10 =	vmul.f32 v10, v7;
	_ =	sdelay $0x1  }
0x2d9: {  	[tilespmem:v9+s31+$0x0] =	vst.idx.msk $0xffff, v10;
	v9 =	vmov v12  }
0x2da: {  	v10 =	vld.idx.msk [tilespmem:v11+s20+$0x0], $0xffff  }
.Ltmp8:
0x2db: {  	v11 =	vld.idx.msk [tilespmem:v12+s19+$0x0], $0xffff;
	(pc) =	sbr.rel @p1 .LBB2_19-.Ltmp8, $3  }
0x2dc: {  	_ =	sdelay $0x1  }
0x2dd: {  	v12 =	vmov s14  }
0x2de: {  	s14 =	sadd.s32 $0x1, s14;
	v12 =	vand.u32 $0x7F, v12  }
0x2df: {  	v12 =	vbroadcast v12, $0x0  }
0x2e0: {  	v10 =	vadd.f32 v10, v11  }
0x2e1: {  	v8 =	vor.u32 v8, v12  }
0x2e2: {  	v11 =	vor.u32 v6, v12;
	v10 =	vmax.f32 v10, $0.0e+00  }
0x2e3: {  	v10 =	vmul.f32 v10, v7;
	_ =	sdelay $0x1  }
0x2e4: {  	[tilespmem:v9+s31+$0x0] =	vst.idx.msk $0xffff, v10  }
0x2e5: {  	v8 =	vld.idx.msk [tilespmem:v8+s20+$0x0], $0xffff  }
0x2e6: {  	v9 =	vld.idx.msk [tilespmem:v11+s19+$0x0], $0xffff;
	_ =	sdelay $0x4  }
0x2e7: {  	v8 =	vadd.f32 v8, v9;
	_ =	sdelay $0x1  }
0x2e8: {  	v8 =	vmax.f32 v8, $0.0e+00  }
0x2e9: {  	v7 =	vmul.f32 v8, v7;
	_ =	sdelay $0x1  }
0x2ea: {  	[tilespmem:v11+s31+$0x0] =	vst.idx.msk $0xffff, v7  }
0x2eb: {  	[spmem:s5] =	stream.indirect.scatter.add.f32 [tilespmem:s31], [sflag:$0x1], $0x80, s21, s2, $0xb8;
	[tilespmem:$0x1F680] =	vst v63  }
0x2ec: {  	_ =	swait.ge [sflag:s30], $0x2800  }
0x2ed: {  	[sflag:s30] =	ssyncset.done $0x0  }
0x2ee: {  	[sflag:s30] =	ssyncadd.s32 $0xFFFFD800  }
0x2ef: {  	v7 =	vld [tilespmem:$0x142D0]  }
0x2f0: {  	v8 =	vld [tilespmem:$0x144D0]  }
0x2f1: {  	v11 =	vld [tilespmem:$0x146D0]  }
0x2f2: {  	v27 =	vld [tilespmem:$0x148D0]  }
0x2f3: {  	v28 =	vld [tilespmem:$0x14AD0]  }
0x2f4: {  	v9 =	vld [tilespmem:$0x144E0]  }
0x2f5: {  	v22 =	vld [tilespmem:$0x146E0]  }
0x2f6: {  	v23 =	vld [tilespmem:$0x148E0]  }
0x2f7: {  	v24 =	vld [tilespmem:$0x14AE0]  }
0x2f8: {  	v10 =	vld [tilespmem:$0x144F0];
	[tilespmem:$0x14C80] =	vst v7  }
0x2f9: {  	v17 =	vld [tilespmem:$0x146F0];
	[tilespmem:$0x14D00] =	vst v8  }
0x2fa: {  	v29 =	vld.idx.msk [tilespmem:v7+s7+$0x0], $0xffff  }
0x2fb: {  	v7 =	vld [tilespmem:$0x142E0]  }
0x2fc: {  	v30 =	vld.idx.msk [tilespmem:v8+s7+$0x0], $0xffff  }
0x2fd: {  	v8 =	vld [tilespmem:$0x142F0]  }
0x2fe: {  	v18 =	vld [tilespmem:$0x148F0]  }
0x2ff: {  	v19 =	vld [tilespmem:$0x14AF0]  }
0x300: {  	v12 =	vld [tilespmem:$0x14700];
	[tilespmem:$0x14D10] =	vst v9  }
0x301: {  	v13 =	vld [tilespmem:$0x14900];
	[tilespmem:$0x14C90] =	vst v7  }
0x302: {  	v26 =	vld.idx.msk [tilespmem:v9+s7+$0x0], $0xffff  }
0x303: {  	v25 =	vld.idx.msk [tilespmem:v7+s7+$0x0], $0xffff;
	[tilespmem:$0x14CA0] =	vst v8  }
0x304: {  	[tilespmem:$0x14D20] =	vst v10;
	v7 =	vld [tilespmem:$0x14300]  }
0x305: {  	v20 =	vld.idx.msk [tilespmem:v8+s7+$0x0], $0xffff  }
0x306: {  	v8 =	vld [tilespmem:$0x14500]  }
0x307: {  	v21 =	vld.idx.msk [tilespmem:v10+s7+$0x0], $0xffff  }
0x308: {  	v10 =	vld [tilespmem:$0x14310]  }
0x309: {  	v31 =	vld [tilespmem:$0x14510];
	v32 =	vmul.u32 $0xC, v11  }
0x30a: {  	v14 =	vld [tilespmem:$0x14B00];
	v27 =	vshll.u32 v27, $0x1;
	[tilespmem:$0x14CB0] =	vst v7  }
0x30b: {  	s14 =	simm.s32 $0x0;
	v27 =	vadd.s32 v32, v27;
	v9 =	vld [tilespmem:$0x14B10];
	[tilespmem:$0x14D30] =	vst v8  }
0x30c: {  	v28 =	vadd.s32 v28, v27;
	v27 =	vmul.f32 v30, v29;
	v29 =	vmov s14;
	v15 =	vld.idx.msk [tilespmem:v7+s7+$0x0], $0xffff  }
0x30d: {  	v29 =	vand.u32 $0x7F, v29;
	v7 =	vld [tilespmem:$0x14710]  }
0x30e: {  	v29 =	vbroadcast v29, $0x0;
	v16 =	vld.idx.msk [tilespmem:v8+s7+$0x0], $0xffff;
	[tilespmem:$0x14CC0] =	vst v10  }
0x30f: {  	v28 =	vshll.u32 v28, $0x7;
	v8 =	vld [tilespmem:$0x14910];
	[tilespmem:$0x14D40] =	vst v31  }
0x310: {  	v30 =	vor.u32 v28, v29;
	v10 =	vld.idx.msk [tilespmem:v10+s7+$0x0], $0xffff  }
0x311: {  	v29 =	vor.u32 v0, v29;
	v11 =	vld.idx.msk [tilespmem:v31+s7+$0x0], $0xffff;
	[tilespmem:s19], [sflag:$0x1] =	stream.indirect.gather [hbm4b:s1+s2], $0x80, s3, s2, $0xb8  }
0x312: {  	_ =	swait.ge [sflag:s30], $0x2800  }
0x313: {  	[sflag:s30] =	ssyncset.done $0x0  }
0x314: {  	[sflag:s30] =	ssyncadd.s32 $0xFFFFD800  }
0x315: {  	v30 =	vld.idx.msk [tilespmem:v30+s20+$0x0], $0xffff  }
0x316: {  	v31 =	vld.idx.msk [tilespmem:v29+s19+$0x0], $0xffff  }
0x317: {  	s9 =	simm.s32 $0x1  }
0x318: {  	v63 =	vmov s9  }
0x319: {  	v32 =	vand.u32 $0x7F, v63;
	s14 =	simm.s32 $0x2  }
.LBB2_21:
0x31a: {  	p1 =	seq.s32 s14, $0x7F;
	v32 =	vbroadcast v32, $0x0  }
0x31b: {  	v30 =	vadd.f32 v30, v31  }
0x31c: {  	v31 =	vor.u32 v28, v32  }
0x31d: {  	v32 =	vor.u32 v0, v32;
	v30 =	vmax.f32 v30, $0.0e+00  }
0x31e: {  	v30 =	vmul.f32 v30, v27;
	_ =	sdelay $0x1  }
0x31f: {  	[tilespmem:v29+s31+$0x0] =	vst.idx.msk $0xffff, v30;
	v29 =	vmov v32  }
0x320: {  	v30 =	vld.idx.msk [tilespmem:v31+s20+$0x0], $0xffff  }
.Ltmp9:
0x321: {  	v31 =	vld.idx.msk [tilespmem:v32+s19+$0x0], $0xffff;
	(pc) =	sbr.rel @!p1 .LBB2_21-.Ltmp9, $3  }
0x322: {  	_ =	sdelay $0x1  }
0x323: {  	v32 =	vmov s14  }
0x324: {  	s14 =	sadd.s32 $0x1, s14;
	v32 =	vand.u32 $0x7F, v32  }
0x325: {  	v32 =	vbroadcast v32, $0x0  }
0x326: {  	v30 =	vadd.f32 v30, v31  }
0x327: {  	v28 =	vor.u32 v28, v32  }
0x328: {  	v63 =	vor.u32 v0, v32;
	v30 =	vmax.f32 v30, $0.0e+00  }
0x329: {  	v30 =	vmul.f32 v30, v27;
	_ =	sdelay $0x1  }
0x32a: {  	[tilespmem:v29+s31+$0x0] =	vst.idx.msk $0xffff, v30  }
0x32b: {  	v22 =	vmul.u32 $0xC, v22;
	v28 =	vld.idx.msk [tilespmem:v28+s20+$0x0], $0xffff  }
0x32c: {  	v23 =	vshll.u32 v23, $0x1;
	v29 =	vld.idx.msk [tilespmem:v63+s19+$0x0], $0xffff  }
0x32d: {  	s14 =	simm.s32 $0x0;
	v22 =	vadd.s32 v22, v23  }
0x32e: {  	v23 =	vadd.s32 v24, v22;
	v24 =	vmov s14  }
0x32f: {  	v24 =	vand.u32 $0x7F, v24  }
0x330: {  	v24 =	vbroadcast v24, $0x0  }
0x331: {  	v23 =	vshll.u32 v23, $0x7;
	v28 =	vadd.f32 v28, v29  }
0x332: {  	v22 =	vmul.f32 v26, v25;
	v25 =	vor.u32 v23, v24  }
0x333: {  	v24 =	vor.u32 v3, v24;
	v28 =	vmax.f32 v28, $0.0e+00  }
0x334: {  	v27 =	vmul.f32 v28, v27;
	_ =	sdelay $0x1  }
0x335: {  	[tilespmem:v63+s31+$0x0] =	vst.idx.msk $0xffff, v27  }
0x336: {  	v25 =	vld.idx.msk [tilespmem:v25+s20+$0x0], $0xffff  }
0x337: {  	v26 =	vld.idx.msk [tilespmem:v24+s19+$0x0], $0xffff  }
0x338: {  	s9 =	simm.s32 $0x1  }
0x339: {  	v27 =	vmov s9  }
0x33a: {  	s14 =	simm.s32 $0x2;
	v27 =	vand.u32 $0x7F, v27  }
.LBB2_23:
0x33b: {  	p1 =	seq.s32 s14, $0x7F;
	v27 =	vbroadcast v27, $0x0  }
0x33c: {  	v25 =	vadd.f32 v25, v26  }
0x33d: {  	v26 =	vor.u32 v23, v27  }
0x33e: {  	v27 =	vor.u32 v3, v27;
	v25 =	vmax.f32 v25, $0.0e+00  }
0x33f: {  	v25 =	vmul.f32 v25, v22;
	_ =	sdelay $0x1  }
0x340: {  	[tilespmem:v24+s31+$0x0] =	vst.idx.msk $0xffff, v25;
	v24 =	vmov v27  }
0x341: {  	v25 =	vld.idx.msk [tilespmem:v26+s20+$0x0], $0xffff  }
.Ltmp10:
0x342: {  	v26 =	vld.idx.msk [tilespmem:v27+s19+$0x0], $0xffff;
	(pc) =	sbr.rel @!p1 .LBB2_23-.Ltmp10, $3  }
0x343: {  	_ =	sdelay $0x1  }
0x344: {  	v27 =	vmov s14  }
0x345: {  	s14 =	sadd.s32 $0x1, s14;
	v27 =	vand.u32 $0x7F, v27  }
0x346: {  	v27 =	vbroadcast v27, $0x0  }
0x347: {  	v25 =	vadd.f32 v25, v26  }
0x348: {  	v23 =	vor.u32 v23, v27  }
0x349: {  	v63 =	vor.u32 v3, v27;
	v25 =	vmax.f32 v25, $0.0e+00  }
0x34a: {  	v25 =	vmul.f32 v25, v22;
	_ =	sdelay $0x1  }
0x34b: {  	[tilespmem:v24+s31+$0x0] =	vst.idx.msk $0xffff, v25  }
0x34c: {  	v17 =	vmul.u32 $0xC, v17;
	v23 =	vld.idx.msk [tilespmem:v23+s20+$0x0], $0xffff  }
0x34d: {  	v18 =	vshll.u32 v18, $0x1;
	v24 =	vld.idx.msk [tilespmem:v63+s19+$0x0], $0xffff  }
0x34e: {  	s14 =	simm.s32 $0x0;
	v17 =	vadd.s32 v17, v18  }
0x34f: {  	v18 =	vadd.s32 v19, v17;
	v19 =	vmov s14  }
0x350: {  	v19 =	vand.u32 $0x7F, v19  }
0x351: {  	v19 =	vbroadcast v19, $0x0  }
0x352: {  	v18 =	vshll.u32 v18, $0x7;
	v23 =	vadd.f32 v23, v24  }
0x353: {  	v17 =	vmul.f32 v21, v20;
	v20 =	vor.u32 v18, v19  }
0x354: {  	v19 =	vor.u32 v4, v19;
	v23 =	vmax.f32 v23, $0.0e+00  }
0x355: {  	v22 =	vmul.f32 v23, v22;
	_ =	sdelay $0x1  }
0x356: {  	[tilespmem:v63+s31+$0x0] =	vst.idx.msk $0xffff, v22  }
0x357: {  	v20 =	vld.idx.msk [tilespmem:v20+s20+$0x0], $0xffff  }
0x358: {  	v21 =	vld.idx.msk [tilespmem:v19+s19+$0x0], $0xffff  }
0x359: {  	s9 =	simm.s32 $0x1  }
0x35a: {  	v22 =	vmov s9  }
0x35b: {  	s14 =	simm.s32 $0x2;
	v22 =	vand.u32 $0x7F, v22  }
.LBB2_25:
0x35c: {  	p1 =	seq.s32 s14, $0x7F;
	v22 =	vbroadcast v22, $0x0  }
0x35d: {  	v20 =	vadd.f32 v20, v21  }
0x35e: {  	v21 =	vor.u32 v18, v22  }
0x35f: {  	v22 =	vor.u32 v4, v22;
	v20 =	vmax.f32 v20, $0.0e+00  }
0x360: {  	v20 =	vmul.f32 v20, v17;
	_ =	sdelay $0x1  }
0x361: {  	[tilespmem:v19+s31+$0x0] =	vst.idx.msk $0xffff, v20;
	v19 =	vmov v22  }
0x362: {  	v20 =	vld.idx.msk [tilespmem:v21+s20+$0x0], $0xffff  }
.Ltmp11:
0x363: {  	v21 =	vld.idx.msk [tilespmem:v22+s19+$0x0], $0xffff;
	(pc) =	sbr.rel @!p1 .LBB2_25-.Ltmp11, $3  }
0x364: {  	_ =	sdelay $0x1  }
0x365: {  	v22 =	vmov s14  }
0x366: {  	s14 =	sadd.s32 $0x1, s14;
	v22 =	vand.u32 $0x7F, v22  }
0x367: {  	v22 =	vbroadcast v22, $0x0  }
0x368: {  	v20 =	vadd.f32 v20, v21  }
0x369: {  	v18 =	vor.u32 v18, v22  }
0x36a: {  	v63 =	vor.u32 v4, v22;
	v20 =	vmax.f32 v20, $0.0e+00  }
0x36b: {  	v20 =	vmul.f32 v20, v17;
	_ =	sdelay $0x1  }
0x36c: {  	[tilespmem:v19+s31+$0x0] =	vst.idx.msk $0xffff, v20  }
0x36d: {  	v12 =	vmul.u32 $0xC, v12;
	v18 =	vld.idx.msk [tilespmem:v18+s20+$0x0], $0xffff  }
0x36e: {  	v13 =	vshll.u32 v13, $0x1;
	v19 =	vld.idx.msk [tilespmem:v63+s19+$0x0], $0xffff  }
0x36f: {  	s14 =	simm.s32 $0x0;
	v12 =	vadd.s32 v12, v13  }
0x370: {  	v13 =	vadd.s32 v14, v12;
	v14 =	vmov s14  }
0x371: {  	v14 =	vand.u32 $0x7F, v14  }
0x372: {  	v14 =	vbroadcast v14, $0x0  }
0x373: {  	v13 =	vshll.u32 v13, $0x7;
	v18 =	vadd.f32 v18, v19  }
0x374: {  	v12 =	vmul.f32 v16, v15;
	v15 =	vor.u32 v13, v14  }
0x375: {  	v14 =	vor.u32 v5, v14;
	v18 =	vmax.f32 v18, $0.0e+00  }
0x376: {  	v17 =	vmul.f32 v18, v17;
	_ =	sdelay $0x1  }
0x377: {  	[tilespmem:v63+s31+$0x0] =	vst.idx.msk $0xffff, v17  }
0x378: {  	v15 =	vld.idx.msk [tilespmem:v15+s20+$0x0], $0xffff  }
0x379: {  	v16 =	vld.idx.msk [tilespmem:v14+s19+$0x0], $0xffff  }
0x37a: {  	s9 =	simm.s32 $0x1  }
0x37b: {  	v17 =	vmov s9  }
0x37c: {  	s14 =	simm.s32 $0x2;
	v17 =	vand.u32 $0x7F, v17  }
.LBB2_27:
0x37d: {  	p1 =	seq.s32 s14, $0x7F;
	v17 =	vbroadcast v17, $0x0  }
0x37e: {  	v15 =	vadd.f32 v15, v16  }
0x37f: {  	v16 =	vor.u32 v13, v17  }
0x380: {  	v17 =	vor.u32 v5, v17;
	v15 =	vmax.f32 v15, $0.0e+00  }
0x381: {  	v15 =	vmul.f32 v15, v12;
	_ =	sdelay $0x1  }
0x382: {  	[tilespmem:v14+s31+$0x0] =	vst.idx.msk $0xffff, v15;
	v14 =	vmov v17  }
0x383: {  	v15 =	vld.idx.msk [tilespmem:v16+s20+$0x0], $0xffff  }
.Ltmp12:
0x384: {  	v16 =	vld.idx.msk [tilespmem:v17+s19+$0x0], $0xffff;
	(pc) =	sbr.rel @!p1 .LBB2_27-.Ltmp12, $3  }
0x385: {  	_ =	sdelay $0x1  }
0x386: {  	v17 =	vmov s14  }
0x387: {  	s14 =	sadd.s32 $0x1, s14;
	v17 =	vand.u32 $0x7F, v17  }
0x388: {  	v17 =	vbroadcast v17, $0x0  }
0x389: {  	v15 =	vadd.f32 v15, v16  }
0x38a: {  	v13 =	vor.u32 v13, v17  }
0x38b: {  	v63 =	vor.u32 v5, v17;
	v15 =	vmax.f32 v15, $0.0e+00  }
0x38c: {  	v15 =	vmul.f32 v15, v12;
	_ =	sdelay $0x1  }
0x38d: {  	[tilespmem:v14+s31+$0x0] =	vst.idx.msk $0xffff, v15  }
0x38e: {  	v7 =	vmul.u32 $0xC, v7;
	v13 =	vld.idx.msk [tilespmem:v13+s20+$0x0], $0xffff  }
0x38f: {  	v8 =	vshll.u32 v8, $0x1;
	v14 =	vld.idx.msk [tilespmem:v63+s19+$0x0], $0xffff  }
0x390: {  	s14 =	simm.s32 $0x0;
	v7 =	vadd.s32 v7, v8  }
0x391: {  	v8 =	vadd.s32 v9, v7;
	v9 =	vmov s14  }
0x392: {  	v9 =	vand.u32 $0x7F, v9  }
0x393: {  	v9 =	vbroadcast v9, $0x0  }
0x394: {  	v8 =	vshll.u32 v8, $0x7;
	v13 =	vadd.f32 v13, v14  }
0x395: {  	v7 =	vmul.f32 v11, v10;
	v10 =	vor.u32 v8, v9  }
0x396: {  	v9 =	vor.u32 v6, v9;
	v13 =	vmax.f32 v13, $0.0e+00  }
0x397: {  	v12 =	vmul.f32 v13, v12;
	_ =	sdelay $0x1  }
0x398: {  	[tilespmem:v63+s31+$0x0] =	vst.idx.msk $0xffff, v12  }
0x399: {  	v10 =	vld.idx.msk [tilespmem:v10+s20+$0x0], $0xffff  }
0x39a: {  	v11 =	vld.idx.msk [tilespmem:v9+s19+$0x0], $0xffff  }
0x39b: {  	s9 =	simm.s32 $0x1  }
0x39c: {  	v12 =	vmov s9  }
0x39d: {  	s14 =	simm.s32 $0x2;
	v12 =	vand.u32 $0x7F, v12  }
.LBB2_29:
0x39e: {  	p1 =	sne.s32 s14, $0x7F;
	v12 =	vbroadcast v12, $0x0  }
0x39f: {  	v10 =	vadd.f32 v10, v11  }
0x3a0: {  	v11 =	vor.u32 v8, v12  }
0x3a1: {  	v12 =	vor.u32 v6, v12;
	v10 =	vmax.f32 v10, $0.0e+00  }
0x3a2: {  	v10 =	vmul.f32 v10, v7;
	_ =	sdelay $0x1  }
0x3a3: {  	[tilespmem:v9+s31+$0x0] =	vst.idx.msk $0xffff, v10;
	v9 =	vmov v12  }
0x3a4: {  	v10 =	vld.idx.msk [tilespmem:v11+s20+$0x0], $0xffff  }
.Ltmp13:
0x3a5: {  	v11 =	vld.idx.msk [tilespmem:v12+s19+$0x0], $0xffff;
	(pc) =	sbr.rel @p1 .LBB2_29-.Ltmp13, $3  }
0x3a6: {  	_ =	sdelay $0x1  }
0x3a7: {  	v12 =	vmov s14  }
0x3a8: {  	s14 =	sadd.s32 $0x1, s14;
	v12 =	vand.u32 $0x7F, v12  }
0x3a9: {  	v12 =	vbroadcast v12, $0x0  }
0x3aa: {  	v10 =	vadd.f32 v10, v11  }
0x3ab: {  	v8 =	vor.u32 v8, v12  }
0x3ac: {  	v11 =	vor.u32 v6, v12;
	v10 =	vmax.f32 v10, $0.0e+00  }
0x3ad: {  	v10 =	vmul.f32 v10, v7;
	_ =	sdelay $0x1  }
0x3ae: {  	[tilespmem:v9+s31+$0x0] =	vst.idx.msk $0xffff, v10  }
0x3af: {  	v8 =	vld.idx.msk [tilespmem:v8+s20+$0x0], $0xffff  }
0x3b0: {  	v9 =	vld.idx.msk [tilespmem:v11+s19+$0x0], $0xffff;
	_ =	sdelay $0x4  }
0x3b1: {  	v8 =	vadd.f32 v8, v9;
	_ =	sdelay $0x1  }
0x3b2: {  	v8 =	vmax.f32 v8, $0.0e+00  }
0x3b3: {  	v7 =	vmul.f32 v8, v7;
	_ =	sdelay $0x1  }
0x3b4: {  	[tilespmem:v11+s31+$0x0] =	vst.idx.msk $0xffff, v7  }
0x3b5: {  	[spmem:s5] =	stream.indirect.scatter.add.f32 [tilespmem:s31], [sflag:$0x1], $0x80, s21, s2, $0xb8;
	[tilespmem:$0x1F680] =	vst v63  }
0x3b6: {  	_ =	swait.ge [sflag:s30], $0x2800  }
0x3b7: {  	[sflag:s30] =	ssyncset.done $0x0  }
0x3b8: {  	[sflag:s30] =	ssyncadd.s32 $0xFFFFD800  }
0x3b9: {  	v7 =	vld [tilespmem:$0x14320]  }
0x3ba: {  	v8 =	vld [tilespmem:$0x14520]  }
0x3bb: {  	v11 =	vld [tilespmem:$0x14720]  }
0x3bc: {  	v27 =	vld [tilespmem:$0x14920]  }
0x3bd: {  	v28 =	vld [tilespmem:$0x14B20]  }
0x3be: {  	v9 =	vld [tilespmem:$0x14530]  }
0x3bf: {  	v22 =	vld [tilespmem:$0x14730]  }
0x3c0: {  	v23 =	vld [tilespmem:$0x14930]  }
0x3c1: {  	v24 =	vld [tilespmem:$0x14B30]  }
0x3c2: {  	v10 =	vld [tilespmem:$0x14540];
	[tilespmem:$0x14C80] =	vst v7  }
0x3c3: {  	v17 =	vld [tilespmem:$0x14740];
	[tilespmem:$0x14D00] =	vst v8  }
0x3c4: {  	v29 =	vld.idx.msk [tilespmem:v7+s7+$0x0], $0xffff  }
0x3c5: {  	v7 =	vld [tilespmem:$0x14330]  }
0x3c6: {  	v30 =	vld.idx.msk [tilespmem:v8+s7+$0x0], $0xffff  }
0x3c7: {  	v8 =	vld [tilespmem:$0x14340]  }
0x3c8: {  	v18 =	vld [tilespmem:$0x14940]  }
0x3c9: {  	v19 =	vld [tilespmem:$0x14B40]  }
0x3ca: {  	v12 =	vld [tilespmem:$0x14750];
	[tilespmem:$0x14D10] =	vst v9  }
0x3cb: {  	v13 =	vld [tilespmem:$0x14950];
	[tilespmem:$0x14C90] =	vst v7  }
0x3cc: {  	v26 =	vld.idx.msk [tilespmem:v9+s7+$0x0], $0xffff  }
0x3cd: {  	v25 =	vld.idx.msk [tilespmem:v7+s7+$0x0], $0xffff;
	[tilespmem:$0x14CA0] =	vst v8  }
0x3ce: {  	[tilespmem:$0x14D20] =	vst v10;
	v7 =	vld [tilespmem:$0x14350]  }
0x3cf: {  	v20 =	vld.idx.msk [tilespmem:v8+s7+$0x0], $0xffff  }
0x3d0: {  	v8 =	vld [tilespmem:$0x14550]  }
0x3d1: {  	v21 =	vld.idx.msk [tilespmem:v10+s7+$0x0], $0xffff  }
0x3d2: {  	v10 =	vld [tilespmem:$0x14360]  }
0x3d3: {  	v31 =	vld [tilespmem:$0x14560];
	v32 =	vmul.u32 $0xC, v11  }
0x3d4: {  	v14 =	vld [tilespmem:$0x14B50];
	v27 =	vshll.u32 v27, $0x1;
	[tilespmem:$0x14CB0] =	vst v7  }
0x3d5: {  	s14 =	simm.s32 $0x0;
	v27 =	vadd.s32 v32, v27;
	v9 =	vld [tilespmem:$0x14B60];
	[tilespmem:$0x14D30] =	vst v8  }
0x3d6: {  	v28 =	vadd.s32 v28, v27;
	v27 =	vmul.f32 v30, v29;
	v29 =	vmov s14;
	v15 =	vld.idx.msk [tilespmem:v7+s7+$0x0], $0xffff  }
0x3d7: {  	v29 =	vand.u32 $0x7F, v29;
	v7 =	vld [tilespmem:$0x14760]  }
0x3d8: {  	v29 =	vbroadcast v29, $0x0;
	v16 =	vld.idx.msk [tilespmem:v8+s7+$0x0], $0xffff;
	[tilespmem:$0x14CC0] =	vst v10  }
0x3d9: {  	v28 =	vshll.u32 v28, $0x7;
	v8 =	vld [tilespmem:$0x14960];
	[tilespmem:$0x14D40] =	vst v31  }
0x3da: {  	v30 =	vor.u32 v28, v29;
	v10 =	vld.idx.msk [tilespmem:v10+s7+$0x0], $0xffff  }
0x3db: {  	v29 =	vor.u32 v0, v29;
	v11 =	vld.idx.msk [tilespmem:v31+s7+$0x0], $0xffff;
	[tilespmem:s19], [sflag:$0x1] =	stream.indirect.gather [hbm4b:s1+s2], $0x80, s3, s2, $0xb8  }
0x3dc: {  	_ =	swait.ge [sflag:s30], $0x2800  }
0x3dd: {  	[sflag:s30] =	ssyncset.done $0x0  }
0x3de: {  	[sflag:s30] =	ssyncadd.s32 $0xFFFFD800  }
0x3df: {  	v30 =	vld.idx.msk [tilespmem:v30+s20+$0x0], $0xffff  }
0x3e0: {  	v31 =	vld.idx.msk [tilespmem:v29+s19+$0x0], $0xffff  }
0x3e1: {  	s9 =	simm.s32 $0x1  }
0x3e2: {  	v63 =	vmov s9  }
0x3e3: {  	v32 =	vand.u32 $0x7F, v63;
	s14 =	simm.s32 $0x2  }
.LBB2_31:
0x3e4: {  	p1 =	seq.s32 s14, $0x7F;
	v32 =	vbroadcast v32, $0x0  }
0x3e5: {  	v30 =	vadd.f32 v30, v31  }
0x3e6: {  	v31 =	vor.u32 v28, v32  }
0x3e7: {  	v32 =	vor.u32 v0, v32;
	v30 =	vmax.f32 v30, $0.0e+00  }
0x3e8: {  	v30 =	vmul.f32 v30, v27;
	_ =	sdelay $0x1  }
0x3e9: {  	[tilespmem:v29+s31+$0x0] =	vst.idx.msk $0xffff, v30;
	v29 =	vmov v32  }
0x3ea: {  	v30 =	vld.idx.msk [tilespmem:v31+s20+$0x0], $0xffff  }
.Ltmp14:
0x3eb: {  	v31 =	vld.idx.msk [tilespmem:v32+s19+$0x0], $0xffff;
	(pc) =	sbr.rel @!p1 .LBB2_31-.Ltmp14, $3  }
0x3ec: {  	_ =	sdelay $0x1  }
0x3ed: {  	v32 =	vmov s14  }
0x3ee: {  	s14 =	sadd.s32 $0x1, s14;
	v32 =	vand.u32 $0x7F, v32  }
0x3ef: {  	v32 =	vbroadcast v32, $0x0  }
0x3f0: {  	v30 =	vadd.f32 v30, v31  }
0x3f1: {  	v28 =	vor.u32 v28, v32  }
0x3f2: {  	v63 =	vor.u32 v0, v32;
	v30 =	vmax.f32 v30, $0.0e+00  }
0x3f3: {  	v30 =	vmul.f32 v30, v27;
	_ =	sdelay $0x1  }
0x3f4: {  	[tilespmem:v29+s31+$0x0] =	vst.idx.msk $0xffff, v30  }
0x3f5: {  	v22 =	vmul.u32 $0xC, v22;
	v28 =	vld.idx.msk [tilespmem:v28+s20+$0x0], $0xffff  }
0x3f6: {  	v23 =	vshll.u32 v23, $0x1;
	v29 =	vld.idx.msk [tilespmem:v63+s19+$0x0], $0xffff  }
0x3f7: {  	s14 =	simm.s32 $0x0;
	v22 =	vadd.s32 v22, v23  }
0x3f8: {  	v23 =	vadd.s32 v24, v22;
	v24 =	vmov s14  }
0x3f9: {  	v24 =	vand.u32 $0x7F, v24  }
0x3fa: {  	v24 =	vbroadcast v24, $0x0  }
0x3fb: {  	v23 =	vshll.u32 v23, $0x7;
	v28 =	vadd.f32 v28, v29  }
0x3fc: {  	v22 =	vmul.f32 v26, v25;
	v25 =	vor.u32 v23, v24  }
0x3fd: {  	v24 =	vor.u32 v3, v24;
	v28 =	vmax.f32 v28, $0.0e+00  }
0x3fe: {  	v27 =	vmul.f32 v28, v27;
	_ =	sdelay $0x1  }
0x3ff: {  	[tilespmem:v63+s31+$0x0] =	vst.idx.msk $0xffff, v27  }
0x400: {  	v25 =	vld.idx.msk [tilespmem:v25+s20+$0x0], $0xffff  }
0x401: {  	v26 =	vld.idx.msk [tilespmem:v24+s19+$0x0], $0xffff  }
0x402: {  	s9 =	simm.s32 $0x1  }
0x403: {  	v27 =	vmov s9  }
0x404: {  	s14 =	simm.s32 $0x2;
	v27 =	vand.u32 $0x7F, v27  }
.LBB2_33:
0x405: {  	p1 =	seq.s32 s14, $0x7F;
	v27 =	vbroadcast v27, $0x0  }
0x406: {  	v25 =	vadd.f32 v25, v26  }
0x407: {  	v26 =	vor.u32 v23, v27  }
0x408: {  	v27 =	vor.u32 v3, v27;
	v25 =	vmax.f32 v25, $0.0e+00  }
0x409: {  	v25 =	vmul.f32 v25, v22;
	_ =	sdelay $0x1  }
0x40a: {  	[tilespmem:v24+s31+$0x0] =	vst.idx.msk $0xffff, v25;
	v24 =	vmov v27  }
0x40b: {  	v25 =	vld.idx.msk [tilespmem:v26+s20+$0x0], $0xffff  }
.Ltmp15:
0x40c: {  	v26 =	vld.idx.msk [tilespmem:v27+s19+$0x0], $0xffff;
	(pc) =	sbr.rel @!p1 .LBB2_33-.Ltmp15, $3  }
0x40d: {  	_ =	sdelay $0x1  }
0x40e: {  	v27 =	vmov s14  }
0x40f: {  	s14 =	sadd.s32 $0x1, s14;
	v27 =	vand.u32 $0x7F, v27  }
0x410: {  	v27 =	vbroadcast v27, $0x0  }
0x411: {  	v25 =	vadd.f32 v25, v26  }
0x412: {  	v23 =	vor.u32 v23, v27  }
0x413: {  	v63 =	vor.u32 v3, v27;
	v25 =	vmax.f32 v25, $0.0e+00  }
0x414: {  	v25 =	vmul.f32 v25, v22;
	_ =	sdelay $0x1  }
0x415: {  	[tilespmem:v24+s31+$0x0] =	vst.idx.msk $0xffff, v25  }
0x416: {  	v17 =	vmul.u32 $0xC, v17;
	v23 =	vld.idx.msk [tilespmem:v23+s20+$0x0], $0xffff  }
0x417: {  	v18 =	vshll.u32 v18, $0x1;
	v24 =	vld.idx.msk [tilespmem:v63+s19+$0x0], $0xffff  }
0x418: {  	s14 =	simm.s32 $0x0;
	v17 =	vadd.s32 v17, v18  }
0x419: {  	v18 =	vadd.s32 v19, v17;
	v19 =	vmov s14  }
0x41a: {  	v19 =	vand.u32 $0x7F, v19  }
0x41b: {  	v19 =	vbroadcast v19, $0x0  }
0x41c: {  	v18 =	vshll.u32 v18, $0x7;
	v23 =	vadd.f32 v23, v24  }
0x41d: {  	v17 =	vmul.f32 v21, v20;
	v20 =	vor.u32 v18, v19  }
0x41e: {  	v19 =	vor.u32 v4, v19;
	v23 =	vmax.f32 v23, $0.0e+00  }
0x41f: {  	v22 =	vmul.f32 v23, v22;
	_ =	sdelay $0x1  }
0x420: {  	[tilespmem:v63+s31+$0x0] =	vst.idx.msk $0xffff, v22  }
0x421: {  	v20 =	vld.idx.msk [tilespmem:v20+s20+$0x0], $0xffff  }
0x422: {  	v21 =	vld.idx.msk [tilespmem:v19+s19+$0x0], $0xffff  }
0x423: {  	s9 =	simm.s32 $0x1  }
0x424: {  	v22 =	vmov s9  }
0x425: {  	s14 =	simm.s32 $0x2;
	v22 =	vand.u32 $0x7F, v22  }
.LBB2_35:
0x426: {  	p1 =	seq.s32 s14, $0x7F;
	v22 =	vbroadcast v22, $0x0  }
0x427: {  	v20 =	vadd.f32 v20, v21  }
0x428: {  	v21 =	vor.u32 v18, v22  }
0x429: {  	v22 =	vor.u32 v4, v22;
	v20 =	vmax.f32 v20, $0.0e+00  }
0x42a: {  	v20 =	vmul.f32 v20, v17;
	_ =	sdelay $0x1  }
0x42b: {  	[tilespmem:v19+s31+$0x0] =	vst.idx.msk $0xffff, v20;
	v19 =	vmov v22  }
0x42c: {  	v20 =	vld.idx.msk [tilespmem:v21+s20+$0x0], $0xffff  }
.Ltmp16:
0x42d: {  	v21 =	vld.idx.msk [tilespmem:v22+s19+$0x0], $0xffff;
	(pc) =	sbr.rel @!p1 .LBB2_35-.Ltmp16, $3  }
0x42e: {  	_ =	sdelay $0x1  }
0x42f: {  	v22 =	vmov s14  }
0x430: {  	s14 =	sadd.s32 $0x1, s14;
	v22 =	vand.u32 $0x7F, v22  }
0x431: {  	v22 =	vbroadcast v22, $0x0  }
0x432: {  	v20 =	vadd.f32 v20, v21  }
0x433: {  	v18 =	vor.u32 v18, v22  }
0x434: {  	v63 =	vor.u32 v4, v22;
	v20 =	vmax.f32 v20, $0.0e+00  }
0x435: {  	v20 =	vmul.f32 v20, v17;
	_ =	sdelay $0x1  }
0x436: {  	[tilespmem:v19+s31+$0x0] =	vst.idx.msk $0xffff, v20  }
0x437: {  	v12 =	vmul.u32 $0xC, v12;
	v18 =	vld.idx.msk [tilespmem:v18+s20+$0x0], $0xffff  }
0x438: {  	v13 =	vshll.u32 v13, $0x1;
	v19 =	vld.idx.msk [tilespmem:v63+s19+$0x0], $0xffff  }
0x439: {  	s14 =	simm.s32 $0x0;
	v12 =	vadd.s32 v12, v13  }
0x43a: {  	v13 =	vadd.s32 v14, v12;
	v14 =	vmov s14  }
0x43b: {  	v14 =	vand.u32 $0x7F, v14  }
0x43c: {  	v14 =	vbroadcast v14, $0x0  }
0x43d: {  	v13 =	vshll.u32 v13, $0x7;
	v18 =	vadd.f32 v18, v19  }
0x43e: {  	v12 =	vmul.f32 v16, v15;
	v15 =	vor.u32 v13, v14  }
0x43f: {  	v14 =	vor.u32 v5, v14;
	v18 =	vmax.f32 v18, $0.0e+00  }
0x440: {  	v17 =	vmul.f32 v18, v17;
	_ =	sdelay $0x1  }
0x441: {  	[tilespmem:v63+s31+$0x0] =	vst.idx.msk $0xffff, v17  }
0x442: {  	v15 =	vld.idx.msk [tilespmem:v15+s20+$0x0], $0xffff  }
0x443: {  	v16 =	vld.idx.msk [tilespmem:v14+s19+$0x0], $0xffff  }
0x444: {  	s9 =	simm.s32 $0x1  }
0x445: {  	v17 =	vmov s9  }
0x446: {  	s14 =	simm.s32 $0x2;
	v17 =	vand.u32 $0x7F, v17  }
.LBB2_37:
0x447: {  	p1 =	seq.s32 s14, $0x7F;
	v17 =	vbroadcast v17, $0x0  }
0x448: {  	v15 =	vadd.f32 v15, v16  }
0x449: {  	v16 =	vor.u32 v13, v17  }
0x44a: {  	v17 =	vor.u32 v5, v17;
	v15 =	vmax.f32 v15, $0.0e+00  }
0x44b: {  	v15 =	vmul.f32 v15, v12;
	_ =	sdelay $0x1  }
0x44c: {  	[tilespmem:v14+s31+$0x0] =	vst.idx.msk $0xffff, v15;
	v14 =	vmov v17  }
0x44d: {  	v15 =	vld.idx.msk [tilespmem:v16+s20+$0x0], $0xffff  }
.Ltmp17:
0x44e: {  	v16 =	vld.idx.msk [tilespmem:v17+s19+$0x0], $0xffff;
	(pc) =	sbr.rel @!p1 .LBB2_37-.Ltmp17, $3  }
0x44f: {  	_ =	sdelay $0x1  }
0x450: {  	v17 =	vmov s14  }
0x451: {  	s14 =	sadd.s32 $0x1, s14;
	v17 =	vand.u32 $0x7F, v17  }
0x452: {  	v17 =	vbroadcast v17, $0x0  }
0x453: {  	v15 =	vadd.f32 v15, v16  }
0x454: {  	v13 =	vor.u32 v13, v17  }
0x455: {  	v63 =	vor.u32 v5, v17;
	v15 =	vmax.f32 v15, $0.0e+00  }
0x456: {  	v15 =	vmul.f32 v15, v12;
	_ =	sdelay $0x1  }
0x457: {  	[tilespmem:v14+s31+$0x0] =	vst.idx.msk $0xffff, v15  }
0x458: {  	v7 =	vmul.u32 $0xC, v7;
	v13 =	vld.idx.msk [tilespmem:v13+s20+$0x0], $0xffff  }
0x459: {  	v8 =	vshll.u32 v8, $0x1;
	v14 =	vld.idx.msk [tilespmem:v63+s19+$0x0], $0xffff  }
0x45a: {  	s14 =	simm.s32 $0x0;
	v7 =	vadd.s32 v7, v8  }
0x45b: {  	v8 =	vadd.s32 v9, v7;
	v9 =	vmov s14  }
0x45c: {  	v9 =	vand.u32 $0x7F, v9  }
0x45d: {  	v9 =	vbroadcast v9, $0x0  }
0x45e: {  	v8 =	vshll.u32 v8, $0x7;
	v13 =	vadd.f32 v13, v14  }
0x45f: {  	v7 =	vmul.f32 v11, v10;
	v10 =	vor.u32 v8, v9  }
0x460: {  	v9 =	vor.u32 v6, v9;
	v13 =	vmax.f32 v13, $0.0e+00  }
0x461: {  	v12 =	vmul.f32 v13, v12;
	_ =	sdelay $0x1  }
0x462: {  	[tilespmem:v63+s31+$0x0] =	vst.idx.msk $0xffff, v12  }
0x463: {  	v10 =	vld.idx.msk [tilespmem:v10+s20+$0x0], $0xffff  }
0x464: {  	v11 =	vld.idx.msk [tilespmem:v9+s19+$0x0], $0xffff  }
0x465: {  	s9 =	simm.s32 $0x1  }
0x466: {  	v12 =	vmov s9  }
0x467: {  	s14 =	simm.s32 $0x2;
	v12 =	vand.u32 $0x7F, v12  }
.LBB2_39:
0x468: {  	p1 =	sne.s32 s14, $0x7F;
	v12 =	vbroadcast v12, $0x0  }
0x469: {  	v10 =	vadd.f32 v10, v11  }
0x46a: {  	v11 =	vor.u32 v8, v12  }
0x46b: {  	v12 =	vor.u32 v6, v12;
	v10 =	vmax.f32 v10, $0.0e+00  }
0x46c: {  	v10 =	vmul.f32 v10, v7;
	_ =	sdelay $0x1  }
0x46d: {  	[tilespmem:v9+s31+$0x0] =	vst.idx.msk $0xffff, v10;
	v9 =	vmov v12  }
0x46e: {  	v10 =	vld.idx.msk [tilespmem:v11+s20+$0x0], $0xffff  }
.Ltmp18:
0x46f: {  	v11 =	vld.idx.msk [tilespmem:v12+s19+$0x0], $0xffff;
	(pc) =	sbr.rel @p1 .LBB2_39-.Ltmp18, $3  }
0x470: {  	_ =	sdelay $0x1  }
0x471: {  	v12 =	vmov s14  }
0x472: {  	s14 =	sadd.s32 $0x1, s14;
	v12 =	vand.u32 $0x7F, v12  }
0x473: {  	v12 =	vbroadcast v12, $0x0  }
0x474: {  	v10 =	vadd.f32 v10, v11  }
0x475: {  	v8 =	vor.u32 v8, v12  }
0x476: {  	v11 =	vor.u32 v6, v12;
	v10 =	vmax.f32 v10, $0.0e+00  }
0x477: {  	v10 =	vmul.f32 v10, v7;
	_ =	sdelay $0x1  }
0x478: {  	[tilespmem:v9+s31+$0x0] =	vst.idx.msk $0xffff, v10  }
0x479: {  	v8 =	vld.idx.msk [tilespmem:v8+s20+$0x0], $0xffff  }
0x47a: {  	v9 =	vld.idx.msk [tilespmem:v11+s19+$0x0], $0xffff;
	_ =	sdelay $0x4  }
0x47b: {  	v8 =	vadd.f32 v8, v9;
	_ =	sdelay $0x1  }
0x47c: {  	v8 =	vmax.f32 v8, $0.0e+00  }
0x47d: {  	v7 =	vmul.f32 v8, v7;
	_ =	sdelay $0x1  }
0x47e: {  	[tilespmem:v11+s31+$0x0] =	vst.idx.msk $0xffff, v7  }
0x47f: {  	[spmem:s5] =	stream.indirect.scatter.add.f32 [tilespmem:s31], [sflag:$0x1], $0x80, s21, s2, $0xb8;
	[tilespmem:$0x1F680] =	vst v63  }
0x480: {  	_ =	swait.ge [sflag:s30], $0x2800  }
0x481: {  	[sflag:s30] =	ssyncset.done $0x0  }
0x482: {  	[sflag:s30] =	ssyncadd.s32 $0xFFFFD800  }
0x483: {  	v7 =	vld [tilespmem:$0x14370]  }
0x484: {  	v8 =	vld [tilespmem:$0x14570]  }
0x485: {  	v11 =	vld [tilespmem:$0x14770]  }
0x486: {  	v27 =	vld [tilespmem:$0x14970]  }
0x487: {  	v28 =	vld [tilespmem:$0x14B70]  }
0x488: {  	v9 =	vld [tilespmem:$0x14580]  }
0x489: {  	v22 =	vld [tilespmem:$0x14780]  }
0x48a: {  	v23 =	vld [tilespmem:$0x14980]  }
0x48b: {  	v24 =	vld [tilespmem:$0x14B80]  }
0x48c: {  	v10 =	vld [tilespmem:$0x14590];
	[tilespmem:$0x14C80] =	vst v7  }
0x48d: {  	v17 =	vld [tilespmem:$0x14790];
	[tilespmem:$0x14D00] =	vst v8  }
0x48e: {  	v29 =	vld.idx.msk [tilespmem:v7+s7+$0x0], $0xffff  }
0x48f: {  	v7 =	vld [tilespmem:$0x14380]  }
0x490: {  	v30 =	vld.idx.msk [tilespmem:v8+s7+$0x0], $0xffff  }
0x491: {  	v8 =	vld [tilespmem:$0x14390]  }
0x492: {  	v18 =	vld [tilespmem:$0x14990]  }
0x493: {  	v19 =	vld [tilespmem:$0x14B90]  }
0x494: {  	v12 =	vld [tilespmem:$0x147A0];
	[tilespmem:$0x14D10] =	vst v9  }
0x495: {  	v13 =	vld [tilespmem:$0x149A0];
	[tilespmem:$0x14C90] =	vst v7  }
0x496: {  	v26 =	vld.idx.msk [tilespmem:v9+s7+$0x0], $0xffff  }
0x497: {  	v25 =	vld.idx.msk [tilespmem:v7+s7+$0x0], $0xffff;
	[tilespmem:$0x14CA0] =	vst v8  }
0x498: {  	[tilespmem:$0x14D20] =	vst v10;
	v7 =	vld [tilespmem:$0x143A0]  }
0x499: {  	v20 =	vld.idx.msk [tilespmem:v8+s7+$0x0], $0xffff  }
0x49a: {  	v8 =	vld [tilespmem:$0x145A0]  }
0x49b: {  	v21 =	vld.idx.msk [tilespmem:v10+s7+$0x0], $0xffff  }
0x49c: {  	v10 =	vld [tilespmem:$0x143B0]  }
0x49d: {  	v31 =	vld [tilespmem:$0x145B0];
	v32 =	vmul.u32 $0xC, v11  }
0x49e: {  	v14 =	vld [tilespmem:$0x14BA0];
	v27 =	vshll.u32 v27, $0x1;
	[tilespmem:$0x14CB0] =	vst v7  }
0x49f: {  	s14 =	simm.s32 $0x0;
	v27 =	vadd.s32 v32, v27;
	v9 =	vld [tilespmem:$0x14BB0];
	[tilespmem:$0x14D30] =	vst v8  }
0x4a0: {  	v28 =	vadd.s32 v28, v27;
	v27 =	vmul.f32 v30, v29;
	v29 =	vmov s14;
	v15 =	vld.idx.msk [tilespmem:v7+s7+$0x0], $0xffff  }
0x4a1: {  	v29 =	vand.u32 $0x7F, v29;
	v7 =	vld [tilespmem:$0x147B0]  }
0x4a2: {  	v29 =	vbroadcast v29, $0x0;
	v16 =	vld.idx.msk [tilespmem:v8+s7+$0x0], $0xffff;
	[tilespmem:$0x14CC0] =	vst v10  }
0x4a3: {  	v28 =	vshll.u32 v28, $0x7;
	v8 =	vld [tilespmem:$0x149B0];
	[tilespmem:$0x14D40] =	vst v31  }
0x4a4: {  	v30 =	vor.u32 v28, v29;
	v10 =	vld.idx.msk [tilespmem:v10+s7+$0x0], $0xffff  }
0x4a5: {  	v29 =	vor.u32 v0, v29;
	v11 =	vld.idx.msk [tilespmem:v31+s7+$0x0], $0xffff;
	[tilespmem:s19], [sflag:$0x1] =	stream.indirect.gather [hbm4b:s1+s2], $0x80, s3, s2, $0xb8  }
0x4a6: {  	_ =	swait.ge [sflag:s30], $0x2800  }
0x4a7: {  	[sflag:s30] =	ssyncset.done $0x0  }
0x4a8: {  	[sflag:s30] =	ssyncadd.s32 $0xFFFFD800  }
0x4a9: {  	v30 =	vld.idx.msk [tilespmem:v30+s20+$0x0], $0xffff  }
0x4aa: {  	v31 =	vld.idx.msk [tilespmem:v29+s19+$0x0], $0xffff  }
0x4ab: {  	s9 =	simm.s32 $0x1  }
0x4ac: {  	v63 =	vmov s9  }
0x4ad: {  	v32 =	vand.u32 $0x7F, v63;
	s14 =	simm.s32 $0x2  }
.LBB2_41:
0x4ae: {  	p1 =	seq.s32 s14, $0x7F;
	v32 =	vbroadcast v32, $0x0  }
0x4af: {  	v30 =	vadd.f32 v30, v31  }
0x4b0: {  	v31 =	vor.u32 v28, v32  }
0x4b1: {  	v32 =	vor.u32 v0, v32;
	v30 =	vmax.f32 v30, $0.0e+00  }
0x4b2: {  	v30 =	vmul.f32 v30, v27;
	_ =	sdelay $0x1  }
0x4b3: {  	[tilespmem:v29+s31+$0x0] =	vst.idx.msk $0xffff, v30;
	v29 =	vmov v32  }
0x4b4: {  	v30 =	vld.idx.msk [tilespmem:v31+s20+$0x0], $0xffff  }
.Ltmp19:
0x4b5: {  	v31 =	vld.idx.msk [tilespmem:v32+s19+$0x0], $0xffff;
	(pc) =	sbr.rel @!p1 .LBB2_41-.Ltmp19, $3  }
0x4b6: {  	_ =	sdelay $0x1  }
0x4b7: {  	v32 =	vmov s14  }
0x4b8: {  	s14 =	sadd.s32 $0x1, s14;
	v32 =	vand.u32 $0x7F, v32  }
0x4b9: {  	v32 =	vbroadcast v32, $0x0  }
0x4ba: {  	v30 =	vadd.f32 v30, v31  }
0x4bb: {  	v28 =	vor.u32 v28, v32  }
0x4bc: {  	v63 =	vor.u32 v0, v32;
	v30 =	vmax.f32 v30, $0.0e+00  }
0x4bd: {  	v30 =	vmul.f32 v30, v27;
	_ =	sdelay $0x1  }
0x4be: {  	[tilespmem:v29+s31+$0x0] =	vst.idx.msk $0xffff, v30  }
0x4bf: {  	v22 =	vmul.u32 $0xC, v22;
	v28 =	vld.idx.msk [tilespmem:v28+s20+$0x0], $0xffff  }
0x4c0: {  	v23 =	vshll.u32 v23, $0x1;
	v29 =	vld.idx.msk [tilespmem:v63+s19+$0x0], $0xffff  }
0x4c1: {  	s14 =	simm.s32 $0x0;
	v22 =	vadd.s32 v22, v23  }
0x4c2: {  	v23 =	vadd.s32 v24, v22;
	v24 =	vmov s14  }
0x4c3: {  	v24 =	vand.u32 $0x7F, v24  }
0x4c4: {  	v24 =	vbroadcast v24, $0x0  }
0x4c5: {  	v23 =	vshll.u32 v23, $0x7;
	v28 =	vadd.f32 v28, v29  }
0x4c6: {  	v22 =	vmul.f32 v26, v25;
	v25 =	vor.u32 v23, v24  }
0x4c7: {  	v24 =	vor.u32 v3, v24;
	v28 =	vmax.f32 v28, $0.0e+00  }
0x4c8: {  	v27 =	vmul.f32 v28, v27;
	_ =	sdelay $0x1  }
0x4c9: {  	[tilespmem:v63+s31+$0x0] =	vst.idx.msk $0xffff, v27  }
0x4ca: {  	v25 =	vld.idx.msk [tilespmem:v25+s20+$0x0], $0xffff  }
0x4cb: {  	v26 =	vld.idx.msk [tilespmem:v24+s19+$0x0], $0xffff  }
0x4cc: {  	s9 =	simm.s32 $0x1  }
0x4cd: {  	v27 =	vmov s9  }
0x4ce: {  	s14 =	simm.s32 $0x2;
	v27 =	vand.u32 $0x7F, v27  }
.LBB2_43:
0x4cf: {  	p1 =	seq.s32 s14, $0x7F;
	v27 =	vbroadcast v27, $0x0  }
0x4d0: {  	v25 =	vadd.f32 v25, v26  }
0x4d1: {  	v26 =	vor.u32 v23, v27  }
0x4d2: {  	v27 =	vor.u32 v3, v27;
	v25 =	vmax.f32 v25, $0.0e+00  }
0x4d3: {  	v25 =	vmul.f32 v25, v22;
	_ =	sdelay $0x1  }
0x4d4: {  	[tilespmem:v24+s31+$0x0] =	vst.idx.msk $0xffff, v25;
	v24 =	vmov v27  }
0x4d5: {  	v25 =	vld.idx.msk [tilespmem:v26+s20+$0x0], $0xffff  }
.Ltmp20:
0x4d6: {  	v26 =	vld.idx.msk [tilespmem:v27+s19+$0x0], $0xffff;
	(pc) =	sbr.rel @!p1 .LBB2_43-.Ltmp20, $3  }
0x4d7: {  	_ =	sdelay $0x1  }
0x4d8: {  	v27 =	vmov s14  }
0x4d9: {  	s14 =	sadd.s32 $0x1, s14;
	v27 =	vand.u32 $0x7F, v27  }
0x4da: {  	v27 =	vbroadcast v27, $0x0  }
0x4db: {  	v25 =	vadd.f32 v25, v26  }
0x4dc: {  	v23 =	vor.u32 v23, v27  }
0x4dd: {  	v63 =	vor.u32 v3, v27;
	v25 =	vmax.f32 v25, $0.0e+00  }
0x4de: {  	v25 =	vmul.f32 v25, v22;
	_ =	sdelay $0x1  }
0x4df: {  	[tilespmem:v24+s31+$0x0] =	vst.idx.msk $0xffff, v25  }
0x4e0: {  	v17 =	vmul.u32 $0xC, v17;
	v23 =	vld.idx.msk [tilespmem:v23+s20+$0x0], $0xffff  }
0x4e1: {  	v18 =	vshll.u32 v18, $0x1;
	v24 =	vld.idx.msk [tilespmem:v63+s19+$0x0], $0xffff  }
0x4e2: {  	s14 =	simm.s32 $0x0;
	v17 =	vadd.s32 v17, v18  }
0x4e3: {  	v18 =	vadd.s32 v19, v17;
	v19 =	vmov s14  }
0x4e4: {  	v19 =	vand.u32 $0x7F, v19  }
0x4e5: {  	v19 =	vbroadcast v19, $0x0  }
0x4e6: {  	v18 =	vshll.u32 v18, $0x7;
	v23 =	vadd.f32 v23, v24  }
0x4e7: {  	v17 =	vmul.f32 v21, v20;
	v20 =	vor.u32 v18, v19  }
0x4e8: {  	v19 =	vor.u32 v4, v19;
	v23 =	vmax.f32 v23, $0.0e+00  }
0x4e9: {  	v22 =	vmul.f32 v23, v22;
	_ =	sdelay $0x1  }
0x4ea: {  	[tilespmem:v63+s31+$0x0] =	vst.idx.msk $0xffff, v22  }
0x4eb: {  	v20 =	vld.idx.msk [tilespmem:v20+s20+$0x0], $0xffff  }
0x4ec: {  	v21 =	vld.idx.msk [tilespmem:v19+s19+$0x0], $0xffff  }
0x4ed: {  	s9 =	simm.s32 $0x1  }
0x4ee: {  	v22 =	vmov s9  }
0x4ef: {  	s14 =	simm.s32 $0x2;
	v22 =	vand.u32 $0x7F, v22  }
.LBB2_45:
0x4f0: {  	p1 =	seq.s32 s14, $0x7F;
	v22 =	vbroadcast v22, $0x0  }
0x4f1: {  	v20 =	vadd.f32 v20, v21  }
0x4f2: {  	v21 =	vor.u32 v18, v22  }
0x4f3: {  	v22 =	vor.u32 v4, v22;
	v20 =	vmax.f32 v20, $0.0e+00  }
0x4f4: {  	v20 =	vmul.f32 v20, v17;
	_ =	sdelay $0x1  }
0x4f5: {  	[tilespmem:v19+s31+$0x0] =	vst.idx.msk $0xffff, v20;
	v19 =	vmov v22  }
0x4f6: {  	v20 =	vld.idx.msk [tilespmem:v21+s20+$0x0], $0xffff  }
.Ltmp21:
0x4f7: {  	v21 =	vld.idx.msk [tilespmem:v22+s19+$0x0], $0xffff;
	(pc) =	sbr.rel @!p1 .LBB2_45-.Ltmp21, $3  }
0x4f8: {  	_ =	sdelay $0x1  }
0x4f9: {  	v22 =	vmov s14  }
0x4fa: {  	s14 =	sadd.s32 $0x1, s14;
	v22 =	vand.u32 $0x7F, v22  }
0x4fb: {  	v22 =	vbroadcast v22, $0x0  }
0x4fc: {  	v20 =	vadd.f32 v20, v21  }
0x4fd: {  	v18 =	vor.u32 v18, v22  }
0x4fe: {  	v63 =	vor.u32 v4, v22;
	v20 =	vmax.f32 v20, $0.0e+00  }
0x4ff: {  	v20 =	vmul.f32 v20, v17;
	_ =	sdelay $0x1  }
0x500: {  	[tilespmem:v19+s31+$0x0] =	vst.idx.msk $0xffff, v20  }
0x501: {  	v12 =	vmul.u32 $0xC, v12;
	v18 =	vld.idx.msk [tilespmem:v18+s20+$0x0], $0xffff  }
0x502: {  	v13 =	vshll.u32 v13, $0x1;
	v19 =	vld.idx.msk [tilespmem:v63+s19+$0x0], $0xffff  }
0x503: {  	s14 =	simm.s32 $0x0;
	v12 =	vadd.s32 v12, v13  }
0x504: {  	v13 =	vadd.s32 v14, v12;
	v14 =	vmov s14  }
0x505: {  	v14 =	vand.u32 $0x7F, v14  }
0x506: {  	v14 =	vbroadcast v14, $0x0  }
0x507: {  	v13 =	vshll.u32 v13, $0x7;
	v18 =	vadd.f32 v18, v19  }
0x508: {  	v12 =	vmul.f32 v16, v15;
	v15 =	vor.u32 v13, v14  }
0x509: {  	v14 =	vor.u32 v5, v14;
	v18 =	vmax.f32 v18, $0.0e+00  }
0x50a: {  	v17 =	vmul.f32 v18, v17;
	_ =	sdelay $0x1  }
0x50b: {  	[tilespmem:v63+s31+$0x0] =	vst.idx.msk $0xffff, v17  }
0x50c: {  	v15 =	vld.idx.msk [tilespmem:v15+s20+$0x0], $0xffff  }
0x50d: {  	v16 =	vld.idx.msk [tilespmem:v14+s19+$0x0], $0xffff  }
0x50e: {  	s9 =	simm.s32 $0x1  }
0x50f: {  	v17 =	vmov s9  }
0x510: {  	s14 =	simm.s32 $0x2;
	v17 =	vand.u32 $0x7F, v17  }
.LBB2_47:
0x511: {  	p1 =	seq.s32 s14, $0x7F;
	v17 =	vbroadcast v17, $0x0  }
0x512: {  	v15 =	vadd.f32 v15, v16  }
0x513: {  	v16 =	vor.u32 v13, v17  }
0x514: {  	v17 =	vor.u32 v5, v17;
	v15 =	vmax.f32 v15, $0.0e+00  }
0x515: {  	v15 =	vmul.f32 v15, v12;
	_ =	sdelay $0x1  }
0x516: {  	[tilespmem:v14+s31+$0x0] =	vst.idx.msk $0xffff, v15;
	v14 =	vmov v17  }
0x517: {  	v15 =	vld.idx.msk [tilespmem:v16+s20+$0x0], $0xffff  }
.Ltmp22:
0x518: {  	v16 =	vld.idx.msk [tilespmem:v17+s19+$0x0], $0xffff;
	(pc) =	sbr.rel @!p1 .LBB2_47-.Ltmp22, $3  }
0x519: {  	_ =	sdelay $0x1  }
0x51a: {  	v17 =	vmov s14  }
0x51b: {  	s14 =	sadd.s32 $0x1, s14;
	v17 =	vand.u32 $0x7F, v17  }
0x51c: {  	v17 =	vbroadcast v17, $0x0  }
0x51d: {  	v15 =	vadd.f32 v15, v16  }
0x51e: {  	v13 =	vor.u32 v13, v17  }
0x51f: {  	v63 =	vor.u32 v5, v17;
	v15 =	vmax.f32 v15, $0.0e+00  }
0x520: {  	v15 =	vmul.f32 v15, v12;
	_ =	sdelay $0x1  }
0x521: {  	[tilespmem:v14+s31+$0x0] =	vst.idx.msk $0xffff, v15  }
0x522: {  	v7 =	vmul.u32 $0xC, v7;
	v13 =	vld.idx.msk [tilespmem:v13+s20+$0x0], $0xffff  }
0x523: {  	v8 =	vshll.u32 v8, $0x1;
	v14 =	vld.idx.msk [tilespmem:v63+s19+$0x0], $0xffff  }
0x524: {  	s14 =	simm.s32 $0x0;
	v7 =	vadd.s32 v7, v8  }
0x525: {  	v8 =	vadd.s32 v9, v7;
	v9 =	vmov s14  }
0x526: {  	v9 =	vand.u32 $0x7F, v9  }
0x527: {  	v9 =	vbroadcast v9, $0x0  }
0x528: {  	v8 =	vshll.u32 v8, $0x7;
	v13 =	vadd.f32 v13, v14  }
0x529: {  	v7 =	vmul.f32 v11, v10;
	v10 =	vor.u32 v8, v9  }
0x52a: {  	v9 =	vor.u32 v6, v9;
	v13 =	vmax.f32 v13, $0.0e+00  }
0x52b: {  	v12 =	vmul.f32 v13, v12;
	_ =	sdelay $0x1  }
0x52c: {  	[tilespmem:v63+s31+$0x0] =	vst.idx.msk $0xffff, v12  }
0x52d: {  	v10 =	vld.idx.msk [tilespmem:v10+s20+$0x0], $0xffff  }
0x52e: {  	v11 =	vld.idx.msk [tilespmem:v9+s19+$0x0], $0xffff  }
0x52f: {  	s9 =	simm.s32 $0x1  }
0x530: {  	v12 =	vmov s9  }
0x531: {  	s14 =	simm.s32 $0x2;
	v12 =	vand.u32 $0x7F, v12  }
.LBB2_49:
0x532: {  	p1 =	sne.s32 s14, $0x7F;
	v12 =	vbroadcast v12, $0x0  }
0x533: {  	v10 =	vadd.f32 v10, v11  }
0x534: {  	v11 =	vor.u32 v8, v12  }
0x535: {  	v12 =	vor.u32 v6, v12;
	v10 =	vmax.f32 v10, $0.0e+00  }
0x536: {  	v10 =	vmul.f32 v10, v7;
	_ =	sdelay $0x1  }
0x537: {  	[tilespmem:v9+s31+$0x0] =	vst.idx.msk $0xffff, v10;
	v9 =	vmov v12  }
0x538: {  	v10 =	vld.idx.msk [tilespmem:v11+s20+$0x0], $0xffff  }
.Ltmp23:
0x539: {  	v11 =	vld.idx.msk [tilespmem:v12+s19+$0x0], $0xffff;
	(pc) =	sbr.rel @p1 .LBB2_49-.Ltmp23, $3  }
0x53a: {  	_ =	sdelay $0x1  }
0x53b: {  	v12 =	vmov s14  }
0x53c: {  	s14 =	sadd.s32 $0x1, s14;
	v12 =	vand.u32 $0x7F, v12  }
0x53d: {  	v12 =	vbroadcast v12, $0x0  }
0x53e: {  	v10 =	vadd.f32 v10, v11  }
0x53f: {  	v8 =	vor.u32 v8, v12  }
0x540: {  	v11 =	vor.u32 v6, v12;
	v10 =	vmax.f32 v10, $0.0e+00  }
0x541: {  	v10 =	vmul.f32 v10, v7;
	_ =	sdelay $0x1  }
0x542: {  	[tilespmem:v9+s31+$0x0] =	vst.idx.msk $0xffff, v10  }
0x543: {  	v8 =	vld.idx.msk [tilespmem:v8+s20+$0x0], $0xffff  }
0x544: {  	v9 =	vld.idx.msk [tilespmem:v11+s19+$0x0], $0xffff;
	_ =	sdelay $0x4  }
0x545: {  	v8 =	vadd.f32 v8, v9;
	_ =	sdelay $0x1  }
0x546: {  	v8 =	vmax.f32 v8, $0.0e+00  }
0x547: {  	v7 =	vmul.f32 v8, v7;
	_ =	sdelay $0x1  }
0x548: {  	[tilespmem:v11+s31+$0x0] =	vst.idx.msk $0xffff, v7  }
0x549: {  	[spmem:s5] =	stream.indirect.scatter.add.f32 [tilespmem:s31], [sflag:$0x1], $0x80, s21, s2, $0xb8;
	[tilespmem:$0x1F680] =	vst v63  }
0x54a: {  	_ =	swait.ge [sflag:s30], $0x2800  }
0x54b: {  	[sflag:s30] =	ssyncset.done $0x0  }
0x54c: {  	[sflag:s30] =	ssyncadd.s32 $0xFFFFD800  }
0x54d: {  	v7 =	vld [tilespmem:$0x143C0]  }
0x54e: {  	v8 =	vld [tilespmem:$0x145C0]  }
0x54f: {  	v11 =	vld [tilespmem:$0x147C0]  }
0x550: {  	v27 =	vld [tilespmem:$0x149C0]  }
0x551: {  	v28 =	vld [tilespmem:$0x14BC0]  }
0x552: {  	v9 =	vld [tilespmem:$0x145D0]  }
0x553: {  	v22 =	vld [tilespmem:$0x147D0]  }
0x554: {  	v23 =	vld [tilespmem:$0x149D0]  }
0x555: {  	v24 =	vld [tilespmem:$0x14BD0]  }
0x556: {  	v10 =	vld [tilespmem:$0x145E0];
	[tilespmem:$0x14C80] =	vst v7  }
0x557: {  	v17 =	vld [tilespmem:$0x147E0];
	[tilespmem:$0x14D00] =	vst v8  }
0x558: {  	v29 =	vld.idx.msk [tilespmem:v7+s7+$0x0], $0xffff  }
0x559: {  	v7 =	vld [tilespmem:$0x143D0]  }
0x55a: {  	v30 =	vld.idx.msk [tilespmem:v8+s7+$0x0], $0xffff  }
0x55b: {  	v8 =	vld [tilespmem:$0x143E0]  }
0x55c: {  	v18 =	vld [tilespmem:$0x149E0]  }
0x55d: {  	v19 =	vld [tilespmem:$0x14BE0]  }
0x55e: {  	v12 =	vld [tilespmem:$0x147F0];
	[tilespmem:$0x14D10] =	vst v9  }
0x55f: {  	v13 =	vld [tilespmem:$0x149F0];
	[tilespmem:$0x14C90] =	vst v7  }
0x560: {  	v26 =	vld.idx.msk [tilespmem:v9+s7+$0x0], $0xffff  }
0x561: {  	v25 =	vld.idx.msk [tilespmem:v7+s7+$0x0], $0xffff;
	[tilespmem:$0x14CA0] =	vst v8  }
0x562: {  	[tilespmem:$0x14D20] =	vst v10;
	v7 =	vld [tilespmem:$0x143F0]  }
0x563: {  	v20 =	vld.idx.msk [tilespmem:v8+s7+$0x0], $0xffff  }
0x564: {  	v8 =	vld [tilespmem:$0x145F0]  }
0x565: {  	v21 =	vld.idx.msk [tilespmem:v10+s7+$0x0], $0xffff  }
0x566: {  	v10 =	vld [tilespmem:$0x14400]  }
0x567: {  	v31 =	vld [tilespmem:$0x14600];
	v32 =	vmul.u32 $0xC, v11  }
0x568: {  	v14 =	vld [tilespmem:$0x14BF0];
	v27 =	vshll.u32 v27, $0x1;
	[tilespmem:$0x14CB0] =	vst v7  }
0x569: {  	s14 =	simm.s32 $0x0;
	v27 =	vadd.s32 v32, v27;
	v9 =	vld [tilespmem:$0x14C00];
	[tilespmem:$0x14D30] =	vst v8  }
0x56a: {  	v28 =	vadd.s32 v28, v27;
	v27 =	vmul.f32 v30, v29;
	v29 =	vmov s14;
	v15 =	vld.idx.msk [tilespmem:v7+s7+$0x0], $0xffff  }
0x56b: {  	v29 =	vand.u32 $0x7F, v29;
	v7 =	vld [tilespmem:$0x14800]  }
0x56c: {  	v29 =	vbroadcast v29, $0x0;
	v16 =	vld.idx.msk [tilespmem:v8+s7+$0x0], $0xffff;
	[tilespmem:$0x14CC0] =	vst v10  }
0x56d: {  	v28 =	vshll.u32 v28, $0x7;
	v8 =	vld [tilespmem:$0x14A00];
	[tilespmem:$0x14D40] =	vst v31  }
0x56e: {  	v30 =	vor.u32 v28, v29;
	v10 =	vld.idx.msk [tilespmem:v10+s7+$0x0], $0xffff  }
0x56f: {  	v29 =	vor.u32 v0, v29;
	v11 =	vld.idx.msk [tilespmem:v31+s7+$0x0], $0xffff;
	[tilespmem:s19], [sflag:$0x1] =	stream.indirect.gather [hbm4b:s1+s2], $0x80, s3, s2, $0xb8  }
0x570: {  	_ =	swait.ge [sflag:s30], $0x2800  }
0x571: {  	[sflag:s30] =	ssyncset.done $0x0  }
0x572: {  	[sflag:s30] =	ssyncadd.s32 $0xFFFFD800  }
0x573: {  	v30 =	vld.idx.msk [tilespmem:v30+s20+$0x0], $0xffff  }
0x574: {  	v31 =	vld.idx.msk [tilespmem:v29+s19+$0x0], $0xffff  }
0x575: {  	s9 =	simm.s32 $0x1  }
0x576: {  	v63 =	vmov s9  }
0x577: {  	v32 =	vand.u32 $0x7F, v63;
	s14 =	simm.s32 $0x2  }
.LBB2_51:
0x578: {  	p1 =	seq.s32 s14, $0x7F;
	v32 =	vbroadcast v32, $0x0  }
0x579: {  	v30 =	vadd.f32 v30, v31  }
0x57a: {  	v31 =	vor.u32 v28, v32  }
0x57b: {  	v32 =	vor.u32 v0, v32;
	v30 =	vmax.f32 v30, $0.0e+00  }
0x57c: {  	v30 =	vmul.f32 v30, v27;
	_ =	sdelay $0x1  }
0x57d: {  	[tilespmem:v29+s31+$0x0] =	vst.idx.msk $0xffff, v30;
	v29 =	vmov v32  }
0x57e: {  	v30 =	vld.idx.msk [tilespmem:v31+s20+$0x0], $0xffff  }
.Ltmp24:
0x57f: {  	v31 =	vld.idx.msk [tilespmem:v32+s19+$0x0], $0xffff;
	(pc) =	sbr.rel @!p1 .LBB2_51-.Ltmp24, $3  }
0x580: {  	_ =	sdelay $0x1  }
0x581: {  	v32 =	vmov s14  }
0x582: {  	s14 =	sadd.s32 $0x1, s14;
	v32 =	vand.u32 $0x7F, v32  }
0x583: {  	v32 =	vbroadcast v32, $0x0  }
0x584: {  	v30 =	vadd.f32 v30, v31  }
0x585: {  	v28 =	vor.u32 v28, v32  }
0x586: {  	v63 =	vor.u32 v0, v32;
	v30 =	vmax.f32 v30, $0.0e+00  }
0x587: {  	v30 =	vmul.f32 v30, v27;
	_ =	sdelay $0x1  }
0x588: {  	[tilespmem:v29+s31+$0x0] =	vst.idx.msk $0xffff, v30  }
0x589: {  	v22 =	vmul.u32 $0xC, v22;
	v28 =	vld.idx.msk [tilespmem:v28+s20+$0x0], $0xffff  }
0x58a: {  	v23 =	vshll.u32 v23, $0x1;
	v29 =	vld.idx.msk [tilespmem:v63+s19+$0x0], $0xffff  }
0x58b: {  	s14 =	simm.s32 $0x0;
	v22 =	vadd.s32 v22, v23  }
0x58c: {  	v23 =	vadd.s32 v24, v22;
	v24 =	vmov s14  }
0x58d: {  	v24 =	vand.u32 $0x7F, v24  }
0x58e: {  	v24 =	vbroadcast v24, $0x0  }
0x58f: {  	v23 =	vshll.u32 v23, $0x7;
	v28 =	vadd.f32 v28, v29  }
0x590: {  	v22 =	vmul.f32 v26, v25;
	v25 =	vor.u32 v23, v24  }
0x591: {  	v24 =	vor.u32 v3, v24;
	v28 =	vmax.f32 v28, $0.0e+00  }
0x592: {  	v27 =	vmul.f32 v28, v27;
	_ =	sdelay $0x1  }
0x593: {  	[tilespmem:v63+s31+$0x0] =	vst.idx.msk $0xffff, v27  }
0x594: {  	v25 =	vld.idx.msk [tilespmem:v25+s20+$0x0], $0xffff  }
0x595: {  	v26 =	vld.idx.msk [tilespmem:v24+s19+$0x0], $0xffff  }
0x596: {  	s9 =	simm.s32 $0x1  }
0x597: {  	v27 =	vmov s9  }
0x598: {  	s14 =	simm.s32 $0x2;
	v27 =	vand.u32 $0x7F, v27  }
.LBB2_53:
0x599: {  	p1 =	seq.s32 s14, $0x7F;
	v27 =	vbroadcast v27, $0x0  }
0x59a: {  	v25 =	vadd.f32 v25, v26  }
0x59b: {  	v26 =	vor.u32 v23, v27  }
0x59c: {  	v27 =	vor.u32 v3, v27;
	v25 =	vmax.f32 v25, $0.0e+00  }
0x59d: {  	v25 =	vmul.f32 v25, v22;
	_ =	sdelay $0x1  }
0x59e: {  	[tilespmem:v24+s31+$0x0] =	vst.idx.msk $0xffff, v25;
	v24 =	vmov v27  }
0x59f: {  	v25 =	vld.idx.msk [tilespmem:v26+s20+$0x0], $0xffff  }
.Ltmp25:
0x5a0: {  	v26 =	vld.idx.msk [tilespmem:v27+s19+$0x0], $0xffff;
	(pc) =	sbr.rel @!p1 .LBB2_53-.Ltmp25, $3  }
0x5a1: {  	_ =	sdelay $0x1  }
0x5a2: {  	v27 =	vmov s14  }
0x5a3: {  	s14 =	sadd.s32 $0x1, s14;
	v27 =	vand.u32 $0x7F, v27  }
0x5a4: {  	v27 =	vbroadcast v27, $0x0  }
0x5a5: {  	v25 =	vadd.f32 v25, v26  }
0x5a6: {  	v23 =	vor.u32 v23, v27  }
0x5a7: {  	v63 =	vor.u32 v3, v27;
	v25 =	vmax.f32 v25, $0.0e+00  }
0x5a8: {  	v25 =	vmul.f32 v25, v22;
	_ =	sdelay $0x1  }
0x5a9: {  	[tilespmem:v24+s31+$0x0] =	vst.idx.msk $0xffff, v25  }
0x5aa: {  	v17 =	vmul.u32 $0xC, v17;
	v23 =	vld.idx.msk [tilespmem:v23+s20+$0x0], $0xffff  }
0x5ab: {  	v18 =	vshll.u32 v18, $0x1;
	v24 =	vld.idx.msk [tilespmem:v63+s19+$0x0], $0xffff  }
0x5ac: {  	s14 =	simm.s32 $0x0;
	v17 =	vadd.s32 v17, v18  }
0x5ad: {  	v18 =	vadd.s32 v19, v17;
	v19 =	vmov s14  }
0x5ae: {  	v19 =	vand.u32 $0x7F, v19  }
0x5af: {  	v19 =	vbroadcast v19, $0x0  }
0x5b0: {  	v18 =	vshll.u32 v18, $0x7;
	v23 =	vadd.f32 v23, v24  }
0x5b1: {  	v17 =	vmul.f32 v21, v20;
	v20 =	vor.u32 v18, v19  }
0x5b2: {  	v19 =	vor.u32 v4, v19;
	v23 =	vmax.f32 v23, $0.0e+00  }
0x5b3: {  	v22 =	vmul.f32 v23, v22;
	_ =	sdelay $0x1  }
0x5b4: {  	[tilespmem:v63+s31+$0x0] =	vst.idx.msk $0xffff, v22  }
0x5b5: {  	v20 =	vld.idx.msk [tilespmem:v20+s20+$0x0], $0xffff  }
0x5b6: {  	v21 =	vld.idx.msk [tilespmem:v19+s19+$0x0], $0xffff  }
0x5b7: {  	s9 =	simm.s32 $0x1  }
0x5b8: {  	v22 =	vmov s9  }
0x5b9: {  	s14 =	simm.s32 $0x2;
	v22 =	vand.u32 $0x7F, v22  }
.LBB2_55:
0x5ba: {  	p1 =	seq.s32 s14, $0x7F;
	v22 =	vbroadcast v22, $0x0  }
0x5bb: {  	v20 =	vadd.f32 v20, v21  }
0x5bc: {  	v21 =	vor.u32 v18, v22  }
0x5bd: {  	v22 =	vor.u32 v4, v22;
	v20 =	vmax.f32 v20, $0.0e+00  }
0x5be: {  	v20 =	vmul.f32 v20, v17;
	_ =	sdelay $0x1  }
0x5bf: {  	[tilespmem:v19+s31+$0x0] =	vst.idx.msk $0xffff, v20;
	v19 =	vmov v22  }
0x5c0: {  	v20 =	vld.idx.msk [tilespmem:v21+s20+$0x0], $0xffff  }
.Ltmp26:
0x5c1: {  	v21 =	vld.idx.msk [tilespmem:v22+s19+$0x0], $0xffff;
	(pc) =	sbr.rel @!p1 .LBB2_55-.Ltmp26, $3  }
0x5c2: {  	_ =	sdelay $0x1  }
0x5c3: {  	v22 =	vmov s14  }
0x5c4: {  	s14 =	sadd.s32 $0x1, s14;
	v22 =	vand.u32 $0x7F, v22  }
0x5c5: {  	v22 =	vbroadcast v22, $0x0  }
0x5c6: {  	v20 =	vadd.f32 v20, v21  }
0x5c7: {  	v18 =	vor.u32 v18, v22  }
0x5c8: {  	v63 =	vor.u32 v4, v22;
	v20 =	vmax.f32 v20, $0.0e+00  }
0x5c9: {  	v20 =	vmul.f32 v20, v17;
	_ =	sdelay $0x1  }
0x5ca: {  	[tilespmem:v19+s31+$0x0] =	vst.idx.msk $0xffff, v20  }
0x5cb: {  	v12 =	vmul.u32 $0xC, v12;
	v18 =	vld.idx.msk [tilespmem:v18+s20+$0x0], $0xffff  }
0x5cc: {  	v13 =	vshll.u32 v13, $0x1;
	v19 =	vld.idx.msk [tilespmem:v63+s19+$0x0], $0xffff  }
0x5cd: {  	s14 =	simm.s32 $0x0;
	v12 =	vadd.s32 v12, v13  }
0x5ce: {  	v13 =	vadd.s32 v14, v12;
	v14 =	vmov s14  }
0x5cf: {  	v14 =	vand.u32 $0x7F, v14  }
0x5d0: {  	v14 =	vbroadcast v14, $0x0  }
0x5d1: {  	v13 =	vshll.u32 v13, $0x7;
	v18 =	vadd.f32 v18, v19  }
0x5d2: {  	v12 =	vmul.f32 v16, v15;
	v15 =	vor.u32 v13, v14  }
0x5d3: {  	v14 =	vor.u32 v5, v14;
	v18 =	vmax.f32 v18, $0.0e+00  }
0x5d4: {  	v17 =	vmul.f32 v18, v17;
	_ =	sdelay $0x1  }
0x5d5: {  	[tilespmem:v63+s31+$0x0] =	vst.idx.msk $0xffff, v17  }
0x5d6: {  	v15 =	vld.idx.msk [tilespmem:v15+s20+$0x0], $0xffff  }
0x5d7: {  	v16 =	vld.idx.msk [tilespmem:v14+s19+$0x0], $0xffff  }
0x5d8: {  	s9 =	simm.s32 $0x1  }
0x5d9: {  	v17 =	vmov s9  }
0x5da: {  	s14 =	simm.s32 $0x2;
	v17 =	vand.u32 $0x7F, v17  }
.LBB2_57:
0x5db: {  	p1 =	seq.s32 s14, $0x7F;
	v17 =	vbroadcast v17, $0x0  }
0x5dc: {  	v15 =	vadd.f32 v15, v16  }
0x5dd: {  	v16 =	vor.u32 v13, v17  }
0x5de: {  	v17 =	vor.u32 v5, v17;
	v15 =	vmax.f32 v15, $0.0e+00  }
0x5df: {  	v15 =	vmul.f32 v15, v12;
	_ =	sdelay $0x1  }
0x5e0: {  	[tilespmem:v14+s31+$0x0] =	vst.idx.msk $0xffff, v15;
	v14 =	vmov v17  }
0x5e1: {  	v15 =	vld.idx.msk [tilespmem:v16+s20+$0x0], $0xffff  }
.Ltmp27:
0x5e2: {  	v16 =	vld.idx.msk [tilespmem:v17+s19+$0x0], $0xffff;
	(pc) =	sbr.rel @!p1 .LBB2_57-.Ltmp27, $3  }
0x5e3: {  	_ =	sdelay $0x1  }
0x5e4: {  	v17 =	vmov s14  }
0x5e5: {  	s14 =	sadd.s32 $0x1, s14;
	v17 =	vand.u32 $0x7F, v17  }
0x5e6: {  	v17 =	vbroadcast v17, $0x0  }
0x5e7: {  	v15 =	vadd.f32 v15, v16  }
0x5e8: {  	v13 =	vor.u32 v13, v17  }
0x5e9: {  	v63 =	vor.u32 v5, v17;
	v15 =	vmax.f32 v15, $0.0e+00  }
0x5ea: {  	v15 =	vmul.f32 v15, v12;
	_ =	sdelay $0x1  }
0x5eb: {  	[tilespmem:v14+s31+$0x0] =	vst.idx.msk $0xffff, v15  }
0x5ec: {  	v7 =	vmul.u32 $0xC, v7;
	v13 =	vld.idx.msk [tilespmem:v13+s20+$0x0], $0xffff  }
0x5ed: {  	v8 =	vshll.u32 v8, $0x1;
	v14 =	vld.idx.msk [tilespmem:v63+s19+$0x0], $0xffff  }
0x5ee: {  	s14 =	simm.s32 $0x0;
	v7 =	vadd.s32 v7, v8  }
0x5ef: {  	v8 =	vadd.s32 v9, v7;
	v9 =	vmov s14  }
0x5f0: {  	v9 =	vand.u32 $0x7F, v9  }
0x5f1: {  	v9 =	vbroadcast v9, $0x0  }
0x5f2: {  	v8 =	vshll.u32 v8, $0x7;
	v13 =	vadd.f32 v13, v14  }
0x5f3: {  	v7 =	vmul.f32 v11, v10;
	v10 =	vor.u32 v8, v9  }
0x5f4: {  	v9 =	vor.u32 v6, v9;
	v13 =	vmax.f32 v13, $0.0e+00  }
0x5f5: {  	v12 =	vmul.f32 v13, v12;
	_ =	sdelay $0x1  }
0x5f6: {  	[tilespmem:v63+s31+$0x0] =	vst.idx.msk $0xffff, v12  }
0x5f7: {  	v10 =	vld.idx.msk [tilespmem:v10+s20+$0x0], $0xffff  }
0x5f8: {  	v11 =	vld.idx.msk [tilespmem:v9+s19+$0x0], $0xffff  }
0x5f9: {  	s9 =	simm.s32 $0x1  }
0x5fa: {  	v12 =	vmov s9  }
0x5fb: {  	s14 =	simm.s32 $0x2;
	v12 =	vand.u32 $0x7F, v12  }
.LBB2_59:
0x5fc: {  	p1 =	sne.s32 s14, $0x7F;
	v12 =	vbroadcast v12, $0x0  }
0x5fd: {  	v10 =	vadd.f32 v10, v11  }
0x5fe: {  	v11 =	vor.u32 v8, v12  }
0x5ff: {  	v12 =	vor.u32 v6, v12;
	v10 =	vmax.f32 v10, $0.0e+00  }
0x600: {  	v10 =	vmul.f32 v10, v7;
	_ =	sdelay $0x1  }
0x601: {  	[tilespmem:v9+s31+$0x0] =	vst.idx.msk $0xffff, v10;
	v9 =	vmov v12  }
0x602: {  	v10 =	vld.idx.msk [tilespmem:v11+s20+$0x0], $0xffff  }
.Ltmp28:
0x603: {  	v11 =	vld.idx.msk [tilespmem:v12+s19+$0x0], $0xffff;
	(pc) =	sbr.rel @p1 .LBB2_59-.Ltmp28, $3  }
0x604: {  	_ =	sdelay $0x1  }
0x605: {  	v12 =	vmov s14  }
0x606: {  	s14 =	sadd.s32 $0x1, s14;
	v12 =	vand.u32 $0x7F, v12  }
0x607: {  	v12 =	vbroadcast v12, $0x0  }
0x608: {  	v10 =	vadd.f32 v10, v11  }
0x609: {  	v8 =	vor.u32 v8, v12  }
0x60a: {  	v63 =	vor.u32 v6, v12;
	v10 =	vmax.f32 v10, $0.0e+00  }
0x60b: {  	v10 =	vmul.f32 v10, v7;
	_ =	sdelay $0x1  }
0x60c: {  	[tilespmem:v9+s31+$0x0] =	vst.idx.msk $0xffff, v10  }
0x60d: {  	v8 =	vld.idx.msk [tilespmem:v8+s20+$0x0], $0xffff  }
0x60e: {  	v9 =	vld.idx.msk [tilespmem:v63+s19+$0x0], $0xffff;
	_ =	sdelay $0x4  }
0x60f: {  	v8 =	vadd.f32 v8, v9;
	_ =	sdelay $0x1  }
0x610: {  	v8 =	vmax.f32 v8, $0.0e+00  }
0x611: {  	s24 =	sadd.s32 $0x1, s24;
	v7 =	vmul.f32 v8, v7  }
0x612: {  	p1 =	sne.s32 s24, $0x19  }
.Ltmp29:
0x613: {  	[tilespmem:v63+s31+$0x0] =	vst.idx.msk $0xffff, v7;
	(pc) =	sbr.rel @p1 .LBB2_10-.Ltmp29, $4  }
0x614: {  	[spmem:s5] =	stream.indirect.scatter.add.f32 [tilespmem:s31], [sflag:$0x1], $0x80, s21, s2, $0xb8;
	[tilespmem:$0x1F680] =	vst v63  }
0x615: {  	_ =	swait.ge [sflag:s30], $0x2800  }
0x616: {  	[sflag:s30] =	ssyncset.done $0x0  }
0x617: {  	[sflag:s30] =	ssyncadd.s32 $0xFFFFD800  }
0x618: {  	s9 =	stileid.u32  }
0x619: {  	[bflag:$0x0] =	sbarrier.arrive $0xFFFF;
	s9 =	sshll.u32 s9, $0x6  }
0x61a: {  	s10 =	sshrl.u32 s18, $0x3;
	s14 =	rddreg [dreg:$0x10];
	s9 =	sor.u32 $0x1C01, s9  }
0x61b: {  	[hbm:s14], [sflag:s9] =	dma.local [spmem:s10], $0x2800  }
0x61c: {  	_ =	swait.ge [sflag:s30], $0x2800  }
0x61d: {  	s28 =	rddreg [dreg:$0x16]  }
0x61e: {  	s29 =	rddreg [dreg:$0x13];
	s14 =	sadd.s32 $0x1, s28  }
0x61f: {  	p1 =	sne.s32 s14, s29  }
.Ltmp30:
0x620: {  	_ = 	snop;
	(pc) =	sbr.rel @p1 .LBB2_1-.Ltmp30, $3  }
0x621: {  	_ =	sdelay $0x1  }
0x622: {  	[sflag:s30] =	ssyncset.done $0x0  }
0x623: {  	s10 =	rddreg [dreg:$0xa];
	[sflag:s30] =	ssyncadd.s32 $0xFFFFD800  }
0x624: {  	_ =	sfence.sel $0x180000  }
0x625: {  	[bflag:$0x0] =	sbarrier.arrive $0xFFFF  }
0x626: {  	_ =	strace $0x90000047  }
0x627: {  	s0 =	stileid.u32;
	[bflag:$0x2] =	sbarrier.arrive $0xFFFF  }
0x628: {  	p0 =	sne.s32 s0, $0x0;
	s0 =	rddreg [dreg:$0x7]  }
0x629: {  	s0 =	sadd.s32 @!p0 $0x100000, s0  }
0x62a: {  	[sflag:s0] =	ssyncadd.tile.s32 @!p0 $0x1;
	_ =	shalt  }
.Lfunc_end2:
_tile_overlayer_lowered:
.L_overlay_start_2:
0x62b: {  	(tag) =	ssettag $0x2  }
0x62c: {  	s0 =	rddreg [dreg:$0x0];
	s2 =	stileid.u32  }
0x62d: {  	s1 =	rddreg [dreg:$0x1];
	p0 =	sne.s32 s2, $0x0  }
0x62e: {  	s3 =	rddreg [dreg:$0x2];
	[bflag:$0x3] =	sbarrier.arrive $0xFFFF;
	s2 =	simm.s32 @!p0 $0x1C01  }
0x62f: {  	[timem:s3], [sflag:s2] =	dma.local @!p0 [hbm:s0], s1  }
0x630: {  	s0 =	simm.s32 @!p0 $0x1  }
0x631: {  	_ =	swait.ge @!p0 [sflag:s0], s1  }
0x632: {  	s1 =	ssub.s32 @!p0 $0x0, s1;
	[sflag:s0] =	ssyncset.done @!p0 $0x0  }
0x633: {  	[sflag:s0] =	ssyncadd.s32 @!p0 s1  }
0x634: {  	[bflag:$0x3] =	sbarrier.arrive $0xFFFF  }
0x635: {  	_ =	shalt  }

</sc_bundles>
